<compile_context>
chip_gen: v7x
topology: tpu7x:2x2x1
jax: 0.10.2.dev20260603
libtpu: 0.0.44.dev20260713+nightly
codegen_flags: <defaults>
</compile_context>

<pallas_src>
import functools

import jax
import jax.numpy as jnp
from jax import lax
from jax.experimental import pallas as pl
from jax.experimental.pallas import tpu as pltpu
from jax.experimental.pallas import tpu_sc as plsc

_N = 10000
_D = 128
_E = 320000
_H = 256
_O = 16

_NC = 2
_NS = 16
_NW = _NC * _NS
_DP = _D // 2
_C = 64
_NCHUNK = 160
_NSTAGE = 2
_SCHUNK = _NCHUNK // _NSTAGE
_NBUF = 4
_NGROUP = _SCHUNK // _NBUF
_NFBUF = 2
_EW = _C * _NCHUNK
_EPAD = _EW * _NW
_NPAD = 10240
_ROWS_PER_SUB = _NPAD // _NS
_LANES = 16


def _layer_body(hpk_hbm, hperm_hbm, src_hbm, dst_hbm, out_hbm, src_v, dst_v,
                pk0, pk1, pk2, pk3, f0, f1,
                acc_sh, gs0, gs1, gs2, gs3, ss0, ss1):
    c = lax.axis_index("c")
    s = lax.axis_index("s")
    wid = c * _NS + s
    pks = (pk0, pk1, pk2, pk3)
    gsems = (gs0, gs1, gs2, gs3)
    fbufs = (f0, f1)
    ssems = (ss0, ss1)
    pltpu.sync_copy(
        hperm_hbm.at[pl.ds(s * _ROWS_PER_SUB, _ROWS_PER_SUB)],
        acc_sh.at[pl.ds(s * _ROWS_PER_SUB, _ROWS_PER_SUB)],
    )
    plsc.subcore_barrier()

    mask_hi = jnp.full((_LANES,), -65536, jnp.int32)

    def unpack_chunk(pk, fb):
        def per_edge(e, carry):
            for q in range(_DP // _LANES):
                v = pk[e, pl.ds(q * _LANES, _LANES)]
                lo = plsc.bitcast(v << 16, jnp.float32)
                hi = plsc.bitcast(v & mask_hi, jnp.float32)
                fb[e, pl.ds(q * _LANES, _LANES)] = lo
                fb[e, pl.ds(_DP + q * _LANES, _LANES)] = hi
            return carry

        lax.fori_loop(0, _C, per_edge, 0)

    for stage in range(_NSTAGE):
        pltpu.sync_copy(src_hbm.at[wid, pl.ds(stage * _SCHUNK, _SCHUNK)], src_v)
        pltpu.sync_copy(dst_hbm.at[wid, pl.ds(stage * _SCHUNK, _SCHUNK)], dst_v)
        for b in range(_NBUF):
            pltpu.async_copy(hpk_hbm.at[src_v.at[b]], pks[b], gsems[b])

        def body(g, carry):
            for b in range(_NBUF):
                j = g * _NBUF + b
                f = b % _NFBUF
                pltpu.make_async_copy(hpk_hbm.at[src_v.at[j]], pks[b], gsems[b]).wait()
                if stage == 0 and b < _NFBUF:
                    @pl.when(g > 0)
                    def _():
                        pltpu.make_async_copy(
                            fbufs[f], acc_sh.at[dst_v.at[j]], ssems[f]
                        ).wait()
                else:
                    pltpu.make_async_copy(
                        fbufs[f], acc_sh.at[dst_v.at[j]], ssems[f]
                    ).wait()
                unpack_chunk(pks[b], fbufs[f])
                pltpu.async_copy(fbufs[f], acc_sh.at[dst_v.at[j]], ssems[f], add=True)

                @pl.when(g < _NGROUP - 1)
                def _():
                    pltpu.async_copy(hpk_hbm.at[src_v.at[j + _NBUF]], pks[b], gsems[b])

            return carry

        lax.fori_loop(0, _NGROUP, body, 0)
    for f in range(_NFBUF):
        pltpu.make_async_copy(fbufs[f], acc_sh.at[dst_v.at[0]], ssems[f]).wait()
    plsc.subcore_barrier()
    pltpu.sync_copy(
        acc_sh.at[pl.ds(s * _ROWS_PER_SUB, _ROWS_PER_SUB)],
        out_hbm.at[c, pl.ds(s * _ROWS_PER_SUB, _ROWS_PER_SUB)],
    )


_layer = pl.kernel(
    _layer_body,
    mesh=plsc.VectorSubcoreMesh(core_axis_name="c", subcore_axis_name="s"),
    out_type=jax.ShapeDtypeStruct((_NC, _NPAD, _D), jnp.float32),
    compiler_params=pltpu.CompilerParams(
        use_tc_tiling_on_sc=False, needs_layout_passes=False),
    scratch_types=[
        pltpu.VMEM((_SCHUNK, _C), jnp.int32),
        pltpu.VMEM((_SCHUNK, _C), jnp.int32),
        pltpu.VMEM((_C, _DP), jnp.int32),
        pltpu.VMEM((_C, _DP), jnp.int32),
        pltpu.VMEM((_C, _DP), jnp.int32),
        pltpu.VMEM((_C, _DP), jnp.int32),
        pltpu.VMEM((_C, _D), jnp.float32),
        pltpu.VMEM((_C, _D), jnp.float32),
        pltpu.VMEM_SHARED((_NPAD, _D), jnp.float32),
        pltpu.SemaphoreType.DMA,
        pltpu.SemaphoreType.DMA,
        pltpu.SemaphoreType.DMA,
        pltpu.SemaphoreType.DMA,
        pltpu.SemaphoreType.DMA,
        pltpu.SemaphoreType.DMA,
    ],
)


_B = 1024


def _pack_block(h):
    lo = jax.lax.bitcast_convert_type(h[:, :_DP].astype(jnp.bfloat16), jnp.uint16)
    hi = jax.lax.bitcast_convert_type(h[:, _DP:].astype(jnp.bfloat16), jnp.uint16)
    pk = lo.astype(jnp.uint32) | (hi.astype(jnp.uint32) << 16)
    return pk.astype(jnp.int32)


def _combine_body(p_ref, x_ref, o_ref, opk_ref):
    h = p_ref[0] + p_ref[1] - x_ref[...]
    o_ref[...] = h
    opk_ref[...] = _pack_block(h)


def _combine(p, x):
    return pl.pallas_call(
        _combine_body,
        grid=(_NPAD // _B,),
        in_specs=[
            pl.BlockSpec((_NC, _B, _D), lambda i: (0, i, 0)),
            pl.BlockSpec((_B, _D), lambda i: (i, 0)),
        ],
        out_specs=[
            pl.BlockSpec((_B, _D), lambda i: (i, 0)),
            pl.BlockSpec((_B, _DP), lambda i: (i, 0)),
        ],
        out_shape=[
            jax.ShapeDtypeStruct((_NPAD, _D), jnp.float32),
            jax.ShapeDtypeStruct((_NPAD, _DP), jnp.int32),
        ],
    )(p, x)


def _mlp_body(q_ref, h1_ref, w1_ref, b1_ref, w2_ref, b2_ref, o_ref):
    h2 = q_ref[0] + q_ref[1] - h1_ref[...]
    t = jnp.dot(h2, w1_ref[...], preferred_element_type=jnp.float32) + b1_ref[...]
    t = jnp.maximum(t, 0.0)
    o_ref[...] = jnp.dot(t, w2_ref[...], preferred_element_type=jnp.float32) + b2_ref[...]


def _mlp(q, h1, w1, b1, w2, b2):
    return pl.pallas_call(
        _mlp_body,
        grid=(_NPAD // _B,),
        in_specs=[
            pl.BlockSpec((_NC, _B, _D), lambda i: (0, i, 0)),
            pl.BlockSpec((_B, _D), lambda i: (i, 0)),
            pl.BlockSpec((_D, _H), lambda i: (0, 0)),
            pl.BlockSpec((1, _H), lambda i: (0, 0)),
            pl.BlockSpec((_H, _O), lambda i: (0, 0)),
            pl.BlockSpec((1, _O), lambda i: (0, 0)),
        ],
        out_specs=pl.BlockSpec((_B, _O), lambda i: (i, 0)),
        out_shape=jax.ShapeDtypeStruct((_NPAD, _O), jnp.float32),
    )(q, h1, w1, b1, w2, b2)


_PERM = list(range(0, _D, 2)) + list(range(1, _D, 2))


def kernel(x, edge_index, W1, b1, W2, b2):
    pad = _EPAD - _E
    src = jnp.concatenate([edge_index[0], jnp.zeros((pad,), jnp.int32)])
    dst = jnp.concatenate([edge_index[1], jnp.full((pad,), _N, jnp.int32)])
    src = src.reshape(_NW, _NCHUNK, _C)
    dst = dst.reshape(_NW, _NCHUNK, _C)
    xp = jnp.concatenate([x, jnp.zeros((_NPAD - _N, _D), jnp.float32)])
    perm = jnp.asarray(_PERM, jnp.int32)
    xperm = xp[:, perm]
    xpk = _pack_block(xperm)
    w1p = W1[perm]

    p = _layer(xpk, xperm, src, dst)
    h1, h1pk = _combine(p, xperm)
    q = _layer(h1pk, h1, src, dst)
    out = _mlp(q, h1, w1p, b1.reshape(1, _H), W2, b2.reshape(1, _O))
    return out[:_N]

# --- scband reference (transcript-rebuilt; emitter-appended) ---
"""Pipeline reference for scband-tree-node-classifier-32796370272847 (READ-ONLY COPY).

The authoritative reference and input builder live on the scoring server;
editing this copy changes nothing except your own understanding.
"""

import jax, jax.numpy as jnp
import numpy as np

N = 10000
E = 320000
D = 128
H = 256
O = 16
N_LAYER = 2

def setup_inputs(seed: int = 0) -> dict:
    key = jax.random.key(seed)
    k1, k2, k3, k4, k5, k6 = jax.random.split(key, 6)
    x = jax.random.normal(k1, (N, D), dtype=jnp.float32)
    edge_index = jax.random.randint(k2, (2, E), 0, N, dtype=jnp.int32)
    W1 = jax.random.normal(k3, (D, H), dtype=jnp.float32) * (1.0 / np.sqrt(D))
    b1 = jnp.zeros((H,), dtype=jnp.float32)
    W2 = jax.random.normal(k4, (H, O), dtype=jnp.float32) * (1.0 / np.sqrt(H))
    b2 = jnp.zeros((O,), dtype=jnp.float32)
    return {"x": x, "edge_index": edge_index, "W1": W1, "b1": b1, "W2": W2, "b2": b2}

def reference(x, edge_index, W1, b1, W2, b2):
    # TreeConv with loop_flag=True: append self loops, then propagate with
    # default message (x_j) and default 'add' aggregation at dst nodes.
    n = x.shape[0]
    src, dst = edge_index[0], edge_index[1]
    loop = jnp.arange(n, dtype=src.dtype)
    src_all = jnp.concatenate([src, loop])
    dst_all = jnp.concatenate([dst, loop])
    h = x
    for _ in range(N_LAYER):
        h = jax.ops.segment_sum(h[src_all], dst_all, num_segments=n)
    # classifier: Lin(D,H) -> ReLU -> Lin(H,O)
    h = jax.nn.relu(h @ W1 + b1)
    node_pred = h @ W2 + b2
    return node_pred

if __name__ == "__main__":
    import jax
    _d = setup_inputs()
    print(jax.jit(kernel)(*tuple(_d.values())))

</pallas_src>

<mosaic_0001>
#map = affine_map<(d0, d1) -> (0, 0)>
#map1 = affine_map<(d0, d1) -> (0, 0, 0)>
module attributes {stable_mosaic.version = 14 : i64} {
  func.func @_layer_body(%arg0: i32, %arg1: i32, %arg2: memref<10240x64xi32, #tpu.memory_space<hbm>>, %arg3: memref<10240x128xf32, #tpu.memory_space<hbm>>, %arg4: memref<32x160x64xi32, #tpu.memory_space<hbm>>, %arg5: memref<32x160x64xi32, #tpu.memory_space<hbm>>, %arg6: memref<2x10240x128xf32, #tpu.memory_space<hbm>>, %arg7: memref<80x64xi32, #tpu.memory_space<vmem>>, %arg8: memref<80x64xi32, #tpu.memory_space<vmem>>, %arg9: memref<64x64xi32, #tpu.memory_space<vmem>>, %arg10: memref<64x64xi32, #tpu.memory_space<vmem>>, %arg11: memref<64x64xi32, #tpu.memory_space<vmem>>, %arg12: memref<64x64xi32, #tpu.memory_space<vmem>>, %arg13: memref<64x128xf32, #tpu.memory_space<vmem>>, %arg14: memref<64x128xf32, #tpu.memory_space<vmem>>, %arg15: memref<10240x128xf32, #tpu.memory_space<vmem_shared>>, %arg16: memref<!tpu.dma_semaphore, #tpu.memory_space<semaphore_mem>>, %arg17: memref<!tpu.dma_semaphore, #tpu.memory_space<semaphore_mem>>, %arg18: memref<!tpu.dma_semaphore, #tpu.memory_space<semaphore_mem>>, %arg19: memref<!tpu.dma_semaphore, #tpu.memory_space<semaphore_mem>>, %arg20: memref<!tpu.dma_semaphore, #tpu.memory_space<semaphore_mem>>, %arg21: memref<!tpu.dma_semaphore, #tpu.memory_space<semaphore_mem>>) attributes {dimension_semantics = [#tpu.dimension_semantics<core_parallel>, #tpu.dimension_semantics<subcore_parallel>], iteration_bounds = array<i64: 2, 16>, scalar_prefetch = 0 : i64, scratch_operands = 15 : i64, tpu.core_type = #tpu.core_type<sc_vector_subcore>, window_params = [{transform_indices = #map}, {transform_indices = #map}, {transform_indices = #map1}, {transform_indices = #map1}, {transform_indices = #map1}]} {
    %mul3A = arith.constant 16 : i32
    %mul3A_0 = arith.muli %arg0, %mul3A : i32
    %add3A = arith.addi %mul3A_0, %arg1 : i32
    %mul3A_1 = arith.constant 640 : i32
    %mul3A_2 = arith.muli %arg1, %mul3A_1 : i32
    %mul3A_3 = arith.constant 640 : i32
    %mul3A_4 = arith.muli %arg1, %mul3A_3 : i32
    "tpu.region"() ({
      %run_scoped3A = tpu.sem_alloc : memref<!tpu.dma_semaphore, #tpu.memory_space<semaphore_mem>>
      %dma_start3A_90 = arith.constant 0 : i32
      %dma_start3A_91 = tpu.memref_slice %arg15[%mul3A_4, %dma_start3A_90] : memref<10240x128xf32, #tpu.memory_space<vmem_shared>> -> memref<640x128xf32, #tpu.memory_space<vmem_shared>>
      %dma_start3A_92 = arith.constant 0 : i32
      %dma_start3A_93 = tpu.memref_slice %arg3[%mul3A_2, %dma_start3A_92] : memref<10240x128xf32, #tpu.memory_space<hbm>> -> memref<640x128xf32, #tpu.memory_space<hbm>>
      tpu.enqueue_dma source(%dma_start3A_93 : memref<640x128xf32, #tpu.memory_space<hbm>>) target(%dma_start3A_91 : memref<640x128xf32, #tpu.memory_space<vmem_shared>>) target_semaphore(%run_scoped3A : memref<!tpu.dma_semaphore, #tpu.memory_space<semaphore_mem>>)
      %dma_wait3A_94 = arith.constant 0 : i32
      %dma_wait3A_95 = tpu.memref_slice %arg15[%mul3A_4, %dma_wait3A_94] : memref<10240x128xf32, #tpu.memory_space<vmem_shared>> -> memref<640x128xf32, #tpu.memory_space<vmem_shared>>
      %dma_wait3A_96 = arith.constant 0 : i32
      %dma_wait3A_97 = tpu.memref_slice %arg3[%mul3A_2, %dma_wait3A_96] : memref<10240x128xf32, #tpu.memory_space<hbm>> -> memref<640x128xf32, #tpu.memory_space<hbm>>
      tpu.wait_dma2 semaphore(%run_scoped3A : memref<!tpu.dma_semaphore, #tpu.memory_space<semaphore_mem>>) src(%dma_wait3A_97 : memref<640x128xf32, #tpu.memory_space<hbm>>) dst(%dma_wait3A_95 : memref<640x128xf32, #tpu.memory_space<vmem_shared>>)
      tpu.yield
    }) : () -> ()
    %barrier3A = arith.constant 0 : index
    tpu.barrier barrier_id(%barrier3A)
    %broadcast_in_dim3A = arith.constant -65536 : i32
    %broadcast_in_dim3A_5 = vector.broadcast %broadcast_in_dim3A : i32 to vector<16xi32>
    "tpu.region"() ({
      %run_scoped3A = tpu.sem_alloc : memref<!tpu.dma_semaphore, #tpu.memory_space<semaphore_mem>>
      %dma_start3A_90 = arith.constant 0 : i32
      %dma_start3A_91 = arith.constant 0 : i32
      %dma_start3A_92 = tpu.memref_slice %arg4[%add3A, %dma_start3A_90, %dma_start3A_91] : memref<32x160x64xi32, #tpu.memory_space<hbm>> -> memref<1x80x64xi32, #tpu.memory_space<hbm>>
      %dma_start3A_93 = tpu.memref_squeeze %dma_start3A_92 : memref<1x80x64xi32, #tpu.memory_space<hbm>> -> memref<80x64xi32, #tpu.memory_space<hbm>>
      %dma_start3A_94 = arith.constant 0 : i32
      %dma_start3A_95 = arith.constant 0 : i32
      %dma_start3A_96 = tpu.memref_slice %arg4[%add3A, %dma_start3A_94, %dma_start3A_95] : memref<32x160x64xi32, #tpu.memory_space<hbm>> -> memref<1x80x64xi32, #tpu.memory_space<hbm>>
      %dma_start3A_97 = tpu.memref_squeeze %dma_start3A_96 : memref<1x80x64xi32, #tpu.memory_space<hbm>> -> memref<80x64xi32, #tpu.memory_space<hbm>>
      tpu.enqueue_dma source(%dma_start3A_97 : memref<80x64xi32, #tpu.memory_space<hbm>>) target(%arg7 : memref<80x64xi32, #tpu.memory_space<vmem>>) target_semaphore(%run_scoped3A : memref<!tpu.dma_semaphore, #tpu.memory_space<semaphore_mem>>)
      %dma_wait3A_98 = arith.constant 0 : i32
      %dma_wait3A_99 = arith.constant 0 : i32
      %dma_wait3A_100 = tpu.memref_slice %arg4[%add3A, %dma_wait3A_98, %dma_wait3A_99] : memref<32x160x64xi32, #tpu.memory_space<hbm>> -> memref<1x80x64xi32, #tpu.memory_space<hbm>>
      %dma_wait3A_101 = tpu.memref_squeeze %dma_wait3A_100 : memref<1x80x64xi32, #tpu.memory_space<hbm>> -> memref<80x64xi32, #tpu.memory_space<hbm>>
      %dma_wait3A_102 = arith.constant 0 : i32
      %dma_wait3A_103 = arith.constant 0 : i32
      %dma_wait3A_104 = tpu.memref_slice %arg4[%add3A, %dma_wait3A_102, %dma_wait3A_103] : memref<32x160x64xi32, #tpu.memory_space<hbm>> -> memref<1x80x64xi32, #tpu.memory_space<hbm>>
      %dma_wait3A_105 = tpu.memref_squeeze %dma_wait3A_104 : memref<1x80x64xi32, #tpu.memory_space<hbm>> -> memref<80x64xi32, #tpu.memory_space<hbm>>
      tpu.wait_dma2 semaphore(%run_scoped3A : memref<!tpu.dma_semaphore, #tpu.memory_space<semaphore_mem>>) src(%dma_wait3A_105 : memref<80x64xi32, #tpu.memory_space<hbm>>) dst(%arg7 : memref<80x64xi32, #tpu.memory_space<vmem>>)
      tpu.yield
    }) : () -> ()
    "tpu.region"() ({
      %run_scoped3A = tpu.sem_alloc : memref<!tpu.dma_semaphore, #tpu.memory_space<semaphore_mem>>
      %dma_start3A_90 = arith.constant 0 : i32
      %dma_start3A_91 = arith.constant 0 : i32
      %dma_start3A_92 = tpu.memref_slice %arg5[%add3A, %dma_start3A_90, %dma_start3A_91] : memref<32x160x64xi32, #tpu.memory_space<hbm>> -> memref<1x80x64xi32, #tpu.memory_space<hbm>>
      %dma_start3A_93 = tpu.memref_squeeze %dma_start3A_92 : memref<1x80x64xi32, #tpu.memory_space<hbm>> -> memref<80x64xi32, #tpu.memory_space<hbm>>
      %dma_start3A_94 = arith.constant 0 : i32
      %dma_start3A_95 = arith.constant 0 : i32
      %dma_start3A_96 = tpu.memref_slice %arg5[%add3A, %dma_start3A_94, %dma_start3A_95] : memref<32x160x64xi32, #tpu.memory_space<hbm>> -> memref<1x80x64xi32, #tpu.memory_space<hbm>>
      %dma_start3A_97 = tpu.memref_squeeze %dma_start3A_96 : memref<1x80x64xi32, #tpu.memory_space<hbm>> -> memref<80x64xi32, #tpu.memory_space<hbm>>
      tpu.enqueue_dma source(%dma_start3A_97 : memref<80x64xi32, #tpu.memory_space<hbm>>) target(%arg8 : memref<80x64xi32, #tpu.memory_space<vmem>>) target_semaphore(%run_scoped3A : memref<!tpu.dma_semaphore, #tpu.memory_space<semaphore_mem>>)
      %dma_wait3A_98 = arith.constant 0 : i32
      %dma_wait3A_99 = arith.constant 0 : i32
      %dma_wait3A_100 = tpu.memref_slice %arg5[%add3A, %dma_wait3A_98, %dma_wait3A_99] : memref<32x160x64xi32, #tpu.memory_space<hbm>> -> memref<1x80x64xi32, #tpu.memory_space<hbm>>
      %dma_wait3A_101 = tpu.memref_squeeze %dma_wait3A_100 : memref<1x80x64xi32, #tpu.memory_space<hbm>> -> memref<80x64xi32, #tpu.memory_space<hbm>>
      %dma_wait3A_102 = arith.constant 0 : i32
      %dma_wait3A_103 = arith.constant 0 : i32
      %dma_wait3A_104 = tpu.memref_slice %arg5[%add3A, %dma_wait3A_102, %dma_wait3A_103] : memref<32x160x64xi32, #tpu.memory_space<hbm>> -> memref<1x80x64xi32, #tpu.memory_space<hbm>>
      %dma_wait3A_105 = tpu.memref_squeeze %dma_wait3A_104 : memref<1x80x64xi32, #tpu.memory_space<hbm>> -> memref<80x64xi32, #tpu.memory_space<hbm>>
      tpu.wait_dma2 semaphore(%run_scoped3A : memref<!tpu.dma_semaphore, #tpu.memory_space<semaphore_mem>>) src(%dma_wait3A_105 : memref<80x64xi32, #tpu.memory_space<hbm>>) dst(%arg8 : memref<80x64xi32, #tpu.memory_space<vmem>>)
      tpu.yield
    }) : () -> ()
    %dma_start3A = arith.constant 0 : i32
    %dma_start3A_6 = arith.constant 0 : i32
    %dma_start3A_7 = tpu.memref_slice %arg7[%dma_start3A, %dma_start3A_6] : memref<80x64xi32, #tpu.memory_space<vmem>> -> memref<1x64xi32, #tpu.memory_space<vmem>>
    %dma_start3A_8 = tpu.memref_squeeze %dma_start3A_7 : memref<1x64xi32, #tpu.memory_space<vmem>> -> memref<64xi32, #tpu.memory_space<vmem>>
    %dma_start3A_9 = arith.constant 0 : i32
    %dma_start3A_10 = arith.constant 0 : i32
    %dma_start3A_11 = tpu.memref_slice %arg2[%dma_start3A_9, %dma_start3A_10] : memref<10240x64xi32, #tpu.memory_space<hbm>> -> memref<10240x64xi32, #tpu.memory_space<hbm>>
    tpu.enqueue_indirect_dma source(%dma_start3A_11 : memref<10240x64xi32, #tpu.memory_space<hbm>>) target(%arg9 : memref<64x64xi32, #tpu.memory_space<vmem>>) offsets(%dma_start3A_8 : memref<64xi32, #tpu.memory_space<vmem>>) semaphore(%arg16 : memref<!tpu.dma_semaphore, #tpu.memory_space<semaphore_mem>>)
    %dma_start3A_12 = arith.constant 1 : i32
    %dma_start3A_13 = arith.constant 0 : i32
    %dma_start3A_14 = tpu.memref_slice %arg7[%dma_start3A_12, %dma_start3A_13] : memref<80x64xi32, #tpu.memory_space<vmem>> -> memref<1x64xi32, #tpu.memory_space<vmem>>
    %dma_start3A_15 = tpu.memref_squeeze %dma_start3A_14 : memref<1x64xi32, #tpu.memory_space<vmem>> -> memref<64xi32, #tpu.memory_space<vmem>>
    %dma_start3A_16 = arith.constant 0 : i32
    %dma_start3A_17 = arith.constant 0 : i32
    %dma_start3A_18 = tpu.memref_slice %arg2[%dma_start3A_16, %dma_start3A_17] : memref<10240x64xi32, #tpu.memory_space<hbm>> -> memref<10240x64xi32, #tpu.memory_space<hbm>>
    tpu.enqueue_indirect_dma source(%dma_start3A_18 : memref<10240x64xi32, #tpu.memory_space<hbm>>) target(%arg10 : memref<64x64xi32, #tpu.memory_space<vmem>>) offsets(%dma_start3A_15 : memref<64xi32, #tpu.memory_space<vmem>>) semaphore(%arg17 : memref<!tpu.dma_semaphore, #tpu.memory_space<semaphore_mem>>)
    %dma_start3A_19 = arith.constant 2 : i32
    %dma_start3A_20 = arith.constant 0 : i32
    %dma_start3A_21 = tpu.memref_slice %arg7[%dma_start3A_19, %dma_start3A_20] : memref<80x64xi32, #tpu.memory_space<vmem>> -> memref<1x64xi32, #tpu.memory_space<vmem>>
    %dma_start3A_22 = tpu.memref_squeeze %dma_start3A_21 : memref<1x64xi32, #tpu.memory_space<vmem>> -> memref<64xi32, #tpu.memory_space<vmem>>
    %dma_start3A_23 = arith.constant 0 : i32
    %dma_start3A_24 = arith.constant 0 : i32
    %dma_start3A_25 = tpu.memref_slice %arg2[%dma_start3A_23, %dma_start3A_24] : memref<10240x64xi32, #tpu.memory_space<hbm>> -> memref<10240x64xi32, #tpu.memory_space<hbm>>
    tpu.enqueue_indirect_dma source(%dma_start3A_25 : memref<10240x64xi32, #tpu.memory_space<hbm>>) target(%arg11 : memref<64x64xi32, #tpu.memory_space<vmem>>) offsets(%dma_start3A_22 : memref<64xi32, #tpu.memory_space<vmem>>) semaphore(%arg18 : memref<!tpu.dma_semaphore, #tpu.memory_space<semaphore_mem>>)
    %dma_start3A_26 = arith.constant 3 : i32
    %dma_start3A_27 = arith.constant 0 : i32
    %dma_start3A_28 = tpu.memref_slice %arg7[%dma_start3A_26, %dma_start3A_27] : memref<80x64xi32, #tpu.memory_space<vmem>> -> memref<1x64xi32, #tpu.memory_space<vmem>>
    %dma_start3A_29 = tpu.memref_squeeze %dma_start3A_28 : memref<1x64xi32, #tpu.memory_space<vmem>> -> memref<64xi32, #tpu.memory_space<vmem>>
    %dma_start3A_30 = arith.constant 0 : i32
    %dma_start3A_31 = arith.constant 0 : i32
    %dma_start3A_32 = tpu.memref_slice %arg2[%dma_start3A_30, %dma_start3A_31] : memref<10240x64xi32, #tpu.memory_space<hbm>> -> memref<10240x64xi32, #tpu.memory_space<hbm>>
    tpu.enqueue_indirect_dma source(%dma_start3A_32 : memref<10240x64xi32, #tpu.memory_space<hbm>>) target(%arg12 : memref<64x64xi32, #tpu.memory_space<vmem>>) offsets(%dma_start3A_29 : memref<64xi32, #tpu.memory_space<vmem>>) semaphore(%arg19 : memref<!tpu.dma_semaphore, #tpu.memory_space<semaphore_mem>>)
    %scan3A = arith.constant 0 : i32
    %scan3A_33 = arith.constant 0 : i32
    %scan3A_34 = arith.constant 20 : i32
    %scan3A_35 = arith.addi %scan3A_33, %scan3A_34 : i32
    %scan3A_36 = arith.constant 1 : i32
    scf.for %scan3A_90 = %scan3A_33 to %scan3A_35 step %scan3A_36  : i32 {
      %mul3A_91 = arith.constant 4 : i32
      %mul3A_92 = arith.muli %scan3A_90, %mul3A_91 : i32
      %add3A_93 = arith.constant 0 : i32
      %add3A_94 = arith.addi %mul3A_92, %add3A_93 : i32
      %dma_wait3A_95 = arith.constant 0 : i32
      %dma_wait3A_96 = tpu.memref_slice %arg7[%add3A_94, %dma_wait3A_95] : memref<80x64xi32, #tpu.memory_space<vmem>> -> memref<1x64xi32, #tpu.memory_space<vmem>>
      %dma_wait3A_97 = tpu.memref_squeeze %dma_wait3A_96 : memref<1x64xi32, #tpu.memory_space<vmem>> -> memref<64xi32, #tpu.memory_space<vmem>>
      %dma_wait3A_98 = arith.constant 0 : i32
      %dma_wait3A_99 = arith.constant 0 : i32
      %dma_wait3A_100 = tpu.memref_slice %arg2[%dma_wait3A_98, %dma_wait3A_99] : memref<10240x64xi32, #tpu.memory_space<hbm>> -> memref<10240x64xi32, #tpu.memory_space<hbm>>
      tpu.wait_indirect_dma semaphore(%arg16 : memref<!tpu.dma_semaphore, #tpu.memory_space<semaphore_mem>>) src(%dma_wait3A_100 : memref<10240x64xi32, #tpu.memory_space<hbm>>) dst(%arg9 : memref<64x64xi32, #tpu.memory_space<vmem>>)
      %gt3A = arith.constant 0 : i32
      %gt3A_101 = arith.cmpi sgt, %scan3A_90, %gt3A : i32
      %convert_element_type3A = arith.extui %gt3A_101 : i1 to i32
      %cond3A = arith.constant 0 : i32
      %cond3A_102 = arith.cmpi ne, %convert_element_type3A, %cond3A : i32
      scf.if %cond3A_102 {
        %dma_wait3A_217 = arith.constant 0 : i32
        %dma_wait3A_218 = tpu.memref_slice %arg8[%add3A_94, %dma_wait3A_217] : memref<80x64xi32, #tpu.memory_space<vmem>> -> memref<1x64xi32, #tpu.memory_space<vmem>>
        %dma_wait3A_219 = tpu.memref_squeeze %dma_wait3A_218 : memref<1x64xi32, #tpu.memory_space<vmem>> -> memref<64xi32, #tpu.memory_space<vmem>>
        %dma_wait3A_220 = arith.constant 0 : i32
        %dma_wait3A_221 = arith.constant 0 : i32
        %dma_wait3A_222 = tpu.memref_slice %arg15[%dma_wait3A_220, %dma_wait3A_221] : memref<10240x128xf32, #tpu.memory_space<vmem_shared>> -> memref<10240x128xf32, #tpu.memory_space<vmem_shared>>
        tpu.wait_indirect_dma semaphore(%arg20 : memref<!tpu.dma_semaphore, #tpu.memory_space<semaphore_mem>>) src(%arg13 : memref<64x128xf32, #tpu.memory_space<vmem>>) dst(%dma_wait3A_222 : memref<10240x128xf32, #tpu.memory_space<vmem_shared>>)
      } else {
      }
      %scan3A_103 = arith.constant 0 : i32
      %scan3A_104 = arith.constant 0 : i32
      %scan3A_105 = arith.constant 64 : i32
      %scan3A_106 = arith.addi %scan3A_104, %scan3A_105 : i32
      %scan3A_107 = arith.constant 1 : i32
      scf.for %scan3A_217 = %scan3A_104 to %scan3A_106 step %scan3A_107  : i32 {
        %get3A = arith.index_cast %scan3A_217 : i32 to index
        %get3A_218 = arith.constant 0 : index
        %get3A_219 = tpu.vector_load %arg9[%get3A, %get3A_218] {strides = array<i32>} : memref<64x64xi32, #tpu.memory_space<vmem>>, vector<16xi32>,
        %shift_left3A = arith.constant 16 : i32
        %shift_left3A_220 = vector.broadcast %shift_left3A : i32 to vector<16xi32>
        %shift_left3A_221 = arith.shli %get3A_219, %shift_left3A_220 : vector<16xi32>
        %bitcast3A = vector.bitcast %shift_left3A_221 : vector<16xi32> to vector<16xf32>
        %and3A = arith.andi %get3A_219, %broadcast_in_dim3A_5 : vector<16xi32>
        %bitcast3A_222 = vector.bitcast %and3A : vector<16xi32> to vector<16xf32>
        %swap3A = arith.index_cast %scan3A_217 : i32 to index
        %swap3A_223 = arith.constant 0 : index
        %swap3A_224 = tpu.vector_load %arg13[%swap3A, %swap3A_223] {strides = array<i32>} : memref<64x128xf32, #tpu.memory_space<vmem>>, vector<16xf32>,
        tpu.vector_store %arg13[%swap3A, %swap3A_223], %bitcast3A {strides = array<i32>} : memref<64x128xf32, #tpu.memory_space<vmem>>, vector<16xf32>,
        %swap3A_225 = arith.index_cast %scan3A_217 : i32 to index
        %swap3A_226 = arith.constant 64 : index
        %swap3A_227 = tpu.vector_load %arg13[%swap3A_225, %swap3A_226] {strides = array<i32>} : memref<64x128xf32, #tpu.memory_space<vmem>>, vector<16xf32>,
        tpu.vector_store %arg13[%swap3A_225, %swap3A_226], %bitcast3A_222 {strides = array<i32>} : memref<64x128xf32, #tpu.memory_space<vmem>>, vector<16xf32>,
        %get3A_228 = arith.index_cast %scan3A_217 : i32 to index
        %get3A_229 = arith.constant 16 : index
        %get3A_230 = tpu.vector_load %arg9[%get3A_228, %get3A_229] {strides = array<i32>} : memref<64x64xi32, #tpu.memory_space<vmem>>, vector<16xi32>,
        %shift_left3A_231 = arith.constant 16 : i32
        %shift_left3A_232 = vector.broadcast %shift_left3A_231 : i32 to vector<16xi32>
        %shift_left3A_233 = arith.shli %get3A_230, %shift_left3A_232 : vector<16xi32>
        %bitcast3A_234 = vector.bitcast %shift_left3A_233 : vector<16xi32> to vector<16xf32>
        %and3A_235 = arith.andi %get3A_230, %broadcast_in_dim3A_5 : vector<16xi32>
        %bitcast3A_236 = vector.bitcast %and3A_235 : vector<16xi32> to vector<16xf32>
        %swap3A_237 = arith.index_cast %scan3A_217 : i32 to index
        %swap3A_238 = arith.constant 16 : index
        %swap3A_239 = tpu.vector_load %arg13[%swap3A_237, %swap3A_238] {strides = array<i32>} : memref<64x128xf32, #tpu.memory_space<vmem>>, vector<16xf32>,
        tpu.vector_store %arg13[%swap3A_237, %swap3A_238], %bitcast3A_234 {strides = array<i32>} : memref<64x128xf32, #tpu.memory_space<vmem>>, vector<16xf32>,
        %swap3A_240 = arith.index_cast %scan3A_217 : i32 to index
        %swap3A_241 = arith.constant 80 : index
        %swap3A_242 = tpu.vector_load %arg13[%swap3A_240, %swap3A_241] {strides = array<i32>} : memref<64x128xf32, #tpu.memory_space<vmem>>, vector<16xf32>,
        tpu.vector_store %arg13[%swap3A_240, %swap3A_241], %bitcast3A_236 {strides = array<i32>} : memref<64x128xf32, #tpu.memory_space<vmem>>, vector<16xf32>,
        %get3A_243 = arith.index_cast %scan3A_217 : i32 to index
        %get3A_244 = arith.constant 32 : index
        %get3A_245 = tpu.vector_load %arg9[%get3A_243, %get3A_244] {strides = array<i32>} : memref<64x64xi32, #tpu.memory_space<vmem>>, vector<16xi32>,
        %shift_left3A_246 = arith.constant 16 : i32
        %shift_left3A_247 = vector.broadcast %shift_left3A_246 : i32 to vector<16xi32>
        %shift_left3A_248 = arith.shli %get3A_245, %shift_left3A_247 : vector<16xi32>
        %bitcast3A_249 = vector.bitcast %shift_left3A_248 : vector<16xi32> to vector<16xf32>
        %and3A_250 = arith.andi %get3A_245, %broadcast_in_dim3A_5 : vector<16xi32>
        %bitcast3A_251 = vector.bitcast %and3A_250 : vector<16xi32> to vector<16xf32>
        %swap3A_252 = arith.index_cast %scan3A_217 : i32 to index
        %swap3A_253 = arith.constant 32 : index
        %swap3A_254 = tpu.vector_load %arg13[%swap3A_252, %swap3A_253] {strides = array<i32>} : memref<64x128xf32, #tpu.memory_space<vmem>>, vector<16xf32>,
        tpu.vector_store %arg13[%swap3A_252, %swap3A_253], %bitcast3A_249 {strides = array<i32>} : memref<64x128xf32, #tpu.memory_space<vmem>>, vector<16xf32>,
        %swap3A_255 = arith.index_cast %scan3A_217 : i32 to index
        %swap3A_256 = arith.constant 96 : index
        %swap3A_257 = tpu.vector_load %arg13[%swap3A_255, %swap3A_256] {strides = array<i32>} : memref<64x128xf32, #tpu.memory_space<vmem>>, vector<16xf32>,
        tpu.vector_store %arg13[%swap3A_255, %swap3A_256], %bitcast3A_251 {strides = array<i32>} : memref<64x128xf32, #tpu.memory_space<vmem>>, vector<16xf32>,
        %get3A_258 = arith.index_cast %scan3A_217 : i32 to index
        %get3A_259 = arith.constant 48 : index
        %get3A_260 = tpu.vector_load %arg9[%get3A_258, %get3A_259] {strides = array<i32>} : memref<64x64xi32, #tpu.memory_space<vmem>>, vector<16xi32>,
        %shift_left3A_261 = arith.constant 16 : i32
        %shift_left3A_262 = vector.broadcast %shift_left3A_261 : i32 to vector<16xi32>
        %shift_left3A_263 = arith.shli %get3A_260, %shift_left3A_262 : vector<16xi32>
        %bitcast3A_264 = vector.bitcast %shift_left3A_263 : vector<16xi32> to vector<16xf32>
        %and3A_265 = arith.andi %get3A_260, %broadcast_in_dim3A_5 : vector<16xi32>
        %bitcast3A_266 = vector.bitcast %and3A_265 : vector<16xi32> to vector<16xf32>
        %swap3A_267 = arith.index_cast %scan3A_217 : i32 to index
        %swap3A_268 = arith.constant 48 : index
        %swap3A_269 = tpu.vector_load %arg13[%swap3A_267, %swap3A_268] {strides = array<i32>} : memref<64x128xf32, #tpu.memory_space<vmem>>, vector<16xf32>,
        tpu.vector_store %arg13[%swap3A_267, %swap3A_268], %bitcast3A_264 {strides = array<i32>} : memref<64x128xf32, #tpu.memory_space<vmem>>, vector<16xf32>,
        %swap3A_270 = arith.index_cast %scan3A_217 : i32 to index
        %swap3A_271 = arith.constant 112 : index
        %swap3A_272 = tpu.vector_load %arg13[%swap3A_270, %swap3A_271] {strides = array<i32>} : memref<64x128xf32, #tpu.memory_space<vmem>>, vector<16xf32>,
        tpu.vector_store %arg13[%swap3A_270, %swap3A_271], %bitcast3A_266 {strides = array<i32>} : memref<64x128xf32, #tpu.memory_space<vmem>>, vector<16xf32>,
      }
      %scan3A_108 = arith.constant 64 : i32
      %dma_start3A_109 = arith.constant 0 : i32
      %dma_start3A_110 = tpu.memref_slice %arg8[%add3A_94, %dma_start3A_109] : memref<80x64xi32, #tpu.memory_space<vmem>> -> memref<1x64xi32, #tpu.memory_space<vmem>>
      %dma_start3A_111 = tpu.memref_squeeze %dma_start3A_110 : memref<1x64xi32, #tpu.memory_space<vmem>> -> memref<64xi32, #tpu.memory_space<vmem>>
      %dma_start3A_112 = arith.constant 0 : i32
      %dma_start3A_113 = arith.constant 0 : i32
      %dma_start3A_114 = tpu.memref_slice %arg15[%dma_start3A_112, %dma_start3A_113] : memref<10240x128xf32, #tpu.memory_space<vmem_shared>> -> memref<10240x128xf32, #tpu.memory_space<vmem_shared>>
      tpu.enqueue_indirect_dma source(%arg13 : memref<64x128xf32, #tpu.memory_space<vmem>>) target(%dma_start3A_114 : memref<10240x128xf32, #tpu.memory_space<vmem_shared>>) offsets(%dma_start3A_111 : memref<64xi32, #tpu.memory_space<vmem>>) semaphore(%arg20 : memref<!tpu.dma_semaphore, #tpu.memory_space<semaphore_mem>>) {add = true}
      %lt3A = arith.constant 19 : i32
      %lt3A_115 = arith.cmpi slt, %scan3A_90, %lt3A : i32
      %convert_element_type3A_116 = arith.extui %lt3A_115 : i1 to i32
      %cond3A_117 = arith.constant 0 : i32
      %cond3A_118 = arith.cmpi ne, %convert_element_type3A_116, %cond3A_117 : i32
      scf.if %cond3A_118 {
        %add3A_217 = arith.constant 4 : i32
        %add3A_218 = arith.addi %add3A_94, %add3A_217 : i32
        %dma_start3A_219 = arith.constant 0 : i32
        %dma_start3A_220 = tpu.memref_slice %arg7[%add3A_218, %dma_start3A_219] : memref<80x64xi32, #tpu.memory_space<vmem>> -> memref<1x64xi32, #tpu.memory_space<vmem>>
        %dma_start3A_221 = tpu.memref_squeeze %dma_start3A_220 : memref<1x64xi32, #tpu.memory_space<vmem>> -> memref<64xi32, #tpu.memory_space<vmem>>
        %dma_start3A_222 = arith.constant 0 : i32
        %dma_start3A_223 = arith.constant 0 : i32
        %dma_start3A_224 = tpu.memref_slice %arg2[%dma_start3A_222, %dma_start3A_223] : memref<10240x64xi32, #tpu.memory_space<hbm>> -> memref<10240x64xi32, #tpu.memory_space<hbm>>
        tpu.enqueue_indirect_dma source(%dma_start3A_224 : memref<10240x64xi32, #tpu.memory_space<hbm>>) target(%arg9 : memref<64x64xi32, #tpu.memory_space<vmem>>) offsets(%dma_start3A_221 : memref<64xi32, #tpu.memory_space<vmem>>) semaphore(%arg16 : memref<!tpu.dma_semaphore, #tpu.memory_space<semaphore_mem>>)
      } else {
      }
      %mul3A_119 = arith.constant 4 : i32
      %mul3A_120 = arith.muli %scan3A_90, %mul3A_119 : i32
      %add3A_121 = arith.constant 1 : i32
      %add3A_122 = arith.addi %mul3A_120, %add3A_121 : i32
      %dma_wait3A_123 = arith.constant 0 : i32
      %dma_wait3A_124 = tpu.memref_slice %arg7[%add3A_122, %dma_wait3A_123] : memref<80x64xi32, #tpu.memory_space<vmem>> -> memref<1x64xi32, #tpu.memory_space<vmem>>
      %dma_wait3A_125 = tpu.memref_squeeze %dma_wait3A_124 : memref<1x64xi32, #tpu.memory_space<vmem>> -> memref<64xi32, #tpu.memory_space<vmem>>
      %dma_wait3A_126 = arith.constant 0 : i32
      %dma_wait3A_127 = arith.constant 0 : i32
      %dma_wait3A_128 = tpu.memref_slice %arg2[%dma_wait3A_126, %dma_wait3A_127] : memref<10240x64xi32, #tpu.memory_space<hbm>> -> memref<10240x64xi32, #tpu.memory_space<hbm>>
      tpu.wait_indirect_dma semaphore(%arg17 : memref<!tpu.dma_semaphore, #tpu.memory_space<semaphore_mem>>) src(%dma_wait3A_128 : memref<10240x64xi32, #tpu.memory_space<hbm>>) dst(%arg10 : memref<64x64xi32, #tpu.memory_space<vmem>>)
      %gt3A_129 = arith.constant 0 : i32
      %gt3A_130 = arith.cmpi sgt, %scan3A_90, %gt3A_129 : i32
      %convert_element_type3A_131 = arith.extui %gt3A_130 : i1 to i32
      %cond3A_132 = arith.constant 0 : i32
      %cond3A_133 = arith.cmpi ne, %convert_element_type3A_131, %cond3A_132 : i32
      scf.if %cond3A_133 {
        %dma_wait3A_217 = arith.constant 0 : i32
        %dma_wait3A_218 = tpu.memref_slice %arg8[%add3A_122, %dma_wait3A_217] : memref<80x64xi32, #tpu.memory_space<vmem>> -> memref<1x64xi32, #tpu.memory_space<vmem>>
        %dma_wait3A_219 = tpu.memref_squeeze %dma_wait3A_218 : memref<1x64xi32, #tpu.memory_space<vmem>> -> memref<64xi32, #tpu.memory_space<vmem>>
        %dma_wait3A_220 = arith.constant 0 : i32
        %dma_wait3A_221 = arith.constant 0 : i32
        %dma_wait3A_222 = tpu.memref_slice %arg15[%dma_wait3A_220, %dma_wait3A_221] : memref<10240x128xf32, #tpu.memory_space<vmem_shared>> -> memref<10240x128xf32, #tpu.memory_space<vmem_shared>>
        tpu.wait_indirect_dma semaphore(%arg21 : memref<!tpu.dma_semaphore, #tpu.memory_space<semaphore_mem>>) src(%arg14 : memref<64x128xf32, #tpu.memory_space<vmem>>) dst(%dma_wait3A_222 : memref<10240x128xf32, #tpu.memory_space<vmem_shared>>)
      } else {
      }
      %scan3A_134 = arith.constant 0 : i32
      %scan3A_135 = arith.constant 0 : i32
      %scan3A_136 = arith.constant 64 : i32
      %scan3A_137 = arith.addi %scan3A_135, %scan3A_136 : i32
      %scan3A_138 = arith.constant 1 : i32
      scf.for %scan3A_217 = %scan3A_135 to %scan3A_137 step %scan3A_138  : i32 {
        %get3A = arith.index_cast %scan3A_217 : i32 to index
        %get3A_218 = arith.constant 0 : index
        %get3A_219 = tpu.vector_load %arg10[%get3A, %get3A_218] {strides = array<i32>} : memref<64x64xi32, #tpu.memory_space<vmem>>, vector<16xi32>,
        %shift_left3A = arith.constant 16 : i32
        %shift_left3A_220 = vector.broadcast %shift_left3A : i32 to vector<16xi32>
        %shift_left3A_221 = arith.shli %get3A_219, %shift_left3A_220 : vector<16xi32>
        %bitcast3A = vector.bitcast %shift_left3A_221 : vector<16xi32> to vector<16xf32>
        %and3A = arith.andi %get3A_219, %broadcast_in_dim3A_5 : vector<16xi32>
        %bitcast3A_222 = vector.bitcast %and3A : vector<16xi32> to vector<16xf32>
        %swap3A = arith.index_cast %scan3A_217 : i32 to index
        %swap3A_223 = arith.constant 0 : index
        %swap3A_224 = tpu.vector_load %arg14[%swap3A, %swap3A_223] {strides = array<i32>} : memref<64x128xf32, #tpu.memory_space<vmem>>, vector<16xf32>,
        tpu.vector_store %arg14[%swap3A, %swap3A_223], %bitcast3A {strides = array<i32>} : memref<64x128xf32, #tpu.memory_space<vmem>>, vector<16xf32>,
        %swap3A_225 = arith.index_cast %scan3A_217 : i32 to index
        %swap3A_226 = arith.constant 64 : index
        %swap3A_227 = tpu.vector_load %arg14[%swap3A_225, %swap3A_226] {strides = array<i32>} : memref<64x128xf32, #tpu.memory_space<vmem>>, vector<16xf32>,
        tpu.vector_store %arg14[%swap3A_225, %swap3A_226], %bitcast3A_222 {strides = array<i32>} : memref<64x128xf32, #tpu.memory_space<vmem>>, vector<16xf32>,
        %get3A_228 = arith.index_cast %scan3A_217 : i32 to index
        %get3A_229 = arith.constant 16 : index
        %get3A_230 = tpu.vector_load %arg10[%get3A_228, %get3A_229] {strides = array<i32>} : memref<64x64xi32, #tpu.memory_space<vmem>>, vector<16xi32>,
        %shift_left3A_231 = arith.constant 16 : i32
        %shift_left3A_232 = vector.broadcast %shift_left3A_231 : i32 to vector<16xi32>
        %shift_left3A_233 = arith.shli %get3A_230, %shift_left3A_232 : vector<16xi32>
        %bitcast3A_234 = vector.bitcast %shift_left3A_233 : vector<16xi32> to vector<16xf32>
        %and3A_235 = arith.andi %get3A_230, %broadcast_in_dim3A_5 : vector<16xi32>
        %bitcast3A_236 = vector.bitcast %and3A_235 : vector<16xi32> to vector<16xf32>
        %swap3A_237 = arith.index_cast %scan3A_217 : i32 to index
        %swap3A_238 = arith.constant 16 : index
        %swap3A_239 = tpu.vector_load %arg14[%swap3A_237, %swap3A_238] {strides = array<i32>} : memref<64x128xf32, #tpu.memory_space<vmem>>, vector<16xf32>,
        tpu.vector_store %arg14[%swap3A_237, %swap3A_238], %bitcast3A_234 {strides = array<i32>} : memref<64x128xf32, #tpu.memory_space<vmem>>, vector<16xf32>,
        %swap3A_240 = arith.index_cast %scan3A_217 : i32 to index
        %swap3A_241 = arith.constant 80 : index
        %swap3A_242 = tpu.vector_load %arg14[%swap3A_240, %swap3A_241] {strides = array<i32>} : memref<64x128xf32, #tpu.memory_space<vmem>>, vector<16xf32>,
        tpu.vector_store %arg14[%swap3A_240, %swap3A_241], %bitcast3A_236 {strides = array<i32>} : memref<64x128xf32, #tpu.memory_space<vmem>>, vector<16xf32>,
        %get3A_243 = arith.index_cast %scan3A_217 : i32 to index
        %get3A_244 = arith.constant 32 : index
        %get3A_245 = tpu.vector_load %arg10[%get3A_243, %get3A_244] {strides = array<i32>} : memref<64x64xi32, #tpu.memory_space<vmem>>, vector<16xi32>,
        %shift_left3A_246 = arith.constant 16 : i32
        %shift_left3A_247 = vector.broadcast %shift_left3A_246 : i32 to vector<16xi32>
        %shift_left3A_248 = arith.shli %get3A_245, %shift_left3A_247 : vector<16xi32>
        %bitcast3A_249 = vector.bitcast %shift_left3A_248 : vector<16xi32> to vector<16xf32>
        %and3A_250 = arith.andi %get3A_245, %broadcast_in_dim3A_5 : vector<16xi32>
        %bitcast3A_251 = vector.bitcast %and3A_250 : vector<16xi32> to vector<16xf32>
        %swap3A_252 = arith.index_cast %scan3A_217 : i32 to index
        %swap3A_253 = arith.constant 32 : index
        %swap3A_254 = tpu.vector_load %arg14[%swap3A_252, %swap3A_253] {strides = array<i32>} : memref<64x128xf32, #tpu.memory_space<vmem>>, vector<16xf32>,
        tpu.vector_store %arg14[%swap3A_252, %swap3A_253], %bitcast3A_249 {strides = array<i32>} : memref<64x128xf32, #tpu.memory_space<vmem>>, vector<16xf32>,
        %swap3A_255 = arith.index_cast %scan3A_217 : i32 to index
        %swap3A_256 = arith.constant 96 : index
        %swap3A_257 = tpu.vector_load %arg14[%swap3A_255, %swap3A_256] {strides = array<i32>} : memref<64x128xf32, #tpu.memory_space<vmem>>, vector<16xf32>,
        tpu.vector_store %arg14[%swap3A_255, %swap3A_256], %bitcast3A_251 {strides = array<i32>} : memref<64x128xf32, #tpu.memory_space<vmem>>, vector<16xf32>,
        %get3A_258 = arith.index_cast %scan3A_217 : i32 to index
        %get3A_259 = arith.constant 48 : index
        %get3A_260 = tpu.vector_load %arg10[%get3A_258, %get3A_259] {strides = array<i32>} : memref<64x64xi32, #tpu.memory_space<vmem>>, vector<16xi32>,
        %shift_left3A_261 = arith.constant 16 : i32
        %shift_left3A_262 = vector.broadcast %shift_left3A_261 : i32 to vector<16xi32>
        %shift_left3A_263 = arith.shli %get3A_260, %shift_left3A_262 : vector<16xi32>
        %bitcast3A_264 = vector.bitcast %shift_left3A_263 : vector<16xi32> to vector<16xf32>
        %and3A_265 = arith.andi %get3A_260, %broadcast_in_dim3A_5 : vector<16xi32>
        %bitcast3A_266 = vector.bitcast %and3A_265 : vector<16xi32> to vector<16xf32>
        %swap3A_267 = arith.index_cast %scan3A_217 : i32 to index
        %swap3A_268 = arith.constant 48 : index
        %swap3A_269 = tpu.vector_load %arg14[%swap3A_267, %swap3A_268] {strides = array<i32>} : memref<64x128xf32, #tpu.memory_space<vmem>>, vector<16xf32>,
        tpu.vector_store %arg14[%swap3A_267, %swap3A_268], %bitcast3A_264 {strides = array<i32>} : memref<64x128xf32, #tpu.memory_space<vmem>>, vector<16xf32>,
        %swap3A_270 = arith.index_cast %scan3A_217 : i32 to index
        %swap3A_271 = arith.constant 112 : index
        %swap3A_272 = tpu.vector_load %arg14[%swap3A_270, %swap3A_271] {strides = array<i32>} : memref<64x128xf32, #tpu.memory_space<vmem>>, vector<16xf32>,
        tpu.vector_store %arg14[%swap3A_270, %swap3A_271], %bitcast3A_266 {strides = array<i32>} : memref<64x128xf32, #tpu.memory_space<vmem>>, vector<16xf32>,
      }
      %scan3A_139 = arith.constant 64 : i32
      %dma_start3A_140 = arith.constant 0 : i32
      %dma_start3A_141 = tpu.memref_slice %arg8[%add3A_122, %dma_start3A_140] : memref<80x64xi32, #tpu.memory_space<vmem>> -> memref<1x64xi32, #tpu.memory_space<vmem>>
      %dma_start3A_142 = tpu.memref_squeeze %dma_start3A_141 : memref<1x64xi32, #tpu.memory_space<vmem>> -> memref<64xi32, #tpu.memory_space<vmem>>
      %dma_start3A_143 = arith.constant 0 : i32
      %dma_start3A_144 = arith.constant 0 : i32
      %dma_start3A_145 = tpu.memref_slice %arg15[%dma_start3A_143, %dma_start3A_144] : memref<10240x128xf32, #tpu.memory_space<vmem_shared>> -> memref<10240x128xf32, #tpu.memory_space<vmem_shared>>
      tpu.enqueue_indirect_dma source(%arg14 : memref<64x128xf32, #tpu.memory_space<vmem>>) target(%dma_start3A_145 : memref<10240x128xf32, #tpu.memory_space<vmem_shared>>) offsets(%dma_start3A_142 : memref<64xi32, #tpu.memory_space<vmem>>) semaphore(%arg21 : memref<!tpu.dma_semaphore, #tpu.memory_space<semaphore_mem>>) {add = true}
      %lt3A_146 = arith.constant 19 : i32
      %lt3A_147 = arith.cmpi slt, %scan3A_90, %lt3A_146 : i32
      %convert_element_type3A_148 = arith.extui %lt3A_147 : i1 to i32
      %cond3A_149 = arith.constant 0 : i32
      %cond3A_150 = arith.cmpi ne, %convert_element_type3A_148, %cond3A_149 : i32
      scf.if %cond3A_150 {
        %add3A_217 = arith.constant 4 : i32
        %add3A_218 = arith.addi %add3A_122, %add3A_217 : i32
        %dma_start3A_219 = arith.constant 0 : i32
        %dma_start3A_220 = tpu.memref_slice %arg7[%add3A_218, %dma_start3A_219] : memref<80x64xi32, #tpu.memory_space<vmem>> -> memref<1x64xi32, #tpu.memory_space<vmem>>
        %dma_start3A_221 = tpu.memref_squeeze %dma_start3A_220 : memref<1x64xi32, #tpu.memory_space<vmem>> -> memref<64xi32, #tpu.memory_space<vmem>>
        %dma_start3A_222 = arith.constant 0 : i32
        %dma_start3A_223 = arith.constant 0 : i32
        %dma_start3A_224 = tpu.memref_slice %arg2[%dma_start3A_222, %dma_start3A_223] : memref<10240x64xi32, #tpu.memory_space<hbm>> -> memref<10240x64xi32, #tpu.memory_space<hbm>>
        tpu.enqueue_indirect_dma source(%dma_start3A_224 : memref<10240x64xi32, #tpu.memory_space<hbm>>) target(%arg10 : memref<64x64xi32, #tpu.memory_space<vmem>>) offsets(%dma_start3A_221 : memref<64xi32, #tpu.memory_space<vmem>>) semaphore(%arg17 : memref<!tpu.dma_semaphore, #tpu.memory_space<semaphore_mem>>)
      } else {
      }
      %mul3A_151 = arith.constant 4 : i32
      %mul3A_152 = arith.muli %scan3A_90, %mul3A_151 : i32
      %add3A_153 = arith.constant 2 : i32
      %add3A_154 = arith.addi %mul3A_152, %add3A_153 : i32
      %dma_wait3A_155 = arith.constant 0 : i32
      %dma_wait3A_156 = tpu.memref_slice %arg7[%add3A_154, %dma_wait3A_155] : memref<80x64xi32, #tpu.memory_space<vmem>> -> memref<1x64xi32, #tpu.memory_space<vmem>>
      %dma_wait3A_157 = tpu.memref_squeeze %dma_wait3A_156 : memref<1x64xi32, #tpu.memory_space<vmem>> -> memref<64xi32, #tpu.memory_space<vmem>>
      %dma_wait3A_158 = arith.constant 0 : i32
      %dma_wait3A_159 = arith.constant 0 : i32
      %dma_wait3A_160 = tpu.memref_slice %arg2[%dma_wait3A_158, %dma_wait3A_159] : memref<10240x64xi32, #tpu.memory_space<hbm>> -> memref<10240x64xi32, #tpu.memory_space<hbm>>
      tpu.wait_indirect_dma semaphore(%arg18 : memref<!tpu.dma_semaphore, #tpu.memory_space<semaphore_mem>>) src(%dma_wait3A_160 : memref<10240x64xi32, #tpu.memory_space<hbm>>) dst(%arg11 : memref<64x64xi32, #tpu.memory_space<vmem>>)
      %dma_wait3A_161 = arith.constant 0 : i32
      %dma_wait3A_162 = tpu.memref_slice %arg8[%add3A_154, %dma_wait3A_161] : memref<80x64xi32, #tpu.memory_space<vmem>> -> memref<1x64xi32, #tpu.memory_space<vmem>>
      %dma_wait3A_163 = tpu.memref_squeeze %dma_wait3A_162 : memref<1x64xi32, #tpu.memory_space<vmem>> -> memref<64xi32, #tpu.memory_space<vmem>>
      %dma_wait3A_164 = arith.constant 0 : i32
      %dma_wait3A_165 = arith.constant 0 : i32
      %dma_wait3A_166 = tpu.memref_slice %arg15[%dma_wait3A_164, %dma_wait3A_165] : memref<10240x128xf32, #tpu.memory_space<vmem_shared>> -> memref<10240x128xf32, #tpu.memory_space<vmem_shared>>
      tpu.wait_indirect_dma semaphore(%arg20 : memref<!tpu.dma_semaphore, #tpu.memory_space<semaphore_mem>>) src(%arg13 : memref<64x128xf32, #tpu.memory_space<vmem>>) dst(%dma_wait3A_166 : memref<10240x128xf32, #tpu.memory_space<vmem_shared>>)
      %scan3A_167 = arith.constant 0 : i32
      %scan3A_168 = arith.constant 0 : i32
      %scan3A_169 = arith.constant 64 : i32
      %scan3A_170 = arith.addi %scan3A_168, %scan3A_169 : i32
      %scan3A_171 = arith.constant 1 : i32
      scf.for %scan3A_217 = %scan3A_168 to %scan3A_170 step %scan3A_171  : i32 {
        %get3A = arith.index_cast %scan3A_217 : i32 to index
        %get3A_218 = arith.constant 0 : index
        %get3A_219 = tpu.vector_load %arg11[%get3A, %get3A_218] {strides = array<i32>} : memref<64x64xi32, #tpu.memory_space<vmem>>, vector<16xi32>,
        %shift_left3A = arith.constant 16 : i32
        %shift_left3A_220 = vector.broadcast %shift_left3A : i32 to vector<16xi32>
        %shift_left3A_221 = arith.shli %get3A_219, %shift_left3A_220 : vector<16xi32>
        %bitcast3A = vector.bitcast %shift_left3A_221 : vector<16xi32> to vector<16xf32>
        %and3A = arith.andi %get3A_219, %broadcast_in_dim3A_5 : vector<16xi32>
        %bitcast3A_222 = vector.bitcast %and3A : vector<16xi32> to vector<16xf32>
        %swap3A = arith.index_cast %scan3A_217 : i32 to index
        %swap3A_223 = arith.constant 0 : index
        %swap3A_224 = tpu.vector_load %arg13[%swap3A, %swap3A_223] {strides = array<i32>} : memref<64x128xf32, #tpu.memory_space<vmem>>, vector<16xf32>,
        tpu.vector_store %arg13[%swap3A, %swap3A_223], %bitcast3A {strides = array<i32>} : memref<64x128xf32, #tpu.memory_space<vmem>>, vector<16xf32>,
        %swap3A_225 = arith.index_cast %scan3A_217 : i32 to index
        %swap3A_226 = arith.constant 64 : index
        %swap3A_227 = tpu.vector_load %arg13[%swap3A_225, %swap3A_226] {strides = array<i32>} : memref<64x128xf32, #tpu.memory_space<vmem>>, vector<16xf32>,
        tpu.vector_store %arg13[%swap3A_225, %swap3A_226], %bitcast3A_222 {strides = array<i32>} : memref<64x128xf32, #tpu.memory_space<vmem>>, vector<16xf32>,
        %get3A_228 = arith.index_cast %scan3A_217 : i32 to index
        %get3A_229 = arith.constant 16 : index
        %get3A_230 = tpu.vector_load %arg11[%get3A_228, %get3A_229] {strides = array<i32>} : memref<64x64xi32, #tpu.memory_space<vmem>>, vector<16xi32>,
        %shift_left3A_231 = arith.constant 16 : i32
        %shift_left3A_232 = vector.broadcast %shift_left3A_231 : i32 to vector<16xi32>
        %shift_left3A_233 = arith.shli %get3A_230, %shift_left3A_232 : vector<16xi32>
        %bitcast3A_234 = vector.bitcast %shift_left3A_233 : vector<16xi32> to vector<16xf32>
        %and3A_235 = arith.andi %get3A_230, %broadcast_in_dim3A_5 : vector<16xi32>
        %bitcast3A_236 = vector.bitcast %and3A_235 : vector<16xi32> to vector<16xf32>
        %swap3A_237 = arith.index_cast %scan3A_217 : i32 to index
        %swap3A_238 = arith.constant 16 : index
        %swap3A_239 = tpu.vector_load %arg13[%swap3A_237, %swap3A_238] {strides = array<i32>} : memref<64x128xf32, #tpu.memory_space<vmem>>, vector<16xf32>,
        tpu.vector_store %arg13[%swap3A_237, %swap3A_238], %bitcast3A_234 {strides = array<i32>} : memref<64x128xf32, #tpu.memory_space<vmem>>, vector<16xf32>,
        %swap3A_240 = arith.index_cast %scan3A_217 : i32 to index
        %swap3A_241 = arith.constant 80 : index
        %swap3A_242 = tpu.vector_load %arg13[%swap3A_240, %swap3A_241] {strides = array<i32>} : memref<64x128xf32, #tpu.memory_space<vmem>>, vector<16xf32>,
        tpu.vector_store %arg13[%swap3A_240, %swap3A_241], %bitcast3A_236 {strides = array<i32>} : memref<64x128xf32, #tpu.memory_space<vmem>>, vector<16xf32>,
        %get3A_243 = arith.index_cast %scan3A_217 : i32 to index
        %get3A_244 = arith.constant 32 : index
        %get3A_245 = tpu.vector_load %arg11[%get3A_243, %get3A_244] {strides = array<i32>} : memref<64x64xi32, #tpu.memory_space<vmem>>, vector<16xi32>,
        %shift_left3A_246 = arith.constant 16 : i32
        %shift_left3A_247 = vector.broadcast %shift_left3A_246 : i32 to vector<16xi32>
        %shift_left3A_248 = arith.shli %get3A_245, %shift_left3A_247 : vector<16xi32>
        %bitcast3A_249 = vector.bitcast %shift_left3A_248 : vector<16xi32> to vector<16xf32>
        %and3A_250 = arith.andi %get3A_245, %broadcast_in_dim3A_5 : vector<16xi32>
        %bitcast3A_251 = vector.bitcast %and3A_250 : vector<16xi32> to vector<16xf32>
        %swap3A_252 = arith.index_cast %scan3A_217 : i32 to index
        %swap3A_253 = arith.constant 32 : index
        %swap3A_254 = tpu.vector_load %arg13[%swap3A_252, %swap3A_253] {strides = array<i32>} : memref<64x128xf32, #tpu.memory_space<vmem>>, vector<16xf32>,
        tpu.vector_store %arg13[%swap3A_252, %swap3A_253], %bitcast3A_249 {strides = array<i32>} : memref<64x128xf32, #tpu.memory_space<vmem>>, vector<16xf32>,
        %swap3A_255 = arith.index_cast %scan3A_217 : i32 to index
        %swap3A_256 = arith.constant 96 : index
        %swap3A_257 = tpu.vector_load %arg13[%swap3A_255, %swap3A_256] {strides = array<i32>} : memref<64x128xf32, #tpu.memory_space<vmem>>, vector<16xf32>,
        tpu.vector_store %arg13[%swap3A_255, %swap3A_256], %bitcast3A_251 {strides = array<i32>} : memref<64x128xf32, #tpu.memory_space<vmem>>, vector<16xf32>,
        %get3A_258 = arith.index_cast %scan3A_217 : i32 to index
        %get3A_259 = arith.constant 48 : index
        %get3A_260 = tpu.vector_load %arg11[%get3A_258, %get3A_259] {strides = array<i32>} : memref<64x64xi32, #tpu.memory_space<vmem>>, vector<16xi32>,
        %shift_left3A_261 = arith.constant 16 : i32
        %shift_left3A_262 = vector.broadcast %shift_left3A_261 : i32 to vector<16xi32>
        %shift_left3A_263 = arith.shli %get3A_260, %shift_left3A_262 : vector<16xi32>
        %bitcast3A_264 = vector.bitcast %shift_left3A_263 : vector<16xi32> to vector<16xf32>
        %and3A_265 = arith.andi %get3A_260, %broadcast_in_dim3A_5 : vector<16xi32>
        %bitcast3A_266 = vector.bitcast %and3A_265 : vector<16xi32> to vector<16xf32>
        %swap3A_267 = arith.index_cast %scan3A_217 : i32 to index
        %swap3A_268 = arith.constant 48 : index
        %swap3A_269 = tpu.vector_load %arg13[%swap3A_267, %swap3A_268] {strides = array<i32>} : memref<64x128xf32, #tpu.memory_space<vmem>>, vector<16xf32>,
        tpu.vector_store %arg13[%swap3A_267, %swap3A_268], %bitcast3A_264 {strides = array<i32>} : memref<64x128xf32, #tpu.memory_space<vmem>>, vector<16xf32>,
        %swap3A_270 = arith.index_cast %scan3A_217 : i32 to index
        %swap3A_271 = arith.constant 112 : index
        %swap3A_272 = tpu.vector_load %arg13[%swap3A_270, %swap3A_271] {strides = array<i32>} : memref<64x128xf32, #tpu.memory_space<vmem>>, vector<16xf32>,
        tpu.vector_store %arg13[%swap3A_270, %swap3A_271], %bitcast3A_266 {strides = array<i32>} : memref<64x128xf32, #tpu.memory_space<vmem>>, vector<16xf32>,
      }
      %scan3A_172 = arith.constant 64 : i32
      %dma_start3A_173 = arith.constant 0 : i32
      %dma_start3A_174 = tpu.memref_slice %arg8[%add3A_154, %dma_start3A_173] : memref<80x64xi32, #tpu.memory_space<vmem>> -> memref<1x64xi32, #tpu.memory_space<vmem>>
      %dma_start3A_175 = tpu.memref_squeeze %dma_start3A_174 : memref<1x64xi32, #tpu.memory_space<vmem>> -> memref<64xi32, #tpu.memory_space<vmem>>
      %dma_start3A_176 = arith.constant 0 : i32
      %dma_start3A_177 = arith.constant 0 : i32
      %dma_start3A_178 = tpu.memref_slice %arg15[%dma_start3A_176, %dma_start3A_177] : memref<10240x128xf32, #tpu.memory_space<vmem_shared>> -> memref<10240x128xf32, #tpu.memory_space<vmem_shared>>
      tpu.enqueue_indirect_dma source(%arg13 : memref<64x128xf32, #tpu.memory_space<vmem>>) target(%dma_start3A_178 : memref<10240x128xf32, #tpu.memory_space<vmem_shared>>) offsets(%dma_start3A_175 : memref<64xi32, #tpu.memory_space<vmem>>) semaphore(%arg20 : memref<!tpu.dma_semaphore, #tpu.memory_space<semaphore_mem>>) {add = true}
      %lt3A_179 = arith.constant 19 : i32
      %lt3A_180 = arith.cmpi slt, %scan3A_90, %lt3A_179 : i32
      %convert_element_type3A_181 = arith.extui %lt3A_180 : i1 to i32
      %cond3A_182 = arith.constant 0 : i32
      %cond3A_183 = arith.cmpi ne, %convert_element_type3A_181, %cond3A_182 : i32
      scf.if %cond3A_183 {
        %add3A_217 = arith.constant 4 : i32
        %add3A_218 = arith.addi %add3A_154, %add3A_217 : i32
        %dma_start3A_219 = arith.constant 0 : i32
        %dma_start3A_220 = tpu.memref_slice %arg7[%add3A_218, %dma_start3A_219] : memref<80x64xi32, #tpu.memory_space<vmem>> -> memref<1x64xi32, #tpu.memory_space<vmem>>
        %dma_start3A_221 = tpu.memref_squeeze %dma_start3A_220 : memref<1x64xi32, #tpu.memory_space<vmem>> -> memref<64xi32, #tpu.memory_space<vmem>>
        %dma_start3A_222 = arith.constant 0 : i32
        %dma_start3A_223 = arith.constant 0 : i32
        %dma_start3A_224 = tpu.memref_slice %arg2[%dma_start3A_222, %dma_start3A_223] : memref<10240x64xi32, #tpu.memory_space<hbm>> -> memref<10240x64xi32, #tpu.memory_space<hbm>>
        tpu.enqueue_indirect_dma source(%dma_start3A_224 : memref<10240x64xi32, #tpu.memory_space<hbm>>) target(%arg11 : memref<64x64xi32, #tpu.memory_space<vmem>>) offsets(%dma_start3A_221 : memref<64xi32, #tpu.memory_space<vmem>>) semaphore(%arg18 : memref<!tpu.dma_semaphore, #tpu.memory_space<semaphore_mem>>)
      } else {
      }
      %mul3A_184 = arith.constant 4 : i32
      %mul3A_185 = arith.muli %scan3A_90, %mul3A_184 : i32
      %add3A_186 = arith.constant 3 : i32
      %add3A_187 = arith.addi %mul3A_185, %add3A_186 : i32
      %dma_wait3A_188 = arith.constant 0 : i32
      %dma_wait3A_189 = tpu.memref_slice %arg7[%add3A_187, %dma_wait3A_188] : memref<80x64xi32, #tpu.memory_space<vmem>> -> memref<1x64xi32, #tpu.memory_space<vmem>>
      %dma_wait3A_190 = tpu.memref_squeeze %dma_wait3A_189 : memref<1x64xi32, #tpu.memory_space<vmem>> -> memref<64xi32, #tpu.memory_space<vmem>>
      %dma_wait3A_191 = arith.constant 0 : i32
      %dma_wait3A_192 = arith.constant 0 : i32
      %dma_wait3A_193 = tpu.memref_slice %arg2[%dma_wait3A_191, %dma_wait3A_192] : memref<10240x64xi32, #tpu.memory_space<hbm>> -> memref<10240x64xi32, #tpu.memory_space<hbm>>
      tpu.wait_indirect_dma semaphore(%arg19 : memref<!tpu.dma_semaphore, #tpu.memory_space<semaphore_mem>>) src(%dma_wait3A_193 : memref<10240x64xi32, #tpu.memory_space<hbm>>) dst(%arg12 : memref<64x64xi32, #tpu.memory_space<vmem>>)
      %dma_wait3A_194 = arith.constant 0 : i32
      %dma_wait3A_195 = tpu.memref_slice %arg8[%add3A_187, %dma_wait3A_194] : memref<80x64xi32, #tpu.memory_space<vmem>> -> memref<1x64xi32, #tpu.memory_space<vmem>>
      %dma_wait3A_196 = tpu.memref_squeeze %dma_wait3A_195 : memref<1x64xi32, #tpu.memory_space<vmem>> -> memref<64xi32, #tpu.memory_space<vmem>>
      %dma_wait3A_197 = arith.constant 0 : i32
      %dma_wait3A_198 = arith.constant 0 : i32
      %dma_wait3A_199 = tpu.memref_slice %arg15[%dma_wait3A_197, %dma_wait3A_198] : memref<10240x128xf32, #tpu.memory_space<vmem_shared>> -> memref<10240x128xf32, #tpu.memory_space<vmem_shared>>
      tpu.wait_indirect_dma semaphore(%arg21 : memref<!tpu.dma_semaphore, #tpu.memory_space<semaphore_mem>>) src(%arg14 : memref<64x128xf32, #tpu.memory_space<vmem>>) dst(%dma_wait3A_199 : memref<10240x128xf32, #tpu.memory_space<vmem_shared>>)
      %scan3A_200 = arith.constant 0 : i32
      %scan3A_201 = arith.constant 0 : i32
      %scan3A_202 = arith.constant 64 : i32
      %scan3A_203 = arith.addi %scan3A_201, %scan3A_202 : i32
      %scan3A_204 = arith.constant 1 : i32
      scf.for %scan3A_217 = %scan3A_201 to %scan3A_203 step %scan3A_204  : i32 {
        %get3A = arith.index_cast %scan3A_217 : i32 to index
        %get3A_218 = arith.constant 0 : index
        %get3A_219 = tpu.vector_load %arg12[%get3A, %get3A_218] {strides = array<i32>} : memref<64x64xi32, #tpu.memory_space<vmem>>, vector<16xi32>,
        %shift_left3A = arith.constant 16 : i32
        %shift_left3A_220 = vector.broadcast %shift_left3A : i32 to vector<16xi32>
        %shift_left3A_221 = arith.shli %get3A_219, %shift_left3A_220 : vector<16xi32>
        %bitcast3A = vector.bitcast %shift_left3A_221 : vector<16xi32> to vector<16xf32>
        %and3A = arith.andi %get3A_219, %broadcast_in_dim3A_5 : vector<16xi32>
        %bitcast3A_222 = vector.bitcast %and3A : vector<16xi32> to vector<16xf32>
        %swap3A = arith.index_cast %scan3A_217 : i32 to index
        %swap3A_223 = arith.constant 0 : index
        %swap3A_224 = tpu.vector_load %arg14[%swap3A, %swap3A_223] {strides = array<i32>} : memref<64x128xf32, #tpu.memory_space<vmem>>, vector<16xf32>,
        tpu.vector_store %arg14[%swap3A, %swap3A_223], %bitcast3A {strides = array<i32>} : memref<64x128xf32, #tpu.memory_space<vmem>>, vector<16xf32>,
        %swap3A_225 = arith.index_cast %scan3A_217 : i32 to index
        %swap3A_226 = arith.constant 64 : index
        %swap3A_227 = tpu.vector_load %arg14[%swap3A_225, %swap3A_226] {strides = array<i32>} : memref<64x128xf32, #tpu.memory_space<vmem>>, vector<16xf32>,
        tpu.vector_store %arg14[%swap3A_225, %swap3A_226], %bitcast3A_222 {strides = array<i32>} : memref<64x128xf32, #tpu.memory_space<vmem>>, vector<16xf32>,
        %get3A_228 = arith.index_cast %scan3A_217 : i32 to index
        %get3A_229 = arith.constant 16 : index
        %get3A_230 = tpu.vector_load %arg12[%get3A_228, %get3A_229] {strides = array<i32>} : memref<64x64xi32, #tpu.memory_space<vmem>>, vector<16xi32>,
        %shift_left3A_231 = arith.constant 16 : i32
        %shift_left3A_232 = vector.broadcast %shift_left3A_231 : i32 to vector<16xi32>
        %shift_left3A_233 = arith.shli %get3A_230, %shift_left3A_232 : vector<16xi32>
        %bitcast3A_234 = vector.bitcast %shift_left3A_233 : vector<16xi32> to vector<16xf32>
        %and3A_235 = arith.andi %get3A_230, %broadcast_in_dim3A_5 : vector<16xi32>
        %bitcast3A_236 = vector.bitcast %and3A_235 : vector<16xi32> to vector<16xf32>
        %swap3A_237 = arith.index_cast %scan3A_217 : i32 to index
        %swap3A_238 = arith.constant 16 : index
        %swap3A_239 = tpu.vector_load %arg14[%swap3A_237, %swap3A_238] {strides = array<i32>} : memref<64x128xf32, #tpu.memory_space<vmem>>, vector<16xf32>,
        tpu.vector_store %arg14[%swap3A_237, %swap3A_238], %bitcast3A_234 {strides = array<i32>} : memref<64x128xf32, #tpu.memory_space<vmem>>, vector<16xf32>,
        %swap3A_240 = arith.index_cast %scan3A_217 : i32 to index
        %swap3A_241 = arith.constant 80 : index
        %swap3A_242 = tpu.vector_load %arg14[%swap3A_240, %swap3A_241] {strides = array<i32>} : memref<64x128xf32, #tpu.memory_space<vmem>>, vector<16xf32>,
        tpu.vector_store %arg14[%swap3A_240, %swap3A_241], %bitcast3A_236 {strides = array<i32>} : memref<64x128xf32, #tpu.memory_space<vmem>>, vector<16xf32>,
        %get3A_243 = arith.index_cast %scan3A_217 : i32 to index
        %get3A_244 = arith.constant 32 : index
        %get3A_245 = tpu.vector_load %arg12[%get3A_243, %get3A_244] {strides = array<i32>} : memref<64x64xi32, #tpu.memory_space<vmem>>, vector<16xi32>,
        %shift_left3A_246 = arith.constant 16 : i32
        %shift_left3A_247 = vector.broadcast %shift_left3A_246 : i32 to vector<16xi32>
        %shift_left3A_248 = arith.shli %get3A_245, %shift_left3A_247 : vector<16xi32>
        %bitcast3A_249 = vector.bitcast %shift_left3A_248 : vector<16xi32> to vector<16xf32>
        %and3A_250 = arith.andi %get3A_245, %broadcast_in_dim3A_5 : vector<16xi32>
        %bitcast3A_251 = vector.bitcast %and3A_250 : vector<16xi32> to vector<16xf32>
        %swap3A_252 = arith.index_cast %scan3A_217 : i32 to index
        %swap3A_253 = arith.constant 32 : index
        %swap3A_254 = tpu.vector_load %arg14[%swap3A_252, %swap3A_253] {strides = array<i32>} : memref<64x128xf32, #tpu.memory_space<vmem>>, vector<16xf32>,
        tpu.vector_store %arg14[%swap3A_252, %swap3A_253], %bitcast3A_249 {strides = array<i32>} : memref<64x128xf32, #tpu.memory_space<vmem>>, vector<16xf32>,
        %swap3A_255 = arith.index_cast %scan3A_217 : i32 to index
        %swap3A_256 = arith.constant 96 : index
        %swap3A_257 = tpu.vector_load %arg14[%swap3A_255, %swap3A_256] {strides = array<i32>} : memref<64x128xf32, #tpu.memory_space<vmem>>, vector<16xf32>,
        tpu.vector_store %arg14[%swap3A_255, %swap3A_256], %bitcast3A_251 {strides = array<i32>} : memref<64x128xf32, #tpu.memory_space<vmem>>, vector<16xf32>,
        %get3A_258 = arith.index_cast %scan3A_217 : i32 to index
        %get3A_259 = arith.constant 48 : index
        %get3A_260 = tpu.vector_load %arg12[%get3A_258, %get3A_259] {strides = array<i32>} : memref<64x64xi32, #tpu.memory_space<vmem>>, vector<16xi32>,
        %shift_left3A_261 = arith.constant 16 : i32
        %shift_left3A_262 = vector.broadcast %shift_left3A_261 : i32 to vector<16xi32>
        %shift_left3A_263 = arith.shli %get3A_260, %shift_left3A_262 : vector<16xi32>
        %bitcast3A_264 = vector.bitcast %shift_left3A_263 : vector<16xi32> to vector<16xf32>
        %and3A_265 = arith.andi %get3A_260, %broadcast_in_dim3A_5 : vector<16xi32>
        %bitcast3A_266 = vector.bitcast %and3A_265 : vector<16xi32> to vector<16xf32>
        %swap3A_267 = arith.index_cast %scan3A_217 : i32 to index
        %swap3A_268 = arith.constant 48 : index
        %swap3A_269 = tpu.vector_load %arg14[%swap3A_267, %swap3A_268] {strides = array<i32>} : memref<64x128xf32, #tpu.memory_space<vmem>>, vector<16xf32>,
        tpu.vector_store %arg14[%swap3A_267, %swap3A_268], %bitcast3A_264 {strides = array<i32>} : memref<64x128xf32, #tpu.memory_space<vmem>>, vector<16xf32>,
        %swap3A_270 = arith.index_cast %scan3A_217 : i32 to index
        %swap3A_271 = arith.constant 112 : index
        %swap3A_272 = tpu.vector_load %arg14[%swap3A_270, %swap3A_271] {strides = array<i32>} : memref<64x128xf32, #tpu.memory_space<vmem>>, vector<16xf32>,
        tpu.vector_store %arg14[%swap3A_270, %swap3A_271], %bitcast3A_266 {strides = array<i32>} : memref<64x128xf32, #tpu.memory_space<vmem>>, vector<16xf32>,
      }
      %scan3A_205 = arith.constant 64 : i32
      %dma_start3A_206 = arith.constant 0 : i32
      %dma_start3A_207 = tpu.memref_slice %arg8[%add3A_187, %dma_start3A_206] : memref<80x64xi32, #tpu.memory_space<vmem>> -> memref<1x64xi32, #tpu.memory_space<vmem>>
      %dma_start3A_208 = tpu.memref_squeeze %dma_start3A_207 : memref<1x64xi32, #tpu.memory_space<vmem>> -> memref<64xi32, #tpu.memory_space<vmem>>
      %dma_start3A_209 = arith.constant 0 : i32
      %dma_start3A_210 = arith.constant 0 : i32
      %dma_start3A_211 = tpu.memref_slice %arg15[%dma_start3A_209, %dma_start3A_210] : memref<10240x128xf32, #tpu.memory_space<vmem_shared>> -> memref<10240x128xf32, #tpu.memory_space<vmem_shared>>
      tpu.enqueue_indirect_dma source(%arg14 : memref<64x128xf32, #tpu.memory_space<vmem>>) target(%dma_start3A_211 : memref<10240x128xf32, #tpu.memory_space<vmem_shared>>) offsets(%dma_start3A_208 : memref<64xi32, #tpu.memory_space<vmem>>) semaphore(%arg21 : memref<!tpu.dma_semaphore, #tpu.memory_space<semaphore_mem>>) {add = true}
      %lt3A_212 = arith.constant 19 : i32
      %lt3A_213 = arith.cmpi slt, %scan3A_90, %lt3A_212 : i32
      %convert_element_type3A_214 = arith.extui %lt3A_213 : i1 to i32
      %cond3A_215 = arith.constant 0 : i32
      %cond3A_216 = arith.cmpi ne, %convert_element_type3A_214, %cond3A_215 : i32
      scf.if %cond3A_216 {
        %add3A_217 = arith.constant 4 : i32
        %add3A_218 = arith.addi %add3A_187, %add3A_217 : i32
        %dma_start3A_219 = arith.constant 0 : i32
        %dma_start3A_220 = tpu.memref_slice %arg7[%add3A_218, %dma_start3A_219] : memref<80x64xi32, #tpu.memory_space<vmem>> -> memref<1x64xi32, #tpu.memory_space<vmem>>
        %dma_start3A_221 = tpu.memref_squeeze %dma_start3A_220 : memref<1x64xi32, #tpu.memory_space<vmem>> -> memref<64xi32, #tpu.memory_space<vmem>>
        %dma_start3A_222 = arith.constant 0 : i32
        %dma_start3A_223 = arith.constant 0 : i32
        %dma_start3A_224 = tpu.memref_slice %arg2[%dma_start3A_222, %dma_start3A_223] : memref<10240x64xi32, #tpu.memory_space<hbm>> -> memref<10240x64xi32, #tpu.memory_space<hbm>>
        tpu.enqueue_indirect_dma source(%dma_start3A_224 : memref<10240x64xi32, #tpu.memory_space<hbm>>) target(%arg12 : memref<64x64xi32, #tpu.memory_space<vmem>>) offsets(%dma_start3A_221 : memref<64xi32, #tpu.memory_space<vmem>>) semaphore(%arg19 : memref<!tpu.dma_semaphore, #tpu.memory_space<semaphore_mem>>)
      } else {
      }
    }
    %scan3A_37 = arith.constant 20 : i32
    "tpu.region"() ({
      %run_scoped3A = tpu.sem_alloc : memref<!tpu.dma_semaphore, #tpu.memory_space<semaphore_mem>>
      %dma_start3A_90 = arith.constant 80 : i32
      %dma_start3A_91 = arith.constant 0 : i32
      %dma_start3A_92 = tpu.memref_slice %arg4[%add3A, %dma_start3A_90, %dma_start3A_91] : memref<32x160x64xi32, #tpu.memory_space<hbm>> -> memref<1x80x64xi32, #tpu.memory_space<hbm>>
      %dma_start3A_93 = tpu.memref_squeeze %dma_start3A_92 : memref<1x80x64xi32, #tpu.memory_space<hbm>> -> memref<80x64xi32, #tpu.memory_space<hbm>>
      %dma_start3A_94 = arith.constant 80 : i32
      %dma_start3A_95 = arith.constant 0 : i32
      %dma_start3A_96 = tpu.memref_slice %arg4[%add3A, %dma_start3A_94, %dma_start3A_95] : memref<32x160x64xi32, #tpu.memory_space<hbm>> -> memref<1x80x64xi32, #tpu.memory_space<hbm>>
      %dma_start3A_97 = tpu.memref_squeeze %dma_start3A_96 : memref<1x80x64xi32, #tpu.memory_space<hbm>> -> memref<80x64xi32, #tpu.memory_space<hbm>>
      tpu.enqueue_dma source(%dma_start3A_97 : memref<80x64xi32, #tpu.memory_space<hbm>>) target(%arg7 : memref<80x64xi32, #tpu.memory_space<vmem>>) target_semaphore(%run_scoped3A : memref<!tpu.dma_semaphore, #tpu.memory_space<semaphore_mem>>)
      %dma_wait3A_98 = arith.constant 80 : i32
      %dma_wait3A_99 = arith.constant 0 : i32
      %dma_wait3A_100 = tpu.memref_slice %arg4[%add3A, %dma_wait3A_98, %dma_wait3A_99] : memref<32x160x64xi32, #tpu.memory_space<hbm>> -> memref<1x80x64xi32, #tpu.memory_space<hbm>>
      %dma_wait3A_101 = tpu.memref_squeeze %dma_wait3A_100 : memref<1x80x64xi32, #tpu.memory_space<hbm>> -> memref<80x64xi32, #tpu.memory_space<hbm>>
      %dma_wait3A_102 = arith.constant 80 : i32
      %dma_wait3A_103 = arith.constant 0 : i32
      %dma_wait3A_104 = tpu.memref_slice %arg4[%add3A, %dma_wait3A_102, %dma_wait3A_103] : memref<32x160x64xi32, #tpu.memory_space<hbm>> -> memref<1x80x64xi32, #tpu.memory_space<hbm>>
      %dma_wait3A_105 = tpu.memref_squeeze %dma_wait3A_104 : memref<1x80x64xi32, #tpu.memory_space<hbm>> -> memref<80x64xi32, #tpu.memory_space<hbm>>
      tpu.wait_dma2 semaphore(%run_scoped3A : memref<!tpu.dma_semaphore, #tpu.memory_space<semaphore_mem>>) src(%dma_wait3A_105 : memref<80x64xi32, #tpu.memory_space<hbm>>) dst(%arg7 : memref<80x64xi32, #tpu.memory_space<vmem>>)
      tpu.yield
    }) : () -> ()
    "tpu.region"() ({
      %run_scoped3A = tpu.sem_alloc : memref<!tpu.dma_semaphore, #tpu.memory_space<semaphore_mem>>
      %dma_start3A_90 = arith.constant 80 : i32
      %dma_start3A_91 = arith.constant 0 : i32
      %dma_start3A_92 = tpu.memref_slice %arg5[%add3A, %dma_start3A_90, %dma_start3A_91] : memref<32x160x64xi32, #tpu.memory_space<hbm>> -> memref<1x80x64xi32, #tpu.memory_space<hbm>>
      %dma_start3A_93 = tpu.memref_squeeze %dma_start3A_92 : memref<1x80x64xi32, #tpu.memory_space<hbm>> -> memref<80x64xi32, #tpu.memory_space<hbm>>
      %dma_start3A_94 = arith.constant 80 : i32
      %dma_start3A_95 = arith.constant 0 : i32
      %dma_start3A_96 = tpu.memref_slice %arg5[%add3A, %dma_start3A_94, %dma_start3A_95] : memref<32x160x64xi32, #tpu.memory_space<hbm>> -> memref<1x80x64xi32, #tpu.memory_space<hbm>>
      %dma_start3A_97 = tpu.memref_squeeze %dma_start3A_96 : memref<1x80x64xi32, #tpu.memory_space<hbm>> -> memref<80x64xi32, #tpu.memory_space<hbm>>
      tpu.enqueue_dma source(%dma_start3A_97 : memref<80x64xi32, #tpu.memory_space<hbm>>) target(%arg8 : memref<80x64xi32, #tpu.memory_space<vmem>>) target_semaphore(%run_scoped3A : memref<!tpu.dma_semaphore, #tpu.memory_space<semaphore_mem>>)
      %dma_wait3A_98 = arith.constant 80 : i32
      %dma_wait3A_99 = arith.constant 0 : i32
      %dma_wait3A_100 = tpu.memref_slice %arg5[%add3A, %dma_wait3A_98, %dma_wait3A_99] : memref<32x160x64xi32, #tpu.memory_space<hbm>> -> memref<1x80x64xi32, #tpu.memory_space<hbm>>
      %dma_wait3A_101 = tpu.memref_squeeze %dma_wait3A_100 : memref<1x80x64xi32, #tpu.memory_space<hbm>> -> memref<80x64xi32, #tpu.memory_space<hbm>>
      %dma_wait3A_102 = arith.constant 80 : i32
      %dma_wait3A_103 = arith.constant 0 : i32
      %dma_wait3A_104 = tpu.memref_slice %arg5[%add3A, %dma_wait3A_102, %dma_wait3A_103] : memref<32x160x64xi32, #tpu.memory_space<hbm>> -> memref<1x80x64xi32, #tpu.memory_space<hbm>>
      %dma_wait3A_105 = tpu.memref_squeeze %dma_wait3A_104 : memref<1x80x64xi32, #tpu.memory_space<hbm>> -> memref<80x64xi32, #tpu.memory_space<hbm>>
      tpu.wait_dma2 semaphore(%run_scoped3A : memref<!tpu.dma_semaphore, #tpu.memory_space<semaphore_mem>>) src(%dma_wait3A_105 : memref<80x64xi32, #tpu.memory_space<hbm>>) dst(%arg8 : memref<80x64xi32, #tpu.memory_space<vmem>>)
      tpu.yield
    }) : () -> ()
    %dma_start3A_38 = arith.constant 0 : i32
    %dma_start3A_39 = arith.constant 0 : i32
    %dma_start3A_40 = tpu.memref_slice %arg7[%dma_start3A_38, %dma_start3A_39] : memref<80x64xi32, #tpu.memory_space<vmem>> -> memref<1x64xi32, #tpu.memory_space<vmem>>
    %dma_start3A_41 = tpu.memref_squeeze %dma_start3A_40 : memref<1x64xi32, #tpu.memory_space<vmem>> -> memref<64xi32, #tpu.memory_space<vmem>>
    %dma_start3A_42 = arith.constant 0 : i32
    %dma_start3A_43 = arith.constant 0 : i32
    %dma_start3A_44 = tpu.memref_slice %arg2[%dma_start3A_42, %dma_start3A_43] : memref<10240x64xi32, #tpu.memory_space<hbm>> -> memref<10240x64xi32, #tpu.memory_space<hbm>>
    tpu.enqueue_indirect_dma source(%dma_start3A_44 : memref<10240x64xi32, #tpu.memory_space<hbm>>) target(%arg9 : memref<64x64xi32, #tpu.memory_space<vmem>>) offsets(%dma_start3A_41 : memref<64xi32, #tpu.memory_space<vmem>>) semaphore(%arg16 : memref<!tpu.dma_semaphore, #tpu.memory_space<semaphore_mem>>)
    %dma_start3A_45 = arith.constant 1 : i32
    %dma_start3A_46 = arith.constant 0 : i32
    %dma_start3A_47 = tpu.memref_slice %arg7[%dma_start3A_45, %dma_start3A_46] : memref<80x64xi32, #tpu.memory_space<vmem>> -> memref<1x64xi32, #tpu.memory_space<vmem>>
    %dma_start3A_48 = tpu.memref_squeeze %dma_start3A_47 : memref<1x64xi32, #tpu.memory_space<vmem>> -> memref<64xi32, #tpu.memory_space<vmem>>
    %dma_start3A_49 = arith.constant 0 : i32
    %dma_start3A_50 = arith.constant 0 : i32
    %dma_start3A_51 = tpu.memref_slice %arg2[%dma_start3A_49, %dma_start3A_50] : memref<10240x64xi32, #tpu.memory_space<hbm>> -> memref<10240x64xi32, #tpu.memory_space<hbm>>
    tpu.enqueue_indirect_dma source(%dma_start3A_51 : memref<10240x64xi32, #tpu.memory_space<hbm>>) target(%arg10 : memref<64x64xi32, #tpu.memory_space<vmem>>) offsets(%dma_start3A_48 : memref<64xi32, #tpu.memory_space<vmem>>) semaphore(%arg17 : memref<!tpu.dma_semaphore, #tpu.memory_space<semaphore_mem>>)
    %dma_start3A_52 = arith.constant 2 : i32
    %dma_start3A_53 = arith.constant 0 : i32
    %dma_start3A_54 = tpu.memref_slice %arg7[%dma_start3A_52, %dma_start3A_53] : memref<80x64xi32, #tpu.memory_space<vmem>> -> memref<1x64xi32, #tpu.memory_space<vmem>>
    %dma_start3A_55 = tpu.memref_squeeze %dma_start3A_54 : memref<1x64xi32, #tpu.memory_space<vmem>> -> memref<64xi32, #tpu.memory_space<vmem>>
    %dma_start3A_56 = arith.constant 0 : i32
    %dma_start3A_57 = arith.constant 0 : i32
    %dma_start3A_58 = tpu.memref_slice %arg2[%dma_start3A_56, %dma_start3A_57] : memref<10240x64xi32, #tpu.memory_space<hbm>> -> memref<10240x64xi32, #tpu.memory_space<hbm>>
    tpu.enqueue_indirect_dma source(%dma_start3A_58 : memref<10240x64xi32, #tpu.memory_space<hbm>>) target(%arg11 : memref<64x64xi32, #tpu.memory_space<vmem>>) offsets(%dma_start3A_55 : memref<64xi32, #tpu.memory_space<vmem>>) semaphore(%arg18 : memref<!tpu.dma_semaphore, #tpu.memory_space<semaphore_mem>>)
    %dma_start3A_59 = arith.constant 3 : i32
    %dma_start3A_60 = arith.constant 0 : i32
    %dma_start3A_61 = tpu.memref_slice %arg7[%dma_start3A_59, %dma_start3A_60] : memref<80x64xi32, #tpu.memory_space<vmem>> -> memref<1x64xi32, #tpu.memory_space<vmem>>
    %dma_start3A_62 = tpu.memref_squeeze %dma_start3A_61 : memref<1x64xi32, #tpu.memory_space<vmem>> -> memref<64xi32, #tpu.memory_space<vmem>>
    %dma_start3A_63 = arith.constant 0 : i32
    %dma_start3A_64 = arith.constant 0 : i32
    %dma_start3A_65 = tpu.memref_slice %arg2[%dma_start3A_63, %dma_start3A_64] : memref<10240x64xi32, #tpu.memory_space<hbm>> -> memref<10240x64xi32, #tpu.memory_space<hbm>>
    tpu.enqueue_indirect_dma source(%dma_start3A_65 : memref<10240x64xi32, #tpu.memory_space<hbm>>) target(%arg12 : memref<64x64xi32, #tpu.memory_space<vmem>>) offsets(%dma_start3A_62 : memref<64xi32, #tpu.memory_space<vmem>>) semaphore(%arg19 : memref<!tpu.dma_semaphore, #tpu.memory_space<semaphore_mem>>)
    %scan3A_66 = arith.constant 0 : i32
    %scan3A_67 = arith.constant 0 : i32
    %scan3A_68 = arith.constant 20 : i32
    %scan3A_69 = arith.addi %scan3A_67, %scan3A_68 : i32
    %scan3A_70 = arith.constant 1 : i32
    scf.for %scan3A_90 = %scan3A_67 to %scan3A_69 step %scan3A_70  : i32 {
      %mul3A_91 = arith.constant 4 : i32
      %mul3A_92 = arith.muli %scan3A_90, %mul3A_91 : i32
      %add3A_93 = arith.constant 0 : i32
      %add3A_94 = arith.addi %mul3A_92, %add3A_93 : i32
      %dma_wait3A_95 = arith.constant 0 : i32
      %dma_wait3A_96 = tpu.memref_slice %arg7[%add3A_94, %dma_wait3A_95] : memref<80x64xi32, #tpu.memory_space<vmem>> -> memref<1x64xi32, #tpu.memory_space<vmem>>
      %dma_wait3A_97 = tpu.memref_squeeze %dma_wait3A_96 : memref<1x64xi32, #tpu.memory_space<vmem>> -> memref<64xi32, #tpu.memory_space<vmem>>
      %dma_wait3A_98 = arith.constant 0 : i32
      %dma_wait3A_99 = arith.constant 0 : i32
      %dma_wait3A_100 = tpu.memref_slice %arg2[%dma_wait3A_98, %dma_wait3A_99] : memref<10240x64xi32, #tpu.memory_space<hbm>> -> memref<10240x64xi32, #tpu.memory_space<hbm>>
      tpu.wait_indirect_dma semaphore(%arg16 : memref<!tpu.dma_semaphore, #tpu.memory_space<semaphore_mem>>) src(%dma_wait3A_100 : memref<10240x64xi32, #tpu.memory_space<hbm>>) dst(%arg9 : memref<64x64xi32, #tpu.memory_space<vmem>>)
      %dma_wait3A_101 = arith.constant 0 : i32
      %dma_wait3A_102 = tpu.memref_slice %arg8[%add3A_94, %dma_wait3A_101] : memref<80x64xi32, #tpu.memory_space<vmem>> -> memref<1x64xi32, #tpu.memory_space<vmem>>
      %dma_wait3A_103 = tpu.memref_squeeze %dma_wait3A_102 : memref<1x64xi32, #tpu.memory_space<vmem>> -> memref<64xi32, #tpu.memory_space<vmem>>
      %dma_wait3A_104 = arith.constant 0 : i32
      %dma_wait3A_105 = arith.constant 0 : i32
      %dma_wait3A_106 = tpu.memref_slice %arg15[%dma_wait3A_104, %dma_wait3A_105] : memref<10240x128xf32, #tpu.memory_space<vmem_shared>> -> memref<10240x128xf32, #tpu.memory_space<vmem_shared>>
      tpu.wait_indirect_dma semaphore(%arg20 : memref<!tpu.dma_semaphore, #tpu.memory_space<semaphore_mem>>) src(%arg13 : memref<64x128xf32, #tpu.memory_space<vmem>>) dst(%dma_wait3A_106 : memref<10240x128xf32, #tpu.memory_space<vmem_shared>>)
      %scan3A_107 = arith.constant 0 : i32
      %scan3A_108 = arith.constant 0 : i32
      %scan3A_109 = arith.constant 64 : i32
      %scan3A_110 = arith.addi %scan3A_108, %scan3A_109 : i32
      %scan3A_111 = arith.constant 1 : i32
      scf.for %scan3A_220 = %scan3A_108 to %scan3A_110 step %scan3A_111  : i32 {
        %get3A = arith.index_cast %scan3A_220 : i32 to index
        %get3A_221 = arith.constant 0 : index
        %get3A_222 = tpu.vector_load %arg9[%get3A, %get3A_221] {strides = array<i32>} : memref<64x64xi32, #tpu.memory_space<vmem>>, vector<16xi32>,
        %shift_left3A = arith.constant 16 : i32
        %shift_left3A_223 = vector.broadcast %shift_left3A : i32 to vector<16xi32>
        %shift_left3A_224 = arith.shli %get3A_222, %shift_left3A_223 : vector<16xi32>
        %bitcast3A = vector.bitcast %shift_left3A_224 : vector<16xi32> to vector<16xf32>
        %and3A = arith.andi %get3A_222, %broadcast_in_dim3A_5 : vector<16xi32>
        %bitcast3A_225 = vector.bitcast %and3A : vector<16xi32> to vector<16xf32>
        %swap3A = arith.index_cast %scan3A_220 : i32 to index
        %swap3A_226 = arith.constant 0 : index
        %swap3A_227 = tpu.vector_load %arg13[%swap3A, %swap3A_226] {strides = array<i32>} : memref<64x128xf32, #tpu.memory_space<vmem>>, vector<16xf32>,
        tpu.vector_store %arg13[%swap3A, %swap3A_226], %bitcast3A {strides = array<i32>} : memref<64x128xf32, #tpu.memory_space<vmem>>, vector<16xf32>,
        %swap3A_228 = arith.index_cast %scan3A_220 : i32 to index
        %swap3A_229 = arith.constant 64 : index
        %swap3A_230 = tpu.vector_load %arg13[%swap3A_228, %swap3A_229] {strides = array<i32>} : memref<64x128xf32, #tpu.memory_space<vmem>>, vector<16xf32>,
        tpu.vector_store %arg13[%swap3A_228, %swap3A_229], %bitcast3A_225 {strides = array<i32>} : memref<64x128xf32, #tpu.memory_space<vmem>>, vector<16xf32>,
        %get3A_231 = arith.index_cast %scan3A_220 : i32 to index
        %get3A_232 = arith.constant 16 : index
        %get3A_233 = tpu.vector_load %arg9[%get3A_231, %get3A_232] {strides = array<i32>} : memref<64x64xi32, #tpu.memory_space<vmem>>, vector<16xi32>,
        %shift_left3A_234 = arith.constant 16 : i32
        %shift_left3A_235 = vector.broadcast %shift_left3A_234 : i32 to vector<16xi32>
        %shift_left3A_236 = arith.shli %get3A_233, %shift_left3A_235 : vector<16xi32>
        %bitcast3A_237 = vector.bitcast %shift_left3A_236 : vector<16xi32> to vector<16xf32>
        %and3A_238 = arith.andi %get3A_233, %broadcast_in_dim3A_5 : vector<16xi32>
        %bitcast3A_239 = vector.bitcast %and3A_238 : vector<16xi32> to vector<16xf32>
        %swap3A_240 = arith.index_cast %scan3A_220 : i32 to index
        %swap3A_241 = arith.constant 16 : index
        %swap3A_242 = tpu.vector_load %arg13[%swap3A_240, %swap3A_241] {strides = array<i32>} : memref<64x128xf32, #tpu.memory_space<vmem>>, vector<16xf32>,
        tpu.vector_store %arg13[%swap3A_240, %swap3A_241], %bitcast3A_237 {strides = array<i32>} : memref<64x128xf32, #tpu.memory_space<vmem>>, vector<16xf32>,
        %swap3A_243 = arith.index_cast %scan3A_220 : i32 to index
        %swap3A_244 = arith.constant 80 : index
        %swap3A_245 = tpu.vector_load %arg13[%swap3A_243, %swap3A_244] {strides = array<i32>} : memref<64x128xf32, #tpu.memory_space<vmem>>, vector<16xf32>,
        tpu.vector_store %arg13[%swap3A_243, %swap3A_244], %bitcast3A_239 {strides = array<i32>} : memref<64x128xf32, #tpu.memory_space<vmem>>, vector<16xf32>,
        %get3A_246 = arith.index_cast %scan3A_220 : i32 to index
        %get3A_247 = arith.constant 32 : index
        %get3A_248 = tpu.vector_load %arg9[%get3A_246, %get3A_247] {strides = array<i32>} : memref<64x64xi32, #tpu.memory_space<vmem>>, vector<16xi32>,
        %shift_left3A_249 = arith.constant 16 : i32
        %shift_left3A_250 = vector.broadcast %shift_left3A_249 : i32 to vector<16xi32>
        %shift_left3A_251 = arith.shli %get3A_248, %shift_left3A_250 : vector<16xi32>
        %bitcast3A_252 = vector.bitcast %shift_left3A_251 : vector<16xi32> to vector<16xf32>
        %and3A_253 = arith.andi %get3A_248, %broadcast_in_dim3A_5 : vector<16xi32>
        %bitcast3A_254 = vector.bitcast %and3A_253 : vector<16xi32> to vector<16xf32>
        %swap3A_255 = arith.index_cast %scan3A_220 : i32 to index
        %swap3A_256 = arith.constant 32 : index
        %swap3A_257 = tpu.vector_load %arg13[%swap3A_255, %swap3A_256] {strides = array<i32>} : memref<64x128xf32, #tpu.memory_space<vmem>>, vector<16xf32>,
        tpu.vector_store %arg13[%swap3A_255, %swap3A_256], %bitcast3A_252 {strides = array<i32>} : memref<64x128xf32, #tpu.memory_space<vmem>>, vector<16xf32>,
        %swap3A_258 = arith.index_cast %scan3A_220 : i32 to index
        %swap3A_259 = arith.constant 96 : index
        %swap3A_260 = tpu.vector_load %arg13[%swap3A_258, %swap3A_259] {strides = array<i32>} : memref<64x128xf32, #tpu.memory_space<vmem>>, vector<16xf32>,
        tpu.vector_store %arg13[%swap3A_258, %swap3A_259], %bitcast3A_254 {strides = array<i32>} : memref<64x128xf32, #tpu.memory_space<vmem>>, vector<16xf32>,
        %get3A_261 = arith.index_cast %scan3A_220 : i32 to index
        %get3A_262 = arith.constant 48 : index
        %get3A_263 = tpu.vector_load %arg9[%get3A_261, %get3A_262] {strides = array<i32>} : memref<64x64xi32, #tpu.memory_space<vmem>>, vector<16xi32>,
        %shift_left3A_264 = arith.constant 16 : i32
        %shift_left3A_265 = vector.broadcast %shift_left3A_264 : i32 to vector<16xi32>
        %shift_left3A_266 = arith.shli %get3A_263, %shift_left3A_265 : vector<16xi32>
        %bitcast3A_267 = vector.bitcast %shift_left3A_266 : vector<16xi32> to vector<16xf32>
        %and3A_268 = arith.andi %get3A_263, %broadcast_in_dim3A_5 : vector<16xi32>
        %bitcast3A_269 = vector.bitcast %and3A_268 : vector<16xi32> to vector<16xf32>
        %swap3A_270 = arith.index_cast %scan3A_220 : i32 to index
        %swap3A_271 = arith.constant 48 : index
        %swap3A_272 = tpu.vector_load %arg13[%swap3A_270, %swap3A_271] {strides = array<i32>} : memref<64x128xf32, #tpu.memory_space<vmem>>, vector<16xf32>,
        tpu.vector_store %arg13[%swap3A_270, %swap3A_271], %bitcast3A_267 {strides = array<i32>} : memref<64x128xf32, #tpu.memory_space<vmem>>, vector<16xf32>,
        %swap3A_273 = arith.index_cast %scan3A_220 : i32 to index
        %swap3A_274 = arith.constant 112 : index
        %swap3A_275 = tpu.vector_load %arg13[%swap3A_273, %swap3A_274] {strides = array<i32>} : memref<64x128xf32, #tpu.memory_space<vmem>>, vector<16xf32>,
        tpu.vector_store %arg13[%swap3A_273, %swap3A_274], %bitcast3A_269 {strides = array<i32>} : memref<64x128xf32, #tpu.memory_space<vmem>>, vector<16xf32>,
      }
      %scan3A_112 = arith.constant 64 : i32
      %dma_start3A_113 = arith.constant 0 : i32
      %dma_start3A_114 = tpu.memref_slice %arg8[%add3A_94, %dma_start3A_113] : memref<80x64xi32, #tpu.memory_space<vmem>> -> memref<1x64xi32, #tpu.memory_space<vmem>>
      %dma_start3A_115 = tpu.memref_squeeze %dma_start3A_114 : memref<1x64xi32, #tpu.memory_space<vmem>> -> memref<64xi32, #tpu.memory_space<vmem>>
      %dma_start3A_116 = arith.constant 0 : i32
      %dma_start3A_117 = arith.constant 0 : i32
      %dma_start3A_118 = tpu.memref_slice %arg15[%dma_start3A_116, %dma_start3A_117] : memref<10240x128xf32, #tpu.memory_space<vmem_shared>> -> memref<10240x128xf32, #tpu.memory_space<vmem_shared>>
      tpu.enqueue_indirect_dma source(%arg13 : memref<64x128xf32, #tpu.memory_space<vmem>>) target(%dma_start3A_118 : memref<10240x128xf32, #tpu.memory_space<vmem_shared>>) offsets(%dma_start3A_115 : memref<64xi32, #tpu.memory_space<vmem>>) semaphore(%arg20 : memref<!tpu.dma_semaphore, #tpu.memory_space<semaphore_mem>>) {add = true}
      %lt3A = arith.constant 19 : i32
      %lt3A_119 = arith.cmpi slt, %scan3A_90, %lt3A : i32
      %convert_element_type3A = arith.extui %lt3A_119 : i1 to i32
      %cond3A = arith.constant 0 : i32
      %cond3A_120 = arith.cmpi ne, %convert_element_type3A, %cond3A : i32
      scf.if %cond3A_120 {
        %add3A_220 = arith.constant 4 : i32
        %add3A_221 = arith.addi %add3A_94, %add3A_220 : i32
        %dma_start3A_222 = arith.constant 0 : i32
        %dma_start3A_223 = tpu.memref_slice %arg7[%add3A_221, %dma_start3A_222] : memref<80x64xi32, #tpu.memory_space<vmem>> -> memref<1x64xi32, #tpu.memory_space<vmem>>
        %dma_start3A_224 = tpu.memref_squeeze %dma_start3A_223 : memref<1x64xi32, #tpu.memory_space<vmem>> -> memref<64xi32, #tpu.memory_space<vmem>>
        %dma_start3A_225 = arith.constant 0 : i32
        %dma_start3A_226 = arith.constant 0 : i32
        %dma_start3A_227 = tpu.memref_slice %arg2[%dma_start3A_225, %dma_start3A_226] : memref<10240x64xi32, #tpu.memory_space<hbm>> -> memref<10240x64xi32, #tpu.memory_space<hbm>>
        tpu.enqueue_indirect_dma source(%dma_start3A_227 : memref<10240x64xi32, #tpu.memory_space<hbm>>) target(%arg9 : memref<64x64xi32, #tpu.memory_space<vmem>>) offsets(%dma_start3A_224 : memref<64xi32, #tpu.memory_space<vmem>>) semaphore(%arg16 : memref<!tpu.dma_semaphore, #tpu.memory_space<semaphore_mem>>)
      } else {
      }
      %mul3A_121 = arith.constant 4 : i32
      %mul3A_122 = arith.muli %scan3A_90, %mul3A_121 : i32
      %add3A_123 = arith.constant 1 : i32
      %add3A_124 = arith.addi %mul3A_122, %add3A_123 : i32
      %dma_wait3A_125 = arith.constant 0 : i32
      %dma_wait3A_126 = tpu.memref_slice %arg7[%add3A_124, %dma_wait3A_125] : memref<80x64xi32, #tpu.memory_space<vmem>> -> memref<1x64xi32, #tpu.memory_space<vmem>>
      %dma_wait3A_127 = tpu.memref_squeeze %dma_wait3A_126 : memref<1x64xi32, #tpu.memory_space<vmem>> -> memref<64xi32, #tpu.memory_space<vmem>>
      %dma_wait3A_128 = arith.constant 0 : i32
      %dma_wait3A_129 = arith.constant 0 : i32
      %dma_wait3A_130 = tpu.memref_slice %arg2[%dma_wait3A_128, %dma_wait3A_129] : memref<10240x64xi32, #tpu.memory_space<hbm>> -> memref<10240x64xi32, #tpu.memory_space<hbm>>
      tpu.wait_indirect_dma semaphore(%arg17 : memref<!tpu.dma_semaphore, #tpu.memory_space<semaphore_mem>>) src(%dma_wait3A_130 : memref<10240x64xi32, #tpu.memory_space<hbm>>) dst(%arg10 : memref<64x64xi32, #tpu.memory_space<vmem>>)
      %dma_wait3A_131 = arith.constant 0 : i32
      %dma_wait3A_132 = tpu.memref_slice %arg8[%add3A_124, %dma_wait3A_131] : memref<80x64xi32, #tpu.memory_space<vmem>> -> memref<1x64xi32, #tpu.memory_space<vmem>>
      %dma_wait3A_133 = tpu.memref_squeeze %dma_wait3A_132 : memref<1x64xi32, #tpu.memory_space<vmem>> -> memref<64xi32, #tpu.memory_space<vmem>>
      %dma_wait3A_134 = arith.constant 0 : i32
      %dma_wait3A_135 = arith.constant 0 : i32
      %dma_wait3A_136 = tpu.memref_slice %arg15[%dma_wait3A_134, %dma_wait3A_135] : memref<10240x128xf32, #tpu.memory_space<vmem_shared>> -> memref<10240x128xf32, #tpu.memory_space<vmem_shared>>
      tpu.wait_indirect_dma semaphore(%arg21 : memref<!tpu.dma_semaphore, #tpu.memory_space<semaphore_mem>>) src(%arg14 : memref<64x128xf32, #tpu.memory_space<vmem>>) dst(%dma_wait3A_136 : memref<10240x128xf32, #tpu.memory_space<vmem_shared>>)
      %scan3A_137 = arith.constant 0 : i32
      %scan3A_138 = arith.constant 0 : i32
      %scan3A_139 = arith.constant 64 : i32
      %scan3A_140 = arith.addi %scan3A_138, %scan3A_139 : i32
      %scan3A_141 = arith.constant 1 : i32
      scf.for %scan3A_220 = %scan3A_138 to %scan3A_140 step %scan3A_141  : i32 {
        %get3A = arith.index_cast %scan3A_220 : i32 to index
        %get3A_221 = arith.constant 0 : index
        %get3A_222 = tpu.vector_load %arg10[%get3A, %get3A_221] {strides = array<i32>} : memref<64x64xi32, #tpu.memory_space<vmem>>, vector<16xi32>,
        %shift_left3A = arith.constant 16 : i32
        %shift_left3A_223 = vector.broadcast %shift_left3A : i32 to vector<16xi32>
        %shift_left3A_224 = arith.shli %get3A_222, %shift_left3A_223 : vector<16xi32>
        %bitcast3A = vector.bitcast %shift_left3A_224 : vector<16xi32> to vector<16xf32>
        %and3A = arith.andi %get3A_222, %broadcast_in_dim3A_5 : vector<16xi32>
        %bitcast3A_225 = vector.bitcast %and3A : vector<16xi32> to vector<16xf32>
        %swap3A = arith.index_cast %scan3A_220 : i32 to index
        %swap3A_226 = arith.constant 0 : index
        %swap3A_227 = tpu.vector_load %arg14[%swap3A, %swap3A_226] {strides = array<i32>} : memref<64x128xf32, #tpu.memory_space<vmem>>, vector<16xf32>,
        tpu.vector_store %arg14[%swap3A, %swap3A_226], %bitcast3A {strides = array<i32>} : memref<64x128xf32, #tpu.memory_space<vmem>>, vector<16xf32>,
        %swap3A_228 = arith.index_cast %scan3A_220 : i32 to index
        %swap3A_229 = arith.constant 64 : index
        %swap3A_230 = tpu.vector_load %arg14[%swap3A_228, %swap3A_229] {strides = array<i32>} : memref<64x128xf32, #tpu.memory_space<vmem>>, vector<16xf32>,
        tpu.vector_store %arg14[%swap3A_228, %swap3A_229], %bitcast3A_225 {strides = array<i32>} : memref<64x128xf32, #tpu.memory_space<vmem>>, vector<16xf32>,
        %get3A_231 = arith.index_cast %scan3A_220 : i32 to index
        %get3A_232 = arith.constant 16 : index
        %get3A_233 = tpu.vector_load %arg10[%get3A_231, %get3A_232] {strides = array<i32>} : memref<64x64xi32, #tpu.memory_space<vmem>>, vector<16xi32>,
        %shift_left3A_234 = arith.constant 16 : i32
        %shift_left3A_235 = vector.broadcast %shift_left3A_234 : i32 to vector<16xi32>
        %shift_left3A_236 = arith.shli %get3A_233, %shift_left3A_235 : vector<16xi32>
        %bitcast3A_237 = vector.bitcast %shift_left3A_236 : vector<16xi32> to vector<16xf32>
        %and3A_238 = arith.andi %get3A_233, %broadcast_in_dim3A_5 : vector<16xi32>
        %bitcast3A_239 = vector.bitcast %and3A_238 : vector<16xi32> to vector<16xf32>
        %swap3A_240 = arith.index_cast %scan3A_220 : i32 to index
        %swap3A_241 = arith.constant 16 : index
        %swap3A_242 = tpu.vector_load %arg14[%swap3A_240, %swap3A_241] {strides = array<i32>} : memref<64x128xf32, #tpu.memory_space<vmem>>, vector<16xf32>,
        tpu.vector_store %arg14[%swap3A_240, %swap3A_241], %bitcast3A_237 {strides = array<i32>} : memref<64x128xf32, #tpu.memory_space<vmem>>, vector<16xf32>,
        %swap3A_243 = arith.index_cast %scan3A_220 : i32 to index
        %swap3A_244 = arith.constant 80 : index
        %swap3A_245 = tpu.vector_load %arg14[%swap3A_243, %swap3A_244] {strides = array<i32>} : memref<64x128xf32, #tpu.memory_space<vmem>>, vector<16xf32>,
        tpu.vector_store %arg14[%swap3A_243, %swap3A_244], %bitcast3A_239 {strides = array<i32>} : memref<64x128xf32, #tpu.memory_space<vmem>>, vector<16xf32>,
        %get3A_246 = arith.index_cast %scan3A_220 : i32 to index
        %get3A_247 = arith.constant 32 : index
        %get3A_248 = tpu.vector_load %arg10[%get3A_246, %get3A_247] {strides = array<i32>} : memref<64x64xi32, #tpu.memory_space<vmem>>, vector<16xi32>,
        %shift_left3A_249 = arith.constant 16 : i32
        %shift_left3A_250 = vector.broadcast %shift_left3A_249 : i32 to vector<16xi32>
        %shift_left3A_251 = arith.shli %get3A_248, %shift_left3A_250 : vector<16xi32>
        %bitcast3A_252 = vector.bitcast %shift_left3A_251 : vector<16xi32> to vector<16xf32>
        %and3A_253 = arith.andi %get3A_248, %broadcast_in_dim3A_5 : vector<16xi32>
        %bitcast3A_254 = vector.bitcast %and3A_253 : vector<16xi32> to vector<16xf32>
        %swap3A_255 = arith.index_cast %scan3A_220 : i32 to index
        %swap3A_256 = arith.constant 32 : index
        %swap3A_257 = tpu.vector_load %arg14[%swap3A_255, %swap3A_256] {strides = array<i32>} : memref<64x128xf32, #tpu.memory_space<vmem>>, vector<16xf32>,
        tpu.vector_store %arg14[%swap3A_255, %swap3A_256], %bitcast3A_252 {strides = array<i32>} : memref<64x128xf32, #tpu.memory_space<vmem>>, vector<16xf32>,
        %swap3A_258 = arith.index_cast %scan3A_220 : i32 to index
        %swap3A_259 = arith.constant 96 : index
        %swap3A_260 = tpu.vector_load %arg14[%swap3A_258, %swap3A_259] {strides = array<i32>} : memref<64x128xf32, #tpu.memory_space<vmem>>, vector<16xf32>,
        tpu.vector_store %arg14[%swap3A_258, %swap3A_259], %bitcast3A_254 {strides = array<i32>} : memref<64x128xf32, #tpu.memory_space<vmem>>, vector<16xf32>,
        %get3A_261 = arith.index_cast %scan3A_220 : i32 to index
        %get3A_262 = arith.constant 48 : index
        %get3A_263 = tpu.vector_load %arg10[%get3A_261, %get3A_262] {strides = array<i32>} : memref<64x64xi32, #tpu.memory_space<vmem>>, vector<16xi32>,
        %shift_left3A_264 = arith.constant 16 : i32
        %shift_left3A_265 = vector.broadcast %shift_left3A_264 : i32 to vector<16xi32>
        %shift_left3A_266 = arith.shli %get3A_263, %shift_left3A_265 : vector<16xi32>
        %bitcast3A_267 = vector.bitcast %shift_left3A_266 : vector<16xi32> to vector<16xf32>
        %and3A_268 = arith.andi %get3A_263, %broadcast_in_dim3A_5 : vector<16xi32>
        %bitcast3A_269 = vector.bitcast %and3A_268 : vector<16xi32> to vector<16xf32>
        %swap3A_270 = arith.index_cast %scan3A_220 : i32 to index
        %swap3A_271 = arith.constant 48 : index
        %swap3A_272 = tpu.vector_load %arg14[%swap3A_270, %swap3A_271] {strides = array<i32>} : memref<64x128xf32, #tpu.memory_space<vmem>>, vector<16xf32>,
        tpu.vector_store %arg14[%swap3A_270, %swap3A_271], %bitcast3A_267 {strides = array<i32>} : memref<64x128xf32, #tpu.memory_space<vmem>>, vector<16xf32>,
        %swap3A_273 = arith.index_cast %scan3A_220 : i32 to index
        %swap3A_274 = arith.constant 112 : index
        %swap3A_275 = tpu.vector_load %arg14[%swap3A_273, %swap3A_274] {strides = array<i32>} : memref<64x128xf32, #tpu.memory_space<vmem>>, vector<16xf32>,
        tpu.vector_store %arg14[%swap3A_273, %swap3A_274], %bitcast3A_269 {strides = array<i32>} : memref<64x128xf32, #tpu.memory_space<vmem>>, vector<16xf32>,
      }
      %scan3A_142 = arith.constant 64 : i32
      %dma_start3A_143 = arith.constant 0 : i32
      %dma_start3A_144 = tpu.memref_slice %arg8[%add3A_124, %dma_start3A_143] : memref<80x64xi32, #tpu.memory_space<vmem>> -> memref<1x64xi32, #tpu.memory_space<vmem>>
      %dma_start3A_145 = tpu.memref_squeeze %dma_start3A_144 : memref<1x64xi32, #tpu.memory_space<vmem>> -> memref<64xi32, #tpu.memory_space<vmem>>
      %dma_start3A_146 = arith.constant 0 : i32
      %dma_start3A_147 = arith.constant 0 : i32
      %dma_start3A_148 = tpu.memref_slice %arg15[%dma_start3A_146, %dma_start3A_147] : memref<10240x128xf32, #tpu.memory_space<vmem_shared>> -> memref<10240x128xf32, #tpu.memory_space<vmem_shared>>
      tpu.enqueue_indirect_dma source(%arg14 : memref<64x128xf32, #tpu.memory_space<vmem>>) target(%dma_start3A_148 : memref<10240x128xf32, #tpu.memory_space<vmem_shared>>) offsets(%dma_start3A_145 : memref<64xi32, #tpu.memory_space<vmem>>) semaphore(%arg21 : memref<!tpu.dma_semaphore, #tpu.memory_space<semaphore_mem>>) {add = true}
      %lt3A_149 = arith.constant 19 : i32
      %lt3A_150 = arith.cmpi slt, %scan3A_90, %lt3A_149 : i32
      %convert_element_type3A_151 = arith.extui %lt3A_150 : i1 to i32
      %cond3A_152 = arith.constant 0 : i32
      %cond3A_153 = arith.cmpi ne, %convert_element_type3A_151, %cond3A_152 : i32
      scf.if %cond3A_153 {
        %add3A_220 = arith.constant 4 : i32
        %add3A_221 = arith.addi %add3A_124, %add3A_220 : i32
        %dma_start3A_222 = arith.constant 0 : i32
        %dma_start3A_223 = tpu.memref_slice %arg7[%add3A_221, %dma_start3A_222] : memref<80x64xi32, #tpu.memory_space<vmem>> -> memref<1x64xi32, #tpu.memory_space<vmem>>
        %dma_start3A_224 = tpu.memref_squeeze %dma_start3A_223 : memref<1x64xi32, #tpu.memory_space<vmem>> -> memref<64xi32, #tpu.memory_space<vmem>>
        %dma_start3A_225 = arith.constant 0 : i32
        %dma_start3A_226 = arith.constant 0 : i32
        %dma_start3A_227 = tpu.memref_slice %arg2[%dma_start3A_225, %dma_start3A_226] : memref<10240x64xi32, #tpu.memory_space<hbm>> -> memref<10240x64xi32, #tpu.memory_space<hbm>>
        tpu.enqueue_indirect_dma source(%dma_start3A_227 : memref<10240x64xi32, #tpu.memory_space<hbm>>) target(%arg10 : memref<64x64xi32, #tpu.memory_space<vmem>>) offsets(%dma_start3A_224 : memref<64xi32, #tpu.memory_space<vmem>>) semaphore(%arg17 : memref<!tpu.dma_semaphore, #tpu.memory_space<semaphore_mem>>)
      } else {
      }
      %mul3A_154 = arith.constant 4 : i32
      %mul3A_155 = arith.muli %scan3A_90, %mul3A_154 : i32
      %add3A_156 = arith.constant 2 : i32
      %add3A_157 = arith.addi %mul3A_155, %add3A_156 : i32
      %dma_wait3A_158 = arith.constant 0 : i32
      %dma_wait3A_159 = tpu.memref_slice %arg7[%add3A_157, %dma_wait3A_158] : memref<80x64xi32, #tpu.memory_space<vmem>> -> memref<1x64xi32, #tpu.memory_space<vmem>>
      %dma_wait3A_160 = tpu.memref_squeeze %dma_wait3A_159 : memref<1x64xi32, #tpu.memory_space<vmem>> -> memref<64xi32, #tpu.memory_space<vmem>>
      %dma_wait3A_161 = arith.constant 0 : i32
      %dma_wait3A_162 = arith.constant 0 : i32
      %dma_wait3A_163 = tpu.memref_slice %arg2[%dma_wait3A_161, %dma_wait3A_162] : memref<10240x64xi32, #tpu.memory_space<hbm>> -> memref<10240x64xi32, #tpu.memory_space<hbm>>
      tpu.wait_indirect_dma semaphore(%arg18 : memref<!tpu.dma_semaphore, #tpu.memory_space<semaphore_mem>>) src(%dma_wait3A_163 : memref<10240x64xi32, #tpu.memory_space<hbm>>) dst(%arg11 : memref<64x64xi32, #tpu.memory_space<vmem>>)
      %dma_wait3A_164 = arith.constant 0 : i32
      %dma_wait3A_165 = tpu.memref_slice %arg8[%add3A_157, %dma_wait3A_164] : memref<80x64xi32, #tpu.memory_space<vmem>> -> memref<1x64xi32, #tpu.memory_space<vmem>>
      %dma_wait3A_166 = tpu.memref_squeeze %dma_wait3A_165 : memref<1x64xi32, #tpu.memory_space<vmem>> -> memref<64xi32, #tpu.memory_space<vmem>>
      %dma_wait3A_167 = arith.constant 0 : i32
      %dma_wait3A_168 = arith.constant 0 : i32
      %dma_wait3A_169 = tpu.memref_slice %arg15[%dma_wait3A_167, %dma_wait3A_168] : memref<10240x128xf32, #tpu.memory_space<vmem_shared>> -> memref<10240x128xf32, #tpu.memory_space<vmem_shared>>
      tpu.wait_indirect_dma semaphore(%arg20 : memref<!tpu.dma_semaphore, #tpu.memory_space<semaphore_mem>>) src(%arg13 : memref<64x128xf32, #tpu.memory_space<vmem>>) dst(%dma_wait3A_169 : memref<10240x128xf32, #tpu.memory_space<vmem_shared>>)
      %scan3A_170 = arith.constant 0 : i32
      %scan3A_171 = arith.constant 0 : i32
      %scan3A_172 = arith.constant 64 : i32
      %scan3A_173 = arith.addi %scan3A_171, %scan3A_172 : i32
      %scan3A_174 = arith.constant 1 : i32
      scf.for %scan3A_220 = %scan3A_171 to %scan3A_173 step %scan3A_174  : i32 {
        %get3A = arith.index_cast %scan3A_220 : i32 to index
        %get3A_221 = arith.constant 0 : index
        %get3A_222 = tpu.vector_load %arg11[%get3A, %get3A_221] {strides = array<i32>} : memref<64x64xi32, #tpu.memory_space<vmem>>, vector<16xi32>,
        %shift_left3A = arith.constant 16 : i32
        %shift_left3A_223 = vector.broadcast %shift_left3A : i32 to vector<16xi32>
        %shift_left3A_224 = arith.shli %get3A_222, %shift_left3A_223 : vector<16xi32>
        %bitcast3A = vector.bitcast %shift_left3A_224 : vector<16xi32> to vector<16xf32>
        %and3A = arith.andi %get3A_222, %broadcast_in_dim3A_5 : vector<16xi32>
        %bitcast3A_225 = vector.bitcast %and3A : vector<16xi32> to vector<16xf32>
        %swap3A = arith.index_cast %scan3A_220 : i32 to index
        %swap3A_226 = arith.constant 0 : index
        %swap3A_227 = tpu.vector_load %arg13[%swap3A, %swap3A_226] {strides = array<i32>} : memref<64x128xf32, #tpu.memory_space<vmem>>, vector<16xf32>,
        tpu.vector_store %arg13[%swap3A, %swap3A_226], %bitcast3A {strides = array<i32>} : memref<64x128xf32, #tpu.memory_space<vmem>>, vector<16xf32>,
        %swap3A_228 = arith.index_cast %scan3A_220 : i32 to index
        %swap3A_229 = arith.constant 64 : index
        %swap3A_230 = tpu.vector_load %arg13[%swap3A_228, %swap3A_229] {strides = array<i32>} : memref<64x128xf32, #tpu.memory_space<vmem>>, vector<16xf32>,
        tpu.vector_store %arg13[%swap3A_228, %swap3A_229], %bitcast3A_225 {strides = array<i32>} : memref<64x128xf32, #tpu.memory_space<vmem>>, vector<16xf32>,
        %get3A_231 = arith.index_cast %scan3A_220 : i32 to index
        %get3A_232 = arith.constant 16 : index
        %get3A_233 = tpu.vector_load %arg11[%get3A_231, %get3A_232] {strides = array<i32>} : memref<64x64xi32, #tpu.memory_space<vmem>>, vector<16xi32>,
        %shift_left3A_234 = arith.constant 16 : i32
        %shift_left3A_235 = vector.broadcast %shift_left3A_234 : i32 to vector<16xi32>
        %shift_left3A_236 = arith.shli %get3A_233, %shift_left3A_235 : vector<16xi32>
        %bitcast3A_237 = vector.bitcast %shift_left3A_236 : vector<16xi32> to vector<16xf32>
        %and3A_238 = arith.andi %get3A_233, %broadcast_in_dim3A_5 : vector<16xi32>
        %bitcast3A_239 = vector.bitcast %and3A_238 : vector<16xi32> to vector<16xf32>
        %swap3A_240 = arith.index_cast %scan3A_220 : i32 to index
        %swap3A_241 = arith.constant 16 : index
        %swap3A_242 = tpu.vector_load %arg13[%swap3A_240, %swap3A_241] {strides = array<i32>} : memref<64x128xf32, #tpu.memory_space<vmem>>, vector<16xf32>,
        tpu.vector_store %arg13[%swap3A_240, %swap3A_241], %bitcast3A_237 {strides = array<i32>} : memref<64x128xf32, #tpu.memory_space<vmem>>, vector<16xf32>,
        %swap3A_243 = arith.index_cast %scan3A_220 : i32 to index
        %swap3A_244 = arith.constant 80 : index
        %swap3A_245 = tpu.vector_load %arg13[%swap3A_243, %swap3A_244] {strides = array<i32>} : memref<64x128xf32, #tpu.memory_space<vmem>>, vector<16xf32>,
        tpu.vector_store %arg13[%swap3A_243, %swap3A_244], %bitcast3A_239 {strides = array<i32>} : memref<64x128xf32, #tpu.memory_space<vmem>>, vector<16xf32>,
        %get3A_246 = arith.index_cast %scan3A_220 : i32 to index
        %get3A_247 = arith.constant 32 : index
        %get3A_248 = tpu.vector_load %arg11[%get3A_246, %get3A_247] {strides = array<i32>} : memref<64x64xi32, #tpu.memory_space<vmem>>, vector<16xi32>,
        %shift_left3A_249 = arith.constant 16 : i32
        %shift_left3A_250 = vector.broadcast %shift_left3A_249 : i32 to vector<16xi32>
        %shift_left3A_251 = arith.shli %get3A_248, %shift_left3A_250 : vector<16xi32>
        %bitcast3A_252 = vector.bitcast %shift_left3A_251 : vector<16xi32> to vector<16xf32>
        %and3A_253 = arith.andi %get3A_248, %broadcast_in_dim3A_5 : vector<16xi32>
        %bitcast3A_254 = vector.bitcast %and3A_253 : vector<16xi32> to vector<16xf32>
        %swap3A_255 = arith.index_cast %scan3A_220 : i32 to index
        %swap3A_256 = arith.constant 32 : index
        %swap3A_257 = tpu.vector_load %arg13[%swap3A_255, %swap3A_256] {strides = array<i32>} : memref<64x128xf32, #tpu.memory_space<vmem>>, vector<16xf32>,
        tpu.vector_store %arg13[%swap3A_255, %swap3A_256], %bitcast3A_252 {strides = array<i32>} : memref<64x128xf32, #tpu.memory_space<vmem>>, vector<16xf32>,
        %swap3A_258 = arith.index_cast %scan3A_220 : i32 to index
        %swap3A_259 = arith.constant 96 : index
        %swap3A_260 = tpu.vector_load %arg13[%swap3A_258, %swap3A_259] {strides = array<i32>} : memref<64x128xf32, #tpu.memory_space<vmem>>, vector<16xf32>,
        tpu.vector_store %arg13[%swap3A_258, %swap3A_259], %bitcast3A_254 {strides = array<i32>} : memref<64x128xf32, #tpu.memory_space<vmem>>, vector<16xf32>,
        %get3A_261 = arith.index_cast %scan3A_220 : i32 to index
        %get3A_262 = arith.constant 48 : index
        %get3A_263 = tpu.vector_load %arg11[%get3A_261, %get3A_262] {strides = array<i32>} : memref<64x64xi32, #tpu.memory_space<vmem>>, vector<16xi32>,
        %shift_left3A_264 = arith.constant 16 : i32
        %shift_left3A_265 = vector.broadcast %shift_left3A_264 : i32 to vector<16xi32>
        %shift_left3A_266 = arith.shli %get3A_263, %shift_left3A_265 : vector<16xi32>
        %bitcast3A_267 = vector.bitcast %shift_left3A_266 : vector<16xi32> to vector<16xf32>
        %and3A_268 = arith.andi %get3A_263, %broadcast_in_dim3A_5 : vector<16xi32>
        %bitcast3A_269 = vector.bitcast %and3A_268 : vector<16xi32> to vector<16xf32>
        %swap3A_270 = arith.index_cast %scan3A_220 : i32 to index
        %swap3A_271 = arith.constant 48 : index
        %swap3A_272 = tpu.vector_load %arg13[%swap3A_270, %swap3A_271] {strides = array<i32>} : memref<64x128xf32, #tpu.memory_space<vmem>>, vector<16xf32>,
        tpu.vector_store %arg13[%swap3A_270, %swap3A_271], %bitcast3A_267 {strides = array<i32>} : memref<64x128xf32, #tpu.memory_space<vmem>>, vector<16xf32>,
        %swap3A_273 = arith.index_cast %scan3A_220 : i32 to index
        %swap3A_274 = arith.constant 112 : index
        %swap3A_275 = tpu.vector_load %arg13[%swap3A_273, %swap3A_274] {strides = array<i32>} : memref<64x128xf32, #tpu.memory_space<vmem>>, vector<16xf32>,
        tpu.vector_store %arg13[%swap3A_273, %swap3A_274], %bitcast3A_269 {strides = array<i32>} : memref<64x128xf32, #tpu.memory_space<vmem>>, vector<16xf32>,
      }
      %scan3A_175 = arith.constant 64 : i32
      %dma_start3A_176 = arith.constant 0 : i32
      %dma_start3A_177 = tpu.memref_slice %arg8[%add3A_157, %dma_start3A_176] : memref<80x64xi32, #tpu.memory_space<vmem>> -> memref<1x64xi32, #tpu.memory_space<vmem>>
      %dma_start3A_178 = tpu.memref_squeeze %dma_start3A_177 : memref<1x64xi32, #tpu.memory_space<vmem>> -> memref<64xi32, #tpu.memory_space<vmem>>
      %dma_start3A_179 = arith.constant 0 : i32
      %dma_start3A_180 = arith.constant 0 : i32
      %dma_start3A_181 = tpu.memref_slice %arg15[%dma_start3A_179, %dma_start3A_180] : memref<10240x128xf32, #tpu.memory_space<vmem_shared>> -> memref<10240x128xf32, #tpu.memory_space<vmem_shared>>
      tpu.enqueue_indirect_dma source(%arg13 : memref<64x128xf32, #tpu.memory_space<vmem>>) target(%dma_start3A_181 : memref<10240x128xf32, #tpu.memory_space<vmem_shared>>) offsets(%dma_start3A_178 : memref<64xi32, #tpu.memory_space<vmem>>) semaphore(%arg20 : memref<!tpu.dma_semaphore, #tpu.memory_space<semaphore_mem>>) {add = true}
      %lt3A_182 = arith.constant 19 : i32
      %lt3A_183 = arith.cmpi slt, %scan3A_90, %lt3A_182 : i32
      %convert_element_type3A_184 = arith.extui %lt3A_183 : i1 to i32
      %cond3A_185 = arith.constant 0 : i32
      %cond3A_186 = arith.cmpi ne, %convert_element_type3A_184, %cond3A_185 : i32
      scf.if %cond3A_186 {
        %add3A_220 = arith.constant 4 : i32
        %add3A_221 = arith.addi %add3A_157, %add3A_220 : i32
        %dma_start3A_222 = arith.constant 0 : i32
        %dma_start3A_223 = tpu.memref_slice %arg7[%add3A_221, %dma_start3A_222] : memref<80x64xi32, #tpu.memory_space<vmem>> -> memref<1x64xi32, #tpu.memory_space<vmem>>
        %dma_start3A_224 = tpu.memref_squeeze %dma_start3A_223 : memref<1x64xi32, #tpu.memory_space<vmem>> -> memref<64xi32, #tpu.memory_space<vmem>>
        %dma_start3A_225 = arith.constant 0 : i32
        %dma_start3A_226 = arith.constant 0 : i32
        %dma_start3A_227 = tpu.memref_slice %arg2[%dma_start3A_225, %dma_start3A_226] : memref<10240x64xi32, #tpu.memory_space<hbm>> -> memref<10240x64xi32, #tpu.memory_space<hbm>>
        tpu.enqueue_indirect_dma source(%dma_start3A_227 : memref<10240x64xi32, #tpu.memory_space<hbm>>) target(%arg11 : memref<64x64xi32, #tpu.memory_space<vmem>>) offsets(%dma_start3A_224 : memref<64xi32, #tpu.memory_space<vmem>>) semaphore(%arg18 : memref<!tpu.dma_semaphore, #tpu.memory_space<semaphore_mem>>)
      } else {
      }
      %mul3A_187 = arith.constant 4 : i32
      %mul3A_188 = arith.muli %scan3A_90, %mul3A_187 : i32
      %add3A_189 = arith.constant 3 : i32
      %add3A_190 = arith.addi %mul3A_188, %add3A_189 : i32
      %dma_wait3A_191 = arith.constant 0 : i32
      %dma_wait3A_192 = tpu.memref_slice %arg7[%add3A_190, %dma_wait3A_191] : memref<80x64xi32, #tpu.memory_space<vmem>> -> memref<1x64xi32, #tpu.memory_space<vmem>>
      %dma_wait3A_193 = tpu.memref_squeeze %dma_wait3A_192 : memref<1x64xi32, #tpu.memory_space<vmem>> -> memref<64xi32, #tpu.memory_space<vmem>>
      %dma_wait3A_194 = arith.constant 0 : i32
      %dma_wait3A_195 = arith.constant 0 : i32
      %dma_wait3A_196 = tpu.memref_slice %arg2[%dma_wait3A_194, %dma_wait3A_195] : memref<10240x64xi32, #tpu.memory_space<hbm>> -> memref<10240x64xi32, #tpu.memory_space<hbm>>
      tpu.wait_indirect_dma semaphore(%arg19 : memref<!tpu.dma_semaphore, #tpu.memory_space<semaphore_mem>>) src(%dma_wait3A_196 : memref<10240x64xi32, #tpu.memory_space<hbm>>) dst(%arg12 : memref<64x64xi32, #tpu.memory_space<vmem>>)
      %dma_wait3A_197 = arith.constant 0 : i32
      %dma_wait3A_198 = tpu.memref_slice %arg8[%add3A_190, %dma_wait3A_197] : memref<80x64xi32, #tpu.memory_space<vmem>> -> memref<1x64xi32, #tpu.memory_space<vmem>>
      %dma_wait3A_199 = tpu.memref_squeeze %dma_wait3A_198 : memref<1x64xi32, #tpu.memory_space<vmem>> -> memref<64xi32, #tpu.memory_space<vmem>>
      %dma_wait3A_200 = arith.constant 0 : i32
      %dma_wait3A_201 = arith.constant 0 : i32
      %dma_wait3A_202 = tpu.memref_slice %arg15[%dma_wait3A_200, %dma_wait3A_201] : memref<10240x128xf32, #tpu.memory_space<vmem_shared>> -> memref<10240x128xf32, #tpu.memory_space<vmem_shared>>
      tpu.wait_indirect_dma semaphore(%arg21 : memref<!tpu.dma_semaphore, #tpu.memory_space<semaphore_mem>>) src(%arg14 : memref<64x128xf32, #tpu.memory_space<vmem>>) dst(%dma_wait3A_202 : memref<10240x128xf32, #tpu.memory_space<vmem_shared>>)
      %scan3A_203 = arith.constant 0 : i32
      %scan3A_204 = arith.constant 0 : i32
      %scan3A_205 = arith.constant 64 : i32
      %scan3A_206 = arith.addi %scan3A_204, %scan3A_205 : i32
      %scan3A_207 = arith.constant 1 : i32
      scf.for %scan3A_220 = %scan3A_204 to %scan3A_206 step %scan3A_207  : i32 {
        %get3A = arith.index_cast %scan3A_220 : i32 to index
        %get3A_221 = arith.constant 0 : index
        %get3A_222 = tpu.vector_load %arg12[%get3A, %get3A_221] {strides = array<i32>} : memref<64x64xi32, #tpu.memory_space<vmem>>, vector<16xi32>,
        %shift_left3A = arith.constant 16 : i32
        %shift_left3A_223 = vector.broadcast %shift_left3A : i32 to vector<16xi32>
        %shift_left3A_224 = arith.shli %get3A_222, %shift_left3A_223 : vector<16xi32>
        %bitcast3A = vector.bitcast %shift_left3A_224 : vector<16xi32> to vector<16xf32>
        %and3A = arith.andi %get3A_222, %broadcast_in_dim3A_5 : vector<16xi32>
        %bitcast3A_225 = vector.bitcast %and3A : vector<16xi32> to vector<16xf32>
        %swap3A = arith.index_cast %scan3A_220 : i32 to index
        %swap3A_226 = arith.constant 0 : index
        %swap3A_227 = tpu.vector_load %arg14[%swap3A, %swap3A_226] {strides = array<i32>} : memref<64x128xf32, #tpu.memory_space<vmem>>, vector<16xf32>,
        tpu.vector_store %arg14[%swap3A, %swap3A_226], %bitcast3A {strides = array<i32>} : memref<64x128xf32, #tpu.memory_space<vmem>>, vector<16xf32>,
        %swap3A_228 = arith.index_cast %scan3A_220 : i32 to index
        %swap3A_229 = arith.constant 64 : index
        %swap3A_230 = tpu.vector_load %arg14[%swap3A_228, %swap3A_229] {strides = array<i32>} : memref<64x128xf32, #tpu.memory_space<vmem>>, vector<16xf32>,
        tpu.vector_store %arg14[%swap3A_228, %swap3A_229], %bitcast3A_225 {strides = array<i32>} : memref<64x128xf32, #tpu.memory_space<vmem>>, vector<16xf32>,
        %get3A_231 = arith.index_cast %scan3A_220 : i32 to index
        %get3A_232 = arith.constant 16 : index
        %get3A_233 = tpu.vector_load %arg12[%get3A_231, %get3A_232] {strides = array<i32>} : memref<64x64xi32, #tpu.memory_space<vmem>>, vector<16xi32>,
        %shift_left3A_234 = arith.constant 16 : i32
        %shift_left3A_235 = vector.broadcast %shift_left3A_234 : i32 to vector<16xi32>
        %shift_left3A_236 = arith.shli %get3A_233, %shift_left3A_235 : vector<16xi32>
        %bitcast3A_237 = vector.bitcast %shift_left3A_236 : vector<16xi32> to vector<16xf32>
        %and3A_238 = arith.andi %get3A_233, %broadcast_in_dim3A_5 : vector<16xi32>
        %bitcast3A_239 = vector.bitcast %and3A_238 : vector<16xi32> to vector<16xf32>
        %swap3A_240 = arith.index_cast %scan3A_220 : i32 to index
        %swap3A_241 = arith.constant 16 : index
        %swap3A_242 = tpu.vector_load %arg14[%swap3A_240, %swap3A_241] {strides = array<i32>} : memref<64x128xf32, #tpu.memory_space<vmem>>, vector<16xf32>,
        tpu.vector_store %arg14[%swap3A_240, %swap3A_241], %bitcast3A_237 {strides = array<i32>} : memref<64x128xf32, #tpu.memory_space<vmem>>, vector<16xf32>,
        %swap3A_243 = arith.index_cast %scan3A_220 : i32 to index
        %swap3A_244 = arith.constant 80 : index
        %swap3A_245 = tpu.vector_load %arg14[%swap3A_243, %swap3A_244] {strides = array<i32>} : memref<64x128xf32, #tpu.memory_space<vmem>>, vector<16xf32>,
        tpu.vector_store %arg14[%swap3A_243, %swap3A_244], %bitcast3A_239 {strides = array<i32>} : memref<64x128xf32, #tpu.memory_space<vmem>>, vector<16xf32>,
        %get3A_246 = arith.index_cast %scan3A_220 : i32 to index
        %get3A_247 = arith.constant 32 : index
        %get3A_248 = tpu.vector_load %arg12[%get3A_246, %get3A_247] {strides = array<i32>} : memref<64x64xi32, #tpu.memory_space<vmem>>, vector<16xi32>,
        %shift_left3A_249 = arith.constant 16 : i32
        %shift_left3A_250 = vector.broadcast %shift_left3A_249 : i32 to vector<16xi32>
        %shift_left3A_251 = arith.shli %get3A_248, %shift_left3A_250 : vector<16xi32>
        %bitcast3A_252 = vector.bitcast %shift_left3A_251 : vector<16xi32> to vector<16xf32>
        %and3A_253 = arith.andi %get3A_248, %broadcast_in_dim3A_5 : vector<16xi32>
        %bitcast3A_254 = vector.bitcast %and3A_253 : vector<16xi32> to vector<16xf32>
        %swap3A_255 = arith.index_cast %scan3A_220 : i32 to index
        %swap3A_256 = arith.constant 32 : index
        %swap3A_257 = tpu.vector_load %arg14[%swap3A_255, %swap3A_256] {strides = array<i32>} : memref<64x128xf32, #tpu.memory_space<vmem>>, vector<16xf32>,
        tpu.vector_store %arg14[%swap3A_255, %swap3A_256], %bitcast3A_252 {strides = array<i32>} : memref<64x128xf32, #tpu.memory_space<vmem>>, vector<16xf32>,
        %swap3A_258 = arith.index_cast %scan3A_220 : i32 to index
        %swap3A_259 = arith.constant 96 : index
        %swap3A_260 = tpu.vector_load %arg14[%swap3A_258, %swap3A_259] {strides = array<i32>} : memref<64x128xf32, #tpu.memory_space<vmem>>, vector<16xf32>,
        tpu.vector_store %arg14[%swap3A_258, %swap3A_259], %bitcast3A_254 {strides = array<i32>} : memref<64x128xf32, #tpu.memory_space<vmem>>, vector<16xf32>,
        %get3A_261 = arith.index_cast %scan3A_220 : i32 to index
        %get3A_262 = arith.constant 48 : index
        %get3A_263 = tpu.vector_load %arg12[%get3A_261, %get3A_262] {strides = array<i32>} : memref<64x64xi32, #tpu.memory_space<vmem>>, vector<16xi32>,
        %shift_left3A_264 = arith.constant 16 : i32
        %shift_left3A_265 = vector.broadcast %shift_left3A_264 : i32 to vector<16xi32>
        %shift_left3A_266 = arith.shli %get3A_263, %shift_left3A_265 : vector<16xi32>
        %bitcast3A_267 = vector.bitcast %shift_left3A_266 : vector<16xi32> to vector<16xf32>
        %and3A_268 = arith.andi %get3A_263, %broadcast_in_dim3A_5 : vector<16xi32>
        %bitcast3A_269 = vector.bitcast %and3A_268 : vector<16xi32> to vector<16xf32>
        %swap3A_270 = arith.index_cast %scan3A_220 : i32 to index
        %swap3A_271 = arith.constant 48 : index
        %swap3A_272 = tpu.vector_load %arg14[%swap3A_270, %swap3A_271] {strides = array<i32>} : memref<64x128xf32, #tpu.memory_space<vmem>>, vector<16xf32>,
        tpu.vector_store %arg14[%swap3A_270, %swap3A_271], %bitcast3A_267 {strides = array<i32>} : memref<64x128xf32, #tpu.memory_space<vmem>>, vector<16xf32>,
        %swap3A_273 = arith.index_cast %scan3A_220 : i32 to index
        %swap3A_274 = arith.constant 112 : index
        %swap3A_275 = tpu.vector_load %arg14[%swap3A_273, %swap3A_274] {strides = array<i32>} : memref<64x128xf32, #tpu.memory_space<vmem>>, vector<16xf32>,
        tpu.vector_store %arg14[%swap3A_273, %swap3A_274], %bitcast3A_269 {strides = array<i32>} : memref<64x128xf32, #tpu.memory_space<vmem>>, vector<16xf32>,
      }
      %scan3A_208 = arith.constant 64 : i32
      %dma_start3A_209 = arith.constant 0 : i32
      %dma_start3A_210 = tpu.memref_slice %arg8[%add3A_190, %dma_start3A_209] : memref<80x64xi32, #tpu.memory_space<vmem>> -> memref<1x64xi32, #tpu.memory_space<vmem>>
      %dma_start3A_211 = tpu.memref_squeeze %dma_start3A_210 : memref<1x64xi32, #tpu.memory_space<vmem>> -> memref<64xi32, #tpu.memory_space<vmem>>
      %dma_start3A_212 = arith.constant 0 : i32
      %dma_start3A_213 = arith.constant 0 : i32
      %dma_start3A_214 = tpu.memref_slice %arg15[%dma_start3A_212, %dma_start3A_213] : memref<10240x128xf32, #tpu.memory_space<vmem_shared>> -> memref<10240x128xf32, #tpu.memory_space<vmem_shared>>
      tpu.enqueue_indirect_dma source(%arg14 : memref<64x128xf32, #tpu.memory_space<vmem>>) target(%dma_start3A_214 : memref<10240x128xf32, #tpu.memory_space<vmem_shared>>) offsets(%dma_start3A_211 : memref<64xi32, #tpu.memory_space<vmem>>) semaphore(%arg21 : memref<!tpu.dma_semaphore, #tpu.memory_space<semaphore_mem>>) {add = true}
      %lt3A_215 = arith.constant 19 : i32
      %lt3A_216 = arith.cmpi slt, %scan3A_90, %lt3A_215 : i32
      %convert_element_type3A_217 = arith.extui %lt3A_216 : i1 to i32
      %cond3A_218 = arith.constant 0 : i32
      %cond3A_219 = arith.cmpi ne, %convert_element_type3A_217, %cond3A_218 : i32
      scf.if %cond3A_219 {
        %add3A_220 = arith.constant 4 : i32
        %add3A_221 = arith.addi %add3A_190, %add3A_220 : i32
        %dma_start3A_222 = arith.constant 0 : i32
        %dma_start3A_223 = tpu.memref_slice %arg7[%add3A_221, %dma_start3A_222] : memref<80x64xi32, #tpu.memory_space<vmem>> -> memref<1x64xi32, #tpu.memory_space<vmem>>
        %dma_start3A_224 = tpu.memref_squeeze %dma_start3A_223 : memref<1x64xi32, #tpu.memory_space<vmem>> -> memref<64xi32, #tpu.memory_space<vmem>>
        %dma_start3A_225 = arith.constant 0 : i32
        %dma_start3A_226 = arith.constant 0 : i32
        %dma_start3A_227 = tpu.memref_slice %arg2[%dma_start3A_225, %dma_start3A_226] : memref<10240x64xi32, #tpu.memory_space<hbm>> -> memref<10240x64xi32, #tpu.memory_space<hbm>>
        tpu.enqueue_indirect_dma source(%dma_start3A_227 : memref<10240x64xi32, #tpu.memory_space<hbm>>) target(%arg12 : memref<64x64xi32, #tpu.memory_space<vmem>>) offsets(%dma_start3A_224 : memref<64xi32, #tpu.memory_space<vmem>>) semaphore(%arg19 : memref<!tpu.dma_semaphore, #tpu.memory_space<semaphore_mem>>)
      } else {
      }
    }
    %scan3A_71 = arith.constant 20 : i32
    %dma_wait3A = arith.constant 0 : i32
    %dma_wait3A_72 = arith.constant 0 : i32
    %dma_wait3A_73 = tpu.memref_slice %arg8[%dma_wait3A, %dma_wait3A_72] : memref<80x64xi32, #tpu.memory_space<vmem>> -> memref<1x64xi32, #tpu.memory_space<vmem>>
    %dma_wait3A_74 = tpu.memref_squeeze %dma_wait3A_73 : memref<1x64xi32, #tpu.memory_space<vmem>> -> memref<64xi32, #tpu.memory_space<vmem>>
    %dma_wait3A_75 = arith.constant 0 : i32
    %dma_wait3A_76 = arith.constant 0 : i32
    %dma_wait3A_77 = tpu.memref_slice %arg15[%dma_wait3A_75, %dma_wait3A_76] : memref<10240x128xf32, #tpu.memory_space<vmem_shared>> -> memref<10240x128xf32, #tpu.memory_space<vmem_shared>>
    tpu.wait_indirect_dma semaphore(%arg20 : memref<!tpu.dma_semaphore, #tpu.memory_space<semaphore_mem>>) src(%arg13 : memref<64x128xf32, #tpu.memory_space<vmem>>) dst(%dma_wait3A_77 : memref<10240x128xf32, #tpu.memory_space<vmem_shared>>)
    %dma_wait3A_78 = arith.constant 0 : i32
    %dma_wait3A_79 = arith.constant 0 : i32
    %dma_wait3A_80 = tpu.memref_slice %arg8[%dma_wait3A_78, %dma_wait3A_79] : memref<80x64xi32, #tpu.memory_space<vmem>> -> memref<1x64xi32, #tpu.memory_space<vmem>>
    %dma_wait3A_81 = tpu.memref_squeeze %dma_wait3A_80 : memref<1x64xi32, #tpu.memory_space<vmem>> -> memref<64xi32, #tpu.memory_space<vmem>>
    %dma_wait3A_82 = arith.constant 0 : i32
    %dma_wait3A_83 = arith.constant 0 : i32
    %dma_wait3A_84 = tpu.memref_slice %arg15[%dma_wait3A_82, %dma_wait3A_83] : memref<10240x128xf32, #tpu.memory_space<vmem_shared>> -> memref<10240x128xf32, #tpu.memory_space<vmem_shared>>
    tpu.wait_indirect_dma semaphore(%arg21 : memref<!tpu.dma_semaphore, #tpu.memory_space<semaphore_mem>>) src(%arg14 : memref<64x128xf32, #tpu.memory_space<vmem>>) dst(%dma_wait3A_84 : memref<10240x128xf32, #tpu.memory_space<vmem_shared>>)
    %barrier3A_85 = arith.constant 0 : index
    tpu.barrier barrier_id(%barrier3A_85)
    %mul3A_86 = arith.constant 640 : i32
    %mul3A_87 = arith.muli %arg1, %mul3A_86 : i32
    %mul3A_88 = arith.constant 640 : i32
    %mul3A_89 = arith.muli %arg1, %mul3A_88 : i32
    "tpu.region"() ({
      %run_scoped3A = tpu.sem_alloc : memref<!tpu.dma_semaphore, #tpu.memory_space<semaphore_mem>>
      %dma_start3A_90 = arith.constant 0 : i32
      %dma_start3A_91 = tpu.memref_slice %arg6[%arg0, %mul3A_89, %dma_start3A_90] : memref<2x10240x128xf32, #tpu.memory_space<hbm>> -> memref<1x640x128xf32, #tpu.memory_space<hbm>>
      %dma_start3A_92 = tpu.memref_squeeze %dma_start3A_91 : memref<1x640x128xf32, #tpu.memory_space<hbm>> -> memref<640x128xf32, #tpu.memory_space<hbm>>
      %dma_start3A_93 = arith.constant 0 : i32
      %dma_start3A_94 = tpu.memref_slice %arg15[%mul3A_87, %dma_start3A_93] : memref<10240x128xf32, #tpu.memory_space<vmem_shared>> -> memref<640x128xf32, #tpu.memory_space<vmem_shared>>
      tpu.enqueue_dma source(%dma_start3A_94 : memref<640x128xf32, #tpu.memory_space<vmem_shared>>) target(%dma_start3A_92 : memref<640x128xf32, #tpu.memory_space<hbm>>) target_semaphore(%run_scoped3A : memref<!tpu.dma_semaphore, #tpu.memory_space<semaphore_mem>>)
      %dma_wait3A_95 = arith.constant 0 : i32
      %dma_wait3A_96 = tpu.memref_slice %arg6[%arg0, %mul3A_89, %dma_wait3A_95] : memref<2x10240x128xf32, #tpu.memory_space<hbm>> -> memref<1x640x128xf32, #tpu.memory_space<hbm>>
      %dma_wait3A_97 = tpu.memref_squeeze %dma_wait3A_96 : memref<1x640x128xf32, #tpu.memory_space<hbm>> -> memref<640x128xf32, #tpu.memory_space<hbm>>
      %dma_wait3A_98 = arith.constant 0 : i32
      %dma_wait3A_99 = tpu.memref_slice %arg15[%mul3A_87, %dma_wait3A_98] : memref<10240x128xf32, #tpu.memory_space<vmem_shared>> -> memref<640x128xf32, #tpu.memory_space<vmem_shared>>
      tpu.wait_dma2 semaphore(%run_scoped3A : memref<!tpu.dma_semaphore, #tpu.memory_space<semaphore_mem>>) src(%dma_wait3A_99 : memref<640x128xf32, #tpu.memory_space<vmem_shared>>) dst(%dma_wait3A_97 : memref<640x128xf32, #tpu.memory_space<hbm>>)
      tpu.yield
    }) : () -> ()
    return
  }
}

#map = affine_map<(d0, d1) -> (0, 0)>
#map1 = affine_map<(d0, d1) -> (0, 0, 0)>
module attributes {stable_mosaic.version = 14 : i64} {
  func.func @_layer_body(%arg0: i32, %arg1: i32, %arg2: memref<10240x64xi32, #tpu.memory_space<hbm>>, %arg3: memref<10240x128xf32, #tpu.memory_space<hbm>>, %arg4: memref<32x160x64xi32, #tpu.memory_space<hbm>>, %arg5: memref<32x160x64xi32, #tpu.memory_space<hbm>>, %arg6: memref<2x10240x128xf32, #tpu.memory_space<hbm>>, %arg7: memref<80x64xi32, #tpu.memory_space<vmem>>, %arg8: memref<80x64xi32, #tpu.memory_space<vmem>>, %arg9: memref<64x64xi32, #tpu.memory_space<vmem>>, %arg10: memref<64x64xi32, #tpu.memory_space<vmem>>, %arg11: memref<64x64xi32, #tpu.memory_space<vmem>>, %arg12: memref<64x64xi32, #tpu.memory_space<vmem>>, %arg13: memref<64x128xf32, #tpu.memory_space<vmem>>, %arg14: memref<64x128xf32, #tpu.memory_space<vmem>>, %arg15: memref<10240x128xf32, #tpu.memory_space<vmem_shared>>, %arg16: memref<!tpu.dma_semaphore, #tpu.memory_space<semaphore_mem>>, %arg17: memref<!tpu.dma_semaphore, #tpu.memory_space<semaphore_mem>>, %arg18: memref<!tpu.dma_semaphore, #tpu.memory_space<semaphore_mem>>, %arg19: memref<!tpu.dma_semaphore, #tpu.memory_space<semaphore_mem>>, %arg20: memref<!tpu.dma_semaphore, #tpu.memory_space<semaphore_mem>>, %arg21: memref<!tpu.dma_semaphore, #tpu.memory_space<semaphore_mem>>) attributes {dimension_semantics = [#tpu.dimension_semantics<core_parallel>, #tpu.dimension_semantics<subcore_parallel>], iteration_bounds = array<i64: 2, 16>, scalar_prefetch = 0 : i64, scratch_operands = 15 : i64, tpu.core_type = #tpu.core_type<sc_vector_subcore>, window_params = [{transform_indices = #map}, {transform_indices = #map}, {transform_indices = #map1}, {transform_indices = #map1}, {transform_indices = #map1}]} {
    %mul3A = arith.constant 16 : i32
    %mul3A_0 = arith.muli %arg0, %mul3A : i32
    %add3A = arith.addi %mul3A_0, %arg1 : i32
    %mul3A_1 = arith.constant 640 : i32
    %mul3A_2 = arith.muli %arg1, %mul3A_1 : i32
    %mul3A_3 = arith.constant 640 : i32
    %mul3A_4 = arith.muli %arg1, %mul3A_3 : i32
    "tpu.region"() ({
      %run_scoped3A = tpu.sem_alloc : memref<!tpu.dma_semaphore, #tpu.memory_space<semaphore_mem>>
      %dma_start3A_90 = arith.constant 0 : i32
      %dma_start3A_91 = tpu.memref_slice %arg15[%mul3A_4, %dma_start3A_90] : memref<10240x128xf32, #tpu.memory_space<vmem_shared>> -> memref<640x128xf32, #tpu.memory_space<vmem_shared>>
      %dma_start3A_92 = arith.constant 0 : i32
      %dma_start3A_93 = tpu.memref_slice %arg3[%mul3A_2, %dma_start3A_92] : memref<10240x128xf32, #tpu.memory_space<hbm>> -> memref<640x128xf32, #tpu.memory_space<hbm>>
      tpu.enqueue_dma source(%dma_start3A_93 : memref<640x128xf32, #tpu.memory_space<hbm>>) target(%dma_start3A_91 : memref<640x128xf32, #tpu.memory_space<vmem_shared>>) target_semaphore(%run_scoped3A : memref<!tpu.dma_semaphore, #tpu.memory_space<semaphore_mem>>)
      %dma_wait3A_94 = arith.constant 0 : i32
      %dma_wait3A_95 = tpu.memref_slice %arg15[%mul3A_4, %dma_wait3A_94] : memref<10240x128xf32, #tpu.memory_space<vmem_shared>> -> memref<640x128xf32, #tpu.memory_space<vmem_shared>>
      %dma_wait3A_96 = arith.constant 0 : i32
      %dma_wait3A_97 = tpu.memref_slice %arg3[%mul3A_2, %dma_wait3A_96] : memref<10240x128xf32, #tpu.memory_space<hbm>> -> memref<640x128xf32, #tpu.memory_space<hbm>>
      tpu.wait_dma2 semaphore(%run_scoped3A : memref<!tpu.dma_semaphore, #tpu.memory_space<semaphore_mem>>) src(%dma_wait3A_97 : memref<640x128xf32, #tpu.memory_space<hbm>>) dst(%dma_wait3A_95 : memref<640x128xf32, #tpu.memory_space<vmem_shared>>)
      tpu.yield
    }) : () -> ()
    %barrier3A = arith.constant 0 : index
    tpu.barrier barrier_id(%barrier3A)
    %broadcast_in_dim3A = arith.constant -65536 : i32
    %broadcast_in_dim3A_5 = vector.broadcast %broadcast_in_dim3A : i32 to vector<16xi32>
    "tpu.region"() ({
      %run_scoped3A = tpu.sem_alloc : memref<!tpu.dma_semaphore, #tpu.memory_space<semaphore_mem>>
      %dma_start3A_90 = arith.constant 0 : i32
      %dma_start3A_91 = arith.constant 0 : i32
      %dma_start3A_92 = tpu.memref_slice %arg4[%add3A, %dma_start3A_90, %dma_start3A_91] : memref<32x160x64xi32, #tpu.memory_space<hbm>> -> memref<1x80x64xi32, #tpu.memory_space<hbm>>
      %dma_start3A_93 = tpu.memref_squeeze %dma_start3A_92 : memref<1x80x64xi32, #tpu.memory_space<hbm>> -> memref<80x64xi32, #tpu.memory_space<hbm>>
      %dma_start3A_94 = arith.constant 0 : i32
      %dma_start3A_95 = arith.constant 0 : i32
      %dma_start3A_96 = tpu.memref_slice %arg4[%add3A, %dma_start3A_94, %dma_start3A_95] : memref<32x160x64xi32, #tpu.memory_space<hbm>> -> memref<1x80x64xi32, #tpu.memory_space<hbm>>
      %dma_start3A_97 = tpu.memref_squeeze %dma_start3A_96 : memref<1x80x64xi32, #tpu.memory_space<hbm>> -> memref<80x64xi32, #tpu.memory_space<hbm>>
      tpu.enqueue_dma source(%dma_start3A_97 : memref<80x64xi32, #tpu.memory_space<hbm>>) target(%arg7 : memref<80x64xi32, #tpu.memory_space<vmem>>) target_semaphore(%run_scoped3A : memref<!tpu.dma_semaphore, #tpu.memory_space<semaphore_mem>>)
      %dma_wait3A_98 = arith.constant 0 : i32
      %dma_wait3A_99 = arith.constant 0 : i32
      %dma_wait3A_100 = tpu.memref_slice %arg4[%add3A, %dma_wait3A_98, %dma_wait3A_99] : memref<32x160x64xi32, #tpu.memory_space<hbm>> -> memref<1x80x64xi32, #tpu.memory_space<hbm>>
      %dma_wait3A_101 = tpu.memref_squeeze %dma_wait3A_100 : memref<1x80x64xi32, #tpu.memory_space<hbm>> -> memref<80x64xi32, #tpu.memory_space<hbm>>
      %dma_wait3A_102 = arith.constant 0 : i32
      %dma_wait3A_103 = arith.constant 0 : i32
      %dma_wait3A_104 = tpu.memref_slice %arg4[%add3A, %dma_wait3A_102, %dma_wait3A_103] : memref<32x160x64xi32, #tpu.memory_space<hbm>> -> memref<1x80x64xi32, #tpu.memory_space<hbm>>
      %dma_wait3A_105 = tpu.memref_squeeze %dma_wait3A_104 : memref<1x80x64xi32, #tpu.memory_space<hbm>> -> memref<80x64xi32, #tpu.memory_space<hbm>>
      tpu.wait_dma2 semaphore(%run_scoped3A : memref<!tpu.dma_semaphore, #tpu.memory_space<semaphore_mem>>) src(%dma_wait3A_105 : memref<80x64xi32, #tpu.memory_space<hbm>>) dst(%arg7 : memref<80x64xi32, #tpu.memory_space<vmem>>)
      tpu.yield
    }) : () -> ()
    "tpu.region"() ({
      %run_scoped3A = tpu.sem_alloc : memref<!tpu.dma_semaphore, #tpu.memory_space<semaphore_mem>>
      %dma_start3A_90 = arith.constant 0 : i32
      %dma_start3A_91 = arith.constant 0 : i32
      %dma_start3A_92 = tpu.memref_slice %arg5[%add3A, %dma_start3A_90, %dma_start3A_91] : memref<32x160x64xi32, #tpu.memory_space<hbm>> -> memref<1x80x64xi32, #tpu.memory_space<hbm>>
      %dma_start3A_93 = tpu.memref_squeeze %dma_start3A_92 : memref<1x80x64xi32, #tpu.memory_space<hbm>> -> memref<80x64xi32, #tpu.memory_space<hbm>>
      %dma_start3A_94 = arith.constant 0 : i32
      %dma_start3A_95 = arith.constant 0 : i32
      %dma_start3A_96 = tpu.memref_slice %arg5[%add3A, %dma_start3A_94, %dma_start3A_95] : memref<32x160x64xi32, #tpu.memory_space<hbm>> -> memref<1x80x64xi32, #tpu.memory_space<hbm>>
      %dma_start3A_97 = tpu.memref_squeeze %dma_start3A_96 : memref<1x80x64xi32, #tpu.memory_space<hbm>> -> memref<80x64xi32, #tpu.memory_space<hbm>>
      tpu.enqueue_dma source(%dma_start3A_97 : memref<80x64xi32, #tpu.memory_space<hbm>>) target(%arg8 : memref<80x64xi32, #tpu.memory_space<vmem>>) target_semaphore(%run_scoped3A : memref<!tpu.dma_semaphore, #tpu.memory_space<semaphore_mem>>)
      %dma_wait3A_98 = arith.constant 0 : i32
      %dma_wait3A_99 = arith.constant 0 : i32
      %dma_wait3A_100 = tpu.memref_slice %arg5[%add3A, %dma_wait3A_98, %dma_wait3A_99] : memref<32x160x64xi32, #tpu.memory_space<hbm>> -> memref<1x80x64xi32, #tpu.memory_space<hbm>>
      %dma_wait3A_101 = tpu.memref_squeeze %dma_wait3A_100 : memref<1x80x64xi32, #tpu.memory_space<hbm>> -> memref<80x64xi32, #tpu.memory_space<hbm>>
      %dma_wait3A_102 = arith.constant 0 : i32
      %dma_wait3A_103 = arith.constant 0 : i32
      %dma_wait3A_104 = tpu.memref_slice %arg5[%add3A, %dma_wait3A_102, %dma_wait3A_103] : memref<32x160x64xi32, #tpu.memory_space<hbm>> -> memref<1x80x64xi32, #tpu.memory_space<hbm>>
      %dma_wait3A_105 = tpu.memref_squeeze %dma_wait3A_104 : memref<1x80x64xi32, #tpu.memory_space<hbm>> -> memref<80x64xi32, #tpu.memory_space<hbm>>
      tpu.wait_dma2 semaphore(%run_scoped3A : memref<!tpu.dma_semaphore, #tpu.memory_space<semaphore_mem>>) src(%dma_wait3A_105 : memref<80x64xi32, #tpu.memory_space<hbm>>) dst(%arg8 : memref<80x64xi32, #tpu.memory_space<vmem>>)
      tpu.yield
    }) : () -> ()
    %dma_start3A = arith.constant 0 : i32
    %dma_start3A_6 = arith.constant 0 : i32
    %dma_start3A_7 = tpu.memref_slice %arg7[%dma_start3A, %dma_start3A_6] : memref<80x64xi32, #tpu.memory_space<vmem>> -> memref<1x64xi32, #tpu.memory_space<vmem>>
    %dma_start3A_8 = tpu.memref_squeeze %dma_start3A_7 : memref<1x64xi32, #tpu.memory_space<vmem>> -> memref<64xi32, #tpu.memory_space<vmem>>
    %dma_start3A_9 = arith.constant 0 : i32
    %dma_start3A_10 = arith.constant 0 : i32
    %dma_start3A_11 = tpu.memref_slice %arg2[%dma_start3A_9, %dma_start3A_10] : memref<10240x64xi32, #tpu.memory_space<hbm>> -> memref<10240x64xi32, #tpu.memory_space<hbm>>
    tpu.enqueue_indirect_dma source(%dma_start3A_11 : memref<10240x64xi32, #tpu.memory_space<hbm>>) target(%arg9 : memref<64x64xi32, #tpu.memory_space<vmem>>) offsets(%dma_start3A_8 : memref<64xi32, #tpu.memory_space<vmem>>) semaphore(%arg16 : memref<!tpu.dma_semaphore, #tpu.memory_space<semaphore_mem>>)
    %dma_start3A_12 = arith.constant 1 : i32
    %dma_start3A_13 = arith.constant 0 : i32
    %dma_start3A_14 = tpu.memref_slice %arg7[%dma_start3A_12, %dma_start3A_13] : memref<80x64xi32, #tpu.memory_space<vmem>> -> memref<1x64xi32, #tpu.memory_space<vmem>>
    %dma_start3A_15 = tpu.memref_squeeze %dma_start3A_14 : memref<1x64xi32, #tpu.memory_space<vmem>> -> memref<64xi32, #tpu.memory_space<vmem>>
    %dma_start3A_16 = arith.constant 0 : i32
    %dma_start3A_17 = arith.constant 0 : i32
    %dma_start3A_18 = tpu.memref_slice %arg2[%dma_start3A_16, %dma_start3A_17] : memref<10240x64xi32, #tpu.memory_space<hbm>> -> memref<10240x64xi32, #tpu.memory_space<hbm>>
    tpu.enqueue_indirect_dma source(%dma_start3A_18 : memref<10240x64xi32, #tpu.memory_space<hbm>>) target(%arg10 : memref<64x64xi32, #tpu.memory_space<vmem>>) offsets(%dma_start3A_15 : memref<64xi32, #tpu.memory_space<vmem>>) semaphore(%arg17 : memref<!tpu.dma_semaphore, #tpu.memory_space<semaphore_mem>>)
    %dma_start3A_19 = arith.constant 2 : i32
    %dma_start3A_20 = arith.constant 0 : i32
    %dma_start3A_21 = tpu.memref_slice %arg7[%dma_start3A_19, %dma_start3A_20] : memref<80x64xi32, #tpu.memory_space<vmem>> -> memref<1x64xi32, #tpu.memory_space<vmem>>
    %dma_start3A_22 = tpu.memref_squeeze %dma_start3A_21 : memref<1x64xi32, #tpu.memory_space<vmem>> -> memref<64xi32, #tpu.memory_space<vmem>>
    %dma_start3A_23 = arith.constant 0 : i32
    %dma_start3A_24 = arith.constant 0 : i32
    %dma_start3A_25 = tpu.memref_slice %arg2[%dma_start3A_23, %dma_start3A_24] : memref<10240x64xi32, #tpu.memory_space<hbm>> -> memref<10240x64xi32, #tpu.memory_space<hbm>>
    tpu.enqueue_indirect_dma source(%dma_start3A_25 : memref<10240x64xi32, #tpu.memory_space<hbm>>) target(%arg11 : memref<64x64xi32, #tpu.memory_space<vmem>>) offsets(%dma_start3A_22 : memref<64xi32, #tpu.memory_space<vmem>>) semaphore(%arg18 : memref<!tpu.dma_semaphore, #tpu.memory_space<semaphore_mem>>)
    %dma_start3A_26 = arith.constant 3 : i32
    %dma_start3A_27 = arith.constant 0 : i32
    %dma_start3A_28 = tpu.memref_slice %arg7[%dma_start3A_26, %dma_start3A_27] : memref<80x64xi32, #tpu.memory_space<vmem>> -> memref<1x64xi32, #tpu.memory_space<vmem>>
    %dma_start3A_29 = tpu.memref_squeeze %dma_start3A_28 : memref<1x64xi32, #tpu.memory_space<vmem>> -> memref<64xi32, #tpu.memory_space<vmem>>
    %dma_start3A_30 = arith.constant 0 : i32
    %dma_start3A_31 = arith.constant 0 : i32
    %dma_start3A_32 = tpu.memref_slice %arg2[%dma_start3A_30, %dma_start3A_31] : memref<10240x64xi32, #tpu.memory_space<hbm>> -> memref<10240x64xi32, #tpu.memory_space<hbm>>
    tpu.enqueue_indirect_dma source(%dma_start3A_32 : memref<10240x64xi32, #tpu.memory_space<hbm>>) target(%arg12 : memref<64x64xi32, #tpu.memory_space<vmem>>) offsets(%dma_start3A_29 : memref<64xi32, #tpu.memory_space<vmem>>) semaphore(%arg19 : memref<!tpu.dma_semaphore, #tpu.memory_space<semaphore_mem>>)
    %scan3A = arith.constant 0 : i32
    %scan3A_33 = arith.constant 0 : i32
    %scan3A_34 = arith.constant 20 : i32
    %scan3A_35 = arith.addi %scan3A_33, %scan3A_34 : i32
    %scan3A_36 = arith.constant 1 : i32
    scf.for %scan3A_90 = %scan3A_33 to %scan3A_35 step %scan3A_36  : i32 {
      %mul3A_91 = arith.constant 4 : i32
      %mul3A_92 = arith.muli %scan3A_90, %mul3A_91 : i32
      %add3A_93 = arith.constant 0 : i32
      %add3A_94 = arith.addi %mul3A_92, %add3A_93 : i32
      %dma_wait3A_95 = arith.constant 0 : i32
      %dma_wait3A_96 = tpu.memref_slice %arg7[%add3A_94, %dma_wait3A_95] : memref<80x64xi32, #tpu.memory_space<vmem>> -> memref<1x64xi32, #tpu.memory_space<vmem>>
      %dma_wait3A_97 = tpu.memref_squeeze %dma_wait3A_96 : memref<1x64xi32, #tpu.memory_space<vmem>> -> memref<64xi32, #tpu.memory_space<vmem>>
      %dma_wait3A_98 = arith.constant 0 : i32
      %dma_wait3A_99 = arith.constant 0 : i32
      %dma_wait3A_100 = tpu.memref_slice %arg2[%dma_wait3A_98, %dma_wait3A_99] : memref<10240x64xi32, #tpu.memory_space<hbm>> -> memref<10240x64xi32, #tpu.memory_space<hbm>>
      tpu.wait_indirect_dma semaphore(%arg16 : memref<!tpu.dma_semaphore, #tpu.memory_space<semaphore_mem>>) src(%dma_wait3A_100 : memref<10240x64xi32, #tpu.memory_space<hbm>>) dst(%arg9 : memref<64x64xi32, #tpu.memory_space<vmem>>)
      %gt3A = arith.constant 0 : i32
      %gt3A_101 = arith.cmpi sgt, %scan3A_90, %gt3A : i32
      %convert_element_type3A = arith.extui %gt3A_101 : i1 to i32
      %cond3A = arith.constant 0 : i32
      %cond3A_102 = arith.cmpi ne, %convert_element_type3A, %cond3A : i32
      scf.if %cond3A_102 {
        %dma_wait3A_217 = arith.constant 0 : i32
        %dma_wait3A_218 = tpu.memref_slice %arg8[%add3A_94, %dma_wait3A_217] : memref<80x64xi32, #tpu.memory_space<vmem>> -> memref<1x64xi32, #tpu.memory_space<vmem>>
        %dma_wait3A_219 = tpu.memref_squeeze %dma_wait3A_218 : memref<1x64xi32, #tpu.memory_space<vmem>> -> memref<64xi32, #tpu.memory_space<vmem>>
        %dma_wait3A_220 = arith.constant 0 : i32
        %dma_wait3A_221 = arith.constant 0 : i32
        %dma_wait3A_222 = tpu.memref_slice %arg15[%dma_wait3A_220, %dma_wait3A_221] : memref<10240x128xf32, #tpu.memory_space<vmem_shared>> -> memref<10240x128xf32, #tpu.memory_space<vmem_shared>>
        tpu.wait_indirect_dma semaphore(%arg20 : memref<!tpu.dma_semaphore, #tpu.memory_space<semaphore_mem>>) src(%arg13 : memref<64x128xf32, #tpu.memory_space<vmem>>) dst(%dma_wait3A_222 : memref<10240x128xf32, #tpu.memory_space<vmem_shared>>)
      } else {
      }
      %scan3A_103 = arith.constant 0 : i32
      %scan3A_104 = arith.constant 0 : i32
      %scan3A_105 = arith.constant 64 : i32
      %scan3A_106 = arith.addi %scan3A_104, %scan3A_105 : i32
      %scan3A_107 = arith.constant 1 : i32
      scf.for %scan3A_217 = %scan3A_104 to %scan3A_106 step %scan3A_107  : i32 {
        %get3A = arith.index_cast %scan3A_217 : i32 to index
        %get3A_218 = arith.constant 0 : index
        %get3A_219 = tpu.vector_load %arg9[%get3A, %get3A_218] {strides = array<i32>} : memref<64x64xi32, #tpu.memory_space<vmem>>, vector<16xi32>,
        %shift_left3A = arith.constant 16 : i32
        %shift_left3A_220 = vector.broadcast %shift_left3A : i32 to vector<16xi32>
        %shift_left3A_221 = arith.shli %get3A_219, %shift_left3A_220 : vector<16xi32>
        %bitcast3A = vector.bitcast %shift_left3A_221 : vector<16xi32> to vector<16xf32>
        %and3A = arith.andi %get3A_219, %broadcast_in_dim3A_5 : vector<16xi32>
        %bitcast3A_222 = vector.bitcast %and3A : vector<16xi32> to vector<16xf32>
        %swap3A = arith.index_cast %scan3A_217 : i32 to index
        %swap3A_223 = arith.constant 0 : index
        %swap3A_224 = tpu.vector_load %arg13[%swap3A, %swap3A_223] {strides = array<i32>} : memref<64x128xf32, #tpu.memory_space<vmem>>, vector<16xf32>,
        tpu.vector_store %arg13[%swap3A, %swap3A_223], %bitcast3A {strides = array<i32>} : memref<64x128xf32, #tpu.memory_space<vmem>>, vector<16xf32>,
        %swap3A_225 = arith.index_cast %scan3A_217 : i32 to index
        %swap3A_226 = arith.constant 64 : index
        %swap3A_227 = tpu.vector_load %arg13[%swap3A_225, %swap3A_226] {strides = array<i32>} : memref<64x128xf32, #tpu.memory_space<vmem>>, vector<16xf32>,
        tpu.vector_store %arg13[%swap3A_225, %swap3A_226], %bitcast3A_222 {strides = array<i32>} : memref<64x128xf32, #tpu.memory_space<vmem>>, vector<16xf32>,
        %get3A_228 = arith.index_cast %scan3A_217 : i32 to index
        %get3A_229 = arith.constant 16 : index
        %get3A_230 = tpu.vector_load %arg9[%get3A_228, %get3A_229] {strides = array<i32>} : memref<64x64xi32, #tpu.memory_space<vmem>>, vector<16xi32>,
        %shift_left3A_231 = arith.constant 16 : i32
        %shift_left3A_232 = vector.broadcast %shift_left3A_231 : i32 to vector<16xi32>
        %shift_left3A_233 = arith.shli %get3A_230, %shift_left3A_232 : vector<16xi32>
        %bitcast3A_234 = vector.bitcast %shift_left3A_233 : vector<16xi32> to vector<16xf32>
        %and3A_235 = arith.andi %get3A_230, %broadcast_in_dim3A_5 : vector<16xi32>
        %bitcast3A_236 = vector.bitcast %and3A_235 : vector<16xi32> to vector<16xf32>
        %swap3A_237 = arith.index_cast %scan3A_217 : i32 to index
        %swap3A_238 = arith.constant 16 : index
        %swap3A_239 = tpu.vector_load %arg13[%swap3A_237, %swap3A_238] {strides = array<i32>} : memref<64x128xf32, #tpu.memory_space<vmem>>, vector<16xf32>,
        tpu.vector_store %arg13[%swap3A_237, %swap3A_238], %bitcast3A_234 {strides = array<i32>} : memref<64x128xf32, #tpu.memory_space<vmem>>, vector<16xf32>,
        %swap3A_240 = arith.index_cast %scan3A_217 : i32 to index
        %swap3A_241 = arith.constant 80 : index
        %swap3A_242 = tpu.vector_load %arg13[%swap3A_240, %swap3A_241] {strides = array<i32>} : memref<64x128xf32, #tpu.memory_space<vmem>>, vector<16xf32>,
        tpu.vector_store %arg13[%swap3A_240, %swap3A_241], %bitcast3A_236 {strides = array<i32>} : memref<64x128xf32, #tpu.memory_space<vmem>>, vector<16xf32>,
        %get3A_243 = arith.index_cast %scan3A_217 : i32 to index
        %get3A_244 = arith.constant 32 : index
        %get3A_245 = tpu.vector_load %arg9[%get3A_243, %get3A_244] {strides = array<i32>} : memref<64x64xi32, #tpu.memory_space<vmem>>, vector<16xi32>,
        %shift_left3A_246 = arith.constant 16 : i32
        %shift_left3A_247 = vector.broadcast %shift_left3A_246 : i32 to vector<16xi32>
        %shift_left3A_248 = arith.shli %get3A_245, %shift_left3A_247 : vector<16xi32>
        %bitcast3A_249 = vector.bitcast %shift_left3A_248 : vector<16xi32> to vector<16xf32>
        %and3A_250 = arith.andi %get3A_245, %broadcast_in_dim3A_5 : vector<16xi32>
        %bitcast3A_251 = vector.bitcast %and3A_250 : vector<16xi32> to vector<16xf32>
        %swap3A_252 = arith.index_cast %scan3A_217 : i32 to index
        %swap3A_253 = arith.constant 32 : index
        %swap3A_254 = tpu.vector_load %arg13[%swap3A_252, %swap3A_253] {strides = array<i32>} : memref<64x128xf32, #tpu.memory_space<vmem>>, vector<16xf32>,
        tpu.vector_store %arg13[%swap3A_252, %swap3A_253], %bitcast3A_249 {strides = array<i32>} : memref<64x128xf32, #tpu.memory_space<vmem>>, vector<16xf32>,
        %swap3A_255 = arith.index_cast %scan3A_217 : i32 to index
        %swap3A_256 = arith.constant 96 : index
        %swap3A_257 = tpu.vector_load %arg13[%swap3A_255, %swap3A_256] {strides = array<i32>} : memref<64x128xf32, #tpu.memory_space<vmem>>, vector<16xf32>,
        tpu.vector_store %arg13[%swap3A_255, %swap3A_256], %bitcast3A_251 {strides = array<i32>} : memref<64x128xf32, #tpu.memory_space<vmem>>, vector<16xf32>,
        %get3A_258 = arith.index_cast %scan3A_217 : i32 to index
        %get3A_259 = arith.constant 48 : index
        %get3A_260 = tpu.vector_load %arg9[%get3A_258, %get3A_259] {strides = array<i32>} : memref<64x64xi32, #tpu.memory_space<vmem>>, vector<16xi32>,
        %shift_left3A_261 = arith.constant 16 : i32
        %shift_left3A_262 = vector.broadcast %shift_left3A_261 : i32 to vector<16xi32>
        %shift_left3A_263 = arith.shli %get3A_260, %shift_left3A_262 : vector<16xi32>
        %bitcast3A_264 = vector.bitcast %shift_left3A_263 : vector<16xi32> to vector<16xf32>
        %and3A_265 = arith.andi %get3A_260, %broadcast_in_dim3A_5 : vector<16xi32>
        %bitcast3A_266 = vector.bitcast %and3A_265 : vector<16xi32> to vector<16xf32>
        %swap3A_267 = arith.index_cast %scan3A_217 : i32 to index
        %swap3A_268 = arith.constant 48 : index
        %swap3A_269 = tpu.vector_load %arg13[%swap3A_267, %swap3A_268] {strides = array<i32>} : memref<64x128xf32, #tpu.memory_space<vmem>>, vector<16xf32>,
        tpu.vector_store %arg13[%swap3A_267, %swap3A_268], %bitcast3A_264 {strides = array<i32>} : memref<64x128xf32, #tpu.memory_space<vmem>>, vector<16xf32>,
        %swap3A_270 = arith.index_cast %scan3A_217 : i32 to index
        %swap3A_271 = arith.constant 112 : index
        %swap3A_272 = tpu.vector_load %arg13[%swap3A_270, %swap3A_271] {strides = array<i32>} : memref<64x128xf32, #tpu.memory_space<vmem>>, vector<16xf32>,
        tpu.vector_store %arg13[%swap3A_270, %swap3A_271], %bitcast3A_266 {strides = array<i32>} : memref<64x128xf32, #tpu.memory_space<vmem>>, vector<16xf32>,
      }
      %scan3A_108 = arith.constant 64 : i32
      %dma_start3A_109 = arith.constant 0 : i32
      %dma_start3A_110 = tpu.memref_slice %arg8[%add3A_94, %dma_start3A_109] : memref<80x64xi32, #tpu.memory_space<vmem>> -> memref<1x64xi32, #tpu.memory_space<vmem>>
      %dma_start3A_111 = tpu.memref_squeeze %dma_start3A_110 : memref<1x64xi32, #tpu.memory_space<vmem>> -> memref<64xi32, #tpu.memory_space<vmem>>
      %dma_start3A_112 = arith.constant 0 : i32
      %dma_start3A_113 = arith.constant 0 : i32
      %dma_start3A_114 = tpu.memref_slice %arg15[%dma_start3A_112, %dma_start3A_113] : memref<10240x128xf32, #tpu.memory_space<vmem_shared>> -> memref<10240x128xf32, #tpu.memory_space<vmem_shared>>
      tpu.enqueue_indirect_dma source(%arg13 : memref<64x128xf32, #tpu.memory_space<vmem>>) target(%dma_start3A_114 : memref<10240x128xf32, #tpu.memory_space<vmem_shared>>) offsets(%dma_start3A_111 : memref<64xi32, #tpu.memory_space<vmem>>) semaphore(%arg20 : memref<!tpu.dma_semaphore, #tpu.memory_space<semaphore_mem>>) {add = true}
      %lt3A = arith.constant 19 : i32
      %lt3A_115 = arith.cmpi slt, %scan3A_90, %lt3A : i32
      %convert_element_type3A_116 = arith.extui %lt3A_115 : i1 to i32
      %cond3A_117 = arith.constant 0 : i32
      %cond3A_118 = arith.cmpi ne, %convert_element_type3A_116, %cond3A_117 : i32
      scf.if %cond3A_118 {
        %add3A_217 = arith.constant 4 : i32
        %add3A_218 = arith.addi %add3A_94, %add3A_217 : i32
        %dma_start3A_219 = arith.constant 0 : i32
        %dma_start3A_220 = tpu.memref_slice %arg7[%add3A_218, %dma_start3A_219] : memref<80x64xi32, #tpu.memory_space<vmem>> -> memref<1x64xi32, #tpu.memory_space<vmem>>
        %dma_start3A_221 = tpu.memref_squeeze %dma_start3A_220 : memref<1x64xi32, #tpu.memory_space<vmem>> -> memref<64xi32, #tpu.memory_space<vmem>>
        %dma_start3A_222 = arith.constant 0 : i32
        %dma_start3A_223 = arith.constant 0 : i32
        %dma_start3A_224 = tpu.memref_slice %arg2[%dma_start3A_222, %dma_start3A_223] : memref<10240x64xi32, #tpu.memory_space<hbm>> -> memref<10240x64xi32, #tpu.memory_space<hbm>>
        tpu.enqueue_indirect_dma source(%dma_start3A_224 : memref<10240x64xi32, #tpu.memory_space<hbm>>) target(%arg9 : memref<64x64xi32, #tpu.memory_space<vmem>>) offsets(%dma_start3A_221 : memref<64xi32, #tpu.memory_space<vmem>>) semaphore(%arg16 : memref<!tpu.dma_semaphore, #tpu.memory_space<semaphore_mem>>)
      } else {
      }
      %mul3A_119 = arith.constant 4 : i32
      %mul3A_120 = arith.muli %scan3A_90, %mul3A_119 : i32
      %add3A_121 = arith.constant 1 : i32
      %add3A_122 = arith.addi %mul3A_120, %add3A_121 : i32
      %dma_wait3A_123 = arith.constant 0 : i32
      %dma_wait3A_124 = tpu.memref_slice %arg7[%add3A_122, %dma_wait3A_123] : memref<80x64xi32, #tpu.memory_space<vmem>> -> memref<1x64xi32, #tpu.memory_space<vmem>>
      %dma_wait3A_125 = tpu.memref_squeeze %dma_wait3A_124 : memref<1x64xi32, #tpu.memory_space<vmem>> -> memref<64xi32, #tpu.memory_space<vmem>>
      %dma_wait3A_126 = arith.constant 0 : i32
      %dma_wait3A_127 = arith.constant 0 : i32
      %dma_wait3A_128 = tpu.memref_slice %arg2[%dma_wait3A_126, %dma_wait3A_127] : memref<10240x64xi32, #tpu.memory_space<hbm>> -> memref<10240x64xi32, #tpu.memory_space<hbm>>
      tpu.wait_indirect_dma semaphore(%arg17 : memref<!tpu.dma_semaphore, #tpu.memory_space<semaphore_mem>>) src(%dma_wait3A_128 : memref<10240x64xi32, #tpu.memory_space<hbm>>) dst(%arg10 : memref<64x64xi32, #tpu.memory_space<vmem>>)
      %gt3A_129 = arith.constant 0 : i32
      %gt3A_130 = arith.cmpi sgt, %scan3A_90, %gt3A_129 : i32
      %convert_element_type3A_131 = arith.extui %gt3A_130 : i1 to i32
      %cond3A_132 = arith.constant 0 : i32
      %cond3A_133 = arith.cmpi ne, %convert_element_type3A_131, %cond3A_132 : i32
      scf.if %cond3A_133 {
        %dma_wait3A_217 = arith.constant 0 : i32
        %dma_wait3A_218 = tpu.memref_slice %arg8[%add3A_122, %dma_wait3A_217] : memref<80x64xi32, #tpu.memory_space<vmem>> -> memref<1x64xi32, #tpu.memory_space<vmem>>
        %dma_wait3A_219 = tpu.memref_squeeze %dma_wait3A_218 : memref<1x64xi32, #tpu.memory_space<vmem>> -> memref<64xi32, #tpu.memory_space<vmem>>
        %dma_wait3A_220 = arith.constant 0 : i32
        %dma_wait3A_221 = arith.constant 0 : i32
        %dma_wait3A_222 = tpu.memref_slice %arg15[%dma_wait3A_220, %dma_wait3A_221] : memref<10240x128xf32, #tpu.memory_space<vmem_shared>> -> memref<10240x128xf32, #tpu.memory_space<vmem_shared>>
        tpu.wait_indirect_dma semaphore(%arg21 : memref<!tpu.dma_semaphore, #tpu.memory_space<semaphore_mem>>) src(%arg14 : memref<64x128xf32, #tpu.memory_space<vmem>>) dst(%dma_wait3A_222 : memref<10240x128xf32, #tpu.memory_space<vmem_shared>>)
      } else {
      }
      %scan3A_134 = arith.constant 0 : i32
      %scan3A_135 = arith.constant 0 : i32
      %scan3A_136 = arith.constant 64 : i32
      %scan3A_137 = arith.addi %scan3A_135, %scan3A_136 : i32
      %scan3A_138 = arith.constant 1 : i32
      scf.for %scan3A_217 = %scan3A_135 to %scan3A_137 step %scan3A_138  : i32 {
        %get3A = arith.index_cast %scan3A_217 : i32 to index
        %get3A_218 = arith.constant 0 : index
        %get3A_219 = tpu.vector_load %arg10[%get3A, %get3A_218] {strides = array<i32>} : memref<64x64xi32, #tpu.memory_space<vmem>>, vector<16xi32>,
        %shift_left3A = arith.constant 16 : i32
        %shift_left3A_220 = vector.broadcast %shift_left3A : i32 to vector<16xi32>
        %shift_left3A_221 = arith.shli %get3A_219, %shift_left3A_220 : vector<16xi32>
        %bitcast3A = vector.bitcast %shift_left3A_221 : vector<16xi32> to vector<16xf32>
        %and3A = arith.andi %get3A_219, %broadcast_in_dim3A_5 : vector<16xi32>
        %bitcast3A_222 = vector.bitcast %and3A : vector<16xi32> to vector<16xf32>
        %swap3A = arith.index_cast %scan3A_217 : i32 to index
        %swap3A_223 = arith.constant 0 : index
        %swap3A_224 = tpu.vector_load %arg14[%swap3A, %swap3A_223] {strides = array<i32>} : memref<64x128xf32, #tpu.memory_space<vmem>>, vector<16xf32>,
        tpu.vector_store %arg14[%swap3A, %swap3A_223], %bitcast3A {strides = array<i32>} : memref<64x128xf32, #tpu.memory_space<vmem>>, vector<16xf32>,
        %swap3A_225 = arith.index_cast %scan3A_217 : i32 to index
        %swap3A_226 = arith.constant 64 : index
        %swap3A_227 = tpu.vector_load %arg14[%swap3A_225, %swap3A_226] {strides = array<i32>} : memref<64x128xf32, #tpu.memory_space<vmem>>, vector<16xf32>,
        tpu.vector_store %arg14[%swap3A_225, %swap3A_226], %bitcast3A_222 {strides = array<i32>} : memref<64x128xf32, #tpu.memory_space<vmem>>, vector<16xf32>,
        %get3A_228 = arith.index_cast %scan3A_217 : i32 to index
        %get3A_229 = arith.constant 16 : index
        %get3A_230 = tpu.vector_load %arg10[%get3A_228, %get3A_229] {strides = array<i32>} : memref<64x64xi32, #tpu.memory_space<vmem>>, vector<16xi32>,
        %shift_left3A_231 = arith.constant 16 : i32
        %shift_left3A_232 = vector.broadcast %shift_left3A_231 : i32 to vector<16xi32>
        %shift_left3A_233 = arith.shli %get3A_230, %shift_left3A_232 : vector<16xi32>
        %bitcast3A_234 = vector.bitcast %shift_left3A_233 : vector<16xi32> to vector<16xf32>
        %and3A_235 = arith.andi %get3A_230, %broadcast_in_dim3A_5 : vector<16xi32>
        %bitcast3A_236 = vector.bitcast %and3A_235 : vector<16xi32> to vector<16xf32>
        %swap3A_237 = arith.index_cast %scan3A_217 : i32 to index
        %swap3A_238 = arith.constant 16 : index
        %swap3A_239 = tpu.vector_load %arg14[%swap3A_237, %swap3A_238] {strides = array<i32>} : memref<64x128xf32, #tpu.memory_space<vmem>>, vector<16xf32>,
        tpu.vector_store %arg14[%swap3A_237, %swap3A_238], %bitcast3A_234 {strides = array<i32>} : memref<64x128xf32, #tpu.memory_space<vmem>>, vector<16xf32>,
        %swap3A_240 = arith.index_cast %scan3A_217 : i32 to index
        %swap3A_241 = arith.constant 80 : index
        %swap3A_242 = tpu.vector_load %arg14[%swap3A_240, %swap3A_241] {strides = array<i32>} : memref<64x128xf32, #tpu.memory_space<vmem>>, vector<16xf32>,
        tpu.vector_store %arg14[%swap3A_240, %swap3A_241], %bitcast3A_236 {strides = array<i32>} : memref<64x128xf32, #tpu.memory_space<vmem>>, vector<16xf32>,
        %get3A_243 = arith.index_cast %scan3A_217 : i32 to index
        %get3A_244 = arith.constant 32 : index
        %get3A_245 = tpu.vector_load %arg10[%get3A_243, %get3A_244] {strides = array<i32>} : memref<64x64xi32, #tpu.memory_space<vmem>>, vector<16xi32>,
        %shift_left3A_246 = arith.constant 16 : i32
        %shift_left3A_247 = vector.broadcast %shift_left3A_246 : i32 to vector<16xi32>
        %shift_left3A_248 = arith.shli %get3A_245, %shift_left3A_247 : vector<16xi32>
        %bitcast3A_249 = vector.bitcast %shift_left3A_248 : vector<16xi32> to vector<16xf32>
        %and3A_250 = arith.andi %get3A_245, %broadcast_in_dim3A_5 : vector<16xi32>
        %bitcast3A_251 = vector.bitcast %and3A_250 : vector<16xi32> to vector<16xf32>
        %swap3A_252 = arith.index_cast %scan3A_217 : i32 to index
        %swap3A_253 = arith.constant 32 : index
        %swap3A_254 = tpu.vector_load %arg14[%swap3A_252, %swap3A_253] {strides = array<i32>} : memref<64x128xf32, #tpu.memory_space<vmem>>, vector<16xf32>,
        tpu.vector_store %arg14[%swap3A_252, %swap3A_253], %bitcast3A_249 {strides = array<i32>} : memref<64x128xf32, #tpu.memory_space<vmem>>, vector<16xf32>,
        %swap3A_255 = arith.index_cast %scan3A_217 : i32 to index
        %swap3A_256 = arith.constant 96 : index
        %swap3A_257 = tpu.vector_load %arg14[%swap3A_255, %swap3A_256] {strides = array<i32>} : memref<64x128xf32, #tpu.memory_space<vmem>>, vector<16xf32>,
        tpu.vector_store %arg14[%swap3A_255, %swap3A_256], %bitcast3A_251 {strides = array<i32>} : memref<64x128xf32, #tpu.memory_space<vmem>>, vector<16xf32>,
        %get3A_258 = arith.index_cast %scan3A_217 : i32 to index
        %get3A_259 = arith.constant 48 : index
        %get3A_260 = tpu.vector_load %arg10[%get3A_258, %get3A_259] {strides = array<i32>} : memref<64x64xi32, #tpu.memory_space<vmem>>, vector<16xi32>,
        %shift_left3A_261 = arith.constant 16 : i32
        %shift_left3A_262 = vector.broadcast %shift_left3A_261 : i32 to vector<16xi32>
        %shift_left3A_263 = arith.shli %get3A_260, %shift_left3A_262 : vector<16xi32>
        %bitcast3A_264 = vector.bitcast %shift_left3A_263 : vector<16xi32> to vector<16xf32>
        %and3A_265 = arith.andi %get3A_260, %broadcast_in_dim3A_5 : vector<16xi32>
        %bitcast3A_266 = vector.bitcast %and3A_265 : vector<16xi32> to vector<16xf32>
        %swap3A_267 = arith.index_cast %scan3A_217 : i32 to index
        %swap3A_268 = arith.constant 48 : index
        %swap3A_269 = tpu.vector_load %arg14[%swap3A_267, %swap3A_268] {strides = array<i32>} : memref<64x128xf32, #tpu.memory_space<vmem>>, vector<16xf32>,
        tpu.vector_store %arg14[%swap3A_267, %swap3A_268], %bitcast3A_264 {strides = array<i32>} : memref<64x128xf32, #tpu.memory_space<vmem>>, vector<16xf32>,
        %swap3A_270 = arith.index_cast %scan3A_217 : i32 to index
        %swap3A_271 = arith.constant 112 : index
        %swap3A_272 = tpu.vector_load %arg14[%swap3A_270, %swap3A_271] {strides = array<i32>} : memref<64x128xf32, #tpu.memory_space<vmem>>, vector<16xf32>,
        tpu.vector_store %arg14[%swap3A_270, %swap3A_271], %bitcast3A_266 {strides = array<i32>} : memref<64x128xf32, #tpu.memory_space<vmem>>, vector<16xf32>,
      }
      %scan3A_139 = arith.constant 64 : i32
      %dma_start3A_140 = arith.constant 0 : i32
      %dma_start3A_141 = tpu.memref_slice %arg8[%add3A_122, %dma_start3A_140] : memref<80x64xi32, #tpu.memory_space<vmem>> -> memref<1x64xi32, #tpu.memory_space<vmem>>
      %dma_start3A_142 = tpu.memref_squeeze %dma_start3A_141 : memref<1x64xi32, #tpu.memory_space<vmem>> -> memref<64xi32, #tpu.memory_space<vmem>>
      %dma_start3A_143 = arith.constant 0 : i32
      %dma_start3A_144 = arith.constant 0 : i32
      %dma_start3A_145 = tpu.memref_slice %arg15[%dma_start3A_143, %dma_start3A_144] : memref<10240x128xf32, #tpu.memory_space<vmem_shared>> -> memref<10240x128xf32, #tpu.memory_space<vmem_shared>>
      tpu.enqueue_indirect_dma source(%arg14 : memref<64x128xf32, #tpu.memory_space<vmem>>) target(%dma_start3A_145 : memref<10240x128xf32, #tpu.memory_space<vmem_shared>>) offsets(%dma_start3A_142 : memref<64xi32, #tpu.memory_space<vmem>>) semaphore(%arg21 : memref<!tpu.dma_semaphore, #tpu.memory_space<semaphore_mem>>) {add = true}
      %lt3A_146 = arith.constant 19 : i32
      %lt3A_147 = arith.cmpi slt, %scan3A_90, %lt3A_146 : i32
      %convert_element_type3A_148 = arith.extui %lt3A_147 : i1 to i32
      %cond3A_149 = arith.constant 0 : i32
      %cond3A_150 = arith.cmpi ne, %convert_element_type3A_148, %cond3A_149 : i32
      scf.if %cond3A_150 {
        %add3A_217 = arith.constant 4 : i32
        %add3A_218 = arith.addi %add3A_122, %add3A_217 : i32
        %dma_start3A_219 = arith.constant 0 : i32
        %dma_start3A_220 = tpu.memref_slice %arg7[%add3A_218, %dma_start3A_219] : memref<80x64xi32, #tpu.memory_space<vmem>> -> memref<1x64xi32, #tpu.memory_space<vmem>>
        %dma_start3A_221 = tpu.memref_squeeze %dma_start3A_220 : memref<1x64xi32, #tpu.memory_space<vmem>> -> memref<64xi32, #tpu.memory_space<vmem>>
        %dma_start3A_222 = arith.constant 0 : i32
        %dma_start3A_223 = arith.constant 0 : i32
        %dma_start3A_224 = tpu.memref_slice %arg2[%dma_start3A_222, %dma_start3A_223] : memref<10240x64xi32, #tpu.memory_space<hbm>> -> memref<10240x64xi32, #tpu.memory_space<hbm>>
        tpu.enqueue_indirect_dma source(%dma_start3A_224 : memref<10240x64xi32, #tpu.memory_space<hbm>>) target(%arg10 : memref<64x64xi32, #tpu.memory_space<vmem>>) offsets(%dma_start3A_221 : memref<64xi32, #tpu.memory_space<vmem>>) semaphore(%arg17 : memref<!tpu.dma_semaphore, #tpu.memory_space<semaphore_mem>>)
      } else {
      }
      %mul3A_151 = arith.constant 4 : i32
      %mul3A_152 = arith.muli %scan3A_90, %mul3A_151 : i32
      %add3A_153 = arith.constant 2 : i32
      %add3A_154 = arith.addi %mul3A_152, %add3A_153 : i32
      %dma_wait3A_155 = arith.constant 0 : i32
      %dma_wait3A_156 = tpu.memref_slice %arg7[%add3A_154, %dma_wait3A_155] : memref<80x64xi32, #tpu.memory_space<vmem>> -> memref<1x64xi32, #tpu.memory_space<vmem>>
      %dma_wait3A_157 = tpu.memref_squeeze %dma_wait3A_156 : memref<1x64xi32, #tpu.memory_space<vmem>> -> memref<64xi32, #tpu.memory_space<vmem>>
      %dma_wait3A_158 = arith.constant 0 : i32
      %dma_wait3A_159 = arith.constant 0 : i32
      %dma_wait3A_160 = tpu.memref_slice %arg2[%dma_wait3A_158, %dma_wait3A_159] : memref<10240x64xi32, #tpu.memory_space<hbm>> -> memref<10240x64xi32, #tpu.memory_space<hbm>>
      tpu.wait_indirect_dma semaphore(%arg18 : memref<!tpu.dma_semaphore, #tpu.memory_space<semaphore_mem>>) src(%dma_wait3A_160 : memref<10240x64xi32, #tpu.memory_space<hbm>>) dst(%arg11 : memref<64x64xi32, #tpu.memory_space<vmem>>)
      %dma_wait3A_161 = arith.constant 0 : i32
      %dma_wait3A_162 = tpu.memref_slice %arg8[%add3A_154, %dma_wait3A_161] : memref<80x64xi32, #tpu.memory_space<vmem>> -> memref<1x64xi32, #tpu.memory_space<vmem>>
      %dma_wait3A_163 = tpu.memref_squeeze %dma_wait3A_162 : memref<1x64xi32, #tpu.memory_space<vmem>> -> memref<64xi32, #tpu.memory_space<vmem>>
      %dma_wait3A_164 = arith.constant 0 : i32
      %dma_wait3A_165 = arith.constant 0 : i32
      %dma_wait3A_166 = tpu.memref_slice %arg15[%dma_wait3A_164, %dma_wait3A_165] : memref<10240x128xf32, #tpu.memory_space<vmem_shared>> -> memref<10240x128xf32, #tpu.memory_space<vmem_shared>>
      tpu.wait_indirect_dma semaphore(%arg20 : memref<!tpu.dma_semaphore, #tpu.memory_space<semaphore_mem>>) src(%arg13 : memref<64x128xf32, #tpu.memory_space<vmem>>) dst(%dma_wait3A_166 : memref<10240x128xf32, #tpu.memory_space<vmem_shared>>)
      %scan3A_167 = arith.constant 0 : i32
      %scan3A_168 = arith.constant 0 : i32
      %scan3A_169 = arith.constant 64 : i32
      %scan3A_170 = arith.addi %scan3A_168, %scan3A_169 : i32
      %scan3A_171 = arith.constant 1 : i32
      scf.for %scan3A_217 = %scan3A_168 to %scan3A_170 step %scan3A_171  : i32 {
        %get3A = arith.index_cast %scan3A_217 : i32 to index
        %get3A_218 = arith.constant 0 : index
        %get3A_219 = tpu.vector_load %arg11[%get3A, %get3A_218] {strides = array<i32>} : memref<64x64xi32, #tpu.memory_space<vmem>>, vector<16xi32>,
        %shift_left3A = arith.constant 16 : i32
        %shift_left3A_220 = vector.broadcast %shift_left3A : i32 to vector<16xi32>
        %shift_left3A_221 = arith.shli %get3A_219, %shift_left3A_220 : vector<16xi32>
        %bitcast3A = vector.bitcast %shift_left3A_221 : vector<16xi32> to vector<16xf32>
        %and3A = arith.andi %get3A_219, %broadcast_in_dim3A_5 : vector<16xi32>
        %bitcast3A_222 = vector.bitcast %and3A : vector<16xi32> to vector<16xf32>
        %swap3A = arith.index_cast %scan3A_217 : i32 to index
        %swap3A_223 = arith.constant 0 : index
        %swap3A_224 = tpu.vector_load %arg13[%swap3A, %swap3A_223] {strides = array<i32>} : memref<64x128xf32, #tpu.memory_space<vmem>>, vector<16xf32>,
        tpu.vector_store %arg13[%swap3A, %swap3A_223], %bitcast3A {strides = array<i32>} : memref<64x128xf32, #tpu.memory_space<vmem>>, vector<16xf32>,
        %swap3A_225 = arith.index_cast %scan3A_217 : i32 to index
        %swap3A_226 = arith.constant 64 : index
        %swap3A_227 = tpu.vector_load %arg13[%swap3A_225, %swap3A_226] {strides = array<i32>} : memref<64x128xf32, #tpu.memory_space<vmem>>, vector<16xf32>,
        tpu.vector_store %arg13[%swap3A_225, %swap3A_226], %bitcast3A_222 {strides = array<i32>} : memref<64x128xf32, #tpu.memory_space<vmem>>, vector<16xf32>,
        %get3A_228 = arith.index_cast %scan3A_217 : i32 to index
        %get3A_229 = arith.constant 16 : index
        %get3A_230 = tpu.vector_load %arg11[%get3A_228, %get3A_229] {strides = array<i32>} : memref<64x64xi32, #tpu.memory_space<vmem>>, vector<16xi32>,
        %shift_left3A_231 = arith.constant 16 : i32
        %shift_left3A_232 = vector.broadcast %shift_left3A_231 : i32 to vector<16xi32>
        %shift_left3A_233 = arith.shli %get3A_230, %shift_left3A_232 : vector<16xi32>
        %bitcast3A_234 = vector.bitcast %shift_left3A_233 : vector<16xi32> to vector<16xf32>
        %and3A_235 = arith.andi %get3A_230, %broadcast_in_dim3A_5 : vector<16xi32>
        %bitcast3A_236 = vector.bitcast %and3A_235 : vector<16xi32> to vector<16xf32>
        %swap3A_237 = arith.index_cast %scan3A_217 : i32 to index
        %swap3A_238 = arith.constant 16 : index
        %swap3A_239 = tpu.vector_load %arg13[%swap3A_237, %swap3A_238] {strides = array<i32>} : memref<64x128xf32, #tpu.memory_space<vmem>>, vector<16xf32>,
        tpu.vector_store %arg13[%swap3A_237, %swap3A_238], %bitcast3A_234 {strides = array<i32>} : memref<64x128xf32, #tpu.memory_space<vmem>>, vector<16xf32>,
        %swap3A_240 = arith.index_cast %scan3A_217 : i32 to index
        %swap3A_241 = arith.constant 80 : index
        %swap3A_242 = tpu.vector_load %arg13[%swap3A_240, %swap3A_241] {strides = array<i32>} : memref<64x128xf32, #tpu.memory_space<vmem>>, vector<16xf32>,
        tpu.vector_store %arg13[%swap3A_240, %swap3A_241], %bitcast3A_236 {strides = array<i32>} : memref<64x128xf32, #tpu.memory_space<vmem>>, vector<16xf32>,
        %get3A_243 = arith.index_cast %scan3A_217 : i32 to index
        %get3A_244 = arith.constant 32 : index
        %get3A_245 = tpu.vector_load %arg11[%get3A_243, %get3A_244] {strides = array<i32>} : memref<64x64xi32, #tpu.memory_space<vmem>>, vector<16xi32>,
        %shift_left3A_246 = arith.constant 16 : i32
        %shift_left3A_247 = vector.broadcast %shift_left3A_246 : i32 to vector<16xi32>
        %shift_left3A_248 = arith.shli %get3A_245, %shift_left3A_247 : vector<16xi32>
        %bitcast3A_249 = vector.bitcast %shift_left3A_248 : vector<16xi32> to vector<16xf32>
        %and3A_250 = arith.andi %get3A_245, %broadcast_in_dim3A_5 : vector<16xi32>
        %bitcast3A_251 = vector.bitcast %and3A_250 : vector<16xi32> to vector<16xf32>
        %swap3A_252 = arith.index_cast %scan3A_217 : i32 to index
        %swap3A_253 = arith.constant 32 : index
        %swap3A_254 = tpu.vector_load %arg13[%swap3A_252, %swap3A_253] {strides = array<i32>} : memref<64x128xf32, #tpu.memory_space<vmem>>, vector<16xf32>,
        tpu.vector_store %arg13[%swap3A_252, %swap3A_253], %bitcast3A_249 {strides = array<i32>} : memref<64x128xf32, #tpu.memory_space<vmem>>, vector<16xf32>,
        %swap3A_255 = arith.index_cast %scan3A_217 : i32 to index
        %swap3A_256 = arith.constant 96 : index
        %swap3A_257 = tpu.vector_load %arg13[%swap3A_255, %swap3A_256] {strides = array<i32>} : memref<64x128xf32, #tpu.memory_space<vmem>>, vector<16xf32>,
        tpu.vector_store %arg13[%swap3A_255, %swap3A_256], %bitcast3A_251 {strides = array<i32>} : memref<64x128xf32, #tpu.memory_space<vmem>>, vector<16xf32>,
        %get3A_258 = arith.index_cast %scan3A_217 : i32 to index
        %get3A_259 = arith.constant 48 : index
        %get3A_260 = tpu.vector_load %arg11[%get3A_258, %get3A_259] {strides = array<i32>} : memref<64x64xi32, #tpu.memory_space<vmem>>, vector<16xi32>,
        %shift_left3A_261 = arith.constant 16 : i32
        %shift_left3A_262 = vector.broadcast %shift_left3A_261 : i32 to vector<16xi32>
        %shift_left3A_263 = arith.shli %get3A_260, %shift_left3A_262 : vector<16xi32>
        %bitcast3A_264 = vector.bitcast %shift_left3A_263 : vector<16xi32> to vector<16xf32>
        %and3A_265 = arith.andi %get3A_260, %broadcast_in_dim3A_5 : vector<16xi32>
        %bitcast3A_266 = vector.bitcast %and3A_265 : vector<16xi32> to vector<16xf32>
        %swap3A_267 = arith.index_cast %scan3A_217 : i32 to index
        %swap3A_268 = arith.constant 48 : index
        %swap3A_269 = tpu.vector_load %arg13[%swap3A_267, %swap3A_268] {strides = array<i32>} : memref<64x128xf32, #tpu.memory_space<vmem>>, vector<16xf32>,
        tpu.vector_store %arg13[%swap3A_267, %swap3A_268], %bitcast3A_264 {strides = array<i32>} : memref<64x128xf32, #tpu.memory_space<vmem>>, vector<16xf32>,
        %swap3A_270 = arith.index_cast %scan3A_217 : i32 to index
        %swap3A_271 = arith.constant 112 : index
        %swap3A_272 = tpu.vector_load %arg13[%swap3A_270, %swap3A_271] {strides = array<i32>} : memref<64x128xf32, #tpu.memory_space<vmem>>, vector<16xf32>,
        tpu.vector_store %arg13[%swap3A_270, %swap3A_271], %bitcast3A_266 {strides = array<i32>} : memref<64x128xf32, #tpu.memory_space<vmem>>, vector<16xf32>,
      }
      %scan3A_172 = arith.constant 64 : i32
      %dma_start3A_173 = arith.constant 0 : i32
      %dma_start3A_174 = tpu.memref_slice %arg8[%add3A_154, %dma_start3A_173] : memref<80x64xi32, #tpu.memory_space<vmem>> -> memref<1x64xi32, #tpu.memory_space<vmem>>
      %dma_start3A_175 = tpu.memref_squeeze %dma_start3A_174 : memref<1x64xi32, #tpu.memory_space<vmem>> -> memref<64xi32, #tpu.memory_space<vmem>>
      %dma_start3A_176 = arith.constant 0 : i32
      %dma_start3A_177 = arith.constant 0 : i32
      %dma_start3A_178 = tpu.memref_slice %arg15[%dma_start3A_176, %dma_start3A_177] : memref<10240x128xf32, #tpu.memory_space<vmem_shared>> -> memref<10240x128xf32, #tpu.memory_space<vmem_shared>>
      tpu.enqueue_indirect_dma source(%arg13 : memref<64x128xf32, #tpu.memory_space<vmem>>) target(%dma_start3A_178 : memref<10240x128xf32, #tpu.memory_space<vmem_shared>>) offsets(%dma_start3A_175 : memref<64xi32, #tpu.memory_space<vmem>>) semaphore(%arg20 : memref<!tpu.dma_semaphore, #tpu.memory_space<semaphore_mem>>) {add = true}
      %lt3A_179 = arith.constant 19 : i32
      %lt3A_180 = arith.cmpi slt, %scan3A_90, %lt3A_179 : i32
      %convert_element_type3A_181 = arith.extui %lt3A_180 : i1 to i32
      %cond3A_182 = arith.constant 0 : i32
      %cond3A_183 = arith.cmpi ne, %convert_element_type3A_181, %cond3A_182 : i32
      scf.if %cond3A_183 {
        %add3A_217 = arith.constant 4 : i32
        %add3A_218 = arith.addi %add3A_154, %add3A_217 : i32
        %dma_start3A_219 = arith.constant 0 : i32
        %dma_start3A_220 = tpu.memref_slice %arg7[%add3A_218, %dma_start3A_219] : memref<80x64xi32, #tpu.memory_space<vmem>> -> memref<1x64xi32, #tpu.memory_space<vmem>>
        %dma_start3A_221 = tpu.memref_squeeze %dma_start3A_220 : memref<1x64xi32, #tpu.memory_space<vmem>> -> memref<64xi32, #tpu.memory_space<vmem>>
        %dma_start3A_222 = arith.constant 0 : i32
        %dma_start3A_223 = arith.constant 0 : i32
        %dma_start3A_224 = tpu.memref_slice %arg2[%dma_start3A_222, %dma_start3A_223] : memref<10240x64xi32, #tpu.memory_space<hbm>> -> memref<10240x64xi32, #tpu.memory_space<hbm>>
        tpu.enqueue_indirect_dma source(%dma_start3A_224 : memref<10240x64xi32, #tpu.memory_space<hbm>>) target(%arg11 : memref<64x64xi32, #tpu.memory_space<vmem>>) offsets(%dma_start3A_221 : memref<64xi32, #tpu.memory_space<vmem>>) semaphore(%arg18 : memref<!tpu.dma_semaphore, #tpu.memory_space<semaphore_mem>>)
      } else {
      }
      %mul3A_184 = arith.constant 4 : i32
      %mul3A_185 = arith.muli %scan3A_90, %mul3A_184 : i32
      %add3A_186 = arith.constant 3 : i32
      %add3A_187 = arith.addi %mul3A_185, %add3A_186 : i32
      %dma_wait3A_188 = arith.constant 0 : i32
      %dma_wait3A_189 = tpu.memref_slice %arg7[%add3A_187, %dma_wait3A_188] : memref<80x64xi32, #tpu.memory_space<vmem>> -> memref<1x64xi32, #tpu.memory_space<vmem>>
      %dma_wait3A_190 = tpu.memref_squeeze %dma_wait3A_189 : memref<1x64xi32, #tpu.memory_space<vmem>> -> memref<64xi32, #tpu.memory_space<vmem>>
      %dma_wait3A_191 = arith.constant 0 : i32
      %dma_wait3A_192 = arith.constant 0 : i32
      %dma_wait3A_193 = tpu.memref_slice %arg2[%dma_wait3A_191, %dma_wait3A_192] : memref<10240x64xi32, #tpu.memory_space<hbm>> -> memref<10240x64xi32, #tpu.memory_space<hbm>>
      tpu.wait_indirect_dma semaphore(%arg19 : memref<!tpu.dma_semaphore, #tpu.memory_space<semaphore_mem>>) src(%dma_wait3A_193 : memref<10240x64xi32, #tpu.memory_space<hbm>>) dst(%arg12 : memref<64x64xi32, #tpu.memory_space<vmem>>)
      %dma_wait3A_194 = arith.constant 0 : i32
      %dma_wait3A_195 = tpu.memref_slice %arg8[%add3A_187, %dma_wait3A_194] : memref<80x64xi32, #tpu.memory_space<vmem>> -> memref<1x64xi32, #tpu.memory_space<vmem>>
      %dma_wait3A_196 = tpu.memref_squeeze %dma_wait3A_195 : memref<1x64xi32, #tpu.memory_space<vmem>> -> memref<64xi32, #tpu.memory_space<vmem>>
      %dma_wait3A_197 = arith.constant 0 : i32
      %dma_wait3A_198 = arith.constant 0 : i32
      %dma_wait3A_199 = tpu.memref_slice %arg15[%dma_wait3A_197, %dma_wait3A_198] : memref<10240x128xf32, #tpu.memory_space<vmem_shared>> -> memref<10240x128xf32, #tpu.memory_space<vmem_shared>>
      tpu.wait_indirect_dma semaphore(%arg21 : memref<!tpu.dma_semaphore, #tpu.memory_space<semaphore_mem>>) src(%arg14 : memref<64x128xf32, #tpu.memory_space<vmem>>) dst(%dma_wait3A_199 : memref<10240x128xf32, #tpu.memory_space<vmem_shared>>)
      %scan3A_200 = arith.constant 0 : i32
      %scan3A_201 = arith.constant 0 : i32
      %scan3A_202 = arith.constant 64 : i32
      %scan3A_203 = arith.addi %scan3A_201, %scan3A_202 : i32
      %scan3A_204 = arith.constant 1 : i32
      scf.for %scan3A_217 = %scan3A_201 to %scan3A_203 step %scan3A_204  : i32 {
        %get3A = arith.index_cast %scan3A_217 : i32 to index
        %get3A_218 = arith.constant 0 : index
        %get3A_219 = tpu.vector_load %arg12[%get3A, %get3A_218] {strides = array<i32>} : memref<64x64xi32, #tpu.memory_space<vmem>>, vector<16xi32>,
        %shift_left3A = arith.constant 16 : i32
        %shift_left3A_220 = vector.broadcast %shift_left3A : i32 to vector<16xi32>
        %shift_left3A_221 = arith.shli %get3A_219, %shift_left3A_220 : vector<16xi32>
        %bitcast3A = vector.bitcast %shift_left3A_221 : vector<16xi32> to vector<16xf32>
        %and3A = arith.andi %get3A_219, %broadcast_in_dim3A_5 : vector<16xi32>
        %bitcast3A_222 = vector.bitcast %and3A : vector<16xi32> to vector<16xf32>
        %swap3A = arith.index_cast %scan3A_217 : i32 to index
        %swap3A_223 = arith.constant 0 : index
        %swap3A_224 = tpu.vector_load %arg14[%swap3A, %swap3A_223] {strides = array<i32>} : memref<64x128xf32, #tpu.memory_space<vmem>>, vector<16xf32>,
        tpu.vector_store %arg14[%swap3A, %swap3A_223], %bitcast3A {strides = array<i32>} : memref<64x128xf32, #tpu.memory_space<vmem>>, vector<16xf32>,
        %swap3A_225 = arith.index_cast %scan3A_217 : i32 to index
        %swap3A_226 = arith.constant 64 : index
        %swap3A_227 = tpu.vector_load %arg14[%swap3A_225, %swap3A_226] {strides = array<i32>} : memref<64x128xf32, #tpu.memory_space<vmem>>, vector<16xf32>,
        tpu.vector_store %arg14[%swap3A_225, %swap3A_226], %bitcast3A_222 {strides = array<i32>} : memref<64x128xf32, #tpu.memory_space<vmem>>, vector<16xf32>,
        %get3A_228 = arith.index_cast %scan3A_217 : i32 to index
        %get3A_229 = arith.constant 16 : index
        %get3A_230 = tpu.vector_load %arg12[%get3A_228, %get3A_229] {strides = array<i32>} : memref<64x64xi32, #tpu.memory_space<vmem>>, vector<16xi32>,
        %shift_left3A_231 = arith.constant 16 : i32
        %shift_left3A_232 = vector.broadcast %shift_left3A_231 : i32 to vector<16xi32>
        %shift_left3A_233 = arith.shli %get3A_230, %shift_left3A_232 : vector<16xi32>
        %bitcast3A_234 = vector.bitcast %shift_left3A_233 : vector<16xi32> to vector<16xf32>
        %and3A_235 = arith.andi %get3A_230, %broadcast_in_dim3A_5 : vector<16xi32>
        %bitcast3A_236 = vector.bitcast %and3A_235 : vector<16xi32> to vector<16xf32>
        %swap3A_237 = arith.index_cast %scan3A_217 : i32 to index
        %swap3A_238 = arith.constant 16 : index
        %swap3A_239 = tpu.vector_load %arg14[%swap3A_237, %swap3A_238] {strides = array<i32>} : memref<64x128xf32, #tpu.memory_space<vmem>>, vector<16xf32>,
        tpu.vector_store %arg14[%swap3A_237, %swap3A_238], %bitcast3A_234 {strides = array<i32>} : memref<64x128xf32, #tpu.memory_space<vmem>>, vector<16xf32>,
        %swap3A_240 = arith.index_cast %scan3A_217 : i32 to index
        %swap3A_241 = arith.constant 80 : index
        %swap3A_242 = tpu.vector_load %arg14[%swap3A_240, %swap3A_241] {strides = array<i32>} : memref<64x128xf32, #tpu.memory_space<vmem>>, vector<16xf32>,
        tpu.vector_store %arg14[%swap3A_240, %swap3A_241], %bitcast3A_236 {strides = array<i32>} : memref<64x128xf32, #tpu.memory_space<vmem>>, vector<16xf32>,
        %get3A_243 = arith.index_cast %scan3A_217 : i32 to index
        %get3A_244 = arith.constant 32 : index
        %get3A_245 = tpu.vector_load %arg12[%get3A_243, %get3A_244] {strides = array<i32>} : memref<64x64xi32, #tpu.memory_space<vmem>>, vector<16xi32>,
        %shift_left3A_246 = arith.constant 16 : i32
        %shift_left3A_247 = vector.broadcast %shift_left3A_246 : i32 to vector<16xi32>
        %shift_left3A_248 = arith.shli %get3A_245, %shift_left3A_247 : vector<16xi32>
        %bitcast3A_249 = vector.bitcast %shift_left3A_248 : vector<16xi32> to vector<16xf32>
        %and3A_250 = arith.andi %get3A_245, %broadcast_in_dim3A_5 : vector<16xi32>
        %bitcast3A_251 = vector.bitcast %and3A_250 : vector<16xi32> to vector<16xf32>
        %swap3A_252 = arith.index_cast %scan3A_217 : i32 to index
        %swap3A_253 = arith.constant 32 : index
        %swap3A_254 = tpu.vector_load %arg14[%swap3A_252, %swap3A_253] {strides = array<i32>} : memref<64x128xf32, #tpu.memory_space<vmem>>, vector<16xf32>,
        tpu.vector_store %arg14[%swap3A_252, %swap3A_253], %bitcast3A_249 {strides = array<i32>} : memref<64x128xf32, #tpu.memory_space<vmem>>, vector<16xf32>,
        %swap3A_255 = arith.index_cast %scan3A_217 : i32 to index
        %swap3A_256 = arith.constant 96 : index
        %swap3A_257 = tpu.vector_load %arg14[%swap3A_255, %swap3A_256] {strides = array<i32>} : memref<64x128xf32, #tpu.memory_space<vmem>>, vector<16xf32>,
        tpu.vector_store %arg14[%swap3A_255, %swap3A_256], %bitcast3A_251 {strides = array<i32>} : memref<64x128xf32, #tpu.memory_space<vmem>>, vector<16xf32>,
        %get3A_258 = arith.index_cast %scan3A_217 : i32 to index
        %get3A_259 = arith.constant 48 : index
        %get3A_260 = tpu.vector_load %arg12[%get3A_258, %get3A_259] {strides = array<i32>} : memref<64x64xi32, #tpu.memory_space<vmem>>, vector<16xi32>,
        %shift_left3A_261 = arith.constant 16 : i32
        %shift_left3A_262 = vector.broadcast %shift_left3A_261 : i32 to vector<16xi32>
        %shift_left3A_263 = arith.shli %get3A_260, %shift_left3A_262 : vector<16xi32>
        %bitcast3A_264 = vector.bitcast %shift_left3A_263 : vector<16xi32> to vector<16xf32>
        %and3A_265 = arith.andi %get3A_260, %broadcast_in_dim3A_5 : vector<16xi32>
        %bitcast3A_266 = vector.bitcast %and3A_265 : vector<16xi32> to vector<16xf32>
        %swap3A_267 = arith.index_cast %scan3A_217 : i32 to index
        %swap3A_268 = arith.constant 48 : index
        %swap3A_269 = tpu.vector_load %arg14[%swap3A_267, %swap3A_268] {strides = array<i32>} : memref<64x128xf32, #tpu.memory_space<vmem>>, vector<16xf32>,
        tpu.vector_store %arg14[%swap3A_267, %swap3A_268], %bitcast3A_264 {strides = array<i32>} : memref<64x128xf32, #tpu.memory_space<vmem>>, vector<16xf32>,
        %swap3A_270 = arith.index_cast %scan3A_217 : i32 to index
        %swap3A_271 = arith.constant 112 : index
        %swap3A_272 = tpu.vector_load %arg14[%swap3A_270, %swap3A_271] {strides = array<i32>} : memref<64x128xf32, #tpu.memory_space<vmem>>, vector<16xf32>,
        tpu.vector_store %arg14[%swap3A_270, %swap3A_271], %bitcast3A_266 {strides = array<i32>} : memref<64x128xf32, #tpu.memory_space<vmem>>, vector<16xf32>,
      }
      %scan3A_205 = arith.constant 64 : i32
      %dma_start3A_206 = arith.constant 0 : i32
      %dma_start3A_207 = tpu.memref_slice %arg8[%add3A_187, %dma_start3A_206] : memref<80x64xi32, #tpu.memory_space<vmem>> -> memref<1x64xi32, #tpu.memory_space<vmem>>
      %dma_start3A_208 = tpu.memref_squeeze %dma_start3A_207 : memref<1x64xi32, #tpu.memory_space<vmem>> -> memref<64xi32, #tpu.memory_space<vmem>>
      %dma_start3A_209 = arith.constant 0 : i32
      %dma_start3A_210 = arith.constant 0 : i32
      %dma_start3A_211 = tpu.memref_slice %arg15[%dma_start3A_209, %dma_start3A_210] : memref<10240x128xf32, #tpu.memory_space<vmem_shared>> -> memref<10240x128xf32, #tpu.memory_space<vmem_shared>>
      tpu.enqueue_indirect_dma source(%arg14 : memref<64x128xf32, #tpu.memory_space<vmem>>) target(%dma_start3A_211 : memref<10240x128xf32, #tpu.memory_space<vmem_shared>>) offsets(%dma_start3A_208 : memref<64xi32, #tpu.memory_space<vmem>>) semaphore(%arg21 : memref<!tpu.dma_semaphore, #tpu.memory_space<semaphore_mem>>) {add = true}
      %lt3A_212 = arith.constant 19 : i32
      %lt3A_213 = arith.cmpi slt, %scan3A_90, %lt3A_212 : i32
      %convert_element_type3A_214 = arith.extui %lt3A_213 : i1 to i32
      %cond3A_215 = arith.constant 0 : i32
      %cond3A_216 = arith.cmpi ne, %convert_element_type3A_214, %cond3A_215 : i32
      scf.if %cond3A_216 {
        %add3A_217 = arith.constant 4 : i32
        %add3A_218 = arith.addi %add3A_187, %add3A_217 : i32
        %dma_start3A_219 = arith.constant 0 : i32
        %dma_start3A_220 = tpu.memref_slice %arg7[%add3A_218, %dma_start3A_219] : memref<80x64xi32, #tpu.memory_space<vmem>> -> memref<1x64xi32, #tpu.memory_space<vmem>>
        %dma_start3A_221 = tpu.memref_squeeze %dma_start3A_220 : memref<1x64xi32, #tpu.memory_space<vmem>> -> memref<64xi32, #tpu.memory_space<vmem>>
        %dma_start3A_222 = arith.constant 0 : i32
        %dma_start3A_223 = arith.constant 0 : i32
        %dma_start3A_224 = tpu.memref_slice %arg2[%dma_start3A_222, %dma_start3A_223] : memref<10240x64xi32, #tpu.memory_space<hbm>> -> memref<10240x64xi32, #tpu.memory_space<hbm>>
        tpu.enqueue_indirect_dma source(%dma_start3A_224 : memref<10240x64xi32, #tpu.memory_space<hbm>>) target(%arg12 : memref<64x64xi32, #tpu.memory_space<vmem>>) offsets(%dma_start3A_221 : memref<64xi32, #tpu.memory_space<vmem>>) semaphore(%arg19 : memref<!tpu.dma_semaphore, #tpu.memory_space<semaphore_mem>>)
      } else {
      }
    }
    %scan3A_37 = arith.constant 20 : i32
    "tpu.region"() ({
      %run_scoped3A = tpu.sem_alloc : memref<!tpu.dma_semaphore, #tpu.memory_space<semaphore_mem>>
      %dma_start3A_90 = arith.constant 80 : i32
      %dma_start3A_91 = arith.constant 0 : i32
      %dma_start3A_92 = tpu.memref_slice %arg4[%add3A, %dma_start3A_90, %dma_start3A_91] : memref<32x160x64xi32, #tpu.memory_space<hbm>> -> memref<1x80x64xi32, #tpu.memory_space<hbm>>
      %dma_start3A_93 = tpu.memref_squeeze %dma_start3A_92 : memref<1x80x64xi32, #tpu.memory_space<hbm>> -> memref<80x64xi32, #tpu.memory_space<hbm>>
      %dma_start3A_94 = arith.constant 80 : i32
      %dma_start3A_95 = arith.constant 0 : i32
      %dma_start3A_96 = tpu.memref_slice %arg4[%add3A, %dma_start3A_94, %dma_start3A_95] : memref<32x160x64xi32, #tpu.memory_space<hbm>> -> memref<1x80x64xi32, #tpu.memory_space<hbm>>
      %dma_start3A_97 = tpu.memref_squeeze %dma_start3A_96 : memref<1x80x64xi32, #tpu.memory_space<hbm>> -> memref<80x64xi32, #tpu.memory_space<hbm>>
      tpu.enqueue_dma source(%dma_start3A_97 : memref<80x64xi32, #tpu.memory_space<hbm>>) target(%arg7 : memref<80x64xi32, #tpu.memory_space<vmem>>) target_semaphore(%run_scoped3A : memref<!tpu.dma_semaphore, #tpu.memory_space<semaphore_mem>>)
      %dma_wait3A_98 = arith.constant 80 : i32
      %dma_wait3A_99 = arith.constant 0 : i32
      %dma_wait3A_100 = tpu.memref_slice %arg4[%add3A, %dma_wait3A_98, %dma_wait3A_99] : memref<32x160x64xi32, #tpu.memory_space<hbm>> -> memref<1x80x64xi32, #tpu.memory_space<hbm>>
      %dma_wait3A_101 = tpu.memref_squeeze %dma_wait3A_100 : memref<1x80x64xi32, #tpu.memory_space<hbm>> -> memref<80x64xi32, #tpu.memory_space<hbm>>
      %dma_wait3A_102 = arith.constant 80 : i32
      %dma_wait3A_103 = arith.constant 0 : i32
      %dma_wait3A_104 = tpu.memref_slice %arg4[%add3A, %dma_wait3A_102, %dma_wait3A_103] : memref<32x160x64xi32, #tpu.memory_space<hbm>> -> memref<1x80x64xi32, #tpu.memory_space<hbm>>
      %dma_wait3A_105 = tpu.memref_squeeze %dma_wait3A_104 : memref<1x80x64xi32, #tpu.memory_space<hbm>> -> memref<80x64xi32, #tpu.memory_space<hbm>>
      tpu.wait_dma2 semaphore(%run_scoped3A : memref<!tpu.dma_semaphore, #tpu.memory_space<semaphore_mem>>) src(%dma_wait3A_105 : memref<80x64xi32, #tpu.memory_space<hbm>>) dst(%arg7 : memref<80x64xi32, #tpu.memory_space<vmem>>)
      tpu.yield
    }) : () -> ()
    "tpu.region"() ({
      %run_scoped3A = tpu.sem_alloc : memref<!tpu.dma_semaphore, #tpu.memory_space<semaphore_mem>>
      %dma_start3A_90 = arith.constant 80 : i32
      %dma_start3A_91 = arith.constant 0 : i32
      %dma_start3A_92 = tpu.memref_slice %arg5[%add3A, %dma_start3A_90, %dma_start3A_91] : memref<32x160x64xi32, #tpu.memory_space<hbm>> -> memref<1x80x64xi32, #tpu.memory_space<hbm>>
      %dma_start3A_93 = tpu.memref_squeeze %dma_start3A_92 : memref<1x80x64xi32, #tpu.memory_space<hbm>> -> memref<80x64xi32, #tpu.memory_space<hbm>>
      %dma_start3A_94 = arith.constant 80 : i32
      %dma_start3A_95 = arith.constant 0 : i32
      %dma_start3A_96 = tpu.memref_slice %arg5[%add3A, %dma_start3A_94, %dma_start3A_95] : memref<32x160x64xi32, #tpu.memory_space<hbm>> -> memref<1x80x64xi32, #tpu.memory_space<hbm>>
      %dma_start3A_97 = tpu.memref_squeeze %dma_start3A_96 : memref<1x80x64xi32, #tpu.memory_space<hbm>> -> memref<80x64xi32, #tpu.memory_space<hbm>>
      tpu.enqueue_dma source(%dma_start3A_97 : memref<80x64xi32, #tpu.memory_space<hbm>>) target(%arg8 : memref<80x64xi32, #tpu.memory_space<vmem>>) target_semaphore(%run_scoped3A : memref<!tpu.dma_semaphore, #tpu.memory_space<semaphore_mem>>)
      %dma_wait3A_98 = arith.constant 80 : i32
      %dma_wait3A_99 = arith.constant 0 : i32
      %dma_wait3A_100 = tpu.memref_slice %arg5[%add3A, %dma_wait3A_98, %dma_wait3A_99] : memref<32x160x64xi32, #tpu.memory_space<hbm>> -> memref<1x80x64xi32, #tpu.memory_space<hbm>>
      %dma_wait3A_101 = tpu.memref_squeeze %dma_wait3A_100 : memref<1x80x64xi32, #tpu.memory_space<hbm>> -> memref<80x64xi32, #tpu.memory_space<hbm>>
      %dma_wait3A_102 = arith.constant 80 : i32
      %dma_wait3A_103 = arith.constant 0 : i32
      %dma_wait3A_104 = tpu.memref_slice %arg5[%add3A, %dma_wait3A_102, %dma_wait3A_103] : memref<32x160x64xi32, #tpu.memory_space<hbm>> -> memref<1x80x64xi32, #tpu.memory_space<hbm>>
      %dma_wait3A_105 = tpu.memref_squeeze %dma_wait3A_104 : memref<1x80x64xi32, #tpu.memory_space<hbm>> -> memref<80x64xi32, #tpu.memory_space<hbm>>
      tpu.wait_dma2 semaphore(%run_scoped3A : memref<!tpu.dma_semaphore, #tpu.memory_space<semaphore_mem>>) src(%dma_wait3A_105 : memref<80x64xi32, #tpu.memory_space<hbm>>) dst(%arg8 : memref<80x64xi32, #tpu.memory_space<vmem>>)
      tpu.yield
    }) : () -> ()
    %dma_start3A_38 = arith.constant 0 : i32
    %dma_start3A_39 = arith.constant 0 : i32
    %dma_start3A_40 = tpu.memref_slice %arg7[%dma_start3A_38, %dma_start3A_39] : memref<80x64xi32, #tpu.memory_space<vmem>> -> memref<1x64xi32, #tpu.memory_space<vmem>>
    %dma_start3A_41 = tpu.memref_squeeze %dma_start3A_40 : memref<1x64xi32, #tpu.memory_space<vmem>> -> memref<64xi32, #tpu.memory_space<vmem>>
    %dma_start3A_42 = arith.constant 0 : i32
    %dma_start3A_43 = arith.constant 0 : i32
    %dma_start3A_44 = tpu.memref_slice %arg2[%dma_start3A_42, %dma_start3A_43] : memref<10240x64xi32, #tpu.memory_space<hbm>> -> memref<10240x64xi32, #tpu.memory_space<hbm>>
    tpu.enqueue_indirect_dma source(%dma_start3A_44 : memref<10240x64xi32, #tpu.memory_space<hbm>>) target(%arg9 : memref<64x64xi32, #tpu.memory_space<vmem>>) offsets(%dma_start3A_41 : memref<64xi32, #tpu.memory_space<vmem>>) semaphore(%arg16 : memref<!tpu.dma_semaphore, #tpu.memory_space<semaphore_mem>>)
    %dma_start3A_45 = arith.constant 1 : i32
    %dma_start3A_46 = arith.constant 0 : i32
    %dma_start3A_47 = tpu.memref_slice %arg7[%dma_start3A_45, %dma_start3A_46] : memref<80x64xi32, #tpu.memory_space<vmem>> -> memref<1x64xi32, #tpu.memory_space<vmem>>
    %dma_start3A_48 = tpu.memref_squeeze %dma_start3A_47 : memref<1x64xi32, #tpu.memory_space<vmem>> -> memref<64xi32, #tpu.memory_space<vmem>>
    %dma_start3A_49 = arith.constant 0 : i32
    %dma_start3A_50 = arith.constant 0 : i32
    %dma_start3A_51 = tpu.memref_slice %arg2[%dma_start3A_49, %dma_start3A_50] : memref<10240x64xi32, #tpu.memory_space<hbm>> -> memref<10240x64xi32, #tpu.memory_space<hbm>>
    tpu.enqueue_indirect_dma source(%dma_start3A_51 : memref<10240x64xi32, #tpu.memory_space<hbm>>) target(%arg10 : memref<64x64xi32, #tpu.memory_space<vmem>>) offsets(%dma_start3A_48 : memref<64xi32, #tpu.memory_space<vmem>>) semaphore(%arg17 : memref<!tpu.dma_semaphore, #tpu.memory_space<semaphore_mem>>)
    %dma_start3A_52 = arith.constant 2 : i32
    %dma_start3A_53 = arith.constant 0 : i32
    %dma_start3A_54 = tpu.memref_slice %arg7[%dma_start3A_52, %dma_start3A_53] : memref<80x64xi32, #tpu.memory_space<vmem>> -> memref<1x64xi32, #tpu.memory_space<vmem>>
    %dma_start3A_55 = tpu.memref_squeeze %dma_start3A_54 : memref<1x64xi32, #tpu.memory_space<vmem>> -> memref<64xi32, #tpu.memory_space<vmem>>
    %dma_start3A_56 = arith.constant 0 : i32
    %dma_start3A_57 = arith.constant 0 : i32
    %dma_start3A_58 = tpu.memref_slice %arg2[%dma_start3A_56, %dma_start3A_57] : memref<10240x64xi32, #tpu.memory_space<hbm>> -> memref<10240x64xi32, #tpu.memory_space<hbm>>
    tpu.enqueue_indirect_dma source(%dma_start3A_58 : memref<10240x64xi32, #tpu.memory_space<hbm>>) target(%arg11 : memref<64x64xi32, #tpu.memory_space<vmem>>) offsets(%dma_start3A_55 : memref<64xi32, #tpu.memory_space<vmem>>) semaphore(%arg18 : memref<!tpu.dma_semaphore, #tpu.memory_space<semaphore_mem>>)
    %dma_start3A_59 = arith.constant 3 : i32
    %dma_start3A_60 = arith.constant 0 : i32
    %dma_start3A_61 = tpu.memref_slice %arg7[%dma_start3A_59, %dma_start3A_60] : memref<80x64xi32, #tpu.memory_space<vmem>> -> memref<1x64xi32, #tpu.memory_space<vmem>>
    %dma_start3A_62 = tpu.memref_squeeze %dma_start3A_61 : memref<1x64xi32, #tpu.memory_space<vmem>> -> memref<64xi32, #tpu.memory_space<vmem>>
    %dma_start3A_63 = arith.constant 0 : i32
    %dma_start3A_64 = arith.constant 0 : i32
    %dma_start3A_65 = tpu.memref_slice %arg2[%dma_start3A_63, %dma_start3A_64] : memref<10240x64xi32, #tpu.memory_space<hbm>> -> memref<10240x64xi32, #tpu.memory_space<hbm>>
    tpu.enqueue_indirect_dma source(%dma_start3A_65 : memref<10240x64xi32, #tpu.memory_space<hbm>>) target(%arg12 : memref<64x64xi32, #tpu.memory_space<vmem>>) offsets(%dma_start3A_62 : memref<64xi32, #tpu.memory_space<vmem>>) semaphore(%arg19 : memref<!tpu.dma_semaphore, #tpu.memory_space<semaphore_mem>>)
    %scan3A_66 = arith.constant 0 : i32
    %scan3A_67 = arith.constant 0 : i32
    %scan3A_68 = arith.constant 20 : i32
    %scan3A_69 = arith.addi %scan3A_67, %scan3A_68 : i32
    %scan3A_70 = arith.constant 1 : i32
    scf.for %scan3A_90 = %scan3A_67 to %scan3A_69 step %scan3A_70  : i32 {
      %mul3A_91 = arith.constant 4 : i32
      %mul3A_92 = arith.muli %scan3A_90, %mul3A_91 : i32
      %add3A_93 = arith.constant 0 : i32
      %add3A_94 = arith.addi %mul3A_92, %add3A_93 : i32
      %dma_wait3A_95 = arith.constant 0 : i32
      %dma_wait3A_96 = tpu.memref_slice %arg7[%add3A_94, %dma_wait3A_95] : memref<80x64xi32, #tpu.memory_space<vmem>> -> memref<1x64xi32, #tpu.memory_space<vmem>>
      %dma_wait3A_97 = tpu.memref_squeeze %dma_wait3A_96 : memref<1x64xi32, #tpu.memory_space<vmem>> -> memref<64xi32, #tpu.memory_space<vmem>>
      %dma_wait3A_98 = arith.constant 0 : i32
      %dma_wait3A_99 = arith.constant 0 : i32
      %dma_wait3A_100 = tpu.memref_slice %arg2[%dma_wait3A_98, %dma_wait3A_99] : memref<10240x64xi32, #tpu.memory_space<hbm>> -> memref<10240x64xi32, #tpu.memory_space<hbm>>
      tpu.wait_indirect_dma semaphore(%arg16 : memref<!tpu.dma_semaphore, #tpu.memory_space<semaphore_mem>>) src(%dma_wait3A_100 : memref<10240x64xi32, #tpu.memory_space<hbm>>) dst(%arg9 : memref<64x64xi32, #tpu.memory_space<vmem>>)
      %dma_wait3A_101 = arith.constant 0 : i32
      %dma_wait3A_102 = tpu.memref_slice %arg8[%add3A_94, %dma_wait3A_101] : memref<80x64xi32, #tpu.memory_space<vmem>> -> memref<1x64xi32, #tpu.memory_space<vmem>>
      %dma_wait3A_103 = tpu.memref_squeeze %dma_wait3A_102 : memref<1x64xi32, #tpu.memory_space<vmem>> -> memref<64xi32, #tpu.memory_space<vmem>>
      %dma_wait3A_104 = arith.constant 0 : i32
      %dma_wait3A_105 = arith.constant 0 : i32
      %dma_wait3A_106 = tpu.memref_slice %arg15[%dma_wait3A_104, %dma_wait3A_105] : memref<10240x128xf32, #tpu.memory_space<vmem_shared>> -> memref<10240x128xf32, #tpu.memory_space<vmem_shared>>
      tpu.wait_indirect_dma semaphore(%arg20 : memref<!tpu.dma_semaphore, #tpu.memory_space<semaphore_mem>>) src(%arg13 : memref<64x128xf32, #tpu.memory_space<vmem>>) dst(%dma_wait3A_106 : memref<10240x128xf32, #tpu.memory_space<vmem_shared>>)
      %scan3A_107 = arith.constant 0 : i32
      %scan3A_108 = arith.constant 0 : i32
      %scan3A_109 = arith.constant 64 : i32
      %scan3A_110 = arith.addi %scan3A_108, %scan3A_109 : i32
      %scan3A_111 = arith.constant 1 : i32
      scf.for %scan3A_220 = %scan3A_108 to %scan3A_110 step %scan3A_111  : i32 {
        %get3A = arith.index_cast %scan3A_220 : i32 to index
        %get3A_221 = arith.constant 0 : index
        %get3A_222 = tpu.vector_load %arg9[%get3A, %get3A_221] {strides = array<i32>} : memref<64x64xi32, #tpu.memory_space<vmem>>, vector<16xi32>,
        %shift_left3A = arith.constant 16 : i32
        %shift_left3A_223 = vector.broadcast %shift_left3A : i32 to vector<16xi32>
        %shift_left3A_224 = arith.shli %get3A_222, %shift_left3A_223 : vector<16xi32>
        %bitcast3A = vector.bitcast %shift_left3A_224 : vector<16xi32> to vector<16xf32>
        %and3A = arith.andi %get3A_222, %broadcast_in_dim3A_5 : vector<16xi32>
        %bitcast3A_225 = vector.bitcast %and3A : vector<16xi32> to vector<16xf32>
        %swap3A = arith.index_cast %scan3A_220 : i32 to index
        %swap3A_226 = arith.constant 0 : index
        %swap3A_227 = tpu.vector_load %arg13[%swap3A, %swap3A_226] {strides = array<i32>} : memref<64x128xf32, #tpu.memory_space<vmem>>, vector<16xf32>,
        tpu.vector_store %arg13[%swap3A, %swap3A_226], %bitcast3A {strides = array<i32>} : memref<64x128xf32, #tpu.memory_space<vmem>>, vector<16xf32>,
        %swap3A_228 = arith.index_cast %scan3A_220 : i32 to index
        %swap3A_229 = arith.constant 64 : index
        %swap3A_230 = tpu.vector_load %arg13[%swap3A_228, %swap3A_229] {strides = array<i32>} : memref<64x128xf32, #tpu.memory_space<vmem>>, vector<16xf32>,
        tpu.vector_store %arg13[%swap3A_228, %swap3A_229], %bitcast3A_225 {strides = array<i32>} : memref<64x128xf32, #tpu.memory_space<vmem>>, vector<16xf32>,
        %get3A_231 = arith.index_cast %scan3A_220 : i32 to index
        %get3A_232 = arith.constant 16 : index
        %get3A_233 = tpu.vector_load %arg9[%get3A_231, %get3A_232] {strides = array<i32>} : memref<64x64xi32, #tpu.memory_space<vmem>>, vector<16xi32>,
        %shift_left3A_234 = arith.constant 16 : i32
        %shift_left3A_235 = vector.broadcast %shift_left3A_234 : i32 to vector<16xi32>
        %shift_left3A_236 = arith.shli %get3A_233, %shift_left3A_235 : vector<16xi32>
        %bitcast3A_237 = vector.bitcast %shift_left3A_236 : vector<16xi32> to vector<16xf32>
        %and3A_238 = arith.andi %get3A_233, %broadcast_in_dim3A_5 : vector<16xi32>
        %bitcast3A_239 = vector.bitcast %and3A_238 : vector<16xi32> to vector<16xf32>
        %swap3A_240 = arith.index_cast %scan3A_220 : i32 to index
        %swap3A_241 = arith.constant 16 : index
        %swap3A_242 = tpu.vector_load %arg13[%swap3A_240, %swap3A_241] {strides = array<i32>} : memref<64x128xf32, #tpu.memory_space<vmem>>, vector<16xf32>,
        tpu.vector_store %arg13[%swap3A_240, %swap3A_241], %bitcast3A_237 {strides = array<i32>} : memref<64x128xf32, #tpu.memory_space<vmem>>, vector<16xf32>,
        %swap3A_243 = arith.index_cast %scan3A_220 : i32 to index
        %swap3A_244 = arith.constant 80 : index
        %swap3A_245 = tpu.vector_load %arg13[%swap3A_243, %swap3A_244] {strides = array<i32>} : memref<64x128xf32, #tpu.memory_space<vmem>>, vector<16xf32>,
        tpu.vector_store %arg13[%swap3A_243, %swap3A_244], %bitcast3A_239 {strides = array<i32>} : memref<64x128xf32, #tpu.memory_space<vmem>>, vector<16xf32>,
        %get3A_246 = arith.index_cast %scan3A_220 : i32 to index
        %get3A_247 = arith.constant 32 : index
        %get3A_248 = tpu.vector_load %arg9[%get3A_246, %get3A_247] {strides = array<i32>} : memref<64x64xi32, #tpu.memory_space<vmem>>, vector<16xi32>,
        %shift_left3A_249 = arith.constant 16 : i32
        %shift_left3A_250 = vector.broadcast %shift_left3A_249 : i32 to vector<16xi32>
        %shift_left3A_251 = arith.shli %get3A_248, %shift_left3A_250 : vector<16xi32>
        %bitcast3A_252 = vector.bitcast %shift_left3A_251 : vector<16xi32> to vector<16xf32>
        %and3A_253 = arith.andi %get3A_248, %broadcast_in_dim3A_5 : vector<16xi32>
        %bitcast3A_254 = vector.bitcast %and3A_253 : vector<16xi32> to vector<16xf32>
        %swap3A_255 = arith.index_cast %scan3A_220 : i32 to index
        %swap3A_256 = arith.constant 32 : index
        %swap3A_257 = tpu.vector_load %arg13[%swap3A_255, %swap3A_256] {strides = array<i32>} : memref<64x128xf32, #tpu.memory_space<vmem>>, vector<16xf32>,
        tpu.vector_store %arg13[%swap3A_255, %swap3A_256], %bitcast3A_252 {strides = array<i32>} : memref<64x128xf32, #tpu.memory_space<vmem>>, vector<16xf32>,
        %swap3A_258 = arith.index_cast %scan3A_220 : i32 to index
        %swap3A_259 = arith.constant 96 : index
        %swap3A_260 = tpu.vector_load %arg13[%swap3A_258, %swap3A_259] {strides = array<i32>} : memref<64x128xf32, #tpu.memory_space<vmem>>, vector<16xf32>,
        tpu.vector_store %arg13[%swap3A_258, %swap3A_259], %bitcast3A_254 {strides = array<i32>} : memref<64x128xf32, #tpu.memory_space<vmem>>, vector<16xf32>,
        %get3A_261 = arith.index_cast %scan3A_220 : i32 to index
        %get3A_262 = arith.constant 48 : index
        %get3A_263 = tpu.vector_load %arg9[%get3A_261, %get3A_262] {strides = array<i32>} : memref<64x64xi32, #tpu.memory_space<vmem>>, vector<16xi32>,
        %shift_left3A_264 = arith.constant 16 : i32
        %shift_left3A_265 = vector.broadcast %shift_left3A_264 : i32 to vector<16xi32>
        %shift_left3A_266 = arith.shli %get3A_263, %shift_left3A_265 : vector<16xi32>
        %bitcast3A_267 = vector.bitcast %shift_left3A_266 : vector<16xi32> to vector<16xf32>
        %and3A_268 = arith.andi %get3A_263, %broadcast_in_dim3A_5 : vector<16xi32>
        %bitcast3A_269 = vector.bitcast %and3A_268 : vector<16xi32> to vector<16xf32>
        %swap3A_270 = arith.index_cast %scan3A_220 : i32 to index
        %swap3A_271 = arith.constant 48 : index
        %swap3A_272 = tpu.vector_load %arg13[%swap3A_270, %swap3A_271] {strides = array<i32>} : memref<64x128xf32, #tpu.memory_space<vmem>>, vector<16xf32>,
        tpu.vector_store %arg13[%swap3A_270, %swap3A_271], %bitcast3A_267 {strides = array<i32>} : memref<64x128xf32, #tpu.memory_space<vmem>>, vector<16xf32>,
        %swap3A_273 = arith.index_cast %scan3A_220 : i32 to index
        %swap3A_274 = arith.constant 112 : index
        %swap3A_275 = tpu.vector_load %arg13[%swap3A_273, %swap3A_274] {strides = array<i32>} : memref<64x128xf32, #tpu.memory_space<vmem>>, vector<16xf32>,
        tpu.vector_store %arg13[%swap3A_273, %swap3A_274], %bitcast3A_269 {strides = array<i32>} : memref<64x128xf32, #tpu.memory_space<vmem>>, vector<16xf32>,
      }
      %scan3A_112 = arith.constant 64 : i32
      %dma_start3A_113 = arith.constant 0 : i32
      %dma_start3A_114 = tpu.memref_slice %arg8[%add3A_94, %dma_start3A_113] : memref<80x64xi32, #tpu.memory_space<vmem>> -> memref<1x64xi32, #tpu.memory_space<vmem>>
      %dma_start3A_115 = tpu.memref_squeeze %dma_start3A_114 : memref<1x64xi32, #tpu.memory_space<vmem>> -> memref<64xi32, #tpu.memory_space<vmem>>
      %dma_start3A_116 = arith.constant 0 : i32
      %dma_start3A_117 = arith.constant 0 : i32
      %dma_start3A_118 = tpu.memref_slice %arg15[%dma_start3A_116, %dma_start3A_117] : memref<10240x128xf32, #tpu.memory_space<vmem_shared>> -> memref<10240x128xf32, #tpu.memory_space<vmem_shared>>
      tpu.enqueue_indirect_dma source(%arg13 : memref<64x128xf32, #tpu.memory_space<vmem>>) target(%dma_start3A_118 : memref<10240x128xf32, #tpu.memory_space<vmem_shared>>) offsets(%dma_start3A_115 : memref<64xi32, #tpu.memory_space<vmem>>) semaphore(%arg20 : memref<!tpu.dma_semaphore, #tpu.memory_space<semaphore_mem>>) {add = true}
      %lt3A = arith.constant 19 : i32
      %lt3A_119 = arith.cmpi slt, %scan3A_90, %lt3A : i32
      %convert_element_type3A = arith.extui %lt3A_119 : i1 to i32
      %cond3A = arith.constant 0 : i32
      %cond3A_120 = arith.cmpi ne, %convert_element_type3A, %cond3A : i32
      scf.if %cond3A_120 {
        %add3A_220 = arith.constant 4 : i32
        %add3A_221 = arith.addi %add3A_94, %add3A_220 : i32
        %dma_start3A_222 = arith.constant 0 : i32
        %dma_start3A_223 = tpu.memref_slice %arg7[%add3A_221, %dma_start3A_222] : memref<80x64xi32, #tpu.memory_space<vmem>> -> memref<1x64xi32, #tpu.memory_space<vmem>>
        %dma_start3A_224 = tpu.memref_squeeze %dma_start3A_223 : memref<1x64xi32, #tpu.memory_space<vmem>> -> memref<64xi32, #tpu.memory_space<vmem>>
        %dma_start3A_225 = arith.constant 0 : i32
        %dma_start3A_226 = arith.constant 0 : i32
        %dma_start3A_227 = tpu.memref_slice %arg2[%dma_start3A_225, %dma_start3A_226] : memref<10240x64xi32, #tpu.memory_space<hbm>> -> memref<10240x64xi32, #tpu.memory_space<hbm>>
        tpu.enqueue_indirect_dma source(%dma_start3A_227 : memref<10240x64xi32, #tpu.memory_space<hbm>>) target(%arg9 : memref<64x64xi32, #tpu.memory_space<vmem>>) offsets(%dma_start3A_224 : memref<64xi32, #tpu.memory_space<vmem>>) semaphore(%arg16 : memref<!tpu.dma_semaphore, #tpu.memory_space<semaphore_mem>>)
      } else {
      }
      %mul3A_121 = arith.constant 4 : i32
      %mul3A_122 = arith.muli %scan3A_90, %mul3A_121 : i32
      %add3A_123 = arith.constant 1 : i32
      %add3A_124 = arith.addi %mul3A_122, %add3A_123 : i32
      %dma_wait3A_125 = arith.constant 0 : i32
      %dma_wait3A_126 = tpu.memref_slice %arg7[%add3A_124, %dma_wait3A_125] : memref<80x64xi32, #tpu.memory_space<vmem>> -> memref<1x64xi32, #tpu.memory_space<vmem>>
      %dma_wait3A_127 = tpu.memref_squeeze %dma_wait3A_126 : memref<1x64xi32, #tpu.memory_space<vmem>> -> memref<64xi32, #tpu.memory_space<vmem>>
      %dma_wait3A_128 = arith.constant 0 : i32
      %dma_wait3A_129 = arith.constant 0 : i32
      %dma_wait3A_130 = tpu.memref_slice %arg2[%dma_wait3A_128, %dma_wait3A_129] : memref<10240x64xi32, #tpu.memory_space<hbm>> -> memref<10240x64xi32, #tpu.memory_space<hbm>>
      tpu.wait_indirect_dma semaphore(%arg17 : memref<!tpu.dma_semaphore, #tpu.memory_space<semaphore_mem>>) src(%dma_wait3A_130 : memref<10240x64xi32, #tpu.memory_space<hbm>>) dst(%arg10 : memref<64x64xi32, #tpu.memory_space<vmem>>)
      %dma_wait3A_131 = arith.constant 0 : i32
      %dma_wait3A_132 = tpu.memref_slice %arg8[%add3A_124, %dma_wait3A_131] : memref<80x64xi32, #tpu.memory_space<vmem>> -> memref<1x64xi32, #tpu.memory_space<vmem>>
      %dma_wait3A_133 = tpu.memref_squeeze %dma_wait3A_132 : memref<1x64xi32, #tpu.memory_space<vmem>> -> memref<64xi32, #tpu.memory_space<vmem>>
      %dma_wait3A_134 = arith.constant 0 : i32
      %dma_wait3A_135 = arith.constant 0 : i32
      %dma_wait3A_136 = tpu.memref_slice %arg15[%dma_wait3A_134, %dma_wait3A_135] : memref<10240x128xf32, #tpu.memory_space<vmem_shared>> -> memref<10240x128xf32, #tpu.memory_space<vmem_shared>>
      tpu.wait_indirect_dma semaphore(%arg21 : memref<!tpu.dma_semaphore, #tpu.memory_space<semaphore_mem>>) src(%arg14 : memref<64x128xf32, #tpu.memory_space<vmem>>) dst(%dma_wait3A_136 : memref<10240x128xf32, #tpu.memory_space<vmem_shared>>)
      %scan3A_137 = arith.constant 0 : i32
      %scan3A_138 = arith.constant 0 : i32
      %scan3A_139 = arith.constant 64 : i32
      %scan3A_140 = arith.addi %scan3A_138, %scan3A_139 : i32
      %scan3A_141 = arith.constant 1 : i32
      scf.for %scan3A_220 = %scan3A_138 to %scan3A_140 step %scan3A_141  : i32 {
        %get3A = arith.index_cast %scan3A_220 : i32 to index
        %get3A_221 = arith.constant 0 : index
        %get3A_222 = tpu.vector_load %arg10[%get3A, %get3A_221] {strides = array<i32>} : memref<64x64xi32, #tpu.memory_space<vmem>>, vector<16xi32>,
        %shift_left3A = arith.constant 16 : i32
        %shift_left3A_223 = vector.broadcast %shift_left3A : i32 to vector<16xi32>
        %shift_left3A_224 = arith.shli %get3A_222, %shift_left3A_223 : vector<16xi32>
        %bitcast3A = vector.bitcast %shift_left3A_224 : vector<16xi32> to vector<16xf32>
        %and3A = arith.andi %get3A_222, %broadcast_in_dim3A_5 : vector<16xi32>
        %bitcast3A_225 = vector.bitcast %and3A : vector<16xi32> to vector<16xf32>
        %swap3A = arith.index_cast %scan3A_220 : i32 to index
        %swap3A_226 = arith.constant 0 : index
        %swap3A_227 = tpu.vector_load %arg14[%swap3A, %swap3A_226] {strides = array<i32>} : memref<64x128xf32, #tpu.memory_space<vmem>>, vector<16xf32>,
        tpu.vector_store %arg14[%swap3A, %swap3A_226], %bitcast3A {strides = array<i32>} : memref<64x128xf32, #tpu.memory_space<vmem>>, vector<16xf32>,
        %swap3A_228 = arith.index_cast %scan3A_220 : i32 to index
        %swap3A_229 = arith.constant 64 : index
        %swap3A_230 = tpu.vector_load %arg14[%swap3A_228, %swap3A_229] {strides = array<i32>} : memref<64x128xf32, #tpu.memory_space<vmem>>, vector<16xf32>,
        tpu.vector_store %arg14[%swap3A_228, %swap3A_229], %bitcast3A_225 {strides = array<i32>} : memref<64x128xf32, #tpu.memory_space<vmem>>, vector<16xf32>,
        %get3A_231 = arith.index_cast %scan3A_220 : i32 to index
        %get3A_232 = arith.constant 16 : index
        %get3A_233 = tpu.vector_load %arg10[%get3A_231, %get3A_232] {strides = array<i32>} : memref<64x64xi32, #tpu.memory_space<vmem>>, vector<16xi32>,
        %shift_left3A_234 = arith.constant 16 : i32
        %shift_left3A_235 = vector.broadcast %shift_left3A_234 : i32 to vector<16xi32>
        %shift_left3A_236 = arith.shli %get3A_233, %shift_left3A_235 : vector<16xi32>
        %bitcast3A_237 = vector.bitcast %shift_left3A_236 : vector<16xi32> to vector<16xf32>
        %and3A_238 = arith.andi %get3A_233, %broadcast_in_dim3A_5 : vector<16xi32>
        %bitcast3A_239 = vector.bitcast %and3A_238 : vector<16xi32> to vector<16xf32>
        %swap3A_240 = arith.index_cast %scan3A_220 : i32 to index
        %swap3A_241 = arith.constant 16 : index
        %swap3A_242 = tpu.vector_load %arg14[%swap3A_240, %swap3A_241] {strides = array<i32>} : memref<64x128xf32, #tpu.memory_space<vmem>>, vector<16xf32>,
        tpu.vector_store %arg14[%swap3A_240, %swap3A_241], %bitcast3A_237 {strides = array<i32>} : memref<64x128xf32, #tpu.memory_space<vmem>>, vector<16xf32>,
        %swap3A_243 = arith.index_cast %scan3A_220 : i32 to index
        %swap3A_244 = arith.constant 80 : index
        %swap3A_245 = tpu.vector_load %arg14[%swap3A_243, %swap3A_244] {strides = array<i32>} : memref<64x128xf32, #tpu.memory_space<vmem>>, vector<16xf32>,
        tpu.vector_store %arg14[%swap3A_243, %swap3A_244], %bitcast3A_239 {strides = array<i32>} : memref<64x128xf32, #tpu.memory_space<vmem>>, vector<16xf32>,
        %get3A_246 = arith.index_cast %scan3A_220 : i32 to index
        %get3A_247 = arith.constant 32 : index
        %get3A_248 = tpu.vector_load %arg10[%get3A_246, %get3A_247] {strides = array<i32>} : memref<64x64xi32, #tpu.memory_space<vmem>>, vector<16xi32>,
        %shift_left3A_249 = arith.constant 16 : i32
        %shift_left3A_250 = vector.broadcast %shift_left3A_249 : i32 to vector<16xi32>
        %shift_left3A_251 = arith.shli %get3A_248, %shift_left3A_250 : vector<16xi32>
        %bitcast3A_252 = vector.bitcast %shift_left3A_251 : vector<16xi32> to vector<16xf32>
        %and3A_253 = arith.andi %get3A_248, %broadcast_in_dim3A_5 : vector<16xi32>
        %bitcast3A_254 = vector.bitcast %and3A_253 : vector<16xi32> to vector<16xf32>
        %swap3A_255 = arith.index_cast %scan3A_220 : i32 to index
        %swap3A_256 = arith.constant 32 : index
        %swap3A_257 = tpu.vector_load %arg14[%swap3A_255, %swap3A_256] {strides = array<i32>} : memref<64x128xf32, #tpu.memory_space<vmem>>, vector<16xf32>,
        tpu.vector_store %arg14[%swap3A_255, %swap3A_256], %bitcast3A_252 {strides = array<i32>} : memref<64x128xf32, #tpu.memory_space<vmem>>, vector<16xf32>,
        %swap3A_258 = arith.index_cast %scan3A_220 : i32 to index
        %swap3A_259 = arith.constant 96 : index
        %swap3A_260 = tpu.vector_load %arg14[%swap3A_258, %swap3A_259] {strides = array<i32>} : memref<64x128xf32, #tpu.memory_space<vmem>>, vector<16xf32>,
        tpu.vector_store %arg14[%swap3A_258, %swap3A_259], %bitcast3A_254 {strides = array<i32>} : memref<64x128xf32, #tpu.memory_space<vmem>>, vector<16xf32>,
        %get3A_261 = arith.index_cast %scan3A_220 : i32 to index
        %get3A_262 = arith.constant 48 : index
        %get3A_263 = tpu.vector_load %arg10[%get3A_261, %get3A_262] {strides = array<i32>} : memref<64x64xi32, #tpu.memory_space<vmem>>, vector<16xi32>,
        %shift_left3A_264 = arith.constant 16 : i32
        %shift_left3A_265 = vector.broadcast %shift_left3A_264 : i32 to vector<16xi32>
        %shift_left3A_266 = arith.shli %get3A_263, %shift_left3A_265 : vector<16xi32>
        %bitcast3A_267 = vector.bitcast %shift_left3A_266 : vector<16xi32> to vector<16xf32>
        %and3A_268 = arith.andi %get3A_263, %broadcast_in_dim3A_5 : vector<16xi32>
        %bitcast3A_269 = vector.bitcast %and3A_268 : vector<16xi32> to vector<16xf32>
        %swap3A_270 = arith.index_cast %scan3A_220 : i32 to index
        %swap3A_271 = arith.constant 48 : index
        %swap3A_272 = tpu.vector_load %arg14[%swap3A_270, %swap3A_271] {strides = array<i32>} : memref<64x128xf32, #tpu.memory_space<vmem>>, vector<16xf32>,
        tpu.vector_store %arg14[%swap3A_270, %swap3A_271], %bitcast3A_267 {strides = array<i32>} : memref<64x128xf32, #tpu.memory_space<vmem>>, vector<16xf32>,
        %swap3A_273 = arith.index_cast %scan3A_220 : i32 to index
        %swap3A_274 = arith.constant 112 : index
        %swap3A_275 = tpu.vector_load %arg14[%swap3A_273, %swap3A_274] {strides = array<i32>} : memref<64x128xf32, #tpu.memory_space<vmem>>, vector<16xf32>,
        tpu.vector_store %arg14[%swap3A_273, %swap3A_274], %bitcast3A_269 {strides = array<i32>} : memref<64x128xf32, #tpu.memory_space<vmem>>, vector<16xf32>,
      }
      %scan3A_142 = arith.constant 64 : i32
      %dma_start3A_143 = arith.constant 0 : i32
      %dma_start3A_144 = tpu.memref_slice %arg8[%add3A_124, %dma_start3A_143] : memref<80x64xi32, #tpu.memory_space<vmem>> -> memref<1x64xi32, #tpu.memory_space<vmem>>
      %dma_start3A_145 = tpu.memref_squeeze %dma_start3A_144 : memref<1x64xi32, #tpu.memory_space<vmem>> -> memref<64xi32, #tpu.memory_space<vmem>>
      %dma_start3A_146 = arith.constant 0 : i32
      %dma_start3A_147 = arith.constant 0 : i32
      %dma_start3A_148 = tpu.memref_slice %arg15[%dma_start3A_146, %dma_start3A_147] : memref<10240x128xf32, #tpu.memory_space<vmem_shared>> -> memref<10240x128xf32, #tpu.memory_space<vmem_shared>>
      tpu.enqueue_indirect_dma source(%arg14 : memref<64x128xf32, #tpu.memory_space<vmem>>) target(%dma_start3A_148 : memref<10240x128xf32, #tpu.memory_space<vmem_shared>>) offsets(%dma_start3A_145 : memref<64xi32, #tpu.memory_space<vmem>>) semaphore(%arg21 : memref<!tpu.dma_semaphore, #tpu.memory_space<semaphore_mem>>) {add = true}
      %lt3A_149 = arith.constant 19 : i32
      %lt3A_150 = arith.cmpi slt, %scan3A_90, %lt3A_149 : i32
      %convert_element_type3A_151 = arith.extui %lt3A_150 : i1 to i32
      %cond3A_152 = arith.constant 0 : i32
      %cond3A_153 = arith.cmpi ne, %convert_element_type3A_151, %cond3A_152 : i32
      scf.if %cond3A_153 {
        %add3A_220 = arith.constant 4 : i32
        %add3A_221 = arith.addi %add3A_124, %add3A_220 : i32
        %dma_start3A_222 = arith.constant 0 : i32
        %dma_start3A_223 = tpu.memref_slice %arg7[%add3A_221, %dma_start3A_222] : memref<80x64xi32, #tpu.memory_space<vmem>> -> memref<1x64xi32, #tpu.memory_space<vmem>>
        %dma_start3A_224 = tpu.memref_squeeze %dma_start3A_223 : memref<1x64xi32, #tpu.memory_space<vmem>> -> memref<64xi32, #tpu.memory_space<vmem>>
        %dma_start3A_225 = arith.constant 0 : i32
        %dma_start3A_226 = arith.constant 0 : i32
        %dma_start3A_227 = tpu.memref_slice %arg2[%dma_start3A_225, %dma_start3A_226] : memref<10240x64xi32, #tpu.memory_space<hbm>> -> memref<10240x64xi32, #tpu.memory_space<hbm>>
        tpu.enqueue_indirect_dma source(%dma_start3A_227 : memref<10240x64xi32, #tpu.memory_space<hbm>>) target(%arg10 : memref<64x64xi32, #tpu.memory_space<vmem>>) offsets(%dma_start3A_224 : memref<64xi32, #tpu.memory_space<vmem>>) semaphore(%arg17 : memref<!tpu.dma_semaphore, #tpu.memory_space<semaphore_mem>>)
      } else {
      }
      %mul3A_154 = arith.constant 4 : i32
      %mul3A_155 = arith.muli %scan3A_90, %mul3A_154 : i32
      %add3A_156 = arith.constant 2 : i32
      %add3A_157 = arith.addi %mul3A_155, %add3A_156 : i32
      %dma_wait3A_158 = arith.constant 0 : i32
      %dma_wait3A_159 = tpu.memref_slice %arg7[%add3A_157, %dma_wait3A_158] : memref<80x64xi32, #tpu.memory_space<vmem>> -> memref<1x64xi32, #tpu.memory_space<vmem>>
      %dma_wait3A_160 = tpu.memref_squeeze %dma_wait3A_159 : memref<1x64xi32, #tpu.memory_space<vmem>> -> memref<64xi32, #tpu.memory_space<vmem>>
      %dma_wait3A_161 = arith.constant 0 : i32
      %dma_wait3A_162 = arith.constant 0 : i32
      %dma_wait3A_163 = tpu.memref_slice %arg2[%dma_wait3A_161, %dma_wait3A_162] : memref<10240x64xi32, #tpu.memory_space<hbm>> -> memref<10240x64xi32, #tpu.memory_space<hbm>>
      tpu.wait_indirect_dma semaphore(%arg18 : memref<!tpu.dma_semaphore, #tpu.memory_space<semaphore_mem>>) src(%dma_wait3A_163 : memref<10240x64xi32, #tpu.memory_space<hbm>>) dst(%arg11 : memref<64x64xi32, #tpu.memory_space<vmem>>)
      %dma_wait3A_164 = arith.constant 0 : i32
      %dma_wait3A_165 = tpu.memref_slice %arg8[%add3A_157, %dma_wait3A_164] : memref<80x64xi32, #tpu.memory_space<vmem>> -> memref<1x64xi32, #tpu.memory_space<vmem>>
      %dma_wait3A_166 = tpu.memref_squeeze %dma_wait3A_165 : memref<1x64xi32, #tpu.memory_space<vmem>> -> memref<64xi32, #tpu.memory_space<vmem>>
      %dma_wait3A_167 = arith.constant 0 : i32
      %dma_wait3A_168 = arith.constant 0 : i32
      %dma_wait3A_169 = tpu.memref_slice %arg15[%dma_wait3A_167, %dma_wait3A_168] : memref<10240x128xf32, #tpu.memory_space<vmem_shared>> -> memref<10240x128xf32, #tpu.memory_space<vmem_shared>>
      tpu.wait_indirect_dma semaphore(%arg20 : memref<!tpu.dma_semaphore, #tpu.memory_space<semaphore_mem>>) src(%arg13 : memref<64x128xf32, #tpu.memory_space<vmem>>) dst(%dma_wait3A_169 : memref<10240x128xf32, #tpu.memory_space<vmem_shared>>)
      %scan3A_170 = arith.constant 0 : i32
      %scan3A_171 = arith.constant 0 : i32
      %scan3A_172 = arith.constant 64 : i32
      %scan3A_173 = arith.addi %scan3A_171, %scan3A_172 : i32
      %scan3A_174 = arith.constant 1 : i32
      scf.for %scan3A_220 = %scan3A_171 to %scan3A_173 step %scan3A_174  : i32 {
        %get3A = arith.index_cast %scan3A_220 : i32 to index
        %get3A_221 = arith.constant 0 : index
        %get3A_222 = tpu.vector_load %arg11[%get3A, %get3A_221] {strides = array<i32>} : memref<64x64xi32, #tpu.memory_space<vmem>>, vector<16xi32>,
        %shift_left3A = arith.constant 16 : i32
        %shift_left3A_223 = vector.broadcast %shift_left3A : i32 to vector<16xi32>
        %shift_left3A_224 = arith.shli %get3A_222, %shift_left3A_223 : vector<16xi32>
        %bitcast3A = vector.bitcast %shift_left3A_224 : vector<16xi32> to vector<16xf32>
        %and3A = arith.andi %get3A_222, %broadcast_in_dim3A_5 : vector<16xi32>
        %bitcast3A_225 = vector.bitcast %and3A : vector<16xi32> to vector<16xf32>
        %swap3A = arith.index_cast %scan3A_220 : i32 to index
        %swap3A_226 = arith.constant 0 : index
        %swap3A_227 = tpu.vector_load %arg13[%swap3A, %swap3A_226] {strides = array<i32>} : memref<64x128xf32, #tpu.memory_space<vmem>>, vector<16xf32>,
        tpu.vector_store %arg13[%swap3A, %swap3A_226], %bitcast3A {strides = array<i32>} : memref<64x128xf32, #tpu.memory_space<vmem>>, vector<16xf32>,
        %swap3A_228 = arith.index_cast %scan3A_220 : i32 to index
        %swap3A_229 = arith.constant 64 : index
        %swap3A_230 = tpu.vector_load %arg13[%swap3A_228, %swap3A_229] {strides = array<i32>} : memref<64x128xf32, #tpu.memory_space<vmem>>, vector<16xf32>,
        tpu.vector_store %arg13[%swap3A_228, %swap3A_229], %bitcast3A_225 {strides = array<i32>} : memref<64x128xf32, #tpu.memory_space<vmem>>, vector<16xf32>,
        %get3A_231 = arith.index_cast %scan3A_220 : i32 to index
        %get3A_232 = arith.constant 16 : index
        %get3A_233 = tpu.vector_load %arg11[%get3A_231, %get3A_232] {strides = array<i32>} : memref<64x64xi32, #tpu.memory_space<vmem>>, vector<16xi32>,
        %shift_left3A_234 = arith.constant 16 : i32
        %shift_left3A_235 = vector.broadcast %shift_left3A_234 : i32 to vector<16xi32>
        %shift_left3A_236 = arith.shli %get3A_233, %shift_left3A_235 : vector<16xi32>
        %bitcast3A_237 = vector.bitcast %shift_left3A_236 : vector<16xi32> to vector<16xf32>
        %and3A_238 = arith.andi %get3A_233, %broadcast_in_dim3A_5 : vector<16xi32>
        %bitcast3A_239 = vector.bitcast %and3A_238 : vector<16xi32> to vector<16xf32>
        %swap3A_240 = arith.index_cast %scan3A_220 : i32 to index
        %swap3A_241 = arith.constant 16 : index
        %swap3A_242 = tpu.vector_load %arg13[%swap3A_240, %swap3A_241] {strides = array<i32>} : memref<64x128xf32, #tpu.memory_space<vmem>>, vector<16xf32>,
        tpu.vector_store %arg13[%swap3A_240, %swap3A_241], %bitcast3A_237 {strides = array<i32>} : memref<64x128xf32, #tpu.memory_space<vmem>>, vector<16xf32>,
        %swap3A_243 = arith.index_cast %scan3A_220 : i32 to index
        %swap3A_244 = arith.constant 80 : index
        %swap3A_245 = tpu.vector_load %arg13[%swap3A_243, %swap3A_244] {strides = array<i32>} : memref<64x128xf32, #tpu.memory_space<vmem>>, vector<16xf32>,
        tpu.vector_store %arg13[%swap3A_243, %swap3A_244], %bitcast3A_239 {strides = array<i32>} : memref<64x128xf32, #tpu.memory_space<vmem>>, vector<16xf32>,
        %get3A_246 = arith.index_cast %scan3A_220 : i32 to index
        %get3A_247 = arith.constant 32 : index
        %get3A_248 = tpu.vector_load %arg11[%get3A_246, %get3A_247] {strides = array<i32>} : memref<64x64xi32, #tpu.memory_space<vmem>>, vector<16xi32>,
        %shift_left3A_249 = arith.constant 16 : i32
        %shift_left3A_250 = vector.broadcast %shift_left3A_249 : i32 to vector<16xi32>
        %shift_left3A_251 = arith.shli %get3A_248, %shift_left3A_250 : vector<16xi32>
        %bitcast3A_252 = vector.bitcast %shift_left3A_251 : vector<16xi32> to vector<16xf32>
        %and3A_253 = arith.andi %get3A_248, %broadcast_in_dim3A_5 : vector<16xi32>
        %bitcast3A_254 = vector.bitcast %and3A_253 : vector<16xi32> to vector<16xf32>
        %swap3A_255 = arith.index_cast %scan3A_220 : i32 to index
        %swap3A_256 = arith.constant 32 : index
        %swap3A_257 = tpu.vector_load %arg13[%swap3A_255, %swap3A_256] {strides = array<i32>} : memref<64x128xf32, #tpu.memory_space<vmem>>, vector<16xf32>,
        tpu.vector_store %arg13[%swap3A_255, %swap3A_256], %bitcast3A_252 {strides = array<i32>} : memref<64x128xf32, #tpu.memory_space<vmem>>, vector<16xf32>,
        %swap3A_258 = arith.index_cast %scan3A_220 : i32 to index
        %swap3A_259 = arith.constant 96 : index
        %swap3A_260 = tpu.vector_load %arg13[%swap3A_258, %swap3A_259] {strides = array<i32>} : memref<64x128xf32, #tpu.memory_space<vmem>>, vector<16xf32>,
        tpu.vector_store %arg13[%swap3A_258, %swap3A_259], %bitcast3A_254 {strides = array<i32>} : memref<64x128xf32, #tpu.memory_space<vmem>>, vector<16xf32>,
        %get3A_261 = arith.index_cast %scan3A_220 : i32 to index
        %get3A_262 = arith.constant 48 : index
        %get3A_263 = tpu.vector_load %arg11[%get3A_261, %get3A_262] {strides = array<i32>} : memref<64x64xi32, #tpu.memory_space<vmem>>, vector<16xi32>,
        %shift_left3A_264 = arith.constant 16 : i32
        %shift_left3A_265 = vector.broadcast %shift_left3A_264 : i32 to vector<16xi32>
        %shift_left3A_266 = arith.shli %get3A_263, %shift_left3A_265 : vector<16xi32>
        %bitcast3A_267 = vector.bitcast %shift_left3A_266 : vector<16xi32> to vector<16xf32>
        %and3A_268 = arith.andi %get3A_263, %broadcast_in_dim3A_5 : vector<16xi32>
        %bitcast3A_269 = vector.bitcast %and3A_268 : vector<16xi32> to vector<16xf32>
        %swap3A_270 = arith.index_cast %scan3A_220 : i32 to index
        %swap3A_271 = arith.constant 48 : index
        %swap3A_272 = tpu.vector_load %arg13[%swap3A_270, %swap3A_271] {strides = array<i32>} : memref<64x128xf32, #tpu.memory_space<vmem>>, vector<16xf32>,
        tpu.vector_store %arg13[%swap3A_270, %swap3A_271], %bitcast3A_267 {strides = array<i32>} : memref<64x128xf32, #tpu.memory_space<vmem>>, vector<16xf32>,
        %swap3A_273 = arith.index_cast %scan3A_220 : i32 to index
        %swap3A_274 = arith.constant 112 : index
        %swap3A_275 = tpu.vector_load %arg13[%swap3A_273, %swap3A_274] {strides = array<i32>} : memref<64x128xf32, #tpu.memory_space<vmem>>, vector<16xf32>,
        tpu.vector_store %arg13[%swap3A_273, %swap3A_274], %bitcast3A_269 {strides = array<i32>} : memref<64x128xf32, #tpu.memory_space<vmem>>, vector<16xf32>,
      }
      %scan3A_175 = arith.constant 64 : i32
      %dma_start3A_176 = arith.constant 0 : i32
      %dma_start3A_177 = tpu.memref_slice %arg8[%add3A_157, %dma_start3A_176] : memref<80x64xi32, #tpu.memory_space<vmem>> -> memref<1x64xi32, #tpu.memory_space<vmem>>
      %dma_start3A_178 = tpu.memref_squeeze %dma_start3A_177 : memref<1x64xi32, #tpu.memory_space<vmem>> -> memref<64xi32, #tpu.memory_space<vmem>>
      %dma_start3A_179 = arith.constant 0 : i32
      %dma_start3A_180 = arith.constant 0 : i32
      %dma_start3A_181 = tpu.memref_slice %arg15[%dma_start3A_179, %dma_start3A_180] : memref<10240x128xf32, #tpu.memory_space<vmem_shared>> -> memref<10240x128xf32, #tpu.memory_space<vmem_shared>>
      tpu.enqueue_indirect_dma source(%arg13 : memref<64x128xf32, #tpu.memory_space<vmem>>) target(%dma_start3A_181 : memref<10240x128xf32, #tpu.memory_space<vmem_shared>>) offsets(%dma_start3A_178 : memref<64xi32, #tpu.memory_space<vmem>>) semaphore(%arg20 : memref<!tpu.dma_semaphore, #tpu.memory_space<semaphore_mem>>) {add = true}
      %lt3A_182 = arith.constant 19 : i32
      %lt3A_183 = arith.cmpi slt, %scan3A_90, %lt3A_182 : i32
      %convert_element_type3A_184 = arith.extui %lt3A_183 : i1 to i32
      %cond3A_185 = arith.constant 0 : i32
      %cond3A_186 = arith.cmpi ne, %convert_element_type3A_184, %cond3A_185 : i32
      scf.if %cond3A_186 {
        %add3A_220 = arith.constant 4 : i32
        %add3A_221 = arith.addi %add3A_157, %add3A_220 : i32
        %dma_start3A_222 = arith.constant 0 : i32
        %dma_start3A_223 = tpu.memref_slice %arg7[%add3A_221, %dma_start3A_222] : memref<80x64xi32, #tpu.memory_space<vmem>> -> memref<1x64xi32, #tpu.memory_space<vmem>>
        %dma_start3A_224 = tpu.memref_squeeze %dma_start3A_223 : memref<1x64xi32, #tpu.memory_space<vmem>> -> memref<64xi32, #tpu.memory_space<vmem>>
        %dma_start3A_225 = arith.constant 0 : i32
        %dma_start3A_226 = arith.constant 0 : i32
        %dma_start3A_227 = tpu.memref_slice %arg2[%dma_start3A_225, %dma_start3A_226] : memref<10240x64xi32, #tpu.memory_space<hbm>> -> memref<10240x64xi32, #tpu.memory_space<hbm>>
        tpu.enqueue_indirect_dma source(%dma_start3A_227 : memref<10240x64xi32, #tpu.memory_space<hbm>>) target(%arg11 : memref<64x64xi32, #tpu.memory_space<vmem>>) offsets(%dma_start3A_224 : memref<64xi32, #tpu.memory_space<vmem>>) semaphore(%arg18 : memref<!tpu.dma_semaphore, #tpu.memory_space<semaphore_mem>>)
      } else {
      }
      %mul3A_187 = arith.constant 4 : i32
      %mul3A_188 = arith.muli %scan3A_90, %mul3A_187 : i32
      %add3A_189 = arith.constant 3 : i32
      %add3A_190 = arith.addi %mul3A_188, %add3A_189 : i32
      %dma_wait3A_191 = arith.constant 0 : i32
      %dma_wait3A_192 = tpu.memref_slice %arg7[%add3A_190, %dma_wait3A_191] : memref<80x64xi32, #tpu.memory_space<vmem>> -> memref<1x64xi32, #tpu.memory_space<vmem>>
      %dma_wait3A_193 = tpu.memref_squeeze %dma_wait3A_192 : memref<1x64xi32, #tpu.memory_space<vmem>> -> memref<64xi32, #tpu.memory_space<vmem>>
      %dma_wait3A_194 = arith.constant 0 : i32
      %dma_wait3A_195 = arith.constant 0 : i32
      %dma_wait3A_196 = tpu.memref_slice %arg2[%dma_wait3A_194, %dma_wait3A_195] : memref<10240x64xi32, #tpu.memory_space<hbm>> -> memref<10240x64xi32, #tpu.memory_space<hbm>>
      tpu.wait_indirect_dma semaphore(%arg19 : memref<!tpu.dma_semaphore, #tpu.memory_space<semaphore_mem>>) src(%dma_wait3A_196 : memref<10240x64xi32, #tpu.memory_space<hbm>>) dst(%arg12 : memref<64x64xi32, #tpu.memory_space<vmem>>)
      %dma_wait3A_197 = arith.constant 0 : i32
      %dma_wait3A_198 = tpu.memref_slice %arg8[%add3A_190, %dma_wait3A_197] : memref<80x64xi32, #tpu.memory_space<vmem>> -> memref<1x64xi32, #tpu.memory_space<vmem>>
      %dma_wait3A_199 = tpu.memref_squeeze %dma_wait3A_198 : memref<1x64xi32, #tpu.memory_space<vmem>> -> memref<64xi32, #tpu.memory_space<vmem>>
      %dma_wait3A_200 = arith.constant 0 : i32
      %dma_wait3A_201 = arith.constant 0 : i32
      %dma_wait3A_202 = tpu.memref_slice %arg15[%dma_wait3A_200, %dma_wait3A_201] : memref<10240x128xf32, #tpu.memory_space<vmem_shared>> -> memref<10240x128xf32, #tpu.memory_space<vmem_shared>>
      tpu.wait_indirect_dma semaphore(%arg21 : memref<!tpu.dma_semaphore, #tpu.memory_space<semaphore_mem>>) src(%arg14 : memref<64x128xf32, #tpu.memory_space<vmem>>) dst(%dma_wait3A_202 : memref<10240x128xf32, #tpu.memory_space<vmem_shared>>)
      %scan3A_203 = arith.constant 0 : i32
      %scan3A_204 = arith.constant 0 : i32
      %scan3A_205 = arith.constant 64 : i32
      %scan3A_206 = arith.addi %scan3A_204, %scan3A_205 : i32
      %scan3A_207 = arith.constant 1 : i32
      scf.for %scan3A_220 = %scan3A_204 to %scan3A_206 step %scan3A_207  : i32 {
        %get3A = arith.index_cast %scan3A_220 : i32 to index
        %get3A_221 = arith.constant 0 : index
        %get3A_222 = tpu.vector_load %arg12[%get3A, %get3A_221] {strides = array<i32>} : memref<64x64xi32, #tpu.memory_space<vmem>>, vector<16xi32>,
        %shift_left3A = arith.constant 16 : i32
        %shift_left3A_223 = vector.broadcast %shift_left3A : i32 to vector<16xi32>
        %shift_left3A_224 = arith.shli %get3A_222, %shift_left3A_223 : vector<16xi32>
        %bitcast3A = vector.bitcast %shift_left3A_224 : vector<16xi32> to vector<16xf32>
        %and3A = arith.andi %get3A_222, %broadcast_in_dim3A_5 : vector<16xi32>
        %bitcast3A_225 = vector.bitcast %and3A : vector<16xi32> to vector<16xf32>
        %swap3A = arith.index_cast %scan3A_220 : i32 to index
        %swap3A_226 = arith.constant 0 : index
        %swap3A_227 = tpu.vector_load %arg14[%swap3A, %swap3A_226] {strides = array<i32>} : memref<64x128xf32, #tpu.memory_space<vmem>>, vector<16xf32>,
        tpu.vector_store %arg14[%swap3A, %swap3A_226], %bitcast3A {strides = array<i32>} : memref<64x128xf32, #tpu.memory_space<vmem>>, vector<16xf32>,
        %swap3A_228 = arith.index_cast %scan3A_220 : i32 to index
        %swap3A_229 = arith.constant 64 : index
        %swap3A_230 = tpu.vector_load %arg14[%swap3A_228, %swap3A_229] {strides = array<i32>} : memref<64x128xf32, #tpu.memory_space<vmem>>, vector<16xf32>,
        tpu.vector_store %arg14[%swap3A_228, %swap3A_229], %bitcast3A_225 {strides = array<i32>} : memref<64x128xf32, #tpu.memory_space<vmem>>, vector<16xf32>,
        %get3A_231 = arith.index_cast %scan3A_220 : i32 to index
        %get3A_232 = arith.constant 16 : index
        %get3A_233 = tpu.vector_load %arg12[%get3A_231, %get3A_232] {strides = array<i32>} : memref<64x64xi32, #tpu.memory_space<vmem>>, vector<16xi32>,
        %shift_left3A_234 = arith.constant 16 : i32
        %shift_left3A_235 = vector.broadcast %shift_left3A_234 : i32 to vector<16xi32>
        %shift_left3A_236 = arith.shli %get3A_233, %shift_left3A_235 : vector<16xi32>
        %bitcast3A_237 = vector.bitcast %shift_left3A_236 : vector<16xi32> to vector<16xf32>
        %and3A_238 = arith.andi %get3A_233, %broadcast_in_dim3A_5 : vector<16xi32>
        %bitcast3A_239 = vector.bitcast %and3A_238 : vector<16xi32> to vector<16xf32>
        %swap3A_240 = arith.index_cast %scan3A_220 : i32 to index
        %swap3A_241 = arith.constant 16 : index
        %swap3A_242 = tpu.vector_load %arg14[%swap3A_240, %swap3A_241] {strides = array<i32>} : memref<64x128xf32, #tpu.memory_space<vmem>>, vector<16xf32>,
        tpu.vector_store %arg14[%swap3A_240, %swap3A_241], %bitcast3A_237 {strides = array<i32>} : memref<64x128xf32, #tpu.memory_space<vmem>>, vector<16xf32>,
        %swap3A_243 = arith.index_cast %scan3A_220 : i32 to index
        %swap3A_244 = arith.constant 80 : index
        %swap3A_245 = tpu.vector_load %arg14[%swap3A_243, %swap3A_244] {strides = array<i32>} : memref<64x128xf32, #tpu.memory_space<vmem>>, vector<16xf32>,
        tpu.vector_store %arg14[%swap3A_243, %swap3A_244], %bitcast3A_239 {strides = array<i32>} : memref<64x128xf32, #tpu.memory_space<vmem>>, vector<16xf32>,
        %get3A_246 = arith.index_cast %scan3A_220 : i32 to index
        %get3A_247 = arith.constant 32 : index
        %get3A_248 = tpu.vector_load %arg12[%get3A_246, %get3A_247] {strides = array<i32>} : memref<64x64xi32, #tpu.memory_space<vmem>>, vector<16xi32>,
        %shift_left3A_249 = arith.constant 16 : i32
        %shift_left3A_250 = vector.broadcast %shift_left3A_249 : i32 to vector<16xi32>
        %shift_left3A_251 = arith.shli %get3A_248, %shift_left3A_250 : vector<16xi32>
        %bitcast3A_252 = vector.bitcast %shift_left3A_251 : vector<16xi32> to vector<16xf32>
        %and3A_253 = arith.andi %get3A_248, %broadcast_in_dim3A_5 : vector<16xi32>
        %bitcast3A_254 = vector.bitcast %and3A_253 : vector<16xi32> to vector<16xf32>
        %swap3A_255 = arith.index_cast %scan3A_220 : i32 to index
        %swap3A_256 = arith.constant 32 : index
        %swap3A_257 = tpu.vector_load %arg14[%swap3A_255, %swap3A_256] {strides = array<i32>} : memref<64x128xf32, #tpu.memory_space<vmem>>, vector<16xf32>,
        tpu.vector_store %arg14[%swap3A_255, %swap3A_256], %bitcast3A_252 {strides = array<i32>} : memref<64x128xf32, #tpu.memory_space<vmem>>, vector<16xf32>,
        %swap3A_258 = arith.index_cast %scan3A_220 : i32 to index
        %swap3A_259 = arith.constant 96 : index
        %swap3A_260 = tpu.vector_load %arg14[%swap3A_258, %swap3A_259] {strides = array<i32>} : memref<64x128xf32, #tpu.memory_space<vmem>>, vector<16xf32>,
        tpu.vector_store %arg14[%swap3A_258, %swap3A_259], %bitcast3A_254 {strides = array<i32>} : memref<64x128xf32, #tpu.memory_space<vmem>>, vector<16xf32>,
        %get3A_261 = arith.index_cast %scan3A_220 : i32 to index
        %get3A_262 = arith.constant 48 : index
        %get3A_263 = tpu.vector_load %arg12[%get3A_261, %get3A_262] {strides = array<i32>} : memref<64x64xi32, #tpu.memory_space<vmem>>, vector<16xi32>,
        %shift_left3A_264 = arith.constant 16 : i32
        %shift_left3A_265 = vector.broadcast %shift_left3A_264 : i32 to vector<16xi32>
        %shift_left3A_266 = arith.shli %get3A_263, %shift_left3A_265 : vector<16xi32>
        %bitcast3A_267 = vector.bitcast %shift_left3A_266 : vector<16xi32> to vector<16xf32>
        %and3A_268 = arith.andi %get3A_263, %broadcast_in_dim3A_5 : vector<16xi32>
        %bitcast3A_269 = vector.bitcast %and3A_268 : vector<16xi32> to vector<16xf32>
        %swap3A_270 = arith.index_cast %scan3A_220 : i32 to index
        %swap3A_271 = arith.constant 48 : index
        %swap3A_272 = tpu.vector_load %arg14[%swap3A_270, %swap3A_271] {strides = array<i32>} : memref<64x128xf32, #tpu.memory_space<vmem>>, vector<16xf32>,
        tpu.vector_store %arg14[%swap3A_270, %swap3A_271], %bitcast3A_267 {strides = array<i32>} : memref<64x128xf32, #tpu.memory_space<vmem>>, vector<16xf32>,
        %swap3A_273 = arith.index_cast %scan3A_220 : i32 to index
        %swap3A_274 = arith.constant 112 : index
        %swap3A_275 = tpu.vector_load %arg14[%swap3A_273, %swap3A_274] {strides = array<i32>} : memref<64x128xf32, #tpu.memory_space<vmem>>, vector<16xf32>,
        tpu.vector_store %arg14[%swap3A_273, %swap3A_274], %bitcast3A_269 {strides = array<i32>} : memref<64x128xf32, #tpu.memory_space<vmem>>, vector<16xf32>,
      }
      %scan3A_208 = arith.constant 64 : i32
      %dma_start3A_209 = arith.constant 0 : i32
      %dma_start3A_210 = tpu.memref_slice %arg8[%add3A_190, %dma_start3A_209] : memref<80x64xi32, #tpu.memory_space<vmem>> -> memref<1x64xi32, #tpu.memory_space<vmem>>
      %dma_start3A_211 = tpu.memref_squeeze %dma_start3A_210 : memref<1x64xi32, #tpu.memory_space<vmem>> -> memref<64xi32, #tpu.memory_space<vmem>>
      %dma_start3A_212 = arith.constant 0 : i32
      %dma_start3A_213 = arith.constant 0 : i32
      %dma_start3A_214 = tpu.memref_slice %arg15[%dma_start3A_212, %dma_start3A_213] : memref<10240x128xf32, #tpu.memory_space<vmem_shared>> -> memref<10240x128xf32, #tpu.memory_space<vmem_shared>>
      tpu.enqueue_indirect_dma source(%arg14 : memref<64x128xf32, #tpu.memory_space<vmem>>) target(%dma_start3A_214 : memref<10240x128xf32, #tpu.memory_space<vmem_shared>>) offsets(%dma_start3A_211 : memref<64xi32, #tpu.memory_space<vmem>>) semaphore(%arg21 : memref<!tpu.dma_semaphore, #tpu.memory_space<semaphore_mem>>) {add = true}
      %lt3A_215 = arith.constant 19 : i32
      %lt3A_216 = arith.cmpi slt, %scan3A_90, %lt3A_215 : i32
      %convert_element_type3A_217 = arith.extui %lt3A_216 : i1 to i32
      %cond3A_218 = arith.constant 0 : i32
      %cond3A_219 = arith.cmpi ne, %convert_element_type3A_217, %cond3A_218 : i32
      scf.if %cond3A_219 {
        %add3A_220 = arith.constant 4 : i32
        %add3A_221 = arith.addi %add3A_190, %add3A_220 : i32
        %dma_start3A_222 = arith.constant 0 : i32
        %dma_start3A_223 = tpu.memref_slice %arg7[%add3A_221, %dma_start3A_222] : memref<80x64xi32, #tpu.memory_space<vmem>> -> memref<1x64xi32, #tpu.memory_space<vmem>>
        %dma_start3A_224 = tpu.memref_squeeze %dma_start3A_223 : memref<1x64xi32, #tpu.memory_space<vmem>> -> memref<64xi32, #tpu.memory_space<vmem>>
        %dma_start3A_225 = arith.constant 0 : i32
        %dma_start3A_226 = arith.constant 0 : i32
        %dma_start3A_227 = tpu.memref_slice %arg2[%dma_start3A_225, %dma_start3A_226] : memref<10240x64xi32, #tpu.memory_space<hbm>> -> memref<10240x64xi32, #tpu.memory_space<hbm>>
        tpu.enqueue_indirect_dma source(%dma_start3A_227 : memref<10240x64xi32, #tpu.memory_space<hbm>>) target(%arg12 : memref<64x64xi32, #tpu.memory_space<vmem>>) offsets(%dma_start3A_224 : memref<64xi32, #tpu.memory_space<vmem>>) semaphore(%arg19 : memref<!tpu.dma_semaphore, #tpu.memory_space<semaphore_mem>>)
      } else {
      }
    }
    %scan3A_71 = arith.constant 20 : i32
    %dma_wait3A = arith.constant 0 : i32
    %dma_wait3A_72 = arith.constant 0 : i32
    %dma_wait3A_73 = tpu.memref_slice %arg8[%dma_wait3A, %dma_wait3A_72] : memref<80x64xi32, #tpu.memory_space<vmem>> -> memref<1x64xi32, #tpu.memory_space<vmem>>
    %dma_wait3A_74 = tpu.memref_squeeze %dma_wait3A_73 : memref<1x64xi32, #tpu.memory_space<vmem>> -> memref<64xi32, #tpu.memory_space<vmem>>
    %dma_wait3A_75 = arith.constant 0 : i32
    %dma_wait3A_76 = arith.constant 0 : i32
    %dma_wait3A_77 = tpu.memref_slice %arg15[%dma_wait3A_75, %dma_wait3A_76] : memref<10240x128xf32, #tpu.memory_space<vmem_shared>> -> memref<10240x128xf32, #tpu.memory_space<vmem_shared>>
    tpu.wait_indirect_dma semaphore(%arg20 : memref<!tpu.dma_semaphore, #tpu.memory_space<semaphore_mem>>) src(%arg13 : memref<64x128xf32, #tpu.memory_space<vmem>>) dst(%dma_wait3A_77 : memref<10240x128xf32, #tpu.memory_space<vmem_shared>>)
    %dma_wait3A_78 = arith.constant 0 : i32
    %dma_wait3A_79 = arith.constant 0 : i32
    %dma_wait3A_80 = tpu.memref_slice %arg8[%dma_wait3A_78, %dma_wait3A_79] : memref<80x64xi32, #tpu.memory_space<vmem>> -> memref<1x64xi32, #tpu.memory_space<vmem>>
    %dma_wait3A_81 = tpu.memref_squeeze %dma_wait3A_80 : memref<1x64xi32, #tpu.memory_space<vmem>> -> memref<64xi32, #tpu.memory_space<vmem>>
    %dma_wait3A_82 = arith.constant 0 : i32
    %dma_wait3A_83 = arith.constant 0 : i32
    %dma_wait3A_84 = tpu.memref_slice %arg15[%dma_wait3A_82, %dma_wait3A_83] : memref<10240x128xf32, #tpu.memory_space<vmem_shared>> -> memref<10240x128xf32, #tpu.memory_space<vmem_shared>>
    tpu.wait_indirect_dma semaphore(%arg21 : memref<!tpu.dma_semaphore, #tpu.memory_space<semaphore_mem>>) src(%arg14 : memref<64x128xf32, #tpu.memory_space<vmem>>) dst(%dma_wait3A_84 : memref<10240x128xf32, #tpu.memory_space<vmem_shared>>)
    %barrier3A_85 = arith.constant 0 : index
    tpu.barrier barrier_id(%barrier3A_85)
    %mul3A_86 = arith.constant 640 : i32
    %mul3A_87 = arith.muli %arg1, %mul3A_86 : i32
    %mul3A_88 = arith.constant 640 : i32
    %mul3A_89 = arith.muli %arg1, %mul3A_88 : i32
    "tpu.region"() ({
      %run_scoped3A = tpu.sem_alloc : memref<!tpu.dma_semaphore, #tpu.memory_space<semaphore_mem>>
      %dma_start3A_90 = arith.constant 0 : i32
      %dma_start3A_91 = tpu.memref_slice %arg6[%arg0, %mul3A_89, %dma_start3A_90] : memref<2x10240x128xf32, #tpu.memory_space<hbm>> -> memref<1x640x128xf32, #tpu.memory_space<hbm>>
      %dma_start3A_92 = tpu.memref_squeeze %dma_start3A_91 : memref<1x640x128xf32, #tpu.memory_space<hbm>> -> memref<640x128xf32, #tpu.memory_space<hbm>>
      %dma_start3A_93 = arith.constant 0 : i32
      %dma_start3A_94 = tpu.memref_slice %arg15[%mul3A_87, %dma_start3A_93] : memref<10240x128xf32, #tpu.memory_space<vmem_shared>> -> memref<640x128xf32, #tpu.memory_space<vmem_shared>>
      tpu.enqueue_dma source(%dma_start3A_94 : memref<640x128xf32, #tpu.memory_space<vmem_shared>>) target(%dma_start3A_92 : memref<640x128xf32, #tpu.memory_space<hbm>>) target_semaphore(%run_scoped3A : memref<!tpu.dma_semaphore, #tpu.memory_space<semaphore_mem>>)
      %dma_wait3A_95 = arith.constant 0 : i32
      %dma_wait3A_96 = tpu.memref_slice %arg6[%arg0, %mul3A_89, %dma_wait3A_95] : memref<2x10240x128xf32, #tpu.memory_space<hbm>> -> memref<1x640x128xf32, #tpu.memory_space<hbm>>
      %dma_wait3A_97 = tpu.memref_squeeze %dma_wait3A_96 : memref<1x640x128xf32, #tpu.memory_space<hbm>> -> memref<640x128xf32, #tpu.memory_space<hbm>>
      %dma_wait3A_98 = arith.constant 0 : i32
      %dma_wait3A_99 = tpu.memref_slice %arg15[%mul3A_87, %dma_wait3A_98] : memref<10240x128xf32, #tpu.memory_space<vmem_shared>> -> memref<640x128xf32, #tpu.memory_space<vmem_shared>>
      tpu.wait_dma2 semaphore(%run_scoped3A : memref<!tpu.dma_semaphore, #tpu.memory_space<semaphore_mem>>) src(%dma_wait3A_99 : memref<640x128xf32, #tpu.memory_space<vmem_shared>>) dst(%dma_wait3A_97 : memref<640x128xf32, #tpu.memory_space<hbm>>)
      tpu.yield
    }) : () -> ()
    return
  }
}

module attributes {stable_mosaic.version = 14 : i64} {
  func.func @_combine_body(%arg0: i32, %arg1: memref<2x1024x128xf32, #tpu.memory_space<vmem>>, %arg2: memref<1024x128xf32, #tpu.memory_space<vmem>>, %arg3: memref<1024x128xf32, #tpu.memory_space<vmem>>, %arg4: memref<1024x64xi32, #tpu.memory_space<vmem>>) attributes {dimension_semantics = [#tpu.dimension_semantics<arbitrary>], iteration_bounds = array<i64: 10>, scalar_prefetch = 0 : i64, scratch_operands = 0 : i64, tpu.core_type = #tpu.core_type<tc>, window_params = [{transform_indices = @transform_0, window_bounds = array<i64: 2, 1024, 128>}, {transform_indices = @transform_1, window_bounds = array<i64: 1024, 128>}, {transform_indices = @transform_2, window_bounds = array<i64: 1024, 128>}, {transform_indices = @transform_3, window_bounds = array<i64: 1024, 64>}]} {
    %get3A = arith.constant 0 : index
    %get3A_0 = arith.constant 0 : index
    %get3A_1 = arith.constant 0 : index
    %get3A_2 = vector.load %arg1[%get3A, %get3A_0, %get3A_1] : memref<2x1024x128xf32, #tpu.memory_space<vmem>>, vector<1x1024x128xf32>
    %get3A_3 = vector.shape_cast %get3A_2 : vector<1x1024x128xf32> to vector<1024x128xf32>
    %get3A_4 = arith.constant 1 : index
    %get3A_5 = arith.constant 0 : index
    %get3A_6 = arith.constant 0 : index
    %get3A_7 = vector.load %arg1[%get3A_4, %get3A_5, %get3A_6] : memref<2x1024x128xf32, #tpu.memory_space<vmem>>, vector<1x1024x128xf32>
    %get3A_8 = vector.shape_cast %get3A_7 : vector<1x1024x128xf32> to vector<1024x128xf32>
    %add3A = arith.addf %get3A_3, %get3A_8 : vector<1024x128xf32>
    %get3A_9 = arith.constant 0 : index
    %get3A_10 = arith.constant 0 : index
    %get3A_11 = vector.load %arg2[%get3A_9, %get3A_10] : memref<1024x128xf32, #tpu.memory_space<vmem>>, vector<1024x128xf32>
    %sub3A = arith.subf %add3A, %get3A_11 : vector<1024x128xf32>
    %swap3A = arith.constant 0 : index
    %swap3A_12 = arith.constant 0 : index
    %swap3A_13 = vector.load %arg3[%swap3A, %swap3A_12] : memref<1024x128xf32, #tpu.memory_space<vmem>>, vector<1024x128xf32>
    tpu.vector_store %arg3[%swap3A, %swap3A_12], %sub3A {strides = array<i32>} : memref<1024x128xf32, #tpu.memory_space<vmem>>, vector<1024x128xf32>,
    %slice3A = vector.extract_strided_slice %sub3A {offsets = [0, 0], sizes = [1024, 64], strides = [1, 1]} : vector<1024x128xf32> to vector<1024x64xf32>
    %convert_element_type3A = arith.truncf %slice3A : vector<1024x64xf32> to vector<1024x64xbf16>
    %bitcast_convert_type3A = tpu.bitcast %convert_element_type3A : vector<1024x64xbf16> -> vector<1024x64xi16>
    %slice3A_14 = vector.extract_strided_slice %sub3A {offsets = [0, 64], sizes = [1024, 64], strides = [1, 1]} : vector<1024x128xf32> to vector<1024x64xf32>
    %convert_element_type3A_15 = arith.truncf %slice3A_14 : vector<1024x64xf32> to vector<1024x64xbf16>
    %bitcast_convert_type3A_16 = tpu.bitcast %convert_element_type3A_15 : vector<1024x64xbf16> -> vector<1024x64xi16>
    %convert_element_type3A_17 = arith.extui %bitcast_convert_type3A : vector<1024x64xi16> to vector<1024x64xi32>
    %convert_element_type3A_18 = arith.extui %bitcast_convert_type3A_16 : vector<1024x64xi16> to vector<1024x64xi32>
    %shift_left3A = arith.constant 16 : i32
    %shift_left3A_19 = vector.broadcast %shift_left3A : i32 to vector<1024x64xi32>
    %shift_left3A_20 = arith.shli %convert_element_type3A_18, %shift_left3A_19 : vector<1024x64xi32>
    %or3A = arith.ori %convert_element_type3A_17, %shift_left3A_20 : vector<1024x64xi32>
    %swap3A_21 = arith.constant 0 : index
    %swap3A_22 = arith.constant 0 : index
    %swap3A_23 = vector.load %arg4[%swap3A_21, %swap3A_22] : memref<1024x64xi32, #tpu.memory_space<vmem>>, vector<1024x64xi32>
    tpu.vector_store %arg4[%swap3A_21, %swap3A_22], %or3A {strides = array<i32>} : memref<1024x64xi32, #tpu.memory_space<vmem>>, vector<1024x64xi32>,
    return
  }
  func.func @transform_0(%arg0: i32) -> (i32, i32, i32) {
    %c0_i32 = arith.constant 0 : i32
    %c0_i32_0 = arith.constant 0 : i32
    %c0_i32_1 = arith.constant 0 : i32
    return %c0_i32, %arg0, %c0_i32_0 : i32, i32, i32
  }
  func.func @transform_1(%arg0: i32) -> (i32, i32) {
    %c0_i32 = arith.constant 0 : i32
    %c0_i32_0 = arith.constant 0 : i32
    return %arg0, %c0_i32 : i32, i32
  }
  func.func @transform_2(%arg0: i32) -> (i32, i32) {
    %c0_i32 = arith.constant 0 : i32
    %c0_i32_0 = arith.constant 0 : i32
    return %arg0, %c0_i32 : i32, i32
  }
  func.func @transform_3(%arg0: i32) -> (i32, i32) {
    %c0_i32 = arith.constant 0 : i32
    %c0_i32_0 = arith.constant 0 : i32
    return %arg0, %c0_i32 : i32, i32
  }
}

module attributes {stable_mosaic.version = 14 : i64} {
  func.func @_mlp_body(%arg0: i32, %arg1: memref<2x1024x128xf32, #tpu.memory_space<vmem>>, %arg2: memref<1024x128xf32, #tpu.memory_space<vmem>>, %arg3: memref<128x256xf32, #tpu.memory_space<vmem>>, %arg4: memref<1x256xf32, #tpu.memory_space<vmem>>, %arg5: memref<256x16xf32, #tpu.memory_space<vmem>>, %arg6: memref<1x16xf32, #tpu.memory_space<vmem>>, %arg7: memref<1024x16xf32, #tpu.memory_space<vmem>>) attributes {dimension_semantics = [#tpu.dimension_semantics<arbitrary>], iteration_bounds = array<i64: 10>, scalar_prefetch = 0 : i64, scratch_operands = 0 : i64, tpu.core_type = #tpu.core_type<tc>, window_params = [{transform_indices = @transform_0, window_bounds = array<i64: 2, 1024, 128>}, {transform_indices = @transform_1, window_bounds = array<i64: 1024, 128>}, {pipeline_mode = #tpu.pipeline_mode<synchronous>, transform_indices = @transform_2, window_bounds = array<i64: 128, 256>}, {pipeline_mode = #tpu.pipeline_mode<synchronous>, transform_indices = @transform_3, window_bounds = array<i64: 1, 256>}, {pipeline_mode = #tpu.pipeline_mode<synchronous>, transform_indices = @transform_4, window_bounds = array<i64: 256, 16>}, {pipeline_mode = #tpu.pipeline_mode<synchronous>, transform_indices = @transform_5, window_bounds = array<i64: 1, 16>}, {transform_indices = @transform_6, window_bounds = array<i64: 1024, 16>}]} {
    %get3A = arith.constant 0 : index
    %get3A_0 = arith.constant 0 : index
    %get3A_1 = arith.constant 0 : index
    %get3A_2 = vector.load %arg1[%get3A, %get3A_0, %get3A_1] : memref<2x1024x128xf32, #tpu.memory_space<vmem>>, vector<1x1024x128xf32>
    %get3A_3 = vector.shape_cast %get3A_2 : vector<1x1024x128xf32> to vector<1024x128xf32>
    %get3A_4 = arith.constant 1 : index
    %get3A_5 = arith.constant 0 : index
    %get3A_6 = arith.constant 0 : index
    %get3A_7 = vector.load %arg1[%get3A_4, %get3A_5, %get3A_6] : memref<2x1024x128xf32, #tpu.memory_space<vmem>>, vector<1x1024x128xf32>
    %get3A_8 = vector.shape_cast %get3A_7 : vector<1x1024x128xf32> to vector<1024x128xf32>
    %add3A = arith.addf %get3A_3, %get3A_8 : vector<1024x128xf32>
    %get3A_9 = arith.constant 0 : index
    %get3A_10 = arith.constant 0 : index
    %get3A_11 = vector.load %arg2[%get3A_9, %get3A_10] : memref<1024x128xf32, #tpu.memory_space<vmem>>, vector<1024x128xf32>
    %sub3A = arith.subf %add3A, %get3A_11 : vector<1024x128xf32>
    %get3A_12 = arith.constant 0 : index
    %get3A_13 = arith.constant 0 : index
    %get3A_14 = vector.load %arg3[%get3A_12, %get3A_13] : memref<128x256xf32, #tpu.memory_space<vmem>>, vector<128x256xf32>
    %dot_general3A = arith.constant dense<0.000000e+00> : vector<1024x256xf32>
    %dot_general3A_15 = tpu.matmul %sub3A, %get3A_14, %dot_general3A {dimension_numbers = #tpu.dot_dimension_numbers<[1], [0], [0], [1], [0, 0, 1, 1], [], []>, transpose_lhs_hint = false} : vector<1024x128xf32>, vector<128x256xf32>, vector<1024x256xf32> -> vector<1024x256xf32>
    %get3A_16 = arith.constant 0 : index
    %get3A_17 = arith.constant 0 : index
    %get3A_18 = vector.load %arg4[%get3A_16, %get3A_17] : memref<1x256xf32, #tpu.memory_space<vmem>>, vector<1x256xf32>
    %add3A_19 = vector.broadcast %get3A_18 : vector<1x256xf32> to vector<1024x256xf32>
    %add3A_20 = arith.addf %dot_general3A_15, %add3A_19 : vector<1024x256xf32>
    %max3A = arith.constant 0.000000e+00 : f32
    %max3A_21 = vector.broadcast %max3A : f32 to vector<1024x256xf32>
    %max3A_22 = arith.maximumf %add3A_20, %max3A_21 : vector<1024x256xf32>
    %get3A_23 = arith.constant 0 : index
    %get3A_24 = arith.constant 0 : index
    %get3A_25 = vector.load %arg5[%get3A_23, %get3A_24] : memref<256x16xf32, #tpu.memory_space<vmem>>, vector<256x16xf32>
    %dot_general3A_26 = arith.constant dense<0.000000e+00> : vector<1024x16xf32>
    %dot_general3A_27 = tpu.matmul %max3A_22, %get3A_25, %dot_general3A_26 {dimension_numbers = #tpu.dot_dimension_numbers<[1], [0], [0], [1], [0, 0, 1, 1], [], []>, transpose_lhs_hint = false} : vector<1024x256xf32>, vector<256x16xf32>, vector<1024x16xf32> -> vector<1024x16xf32>
    %get3A_28 = arith.constant 0 : index
    %get3A_29 = arith.constant 0 : index
    %get3A_30 = vector.load %arg6[%get3A_28, %get3A_29] : memref<1x16xf32, #tpu.memory_space<vmem>>, vector<1x16xf32>
    %add3A_31 = vector.broadcast %get3A_30 : vector<1x16xf32> to vector<1024x16xf32>
    %add3A_32 = arith.addf %dot_general3A_27, %add3A_31 : vector<1024x16xf32>
    %swap3A = arith.constant 0 : index
    %swap3A_33 = arith.constant 0 : index
    %swap3A_34 = vector.load %arg7[%swap3A, %swap3A_33] : memref<1024x16xf32, #tpu.memory_space<vmem>>, vector<1024x16xf32>
    tpu.vector_store %arg7[%swap3A, %swap3A_33], %add3A_32 {strides = array<i32>} : memref<1024x16xf32, #tpu.memory_space<vmem>>, vector<1024x16xf32>,
    return
  }
  func.func @transform_0(%arg0: i32) -> (i32, i32, i32) {
    %c0_i32 = arith.constant 0 : i32
    %c0_i32_0 = arith.constant 0 : i32
    %c0_i32_1 = arith.constant 0 : i32
    return %c0_i32, %arg0, %c0_i32_0 : i32, i32, i32
  }
  func.func @transform_1(%arg0: i32) -> (i32, i32) {
    %c0_i32 = arith.constant 0 : i32
    %c0_i32_0 = arith.constant 0 : i32
    return %arg0, %c0_i32 : i32, i32
  }
  func.func @transform_2(%arg0: i32) -> (i32, i32) {
    %c0_i32 = arith.constant 0 : i32
    %c0_i32_0 = arith.constant 0 : i32
    %c0_i32_1 = arith.constant 0 : i32
    return %c0_i32, %c0_i32_0 : i32, i32
  }
  func.func @transform_3(%arg0: i32) -> (i32, i32) {
    %c0_i32 = arith.constant 0 : i32
    %c0_i32_0 = arith.constant 0 : i32
    %c0_i32_1 = arith.constant 0 : i32
    return %c0_i32, %c0_i32_0 : i32, i32
  }
  func.func @transform_4(%arg0: i32) -> (i32, i32) {
    %c0_i32 = arith.constant 0 : i32
    %c0_i32_0 = arith.constant 0 : i32
    %c0_i32_1 = arith.constant 0 : i32
    return %c0_i32, %c0_i32_0 : i32, i32
  }
  func.func @transform_5(%arg0: i32) -> (i32, i32) {
    %c0_i32 = arith.constant 0 : i32
    %c0_i32_0 = arith.constant 0 : i32
    %c0_i32_1 = arith.constant 0 : i32
    return %c0_i32, %c0_i32_0 : i32, i32
  }
  func.func @transform_6(%arg0: i32) -> (i32, i32) {
    %c0_i32 = arith.constant 0 : i32
    %c0_i32_0 = arith.constant 0 : i32
    return %arg0, %c0_i32 : i32, i32
  }
}

</mosaic_0001>

<sc_bundles>
// kernel: kernel.6.cloned.1.call-start
scs
__scs_entry_jumppad:
0x0: {  	(pc) =	sbr.rel $0x88, $3  }
0x1: {  	(tag) =	ssettag $0x0;
	lr =	simm.s32 $0x1  }
0x2: {  	[smem:$0x3F9B] =	sst lr;
	_ =	strace $0xD0000000  }
0x3: {  	_ = 	snop  }
0x4: {  	_ = 	snop  }
0x5: {  	_ = 	snop  }
0x6: {  	_ = 	snop  }
0x7: {  	_ = 	snop  }
__scs_overlays_trampoline_lowered:
0x8: {  	[smem:$0x3FAA] =	sst s0  }
0x9: {  	[smem:$0x3FAB] =	sst s1  }
0xa: {  	[smem:$0x3FAC] =	sst s2  }
0xb: {  	[smem:$0x3FAD] =	sst s3  }
0xc: {  	[smem:$0x3FAE] =	sst s4  }
0xd: {  	[smem:$0x3FAF] =	sst s5  }
0xe: {  	[smem:$0x3FB0] =	sst s6  }
0xf: {  	[smem:$0x3FB1] =	sst s7  }
0x10: {  	[smem:$0x3FB2] =	sst s8  }
0x11: {  	[smem:$0x3FB3] =	sst s9;
	s0 =	simm.s32 @!p0 $0x0  }
0x12: {  	s1 =	sld [smem:$0x3F99];
	s0 =	simm.s32 @p0 $0x1  }
0x13: {  	[smem:$0x3FB4] =	sst s0;
	s0 =	simm.s32 @!p1 $0x0  }
0x14: {  	s2 =	sld [smem:$0x3F98];
	s0 =	simm.s32 @p1 $0x1  }
0x15: {  	[smem:$0x3FB5] =	sst s0;
	s0 =	simm.s32 @!p2 $0x0  }
0x16: {  	s3 =	sld [smem:$0x3FDB];
	s0 =	simm.s32 @p2 $0x1  }
0x17: {  	s4 =	simm.s32 $0x1BF5;
	[smem:$0x3FB7] =	sst s0  }
0x18: {  	s0 =	sld [smem:$0x3F9A];
	_ =	swait.ge [sflag:s4], $0x0  }
0x19: {  	s7 =	sld [smem:$0x3F9B]  }
0x1a: {  	s8 =	sadd.s32 $0xFFFFE003, lr  }
0x1b: {  	s9 =	sadd.s32 $0xFFFFFEF7, lr;
	s5 =	simm.s32 $0xFFFFFFFF;
	p2 =	slt.u32 s8, $0xFFFFF086  }
0x1c: {  	p1 =	slt.u32 s9, $0xF7A;
	s5 =	simm.s32 @!p2 $0x0  }
0x1d: {  	s5 =	simm.s32 @p1 $0x1;
	p0 =	seq.s32 s7, s2  }
0x1e: {  	s7 =	smul.u32 @!p0 $0xF7A, s2;
	p2 =	seq.s32 @!p0 s5, $0x0  }
0x1f: {  	s9 =	smul.u32 $0xF7A, s1;
	s8 =	simm.s32 @!p0 $0x1BF5;
	p2 =	por !p2, p0  }
0x20: {  	[sflag:s8] =	ssyncset.s32 @!p0 $0xFFFFF086;
	s6 =	sadd.s32 @!p0 s3, s7;
	s7 =	simm.s32 @!p0 $0x108  }
0x21: {  	s3 =	sadd.s32 s3, s9;
	s6 =	sadd.s32 @!p0 $0x88, s6;
	s7 =	simm.s32 @p2 $0x1082  }
0x22: {  	[simem:s7], [sflag:s8] =	dma.local @!p0 [hbm:s6], $0xF7A  }
0x23: {  	s9 =	sor.u32 $0xD0000000, s2;
	s6 =	simm.s32 $0x108;
	_ =	swait.ge @!p0 [sflag:s8], $0x0  }
0x24: {  	s3 =	sadd.s32 $0x88, s3;
	s6 =	simm.s32 @!p1 $0x1082;
	[sflag:s4] =	ssyncset.s32 $0xFFFFF086  }
0x25: {  	[simem:s6], [sflag:s4] =	dma.local [hbm:s3], $0xF7A  }
0x26: {  	[smem:$0x3F9B] =	sst s1;
	(tag) =	ssettag s2;
	_ =	strace s9  }
0x27: {  	s1 =	sld [smem:$0x3FAB]  }
0x28: {  	s2 =	sld [smem:$0x3FAC]  }
0x29: {  	s4 =	sld [smem:$0x3FAE]  }
0x2a: {  	p0 =	seq.s32 s5, $0x0;
	s5 =	sld [smem:$0x3FAF]  }
0x2b: {  	s6 =	sld [smem:$0x3FB0]  }
0x2c: {  	s7 =	sld [smem:$0x3FB1]  }
0x2d: {  	s3 =	simm.s32 $0x108;
	s8 =	sld [smem:$0x3FB2]  }
0x2e: {  	s3 =	simm.s32 @!p0 $0x1082;
	s9 =	sld [smem:$0x3FB3]  }
0x2f: {  	lr =	sadd.s32 s0, s3;
	s0 =	sld [smem:$0x3FAA]  }
0x30: {  	s3 =	sld [smem:$0x3FAD]  }
0x31: {  	[smem:$0x3FB6] =	sst s10  }
0x32: {  	s10 =	sld [smem:$0x3FB4];
	_ =	sdelay $0x3  }
0x33: {  	p0 =	seq.s32 s10, $0x1;
	s10 =	sld [smem:$0x3FB6];
	_ =	sdelay $0x3  }
0x34: {  	[smem:$0x3FB6] =	sst s10  }
0x35: {  	s10 =	sld [smem:$0x3FB5];
	_ =	sdelay $0x3  }
0x36: {  	p1 =	seq.s32 s10, $0x1;
	s10 =	sld [smem:$0x3FB6];
	_ =	sdelay $0x3  }
0x37: {  	[smem:$0x3FB6] =	sst s10  }
0x38: {  	s10 =	sld [smem:$0x3FB7]  }
0x39: {  	_ = 	snop;
	(pc) =	sbr.ind lr, $3  }
0x3a: {  	_ = 	snop  }
0x3b: {  	_ = 	snop  }
0x3c: {  	p2 =	seq.s32 s10, $0x1;
	s10 =	sld [smem:$0x3FB6]  }
0x3d: {  	_ =	shalt  }
0x3e: {  	_ =	shalt  }
0x3f: {  	_ =	shalt  }
0x40: {  	_ =	shalt  }
0x41: {  	_ =	shalt  }
0x42: {  	_ =	shalt  }
0x43: {  	_ =	shalt  }
0x44: {  	_ =	shalt  }
0x45: {  	_ =	shalt  }
0x46: {  	_ =	shalt  }
0x47: {  	_ =	shalt  }
0x48: {  	_ =	shalt  }
0x49: {  	_ =	shalt  }
0x4a: {  	_ =	shalt  }
0x4b: {  	_ =	shalt  }
0x4c: {  	_ =	shalt  }
0x4d: {  	_ =	shalt  }
0x4e: {  	_ =	shalt  }
0x4f: {  	_ =	shalt  }
0x50: {  	_ =	shalt  }
0x51: {  	_ =	shalt  }
0x52: {  	_ =	shalt  }
0x53: {  	_ =	shalt  }
0x54: {  	_ =	shalt  }
0x55: {  	_ =	shalt  }
0x56: {  	_ =	shalt  }
0x57: {  	_ =	shalt  }
0x58: {  	_ =	shalt  }
0x59: {  	_ =	shalt  }
0x5a: {  	_ =	shalt  }
0x5b: {  	_ =	shalt  }
0x5c: {  	_ =	shalt  }
0x5d: {  	_ =	shalt  }
0x5e: {  	_ =	shalt  }
0x5f: {  	_ =	shalt  }
0x60: {  	_ =	shalt  }
0x61: {  	_ =	shalt  }
0x62: {  	_ =	shalt  }
0x63: {  	_ =	shalt  }
0x64: {  	_ =	shalt  }
0x65: {  	_ =	shalt  }
0x66: {  	_ =	shalt  }
0x67: {  	_ =	shalt  }
0x68: {  	_ =	shalt  }
0x69: {  	_ =	shalt  }
0x6a: {  	_ =	shalt  }
0x6b: {  	_ =	shalt  }
0x6c: {  	_ =	shalt  }
0x6d: {  	_ =	shalt  }
0x6e: {  	_ =	shalt  }
0x6f: {  	_ =	shalt  }
0x70: {  	_ =	shalt  }
0x71: {  	_ =	shalt  }
0x72: {  	_ =	shalt  }
0x73: {  	_ =	shalt  }
0x74: {  	_ =	shalt  }
0x75: {  	_ =	shalt  }
0x76: {  	_ =	shalt  }
0x77: {  	_ =	shalt  }
0x78: {  	_ =	shalt  }
0x79: {  	_ =	shalt  }
0x7a: {  	_ =	shalt  }
0x7b: {  	_ =	shalt  }
0x7c: {  	_ =	shalt  }
0x7d: {  	_ =	shalt  }
0x7e: {  	_ =	shalt  }
0x7f: {  	_ =	shalt  }
0x80: {  	_ =	shalt  }
0x81: {  	_ =	shalt  }
0x82: {  	_ =	shalt  }
0x83: {  	_ =	shalt  }
0x84: {  	_ =	shalt  }
0x85: {  	_ =	shalt  }
0x86: {  	_ =	shalt  }
0x87: {  	_ =	shalt  }
.Lfunc_end0:
.L_simem_size_0:
called_computation_lowered:
.L_overlay_start_0:
0x88: {  	s2 =	sld [smem:$0x3FD9]  }
0x89: {  	s3 =	sld [smem:$0x3FFE];
	_ =	sdelay $0x1  }
0x8a: {  	s1 =	srdreg.scid  }
0x8b: {  	s0 =	sand.u32 $0x1, s1  }
0x8c: {  	s16 =	sshll.u32 s0, $0xA;
	s2 =	sadd.s32 s3, s2  }
0x8d: {  	s2 =	sadd.s32 s2, s16  }
0x8e: {  	[smem:$0x3FC2] =	sst s2  }
0x8f: {  	_ = 	snop  }
0x90: {  	(tm) =	ssettm $0x1  }
0x91: {  	s17 =	sld [smem:$0x3FFB];
	_ =	sdelay $0x3  }
0x92: {  	_ =	strace s17  }
0x93: {  	s2 =	sld [smem:$0x3FFC];
	_ =	sdelay $0x3  }
0x94: {  	_ =	strace s2  }
0x95: {  	s2 =	sld [smem:$0x3FFD];
	_ =	sdelay $0x3  }
0x96: {  	_ =	strace s2  }
0x97: {  	_ =	strace $0x8FFFFFFF  }
0x98: {  	s18 =	sld [smem:$0x3FDB];
	_ =	sdelay $0x1  }
0x99: {  	s19 =	simm.s32 $_scs_section_size  }
0x9a: {  	s4 =	simm.s32 $_size__tile_overlayer_lowered;
	s5 =	simm.s32 $_tile_overlayer_lowered  }
0x9b: {  	s22 =	simm.s32 $0x1BFF;
	s21 =	sshll.u32 s5, $0x1;
	s2 =	sadd.s32 s19, s18  }
0x9c: {  	s6 =	simm.s32 $0x0;
	s20 =	sshll.u32 s4, $0x1;
	s4 =	sadd.s32 s21, s2  }
0x9d: {  	[timem:s6], [sflag:s22] =	dma.local [hbm:s4], s20  }
0x9e: {  	_ =	swait.ge [sflag:s22], s20  }
0x9f: {  	s3 =	ssub.s32 $0x0, s20;
	[sflag:s22] =	ssyncset.done $0x0  }
0xa0: {  	[sflag:s22] =	ssyncadd.s32 s3;
	_ =	sdelay $0x1  }
0xa1: {  	s23 =	simm.s32 $0x1B8B  }
0xa2: {  	_ =	swait.ge [sflag:s23], $0x1  }
0xa3: {  	[sflag:s23] =	ssyncset.done $0x0  }
0xa4: {  	s25 =	simm.s32 $0x1B8E;
	s24 =	sld [smem:$0x3FFE];
	[sflag:s23] =	ssyncadd.s32 $0xFFFFFFFF  }
0xa5: {  	s26 =	simm.s32 $execute0_lowered;
	[smem:$0x3FD2] =	sst s25  }
0xa6: {  	s4 =	sshll.u32 s26, $0x1;
	_ =	strace $0x80000046;
	[dreg:$0x1] =	wrdreg $0xFFFFFFFF  }
0xa7: {  	s28 =	simm.s32 $_size_execute0_lowered;
	s2 =	sadd.s32 s2, s4;
	[dreg:$0x0] =	wrdreg $0x0  }
0xa8: {  	s4 =	sshll.u32 s28, $0x1;
	[dreg:$0x2] =	wrdreg s2  }
0xa9: {  	[dreg:$0x3] =	wrdreg s4  }
0xaa: {  	[dreg:$0x4] =	wrdreg $0xC0  }
0xab: {  	_ =	task [dreg:s6], $0x5FFFF  }
0xac: {  	[dreg:$0x1] =	wrdreg $0xFFFFFFFF  }
0xad: {  	[dreg:$0x0] =	wrdreg $0x60  }
0xae: {  	[dreg:$0x2] =	wrdreg s24  }
0xaf: {  	[dreg:$0x3] =	wrdreg $0xA8000  }
0xb0: {  	[dreg:$0x4] =	wrdreg $0x9  }
0xb1: {  	_ =	task.clear_ibuf [dreg:s6], $0x5FFFF;
	_ =	strace $0x90000046  }
0xb2: {  	s29 =	simm.s32 $0x9;
	_ =	strace $0x80000048  }
0xb3: {  	_ =	swait.ge [sflag:s29], $0x1  }
0xb4: {  	[sflag:s29] =	ssyncadd.s32 $0xFFFFFFFF  }
0xb5: {  	_ =	strace $0x90000048  }
0xb6: {  	_ =	sfence  }
0xb7: {  	s30 =	sld [smem:$0x0];
	_ =	sdelay $0x2  }
0xb8: {  	s31 =	sshll.u32 s1, $0xD;
	s1 =	sshrl.u32 s1, $0x2  }
0xb9: {  	s3 =	sand.u32 $0x4000, s31;
	s1 =	sadd.s32 s1, s30  }
0xba: {  	s0 =	sor.u32 s3, s0;
	s1 =	sshll.u32 s1, $0x11  }
0xbb: {  	s0 =	sor.u32 s1, s0  }
0xbc: {  	s0 =	sadd.s32 $0x8F2B, s0  }
0xbd: {  	[sflag:s0] =	ssyncadd.remote.s32 $0x1  }
0xbe: {  	_ =	sfence.sel $0xFFFF  }
0xbf: {  	[dreg:$0x0] =	wrdreg $0xFFFFFFFF;
	(pc) =	sbr.abs _section_cstart, $3  }
0xc0: {  	[dreg:$0x1] =	wrdreg $0xFFFFFFFF  }
0xc1: {  	_ =	task.clear_ibuf [dreg:s6], $0x2FFFF;
	_ =	strace $0x9FFFFFFF  }
0xc2: {  	(tm) =	ssettm $0x7FFFFFFF  }
0xc3: {  	_ =	shalt  }
tec
execute0_lowered:
.L_overlay_start_1:
0x0: {  	(tag) =	ssettag $0x1  }
0x1: {  	s0 =	rddreg [dreg:$0x0]  }
0x2: {  	s2 =	rddreg [dreg:$0x1]  }
0x3: {  	s13 =	stileid.u32;
	s3 =	simm.s32 $0x0;
	s4 =	srdreg.scid  }
0x4: {  	s14 =	simm.s32 $0x7;
	s16 =	simm.s32 $0x40;
	s17 =	simm.s32 $0x2800  }
0x5: {  	s21 =	simm.s32 $0xC0;
	s22 =	simm.s32 $0x5800;
	s23 =	simm.s32 $0x1  }
0x6: {  	s24 =	simm.s32 $0x6800;
	s28 =	simm.s32 $0x8800;
	s29 =	simm.s32 $0x3  }
0x7: {  	s30 =	simm.s32 $0x5;
	s31 =	simm.s32 $0x4;
	s1 =	smul.u32 $0x14000, s13  }
0x8: {  	[smem:$0x7FF] =	sst s3;
	s6 =	sand.u32 $0x1, s4;
	s4 =	sadd.s32 $0x29A00, s0  }
0x9: {  	s9 =	sadd.s32 $0x47A00, s0;
	s10 =	sadd.s32 $0x3DA00, s0;
	s25 =	sshll.u32 s13, $0x6  }
0xa: {  	_ =	strace $0x80000047;
	s7 =	smul.u32 $0x140000, s6;
	s8 =	sshll.u32 s6, $0x4  }
0xb: {  	s6 =	ssub.s32 $0x2, s6;
	s5 =	sshrl.u32 s1, $0x3;
	s8 =	sor.u32 s13, s8  }
0xc: {  	s11 =	sshrl.u32 s6, $0x1;
	s5 =	sadd.s32 s5, s0;
	s7 =	sadd.s32 s1, s7  }
0xd: {  	s8 =	smul.u32 $0x2800, s8;
	s12 =	ssub.s32 s6, s11;
	s1 =	sadd.s32 s1, s2  }
0xe: {  	s6 =	sor.u32 $0x1C07, s25;
	s25 =	simm.s32 $0x2;
	s7 =	sshrl.u32 s7, $0x3  }
.Ltmp0:
0xf: {  	s5 =	sadd.s32 $0x1A00, s5;
	s12 =	smax.u32 s12, $0x1;
	(pc) =	sbr.rel .LBB2_1-.Ltmp0, $4  }
0x10: {  	s13 =	sshrl.u32 s1, $0x3;
	s0 =	sadd.s32 s7, s0;
	s8 =	sshrl.u32 s8, $0x3  }
0x11: {  	[dreg:$0x3] =	wrdreg s5;
	s7 =	sadd.s32 s9, s8;
	s26 =	sadd.s32 $0x280, s8  }
0x12: {  	s8 =	sadd.s32 s10, s8;
	s11 =	sadd.s32 $0x51A00, s0;
	s0 =	simm.s32 $0x0  }
0x13: {  	s9 =	sadd.s32 s9, s26;
	s10 =	sadd.s32 s10, s26;
	s26 =	simm.s32 $0x6  }
.LBB2_27:
0x14: {  	_ =	swait.ge [sflag:s30], $0x2000  }
0x15: {  	[sflag:s30] =	ssyncset.done $0x0  }
0x16: {  	[sflag:s30] =	ssyncadd.s32 $0xFFFFE000  }
0x17: {  	_ =	swait.ge [sflag:s26], $0x2000  }
0x18: {  	s0 =	sadd.s32 $0x1, s0;
	[sflag:s26] =	ssyncset.done $0x0  }
0x19: {  	p0 =	sne.s32 s0, s12;
	[sflag:s26] =	ssyncadd.s32 $0xFFFFE000  }
.Ltmp1:
0x1a: {  	[bflag:$0x0] =	sbarrier.arrive $0xFFFF;
	(pc) =	sbr.rel @!p0 .LBB2_28-.Ltmp1, $4  }
0x1b: {  	[hbm:s11], [sflag:s6] =	dma.local [spmem:s13], $0x2800  }
0x1c: {  	_ =	swait.ge [sflag:s14], $0x2800  }
0x1d: {  	[sflag:s14] =	ssyncset.done $0x0  }
0x1e: {  	[sflag:s14] =	ssyncadd.s32 $0xFFFFD800  }
.LBB2_1:
0x1f: {  	s1 =	rddreg [dreg:$0x3]  }
0x20: {  	[spmem:s13], [sflag:s6] =	dma.local [hbm:s1], $0x2800  }
0x21: {  	_ =	swait.ge [sflag:s14], $0x2800  }
0x22: {  	[sflag:s14] =	ssyncset.done $0x0  }
0x23: {  	[sflag:s14] =	ssyncadd.s32 $0xFFFFD800  }
0x24: {  	[bflag:$0x0] =	sbarrier.arrive $0xFFFF  }
0x25: {  	[tilespmem:s3], [sflag:$0x7] =	stream.linear.gather [hbm4b:s7+s3], $0x1400, $0x38;
	[tilespmem:$0x1E800] =	vst v63  }
0x26: {  	_ =	swait.ge [sflag:s14], $0x1400  }
0x27: {  	[sflag:s14] =	ssyncset.done $0x0  }
0x28: {  	s18 =	simm.s32 $0x1400;
	[sflag:s14] =	ssyncadd.s32 $0xFFFFEC00  }
0x29: {  	[tilespmem:s18], [sflag:$0x7] =	stream.linear.gather [hbm4b:s8+s3], $0x1400, $0x38;
	[tilespmem:$0x1E800] =	vst v63  }
0x2a: {  	_ =	swait.ge [sflag:s14], $0x1400  }
0x2b: {  	[sflag:s14] =	ssyncset.done $0x0  }
0x2c: {  	[sflag:s14] =	ssyncadd.s32 $0xFFFFEC00  }
0x2d: {  	[tilespmem:s17], [sflag:$0x1] =	stream.indirect.gather [hbm4b:s4+s16], $0x40, s3, s16, $0xb8;
	[tilespmem:$0x1E800] =	vst v63  }
0x2e: {  	s19 =	simm.s32 $0x3800  }
0x2f: {  	[tilespmem:s19], [sflag:$0x2] =	stream.indirect.gather [hbm4b:s4+s16], $0x40, s16, s16, $0xb8;
	[tilespmem:$0x1E800] =	vst v63  }
0x30: {  	s20 =	simm.s32 $0x80;
	s5 =	simm.s32 $0x4800  }
0x31: {  	[tilespmem:s5], [sflag:$0x3] =	stream.indirect.gather [hbm4b:s4+s16], $0x40, s20, s16, $0xb8;
	[tilespmem:$0x1E800] =	vst v63  }
0x32: {  	s1 =	simm.s32 $0x0  }
0x33: {  	[tilespmem:s22], [sflag:$0x4] =	stream.indirect.gather [hbm4b:s4+s16], $0x40, s21, s16, $0xb8;
	[tilespmem:$0x1E800] =	vst v63  }
.LBB2_2:
0x34: {  	_ =	swait.ge [sflag:s23], $0x1000  }
0x35: {  	p0 =	seq.s32 s1, $0x0;
	[sflag:s23] =	ssyncset.done $0x0  }
0x36: {  	s5 =	simm.s32 @!p0 $0x5;
	[sflag:s23] =	ssyncadd.s32 $0xFFFFF000  }
0x37: {  	_ =	swait.ge @!p0 [sflag:s5], $0x2000  }
0x38: {  	[sflag:s5] =	ssyncset.done @!p0 $0x0  }
0x39: {  	s20 =	simm.s32 $0x0;
	[sflag:s5] =	ssyncadd.s32 @!p0 $0xFFFFE000  }
0x3a: {  	v0 =	vld [tilespmem:s20+$0x2800];
	_ =	sdelay $0x4  }
0x3b: {  	s15 =	simm.s32 $0x6840;
	v1 =	vshll.u32 v0, $0x10  }
0x3c: {  	v0 =	vand.u32 $0xFFFF0000, v0;
	[tilespmem:s15+$0xFFFFFFC0] =	vst v1  }
0x3d: {  	[tilespmem:s15+$0x0] =	vst v0  }
0x3e: {  	v0 =	vld [tilespmem:s20+$0x2810];
	_ =	sdelay $0x4  }
0x3f: {  	v1 =	vshll.u32 v0, $0x10  }
0x40: {  	v0 =	vand.u32 $0xFFFF0000, v0;
	[tilespmem:s15+$0xFFFFFFD0] =	vst v1  }
0x41: {  	[tilespmem:s15+$0x10] =	vst v0  }
0x42: {  	v0 =	vld [tilespmem:s20+$0x2820];
	_ =	sdelay $0x4  }
0x43: {  	v1 =	vand.u32 $0xFFFF0000, v0  }
0x44: {  	v0 =	vshll.u32 v0, $0x10;
	[tilespmem:s15+$0x20] =	vst v1  }
0x45: {  	[tilespmem:s15+$0xFFFFFFE0] =	vst v0  }
0x46: {  	v0 =	vld [tilespmem:s20+$0x2830];
	_ =	sdelay $0x4  }
0x47: {  	v1 =	vshll.u32 v0, $0x10  }
0x48: {  	v0 =	vand.u32 $0xFFFF0000, v0;
	[tilespmem:s15+$0xFFFFFFF0] =	vst v1  }
0x49: {  	s5 =	simm.s32 $0x40;
	[tilespmem:s15+$0x30] =	vst v0  }
0x4a: {  	v0 =	vld [tilespmem:s5+$0x2800]  }
0x4b: {  	s18 =	simm.s32 $0x200  }
.LBB2_3:
0x4c: {  	p1 =	sne.s32 s18, $0x3F00;
	_ =	sdelay $0x2  }
0x4d: {  	s15 =	sadd.s32 $0x80, s15;
	v1 =	vshll.u32 v0, $0x10  }
0x4e: {  	v0 =	vand.u32 $0xFFFF0000, v0;
	[tilespmem:s15+$0xFFFFFFC0] =	vst v1  }
0x4f: {  	[tilespmem:s15+$0x0] =	vst v0  }
0x50: {  	v0 =	vld [tilespmem:s5+$0x2810];
	_ =	sdelay $0x4  }
0x51: {  	v1 =	vshll.u32 v0, $0x10  }
0x52: {  	v0 =	vand.u32 $0xFFFF0000, v0;
	[tilespmem:s15+$0xFFFFFFD0] =	vst v1  }
0x53: {  	[tilespmem:s15+$0x10] =	vst v0  }
0x54: {  	v0 =	vld [tilespmem:s5+$0x2820];
	_ =	sdelay $0x4  }
0x55: {  	v1 =	vshll.u32 v0, $0x10;
	v0 =	vand.u32 $0xFFFF0000, v0  }
0x56: {  	[tilespmem:s15+$0x20] =	vst v0  }
0x57: {  	[tilespmem:s15+$0xFFFFFFE0] =	vst v1  }
0x58: {  	v0 =	vld [tilespmem:s5+$0x2830];
	_ =	sdelay $0x4  }
.Ltmp2:
0x59: {  	v1 =	vshll.u32 v0, $0x10;
	v0 =	vand.u32 $0xFFFF0000, v0;
	(pc) =	sbr.rel @p1 .LBB2_3-.Ltmp2, $4  }
0x5a: {  	[tilespmem:s15+$0xFFFFFFF0] =	vst v1  }
0x5b: {  	s5 =	sshra.s32 s18, $0x2;
	[tilespmem:s15+$0x30] =	vst v0  }
0x5c: {  	v0 =	vld [tilespmem:s5+$0x2800]  }
0x5d: {  	s18 =	sadd.s32 $0x100, s18  }
0x5e: {  	_ =	sdelay $0x2  }
0x5f: {  	s19 =	sadd.s32 $0x80, s15;
	v1 =	vshll.u32 v0, $0x10  }
0x60: {  	v60 =	vand.u32 $0xFFFF0000, v0;
	[tilespmem:s19+$0xFFFFFFC0] =	vst v1  }
0x61: {  	[tilespmem:s19+$0x0] =	vst v60  }
0x62: {  	v0 =	vld [tilespmem:s5+$0x2810];
	_ =	sdelay $0x4  }
0x63: {  	v61 =	vshll.u32 v0, $0x10  }
0x64: {  	v0 =	vand.u32 $0xFFFF0000, v0;
	[tilespmem:s19+$0xFFFFFFD0] =	vst v61  }
0x65: {  	[tilespmem:s19+$0x10] =	vst v0  }
0x66: {  	v0 =	vld [tilespmem:s5+$0x2820];
	_ =	sdelay $0x4  }
0x67: {  	v62 =	vand.u32 $0xFFFF0000, v0  }
0x68: {  	v0 =	vshll.u32 v0, $0x10;
	[tilespmem:s19+$0x20] =	vst v62  }
0x69: {  	[tilespmem:s19+$0xFFFFFFE0] =	vst v0  }
0x6a: {  	v0 =	vld [tilespmem:s5+$0x2830];
	_ =	sdelay $0x2  }
0x6b: {  	p1 =	sne.s32 s1, $0x13  }
.Ltmp3:
0x6c: {  	_ = 	snop;
	(pc) =	sbr.rel @p1 .LBB2_6-.Ltmp3, $4  }
0x6d: {  	s18 =	sshll.u32 s1, $0xA;
	v63 =	vshll.u32 v0, $0x10  }
0x6e: {  	s15 =	sshrl.u32 s18, $0x2;
	v0 =	vand.u32 $0xFFFF0000, v0;
	[tilespmem:s19+$0xFFFFFFF0] =	vst v63  }
0x6f: {  	s20 =	sadd.s32 $0x1400, s15;
	[tilespmem:s19+$0x30] =	vst v0  }
0x70: {  	[spmem:s2] =	stream.indirect.scatter.add.f32 [tilespmem:s24], [sflag:$0x5], $0x80, s20, s16, $0xb8;
	[tilespmem:$0x1E800] =	vst v63  }
.Ltmp4:
0x71: {  	(pc) =	sbr.rel .LBB2_7-.Ltmp4, $4  }
0x72: {  	_ = 	snop  }
0x73: {  	_ =	swait.ge [sflag:s25], $0x1000  }
0x74: {  	[sflag:s25] =	ssyncset.done $0x0  }
0x75: {  	[sflag:s25] =	ssyncadd.s32 $0xFFFFF000  }
.LBB2_6:
.Ltmp5:
0x76: {  	s5 =	sadd.s32 $0x100, s15;
	(pc) =	sbr.rel @p0 .LBB2_8-.Ltmp5, $4  }
0x77: {  	[tilespmem:s17], [sflag:$0x1] =	stream.indirect.gather [hbm4b:s4+s16], $0x40, s5, s16, $0xb8;
	[tilespmem:$0x1E800] =	vst v63  }
0x78: {  	_ =	swait.ge [sflag:s25], $0x1000  }
0x79: {  	[sflag:s25] =	ssyncset.done $0x0  }
0x7a: {  	[sflag:s25] =	ssyncadd.s32 $0xFFFFF000  }
.LBB2_7:
0x7b: {  	_ =	swait.ge [sflag:s26], $0x2000  }
0x7c: {  	[sflag:s26] =	ssyncset.done $0x0  }
0x7d: {  	[sflag:s26] =	ssyncadd.s32 $0xFFFFE000  }
.LBB2_8:
0x7e: {  	s19 =	simm.s32 $0x0  }
0x7f: {  	v0 =	vld [tilespmem:s19+$0x3800];
	_ =	sdelay $0x4  }
0x80: {  	s5 =	simm.s32 $0x8840;
	v1 =	vshll.u32 v0, $0x10  }
0x81: {  	v0 =	vand.u32 $0xFFFF0000, v0;
	[tilespmem:s5+$0xFFFFFFC0] =	vst v1  }
0x82: {  	[tilespmem:s5+$0x0] =	vst v0  }
0x83: {  	v0 =	vld [tilespmem:s19+$0x3810];
	_ =	sdelay $0x4  }
0x84: {  	v1 =	vshll.u32 v0, $0x10  }
0x85: {  	v0 =	vand.u32 $0xFFFF0000, v0;
	[tilespmem:s5+$0xFFFFFFD0] =	vst v1  }
0x86: {  	[tilespmem:s5+$0x10] =	vst v0  }
0x87: {  	v0 =	vld [tilespmem:s19+$0x3820];
	_ =	sdelay $0x4  }
0x88: {  	v1 =	vand.u32 $0xFFFF0000, v0  }
0x89: {  	v0 =	vshll.u32 v0, $0x10;
	[tilespmem:s5+$0x20] =	vst v1  }
0x8a: {  	[tilespmem:s5+$0xFFFFFFE0] =	vst v0  }
0x8b: {  	v0 =	vld [tilespmem:s19+$0x3830];
	_ =	sdelay $0x4  }
0x8c: {  	v1 =	vshll.u32 v0, $0x10  }
0x8d: {  	v0 =	vand.u32 $0xFFFF0000, v0;
	[tilespmem:s5+$0xFFFFFFF0] =	vst v1  }
0x8e: {  	s19 =	simm.s32 $0x40;
	[tilespmem:s5+$0x30] =	vst v0  }
0x8f: {  	v0 =	vld [tilespmem:s19+$0x3800]  }
0x90: {  	s20 =	simm.s32 $0x200  }
.LBB2_9:
0x91: {  	p0 =	sne.s32 s20, $0x3F00;
	_ =	sdelay $0x2  }
0x92: {  	s5 =	sadd.s32 $0x80, s5;
	v1 =	vshll.u32 v0, $0x10  }
0x93: {  	v0 =	vand.u32 $0xFFFF0000, v0;
	[tilespmem:s5+$0xFFFFFFC0] =	vst v1  }
0x94: {  	[tilespmem:s5+$0x0] =	vst v0  }
0x95: {  	v0 =	vld [tilespmem:s19+$0x3810];
	_ =	sdelay $0x4  }
0x96: {  	v1 =	vshll.u32 v0, $0x10  }
0x97: {  	v0 =	vand.u32 $0xFFFF0000, v0;
	[tilespmem:s5+$0xFFFFFFD0] =	vst v1  }
0x98: {  	[tilespmem:s5+$0x10] =	vst v0  }
0x99: {  	v0 =	vld [tilespmem:s19+$0x3820];
	_ =	sdelay $0x4  }
0x9a: {  	v1 =	vshll.u32 v0, $0x10;
	v0 =	vand.u32 $0xFFFF0000, v0  }
0x9b: {  	[tilespmem:s5+$0x20] =	vst v0  }
0x9c: {  	[tilespmem:s5+$0xFFFFFFE0] =	vst v1  }
0x9d: {  	v0 =	vld [tilespmem:s19+$0x3830];
	_ =	sdelay $0x4  }
.Ltmp6:
0x9e: {  	v1 =	vshll.u32 v0, $0x10;
	v0 =	vand.u32 $0xFFFF0000, v0;
	(pc) =	sbr.rel @p0 .LBB2_9-.Ltmp6, $4  }
0x9f: {  	[tilespmem:s5+$0xFFFFFFF0] =	vst v1  }
0xa0: {  	s19 =	sshra.s32 s20, $0x2;
	[tilespmem:s5+$0x30] =	vst v0  }
0xa1: {  	v0 =	vld [tilespmem:s19+$0x3800]  }
0xa2: {  	s20 =	sadd.s32 $0x100, s20  }
0xa3: {  	_ =	sdelay $0x2  }
0xa4: {  	s5 =	sadd.s32 $0x80, s5;
	v1 =	vshll.u32 v0, $0x10  }
0xa5: {  	v0 =	vand.u32 $0xFFFF0000, v0;
	[tilespmem:s5+$0xFFFFFFC0] =	vst v1  }
0xa6: {  	[tilespmem:s5+$0x0] =	vst v0  }
0xa7: {  	v0 =	vld [tilespmem:s19+$0x3810];
	_ =	sdelay $0x4  }
0xa8: {  	v1 =	vshll.u32 v0, $0x10  }
0xa9: {  	v0 =	vand.u32 $0xFFFF0000, v0;
	[tilespmem:s5+$0xFFFFFFD0] =	vst v1  }
0xaa: {  	[tilespmem:s5+$0x10] =	vst v0  }
0xab: {  	v0 =	vld [tilespmem:s19+$0x3820];
	_ =	sdelay $0x4  }
0xac: {  	v1 =	vand.u32 $0xFFFF0000, v0  }
0xad: {  	v0 =	vshll.u32 v0, $0x10;
	[tilespmem:s5+$0x20] =	vst v1  }
0xae: {  	[tilespmem:s5+$0xFFFFFFE0] =	vst v0  }
0xaf: {  	v0 =	vld [tilespmem:s19+$0x3830];
	_ =	sdelay $0x4  }
0xb0: {  	v1 =	vshll.u32 v0, $0x10  }
0xb1: {  	p0 =	seq.s32 s1, $0x13;
	v0 =	vand.u32 $0xFFFF0000, v0;
	[tilespmem:s5+$0xFFFFFFF0] =	vst v1  }
0xb2: {  	s18 =	sshrl.u32 @!p0 s18, $0x2;
	s19 =	sadd.s32 $0x1440, s15;
	[tilespmem:s5+$0x30] =	vst v0  }
0xb3: {  	[spmem:s2] =	stream.indirect.scatter.add.f32 [tilespmem:s28], [sflag:$0x6], $0x80, s19, s16, $0xb8;
	[tilespmem:$0x1E800] =	vst v63  }
0xb4: {  	s20 =	simm.s32 @!p0 $0x3800;
	s5 =	sadd.s32 @!p0 $0x140, s18;
	s19 =	simm.s32 @!p0 $0x40  }
0xb5: {  	[tilespmem:s20], [sflag:$0x2] =	stream.indirect.gather @!p0 [hbm4b:s4+s19], $0x40, s5, s19, $0xb8;
	[tilespmem:$0x1E800] =	vst v63  }
0xb6: {  	_ =	swait.ge [sflag:s29], $0x1000  }
0xb7: {  	[sflag:s29] =	ssyncset.done $0x0  }
0xb8: {  	[sflag:s29] =	ssyncadd.s32 $0xFFFFF000  }
0xb9: {  	_ =	swait.ge [sflag:s30], $0x2000  }
0xba: {  	[sflag:s30] =	ssyncset.done $0x0  }
0xbb: {  	s20 =	simm.s32 $0x0;
	[sflag:s30] =	ssyncadd.s32 $0xFFFFE000  }
0xbc: {  	v0 =	vld [tilespmem:s20+$0x4800];
	_ =	sdelay $0x4  }
0xbd: {  	s5 =	simm.s32 $0x6840;
	v1 =	vshll.u32 v0, $0x10  }
0xbe: {  	v0 =	vand.u32 $0xFFFF0000, v0;
	[tilespmem:s5+$0xFFFFFFC0] =	vst v1  }
0xbf: {  	[tilespmem:s5+$0x0] =	vst v0  }
0xc0: {  	v0 =	vld [tilespmem:s20+$0x4810];
	_ =	sdelay $0x4  }
0xc1: {  	v1 =	vshll.u32 v0, $0x10  }
0xc2: {  	v0 =	vand.u32 $0xFFFF0000, v0;
	[tilespmem:s5+$0xFFFFFFD0] =	vst v1  }
0xc3: {  	[tilespmem:s5+$0x10] =	vst v0  }
0xc4: {  	v0 =	vld [tilespmem:s20+$0x4820];
	_ =	sdelay $0x4  }
0xc5: {  	v1 =	vand.u32 $0xFFFF0000, v0  }
0xc6: {  	v0 =	vshll.u32 v0, $0x10;
	[tilespmem:s5+$0x20] =	vst v1  }
0xc7: {  	[tilespmem:s5+$0xFFFFFFE0] =	vst v0  }
0xc8: {  	v0 =	vld [tilespmem:s20+$0x4830];
	_ =	sdelay $0x4  }
0xc9: {  	v1 =	vshll.u32 v0, $0x10  }
0xca: {  	v0 =	vand.u32 $0xFFFF0000, v0;
	[tilespmem:s5+$0xFFFFFFF0] =	vst v1  }
0xcb: {  	s19 =	simm.s32 $0x40;
	[tilespmem:s5+$0x30] =	vst v0  }
0xcc: {  	v0 =	vld [tilespmem:s19+$0x4800]  }
0xcd: {  	s20 =	simm.s32 $0x200  }
.LBB2_11:
0xce: {  	p1 =	sne.s32 s20, $0x3F00;
	_ =	sdelay $0x2  }
0xcf: {  	s5 =	sadd.s32 $0x80, s5;
	v1 =	vshll.u32 v0, $0x10  }
0xd0: {  	v0 =	vand.u32 $0xFFFF0000, v0;
	[tilespmem:s5+$0xFFFFFFC0] =	vst v1  }
0xd1: {  	[tilespmem:s5+$0x0] =	vst v0  }
0xd2: {  	v0 =	vld [tilespmem:s19+$0x4810];
	_ =	sdelay $0x4  }
0xd3: {  	v1 =	vshll.u32 v0, $0x10  }
0xd4: {  	v0 =	vand.u32 $0xFFFF0000, v0;
	[tilespmem:s5+$0xFFFFFFD0] =	vst v1  }
0xd5: {  	[tilespmem:s5+$0x10] =	vst v0  }
0xd6: {  	v0 =	vld [tilespmem:s19+$0x4820];
	_ =	sdelay $0x4  }
0xd7: {  	v1 =	vshll.u32 v0, $0x10;
	v0 =	vand.u32 $0xFFFF0000, v0  }
0xd8: {  	[tilespmem:s5+$0x20] =	vst v0  }
0xd9: {  	[tilespmem:s5+$0xFFFFFFE0] =	vst v1  }
0xda: {  	v0 =	vld [tilespmem:s19+$0x4830];
	_ =	sdelay $0x4  }
.Ltmp7:
0xdb: {  	v1 =	vshll.u32 v0, $0x10;
	v0 =	vand.u32 $0xFFFF0000, v0;
	(pc) =	sbr.rel @p1 .LBB2_11-.Ltmp7, $4  }
0xdc: {  	[tilespmem:s5+$0xFFFFFFF0] =	vst v1  }
0xdd: {  	s19 =	sshra.s32 s20, $0x2;
	[tilespmem:s5+$0x30] =	vst v0  }
0xde: {  	v0 =	vld [tilespmem:s19+$0x4800]  }
0xdf: {  	s20 =	sadd.s32 $0x100, s20  }
0xe0: {  	_ =	sdelay $0x2  }
0xe1: {  	s5 =	sadd.s32 $0x80, s5;
	v1 =	vshll.u32 v0, $0x10  }
0xe2: {  	v0 =	vand.u32 $0xFFFF0000, v0;
	[tilespmem:s5+$0xFFFFFFC0] =	vst v1  }
0xe3: {  	[tilespmem:s5+$0x0] =	vst v0  }
0xe4: {  	v0 =	vld [tilespmem:s19+$0x4810];
	_ =	sdelay $0x4  }
0xe5: {  	v1 =	vshll.u32 v0, $0x10  }
0xe6: {  	v0 =	vand.u32 $0xFFFF0000, v0;
	[tilespmem:s5+$0xFFFFFFD0] =	vst v1  }
0xe7: {  	[tilespmem:s5+$0x10] =	vst v0  }
0xe8: {  	v0 =	vld [tilespmem:s19+$0x4820];
	_ =	sdelay $0x4  }
0xe9: {  	v1 =	vand.u32 $0xFFFF0000, v0  }
0xea: {  	v0 =	vshll.u32 v0, $0x10;
	[tilespmem:s5+$0x20] =	vst v1  }
0xeb: {  	[tilespmem:s5+$0xFFFFFFE0] =	vst v0  }
0xec: {  	v0 =	vld [tilespmem:s19+$0x4830];
	_ =	sdelay $0x4  }
0xed: {  	v1 =	vshll.u32 v0, $0x10  }
0xee: {  	v0 =	vand.u32 $0xFFFF0000, v0;
	[tilespmem:s5+$0xFFFFFFF0] =	vst v1  }
0xef: {  	s19 =	sadd.s32 $0x1480, s15;
	[tilespmem:s5+$0x30] =	vst v0  }
0xf0: {  	[spmem:s2] =	stream.indirect.scatter.add.f32 [tilespmem:s24], [sflag:$0x5], $0x80, s19, s16, $0xb8;
	[tilespmem:$0x1E800] =	vst v63  }
0xf1: {  	s5 =	sadd.s32 @!p0 $0x180, s18;
	s18 =	simm.s32 @!p0 $0x40;
	s19 =	simm.s32 @!p0 $0x4800  }
0xf2: {  	[tilespmem:s19], [sflag:$0x3] =	stream.indirect.gather @!p0 [hbm4b:s4+s18], $0x40, s5, s18, $0xb8;
	[tilespmem:$0x1E800] =	vst v63  }
0xf3: {  	_ =	swait.ge [sflag:s31], $0x1000  }
0xf4: {  	[sflag:s31] =	ssyncset.done $0x0  }
0xf5: {  	[sflag:s31] =	ssyncadd.s32 $0xFFFFF000  }
0xf6: {  	_ =	swait.ge [sflag:s26], $0x2000  }
0xf7: {  	[sflag:s26] =	ssyncset.done $0x0  }
0xf8: {  	s20 =	simm.s32 $0x0;
	[sflag:s26] =	ssyncadd.s32 $0xFFFFE000  }
0xf9: {  	v0 =	vld [tilespmem:s20+$0x5800];
	_ =	sdelay $0x4  }
0xfa: {  	s5 =	simm.s32 $0x8840;
	v1 =	vshll.u32 v0, $0x10  }
0xfb: {  	v0 =	vand.u32 $0xFFFF0000, v0;
	[tilespmem:s5+$0xFFFFFFC0] =	vst v1  }
0xfc: {  	[tilespmem:s5+$0x0] =	vst v0  }
0xfd: {  	v0 =	vld [tilespmem:s20+$0x5810];
	_ =	sdelay $0x4  }
0xfe: {  	v1 =	vshll.u32 v0, $0x10  }
0xff: {  	v0 =	vand.u32 $0xFFFF0000, v0;
	[tilespmem:s5+$0xFFFFFFD0] =	vst v1  }
0x100: {  	[tilespmem:s5+$0x10] =	vst v0  }
0x101: {  	v0 =	vld [tilespmem:s20+$0x5820];
	_ =	sdelay $0x4  }
0x102: {  	v1 =	vand.u32 $0xFFFF0000, v0  }
0x103: {  	v0 =	vshll.u32 v0, $0x10;
	[tilespmem:s5+$0x20] =	vst v1  }
0x104: {  	[tilespmem:s5+$0xFFFFFFE0] =	vst v0  }
0x105: {  	v0 =	vld [tilespmem:s20+$0x5830];
	_ =	sdelay $0x4  }
0x106: {  	v1 =	vshll.u32 v0, $0x10  }
0x107: {  	v0 =	vand.u32 $0xFFFF0000, v0;
	[tilespmem:s5+$0xFFFFFFF0] =	vst v1  }
0x108: {  	s18 =	simm.s32 $0x40;
	[tilespmem:s5+$0x30] =	vst v0  }
0x109: {  	v0 =	vld [tilespmem:s18+$0x5800]  }
0x10a: {  	s19 =	simm.s32 $0x200  }
.LBB2_13:
0x10b: {  	p1 =	sne.s32 s19, $0x3F00;
	_ =	sdelay $0x2  }
0x10c: {  	s5 =	sadd.s32 $0x80, s5;
	v1 =	vshll.u32 v0, $0x10  }
0x10d: {  	v0 =	vand.u32 $0xFFFF0000, v0;
	[tilespmem:s5+$0xFFFFFFC0] =	vst v1  }
0x10e: {  	[tilespmem:s5+$0x0] =	vst v0  }
0x10f: {  	v0 =	vld [tilespmem:s18+$0x5810];
	_ =	sdelay $0x4  }
0x110: {  	v1 =	vshll.u32 v0, $0x10  }
0x111: {  	v0 =	vand.u32 $0xFFFF0000, v0;
	[tilespmem:s5+$0xFFFFFFD0] =	vst v1  }
0x112: {  	[tilespmem:s5+$0x10] =	vst v0  }
0x113: {  	v0 =	vld [tilespmem:s18+$0x5820];
	_ =	sdelay $0x4  }
0x114: {  	v1 =	vshll.u32 v0, $0x10;
	v0 =	vand.u32 $0xFFFF0000, v0  }
0x115: {  	[tilespmem:s5+$0x20] =	vst v0  }
0x116: {  	[tilespmem:s5+$0xFFFFFFE0] =	vst v1  }
0x117: {  	v0 =	vld [tilespmem:s18+$0x5830];
	_ =	sdelay $0x4  }
.Ltmp8:
0x118: {  	v1 =	vshll.u32 v0, $0x10;
	v0 =	vand.u32 $0xFFFF0000, v0;
	(pc) =	sbr.rel @p1 .LBB2_13-.Ltmp8, $4  }
0x119: {  	[tilespmem:s5+$0xFFFFFFF0] =	vst v1  }
0x11a: {  	s18 =	sshra.s32 s19, $0x2;
	[tilespmem:s5+$0x30] =	vst v0  }
0x11b: {  	v0 =	vld [tilespmem:s18+$0x5800]  }
0x11c: {  	s19 =	sadd.s32 $0x100, s19  }
0x11d: {  	_ =	sdelay $0x2  }
0x11e: {  	s5 =	sadd.s32 $0x80, s5;
	v1 =	vshll.u32 v0, $0x10  }
0x11f: {  	v60 =	vand.u32 $0xFFFF0000, v0;
	[tilespmem:s5+$0xFFFFFFC0] =	vst v1  }
0x120: {  	[tilespmem:s5+$0x0] =	vst v60  }
0x121: {  	v0 =	vld [tilespmem:s18+$0x5810];
	_ =	sdelay $0x4  }
0x122: {  	v61 =	vshll.u32 v0, $0x10  }
0x123: {  	v0 =	vand.u32 $0xFFFF0000, v0;
	[tilespmem:s5+$0xFFFFFFD0] =	vst v61  }
0x124: {  	[tilespmem:s5+$0x10] =	vst v0  }
0x125: {  	v0 =	vld [tilespmem:s18+$0x5820];
	_ =	sdelay $0x4  }
0x126: {  	v62 =	vand.u32 $0xFFFF0000, v0  }
0x127: {  	v0 =	vshll.u32 v0, $0x10;
	[tilespmem:s5+$0x20] =	vst v62  }
0x128: {  	[tilespmem:s5+$0xFFFFFFE0] =	vst v0  }
0x129: {  	v0 =	vld [tilespmem:s18+$0x5830];
	_ =	sdelay $0x3  }
.Ltmp9:
0x12a: {  	_ = 	snop;
	(pc) =	sbr.rel @p0 .LBB2_16-.Ltmp9, $4  }
0x12b: {  	v63 =	vshll.u32 v0, $0x10  }
0x12c: {  	v0 =	vand.u32 $0xFFFF0000, v0;
	[tilespmem:s5+$0xFFFFFFF0] =	vst v63  }
0x12d: {  	s20 =	sadd.s32 $0x14C0, s15;
	[tilespmem:s5+$0x30] =	vst v0  }
0x12e: {  	[spmem:s2] =	stream.indirect.scatter.add.f32 [tilespmem:s28], [sflag:$0x6], $0x80, s20, s16, $0xb8;
	[tilespmem:$0x1E800] =	vst v63  }
.Ltmp10:
0x12f: {  	(pc) =	sbr.rel .LBB2_2-.Ltmp10, $3  }
0x130: {  	_ =	sdelay $0x1  }
0x131: {  	s5 =	sadd.s32 $0x1C0, s15;
	s1 =	sadd.s32 $0x1, s1  }
0x132: {  	[tilespmem:s22], [sflag:$0x4] =	stream.indirect.gather [hbm4b:s4+s16], $0x40, s5, s16, $0xb8;
	[tilespmem:$0x1E800] =	vst v63  }
.LBB2_16:
0x133: {  	s1 =	simm.s32 $0x0  }
0x134: {  	[tilespmem:s1], [sflag:$0x7] =	stream.linear.gather [hbm4b:s9+s1], $0x1400, $0x38;
	[tilespmem:$0x1E800] =	vst v63  }
0x135: {  	_ =	swait.ge [sflag:s14], $0x1400  }
0x136: {  	[sflag:s14] =	ssyncset.done $0x0  }
0x137: {  	s5 =	simm.s32 $0x1400;
	[sflag:s14] =	ssyncadd.s32 $0xFFFFEC00  }
0x138: {  	[tilespmem:s5], [sflag:$0x7] =	stream.linear.gather [hbm4b:s10+s1], $0x1400, $0x38;
	[tilespmem:$0x1E800] =	vst v63  }
0x139: {  	_ =	swait.ge [sflag:s14], $0x1400  }
0x13a: {  	[sflag:s14] =	ssyncset.done $0x0  }
0x13b: {  	[sflag:s14] =	ssyncadd.s32 $0xFFFFEC00  }
0x13c: {  	[tilespmem:s17], [sflag:$0x1] =	stream.indirect.gather [hbm4b:s4+s16], $0x40, s1, s16, $0xb8;
	[tilespmem:$0x1E800] =	vst v63  }
0x13d: {  	s19 =	simm.s32 $0x3800  }
0x13e: {  	[tilespmem:s19], [sflag:$0x2] =	stream.indirect.gather [hbm4b:s4+s16], $0x40, s16, s16, $0xb8;
	[tilespmem:$0x1E800] =	vst v63  }
0x13f: {  	s20 =	simm.s32 $0x80;
	s15 =	simm.s32 $0x4800  }
0x140: {  	[tilespmem:s15], [sflag:$0x3] =	stream.indirect.gather [hbm4b:s4+s16], $0x40, s20, s16, $0xb8;
	[tilespmem:$0x1E800] =	vst v63  }
0x141: {  	_ = 	snop  }
0x142: {  	[tilespmem:s22], [sflag:$0x4] =	stream.indirect.gather [hbm4b:s4+s16], $0x40, s21, s16, $0xb8;
	[tilespmem:$0x1E800] =	vst v63  }
.LBB2_17:
0x143: {  	_ =	swait.ge [sflag:s23], $0x1000  }
0x144: {  	[sflag:s23] =	ssyncset.done $0x0  }
0x145: {  	[sflag:s23] =	ssyncadd.s32 $0xFFFFF000  }
0x146: {  	_ =	swait.ge [sflag:s30], $0x2000  }
0x147: {  	[sflag:s30] =	ssyncset.done $0x0  }
0x148: {  	s15 =	simm.s32 $0x0;
	[sflag:s30] =	ssyncadd.s32 $0xFFFFE000  }
0x149: {  	v0 =	vld [tilespmem:s15+$0x2800];
	_ =	sdelay $0x4  }
0x14a: {  	s5 =	simm.s32 $0x6840;
	v1 =	vshll.u32 v0, $0x10  }
0x14b: {  	v0 =	vand.u32 $0xFFFF0000, v0;
	[tilespmem:s5+$0xFFFFFFC0] =	vst v1  }
0x14c: {  	[tilespmem:s5+$0x0] =	vst v0  }
0x14d: {  	v0 =	vld [tilespmem:s15+$0x2810];
	_ =	sdelay $0x4  }
0x14e: {  	v1 =	vshll.u32 v0, $0x10  }
0x14f: {  	v0 =	vand.u32 $0xFFFF0000, v0;
	[tilespmem:s5+$0xFFFFFFD0] =	vst v1  }
0x150: {  	[tilespmem:s5+$0x10] =	vst v0  }
0x151: {  	v0 =	vld [tilespmem:s15+$0x2820];
	_ =	sdelay $0x4  }
0x152: {  	v1 =	vand.u32 $0xFFFF0000, v0  }
0x153: {  	v0 =	vshll.u32 v0, $0x10;
	[tilespmem:s5+$0x20] =	vst v1  }
0x154: {  	[tilespmem:s5+$0xFFFFFFE0] =	vst v0  }
0x155: {  	v0 =	vld [tilespmem:s15+$0x2830];
	_ =	sdelay $0x4  }
0x156: {  	v1 =	vshll.u32 v0, $0x10  }
0x157: {  	v0 =	vand.u32 $0xFFFF0000, v0;
	[tilespmem:s5+$0xFFFFFFF0] =	vst v1  }
0x158: {  	s15 =	simm.s32 $0x40;
	[tilespmem:s5+$0x30] =	vst v0  }
0x159: {  	v0 =	vld [tilespmem:s15+$0x2800]  }
0x15a: {  	s18 =	simm.s32 $0x200  }
.LBB2_18:
0x15b: {  	p0 =	sne.s32 s18, $0x3F00;
	_ =	sdelay $0x2  }
0x15c: {  	s5 =	sadd.s32 $0x80, s5;
	v1 =	vshll.u32 v0, $0x10  }
0x15d: {  	v0 =	vand.u32 $0xFFFF0000, v0;
	[tilespmem:s5+$0xFFFFFFC0] =	vst v1  }
0x15e: {  	[tilespmem:s5+$0x0] =	vst v0  }
0x15f: {  	v0 =	vld [tilespmem:s15+$0x2810];
	_ =	sdelay $0x4  }
0x160: {  	v1 =	vshll.u32 v0, $0x10  }
0x161: {  	v0 =	vand.u32 $0xFFFF0000, v0;
	[tilespmem:s5+$0xFFFFFFD0] =	vst v1  }
0x162: {  	[tilespmem:s5+$0x10] =	vst v0  }
0x163: {  	v0 =	vld [tilespmem:s15+$0x2820];
	_ =	sdelay $0x4  }
0x164: {  	v1 =	vshll.u32 v0, $0x10;
	v0 =	vand.u32 $0xFFFF0000, v0  }
0x165: {  	[tilespmem:s5+$0x20] =	vst v0  }
0x166: {  	[tilespmem:s5+$0xFFFFFFE0] =	vst v1  }
0x167: {  	v0 =	vld [tilespmem:s15+$0x2830];
	_ =	sdelay $0x4  }
.Ltmp11:
0x168: {  	v1 =	vshll.u32 v0, $0x10;
	v0 =	vand.u32 $0xFFFF0000, v0;
	(pc) =	sbr.rel @p0 .LBB2_18-.Ltmp11, $4  }
0x169: {  	[tilespmem:s5+$0xFFFFFFF0] =	vst v1  }
0x16a: {  	s15 =	sshra.s32 s18, $0x2;
	[tilespmem:s5+$0x30] =	vst v0  }
0x16b: {  	v0 =	vld [tilespmem:s15+$0x2800]  }
0x16c: {  	s18 =	sadd.s32 $0x100, s18  }
0x16d: {  	_ =	sdelay $0x2  }
0x16e: {  	s5 =	sadd.s32 $0x80, s5;
	v1 =	vshll.u32 v0, $0x10  }
0x16f: {  	v0 =	vand.u32 $0xFFFF0000, v0;
	[tilespmem:s5+$0xFFFFFFC0] =	vst v1  }
0x170: {  	[tilespmem:s5+$0x0] =	vst v0  }
0x171: {  	v0 =	vld [tilespmem:s15+$0x2810];
	_ =	sdelay $0x4  }
0x172: {  	v1 =	vshll.u32 v0, $0x10  }
0x173: {  	v0 =	vand.u32 $0xFFFF0000, v0;
	[tilespmem:s5+$0xFFFFFFD0] =	vst v1  }
0x174: {  	[tilespmem:s5+$0x10] =	vst v0  }
0x175: {  	v0 =	vld [tilespmem:s15+$0x2820];
	_ =	sdelay $0x4  }
0x176: {  	v1 =	vand.u32 $0xFFFF0000, v0  }
0x177: {  	v0 =	vshll.u32 v0, $0x10;
	[tilespmem:s5+$0x20] =	vst v1  }
0x178: {  	[tilespmem:s5+$0xFFFFFFE0] =	vst v0  }
0x179: {  	v0 =	vld [tilespmem:s15+$0x2830];
	_ =	sdelay $0x4  }
0x17a: {  	s18 =	sshll.u32 s1, $0xA;
	v1 =	vshll.u32 v0, $0x10  }
0x17b: {  	p0 =	seq.s32 s1, $0x13;
	s15 =	sshrl.u32 s18, $0x2;
	v0 =	vand.u32 $0xFFFF0000, v0;
	[tilespmem:s5+$0xFFFFFFF0] =	vst v1  }
0x17c: {  	s18 =	sshrl.u32 @!p0 s18, $0x2;
	s19 =	sadd.s32 $0x1400, s15;
	[tilespmem:s5+$0x30] =	vst v0  }
0x17d: {  	[spmem:s2] =	stream.indirect.scatter.add.f32 [tilespmem:s24], [sflag:$0x5], $0x80, s19, s16, $0xb8;
	[tilespmem:$0x1E800] =	vst v63  }
0x17e: {  	s20 =	simm.s32 @!p0 $0x2800;
	s5 =	sadd.s32 @!p0 $0x100, s18;
	s19 =	simm.s32 @!p0 $0x40  }
0x17f: {  	[tilespmem:s20], [sflag:$0x1] =	stream.indirect.gather @!p0 [hbm4b:s4+s19], $0x40, s5, s19, $0xb8;
	[tilespmem:$0x1E800] =	vst v63  }
0x180: {  	_ =	swait.ge [sflag:s25], $0x1000  }
0x181: {  	[sflag:s25] =	ssyncset.done $0x0  }
0x182: {  	[sflag:s25] =	ssyncadd.s32 $0xFFFFF000  }
0x183: {  	_ =	swait.ge [sflag:s26], $0x2000  }
0x184: {  	[sflag:s26] =	ssyncset.done $0x0  }
0x185: {  	s20 =	simm.s32 $0x0;
	[sflag:s26] =	ssyncadd.s32 $0xFFFFE000  }
0x186: {  	v0 =	vld [tilespmem:s20+$0x3800];
	_ =	sdelay $0x4  }
0x187: {  	s5 =	simm.s32 $0x8840;
	v1 =	vshll.u32 v0, $0x10  }
0x188: {  	v0 =	vand.u32 $0xFFFF0000, v0;
	[tilespmem:s5+$0xFFFFFFC0] =	vst v1  }
0x189: {  	[tilespmem:s5+$0x0] =	vst v0  }
0x18a: {  	v0 =	vld [tilespmem:s20+$0x3810];
	_ =	sdelay $0x4  }
0x18b: {  	v1 =	vshll.u32 v0, $0x10  }
0x18c: {  	v0 =	vand.u32 $0xFFFF0000, v0;
	[tilespmem:s5+$0xFFFFFFD0] =	vst v1  }
0x18d: {  	[tilespmem:s5+$0x10] =	vst v0  }
0x18e: {  	v0 =	vld [tilespmem:s20+$0x3820];
	_ =	sdelay $0x4  }
0x18f: {  	v1 =	vand.u32 $0xFFFF0000, v0  }
0x190: {  	v0 =	vshll.u32 v0, $0x10;
	[tilespmem:s5+$0x20] =	vst v1  }
0x191: {  	[tilespmem:s5+$0xFFFFFFE0] =	vst v0  }
0x192: {  	v0 =	vld [tilespmem:s20+$0x3830];
	_ =	sdelay $0x4  }
0x193: {  	v1 =	vshll.u32 v0, $0x10  }
0x194: {  	v0 =	vand.u32 $0xFFFF0000, v0;
	[tilespmem:s5+$0xFFFFFFF0] =	vst v1  }
0x195: {  	s19 =	simm.s32 $0x40;
	[tilespmem:s5+$0x30] =	vst v0  }
0x196: {  	v0 =	vld [tilespmem:s19+$0x3800]  }
0x197: {  	s20 =	simm.s32 $0x200  }
.LBB2_20:
0x198: {  	p1 =	sne.s32 s20, $0x3F00;
	_ =	sdelay $0x2  }
0x199: {  	s5 =	sadd.s32 $0x80, s5;
	v1 =	vshll.u32 v0, $0x10  }
0x19a: {  	v0 =	vand.u32 $0xFFFF0000, v0;
	[tilespmem:s5+$0xFFFFFFC0] =	vst v1  }
0x19b: {  	[tilespmem:s5+$0x0] =	vst v0  }
0x19c: {  	v0 =	vld [tilespmem:s19+$0x3810];
	_ =	sdelay $0x4  }
0x19d: {  	v1 =	vshll.u32 v0, $0x10  }
0x19e: {  	v0 =	vand.u32 $0xFFFF0000, v0;
	[tilespmem:s5+$0xFFFFFFD0] =	vst v1  }
0x19f: {  	[tilespmem:s5+$0x10] =	vst v0  }
0x1a0: {  	v0 =	vld [tilespmem:s19+$0x3820];
	_ =	sdelay $0x4  }
0x1a1: {  	v1 =	vshll.u32 v0, $0x10;
	v0 =	vand.u32 $0xFFFF0000, v0  }
0x1a2: {  	[tilespmem:s5+$0x20] =	vst v0  }
0x1a3: {  	[tilespmem:s5+$0xFFFFFFE0] =	vst v1  }
0x1a4: {  	v0 =	vld [tilespmem:s19+$0x3830];
	_ =	sdelay $0x4  }
.Ltmp12:
0x1a5: {  	v1 =	vshll.u32 v0, $0x10;
	v0 =	vand.u32 $0xFFFF0000, v0;
	(pc) =	sbr.rel @p1 .LBB2_20-.Ltmp12, $4  }
0x1a6: {  	[tilespmem:s5+$0xFFFFFFF0] =	vst v1  }
0x1a7: {  	s19 =	sshra.s32 s20, $0x2;
	[tilespmem:s5+$0x30] =	vst v0  }
0x1a8: {  	v0 =	vld [tilespmem:s19+$0x3800]  }
0x1a9: {  	s20 =	sadd.s32 $0x100, s20  }
0x1aa: {  	_ =	sdelay $0x2  }
0x1ab: {  	s5 =	sadd.s32 $0x80, s5;
	v1 =	vshll.u32 v0, $0x10  }
0x1ac: {  	v0 =	vand.u32 $0xFFFF0000, v0;
	[tilespmem:s5+$0xFFFFFFC0] =	vst v1  }
0x1ad: {  	[tilespmem:s5+$0x0] =	vst v0  }
0x1ae: {  	v0 =	vld [tilespmem:s19+$0x3810];
	_ =	sdelay $0x4  }
0x1af: {  	v1 =	vshll.u32 v0, $0x10  }
0x1b0: {  	v0 =	vand.u32 $0xFFFF0000, v0;
	[tilespmem:s5+$0xFFFFFFD0] =	vst v1  }
0x1b1: {  	[tilespmem:s5+$0x10] =	vst v0  }
0x1b2: {  	v0 =	vld [tilespmem:s19+$0x3820];
	_ =	sdelay $0x4  }
0x1b3: {  	v1 =	vand.u32 $0xFFFF0000, v0  }
0x1b4: {  	v0 =	vshll.u32 v0, $0x10;
	[tilespmem:s5+$0x20] =	vst v1  }
0x1b5: {  	[tilespmem:s5+$0xFFFFFFE0] =	vst v0  }
0x1b6: {  	v0 =	vld [tilespmem:s19+$0x3830];
	_ =	sdelay $0x4  }
0x1b7: {  	v1 =	vshll.u32 v0, $0x10  }
0x1b8: {  	v0 =	vand.u32 $0xFFFF0000, v0;
	[tilespmem:s5+$0xFFFFFFF0] =	vst v1  }
0x1b9: {  	s19 =	sadd.s32 $0x1440, s15;
	[tilespmem:s5+$0x30] =	vst v0  }
0x1ba: {  	[spmem:s2] =	stream.indirect.scatter.add.f32 [tilespmem:s28], [sflag:$0x6], $0x80, s19, s16, $0xb8;
	[tilespmem:$0x1E800] =	vst v63  }
0x1bb: {  	s20 =	simm.s32 @!p0 $0x3800;
	s5 =	sadd.s32 @!p0 $0x140, s18;
	s19 =	simm.s32 @!p0 $0x40  }
0x1bc: {  	[tilespmem:s20], [sflag:$0x2] =	stream.indirect.gather @!p0 [hbm4b:s4+s19], $0x40, s5, s19, $0xb8;
	[tilespmem:$0x1E800] =	vst v63  }
0x1bd: {  	_ =	swait.ge [sflag:s29], $0x1000  }
0x1be: {  	[sflag:s29] =	ssyncset.done $0x0  }
0x1bf: {  	[sflag:s29] =	ssyncadd.s32 $0xFFFFF000  }
0x1c0: {  	_ =	swait.ge [sflag:s30], $0x2000  }
0x1c1: {  	[sflag:s30] =	ssyncset.done $0x0  }
0x1c2: {  	s20 =	simm.s32 $0x0;
	[sflag:s30] =	ssyncadd.s32 $0xFFFFE000  }
0x1c3: {  	v0 =	vld [tilespmem:s20+$0x4800];
	_ =	sdelay $0x4  }
0x1c4: {  	s5 =	simm.s32 $0x6840;
	v1 =	vshll.u32 v0, $0x10  }
0x1c5: {  	v0 =	vand.u32 $0xFFFF0000, v0;
	[tilespmem:s5+$0xFFFFFFC0] =	vst v1  }
0x1c6: {  	[tilespmem:s5+$0x0] =	vst v0  }
0x1c7: {  	v0 =	vld [tilespmem:s20+$0x4810];
	_ =	sdelay $0x4  }
0x1c8: {  	v1 =	vshll.u32 v0, $0x10  }
0x1c9: {  	v0 =	vand.u32 $0xFFFF0000, v0;
	[tilespmem:s5+$0xFFFFFFD0] =	vst v1  }
0x1ca: {  	[tilespmem:s5+$0x10] =	vst v0  }
0x1cb: {  	v0 =	vld [tilespmem:s20+$0x4820];
	_ =	sdelay $0x4  }
0x1cc: {  	v1 =	vand.u32 $0xFFFF0000, v0  }
0x1cd: {  	v0 =	vshll.u32 v0, $0x10;
	[tilespmem:s5+$0x20] =	vst v1  }
0x1ce: {  	[tilespmem:s5+$0xFFFFFFE0] =	vst v0  }
0x1cf: {  	v0 =	vld [tilespmem:s20+$0x4830];
	_ =	sdelay $0x4  }
0x1d0: {  	v1 =	vshll.u32 v0, $0x10  }
0x1d1: {  	v0 =	vand.u32 $0xFFFF0000, v0;
	[tilespmem:s5+$0xFFFFFFF0] =	vst v1  }
0x1d2: {  	s19 =	simm.s32 $0x40;
	[tilespmem:s5+$0x30] =	vst v0  }
0x1d3: {  	v0 =	vld [tilespmem:s19+$0x4800]  }
0x1d4: {  	s20 =	simm.s32 $0x200  }
.LBB2_22:
0x1d5: {  	p1 =	sne.s32 s20, $0x3F00;
	_ =	sdelay $0x2  }
0x1d6: {  	s5 =	sadd.s32 $0x80, s5;
	v1 =	vshll.u32 v0, $0x10  }
0x1d7: {  	v0 =	vand.u32 $0xFFFF0000, v0;
	[tilespmem:s5+$0xFFFFFFC0] =	vst v1  }
0x1d8: {  	[tilespmem:s5+$0x0] =	vst v0  }
0x1d9: {  	v0 =	vld [tilespmem:s19+$0x4810];
	_ =	sdelay $0x4  }
0x1da: {  	v1 =	vshll.u32 v0, $0x10  }
0x1db: {  	v0 =	vand.u32 $0xFFFF0000, v0;
	[tilespmem:s5+$0xFFFFFFD0] =	vst v1  }
0x1dc: {  	[tilespmem:s5+$0x10] =	vst v0  }
0x1dd: {  	v0 =	vld [tilespmem:s19+$0x4820];
	_ =	sdelay $0x4  }
0x1de: {  	v1 =	vshll.u32 v0, $0x10;
	v0 =	vand.u32 $0xFFFF0000, v0  }
0x1df: {  	[tilespmem:s5+$0x20] =	vst v0  }
0x1e0: {  	[tilespmem:s5+$0xFFFFFFE0] =	vst v1  }
0x1e1: {  	v0 =	vld [tilespmem:s19+$0x4830];
	_ =	sdelay $0x4  }
.Ltmp13:
0x1e2: {  	v1 =	vshll.u32 v0, $0x10;
	v0 =	vand.u32 $0xFFFF0000, v0;
	(pc) =	sbr.rel @p1 .LBB2_22-.Ltmp13, $4  }
0x1e3: {  	[tilespmem:s5+$0xFFFFFFF0] =	vst v1  }
0x1e4: {  	s19 =	sshra.s32 s20, $0x2;
	[tilespmem:s5+$0x30] =	vst v0  }
0x1e5: {  	v0 =	vld [tilespmem:s19+$0x4800]  }
0x1e6: {  	s20 =	sadd.s32 $0x100, s20  }
0x1e7: {  	_ =	sdelay $0x2  }
0x1e8: {  	s5 =	sadd.s32 $0x80, s5;
	v1 =	vshll.u32 v0, $0x10  }
0x1e9: {  	v0 =	vand.u32 $0xFFFF0000, v0;
	[tilespmem:s5+$0xFFFFFFC0] =	vst v1  }
0x1ea: {  	[tilespmem:s5+$0x0] =	vst v0  }
0x1eb: {  	v0 =	vld [tilespmem:s19+$0x4810];
	_ =	sdelay $0x4  }
0x1ec: {  	v1 =	vshll.u32 v0, $0x10  }
0x1ed: {  	v0 =	vand.u32 $0xFFFF0000, v0;
	[tilespmem:s5+$0xFFFFFFD0] =	vst v1  }
0x1ee: {  	[tilespmem:s5+$0x10] =	vst v0  }
0x1ef: {  	v0 =	vld [tilespmem:s19+$0x4820];
	_ =	sdelay $0x4  }
0x1f0: {  	v1 =	vand.u32 $0xFFFF0000, v0  }
0x1f1: {  	v0 =	vshll.u32 v0, $0x10;
	[tilespmem:s5+$0x20] =	vst v1  }
0x1f2: {  	[tilespmem:s5+$0xFFFFFFE0] =	vst v0  }
0x1f3: {  	v0 =	vld [tilespmem:s19+$0x4830];
	_ =	sdelay $0x4  }
0x1f4: {  	v1 =	vshll.u32 v0, $0x10  }
0x1f5: {  	v0 =	vand.u32 $0xFFFF0000, v0;
	[tilespmem:s5+$0xFFFFFFF0] =	vst v1  }
0x1f6: {  	s19 =	sadd.s32 $0x1480, s15;
	[tilespmem:s5+$0x30] =	vst v0  }
0x1f7: {  	[spmem:s2] =	stream.indirect.scatter.add.f32 [tilespmem:s24], [sflag:$0x5], $0x80, s19, s16, $0xb8;
	[tilespmem:$0x1E800] =	vst v63  }
0x1f8: {  	s5 =	sadd.s32 @!p0 $0x180, s18;
	s18 =	simm.s32 @!p0 $0x40;
	s19 =	simm.s32 @!p0 $0x4800  }
0x1f9: {  	[tilespmem:s19], [sflag:$0x3] =	stream.indirect.gather @!p0 [hbm4b:s4+s18], $0x40, s5, s18, $0xb8;
	[tilespmem:$0x1E800] =	vst v63  }
0x1fa: {  	_ =	swait.ge [sflag:s31], $0x1000  }
0x1fb: {  	[sflag:s31] =	ssyncset.done $0x0  }
0x1fc: {  	[sflag:s31] =	ssyncadd.s32 $0xFFFFF000  }
0x1fd: {  	_ =	swait.ge [sflag:s26], $0x2000  }
0x1fe: {  	[sflag:s26] =	ssyncset.done $0x0  }
0x1ff: {  	s20 =	simm.s32 $0x0;
	[sflag:s26] =	ssyncadd.s32 $0xFFFFE000  }
0x200: {  	v0 =	vld [tilespmem:s20+$0x5800];
	_ =	sdelay $0x4  }
0x201: {  	s5 =	simm.s32 $0x8840;
	v1 =	vshll.u32 v0, $0x10  }
0x202: {  	v0 =	vand.u32 $0xFFFF0000, v0;
	[tilespmem:s5+$0xFFFFFFC0] =	vst v1  }
0x203: {  	[tilespmem:s5+$0x0] =	vst v0  }
0x204: {  	v0 =	vld [tilespmem:s20+$0x5810];
	_ =	sdelay $0x4  }
0x205: {  	v1 =	vshll.u32 v0, $0x10  }
0x206: {  	v0 =	vand.u32 $0xFFFF0000, v0;
	[tilespmem:s5+$0xFFFFFFD0] =	vst v1  }
0x207: {  	[tilespmem:s5+$0x10] =	vst v0  }
0x208: {  	v0 =	vld [tilespmem:s20+$0x5820];
	_ =	sdelay $0x4  }
0x209: {  	v1 =	vand.u32 $0xFFFF0000, v0  }
0x20a: {  	v0 =	vshll.u32 v0, $0x10;
	[tilespmem:s5+$0x20] =	vst v1  }
0x20b: {  	[tilespmem:s5+$0xFFFFFFE0] =	vst v0  }
0x20c: {  	v0 =	vld [tilespmem:s20+$0x5830];
	_ =	sdelay $0x4  }
0x20d: {  	v1 =	vshll.u32 v0, $0x10  }
0x20e: {  	v0 =	vand.u32 $0xFFFF0000, v0;
	[tilespmem:s5+$0xFFFFFFF0] =	vst v1  }
0x20f: {  	s18 =	simm.s32 $0x40;
	[tilespmem:s5+$0x30] =	vst v0  }
0x210: {  	v0 =	vld [tilespmem:s18+$0x5800]  }
0x211: {  	s19 =	simm.s32 $0x200  }
.LBB2_24:
0x212: {  	p1 =	sne.s32 s19, $0x3F00;
	_ =	sdelay $0x2  }
0x213: {  	s5 =	sadd.s32 $0x80, s5;
	v1 =	vshll.u32 v0, $0x10  }
0x214: {  	v0 =	vand.u32 $0xFFFF0000, v0;
	[tilespmem:s5+$0xFFFFFFC0] =	vst v1  }
0x215: {  	[tilespmem:s5+$0x0] =	vst v0  }
0x216: {  	v0 =	vld [tilespmem:s18+$0x5810];
	_ =	sdelay $0x4  }
0x217: {  	v1 =	vshll.u32 v0, $0x10  }
0x218: {  	v0 =	vand.u32 $0xFFFF0000, v0;
	[tilespmem:s5+$0xFFFFFFD0] =	vst v1  }
0x219: {  	[tilespmem:s5+$0x10] =	vst v0  }
0x21a: {  	v0 =	vld [tilespmem:s18+$0x5820];
	_ =	sdelay $0x4  }
0x21b: {  	v1 =	vshll.u32 v0, $0x10;
	v0 =	vand.u32 $0xFFFF0000, v0  }
0x21c: {  	[tilespmem:s5+$0x20] =	vst v0  }
0x21d: {  	[tilespmem:s5+$0xFFFFFFE0] =	vst v1  }
0x21e: {  	v0 =	vld [tilespmem:s18+$0x5830];
	_ =	sdelay $0x4  }
.Ltmp14:
0x21f: {  	v1 =	vshll.u32 v0, $0x10;
	v0 =	vand.u32 $0xFFFF0000, v0;
	(pc) =	sbr.rel @p1 .LBB2_24-.Ltmp14, $4  }
0x220: {  	[tilespmem:s5+$0xFFFFFFF0] =	vst v1  }
0x221: {  	s18 =	sshra.s32 s19, $0x2;
	[tilespmem:s5+$0x30] =	vst v0  }
0x222: {  	v0 =	vld [tilespmem:s18+$0x5800]  }
0x223: {  	s19 =	sadd.s32 $0x100, s19  }
0x224: {  	_ =	sdelay $0x2  }
0x225: {  	s5 =	sadd.s32 $0x80, s5;
	v1 =	vshll.u32 v0, $0x10  }
0x226: {  	v60 =	vand.u32 $0xFFFF0000, v0;
	[tilespmem:s5+$0xFFFFFFC0] =	vst v1  }
0x227: {  	[tilespmem:s5+$0x0] =	vst v60  }
0x228: {  	v0 =	vld [tilespmem:s18+$0x5810];
	_ =	sdelay $0x4  }
0x229: {  	v61 =	vshll.u32 v0, $0x10  }
0x22a: {  	v0 =	vand.u32 $0xFFFF0000, v0;
	[tilespmem:s5+$0xFFFFFFD0] =	vst v61  }
0x22b: {  	[tilespmem:s5+$0x10] =	vst v0  }
0x22c: {  	v0 =	vld [tilespmem:s18+$0x5820];
	_ =	sdelay $0x4  }
0x22d: {  	v62 =	vand.u32 $0xFFFF0000, v0  }
0x22e: {  	v0 =	vshll.u32 v0, $0x10;
	[tilespmem:s5+$0x20] =	vst v62  }
0x22f: {  	[tilespmem:s5+$0xFFFFFFE0] =	vst v0  }
0x230: {  	v0 =	vld [tilespmem:s18+$0x5830];
	_ =	sdelay $0x3  }
.Ltmp15:
0x231: {  	_ = 	snop;
	(pc) =	sbr.rel @p0 .LBB2_27-.Ltmp15, $4  }
0x232: {  	v63 =	vshll.u32 v0, $0x10  }
0x233: {  	v0 =	vand.u32 $0xFFFF0000, v0;
	[tilespmem:s5+$0xFFFFFFF0] =	vst v63  }
0x234: {  	s20 =	sadd.s32 $0x14C0, s15;
	[tilespmem:s5+$0x30] =	vst v0  }
0x235: {  	[spmem:s2] =	stream.indirect.scatter.add.f32 [tilespmem:s28], [sflag:$0x6], $0x80, s20, s16, $0xb8;
	[tilespmem:$0x1E800] =	vst v63  }
.Ltmp16:
0x236: {  	(pc) =	sbr.rel .LBB2_17-.Ltmp16, $3  }
0x237: {  	_ =	sdelay $0x1  }
0x238: {  	s5 =	sadd.s32 $0x1C0, s15;
	s1 =	sadd.s32 $0x1, s1  }
0x239: {  	[tilespmem:s22], [sflag:$0x4] =	stream.indirect.gather [hbm4b:s4+s16], $0x40, s5, s16, $0xb8;
	[tilespmem:$0x1E800] =	vst v63  }
.LBB2_28:
0x23a: {  	_ =	sfence.sel $0x180000  }
0x23b: {  	[bflag:$0x0] =	sbarrier.arrive $0xFFFF  }
0x23c: {  	_ =	strace $0x90000047  }
0x23d: {  	s0 =	stileid.u32;
	[bflag:$0x2] =	sbarrier.arrive $0xFFFF  }
0x23e: {  	p0 =	sne.s32 s0, $0x0;
	s0 =	rddreg [dreg:$0x2]  }
0x23f: {  	s0 =	sadd.s32 @!p0 $0x100000, s0  }
0x240: {  	[sflag:s0] =	ssyncadd.tile.s32 @!p0 $0x1;
	_ =	shalt  }
.Lfunc_end2:
_tile_overlayer_lowered:
.L_overlay_start_2:
0x241: {  	(tag) =	ssettag $0x2  }
0x242: {  	s0 =	rddreg [dreg:$0x0];
	s2 =	stileid.u32  }
0x243: {  	s1 =	rddreg [dreg:$0x1];
	p0 =	sne.s32 s2, $0x0  }
0x244: {  	s3 =	rddreg [dreg:$0x2];
	[bflag:$0x3] =	sbarrier.arrive $0xFFFF;
	s2 =	simm.s32 @!p0 $0x1C07  }
0x245: {  	[timem:s3], [sflag:s2] =	dma.local @!p0 [hbm:s0], s1  }
0x246: {  	s0 =	simm.s32 @!p0 $0x7  }
0x247: {  	_ =	swait.ge @!p0 [sflag:s0], s1  }
0x248: {  	s1 =	ssub.s32 @!p0 $0x0, s1;
	[sflag:s0] =	ssyncset.done @!p0 $0x0  }
0x249: {  	[sflag:s0] =	ssyncadd.s32 @!p0 s1  }
0x24a: {  	[bflag:$0x3] =	sbarrier.arrive $0xFFFF  }
0x24b: {  	_ =	shalt  }

// kernel: kernel.9.cloned.1.call-start
scs
__scs_entry_jumppad:
0x0: {  	(pc) =	sbr.rel $0x88, $3  }
0x1: {  	(tag) =	ssettag $0x0;
	lr =	simm.s32 $0x1  }
0x2: {  	[smem:$0x3F9B] =	sst lr;
	_ =	strace $0xD0000000  }
0x3: {  	_ = 	snop  }
0x4: {  	_ = 	snop  }
0x5: {  	_ = 	snop  }
0x6: {  	_ = 	snop  }
0x7: {  	_ = 	snop  }
__scs_overlays_trampoline_lowered:
0x8: {  	[smem:$0x3FAA] =	sst s0  }
0x9: {  	[smem:$0x3FAB] =	sst s1  }
0xa: {  	[smem:$0x3FAC] =	sst s2  }
0xb: {  	[smem:$0x3FAD] =	sst s3  }
0xc: {  	[smem:$0x3FAE] =	sst s4  }
0xd: {  	[smem:$0x3FAF] =	sst s5  }
0xe: {  	[smem:$0x3FB0] =	sst s6  }
0xf: {  	[smem:$0x3FB1] =	sst s7  }
0x10: {  	[smem:$0x3FB2] =	sst s8  }
0x11: {  	[smem:$0x3FB3] =	sst s9;
	s0 =	simm.s32 @!p0 $0x0  }
0x12: {  	s1 =	sld [smem:$0x3F99];
	s0 =	simm.s32 @p0 $0x1  }
0x13: {  	[smem:$0x3FB4] =	sst s0;
	s0 =	simm.s32 @!p1 $0x0  }
0x14: {  	s2 =	sld [smem:$0x3F98];
	s0 =	simm.s32 @p1 $0x1  }
0x15: {  	[smem:$0x3FB5] =	sst s0;
	s0 =	simm.s32 @!p2 $0x0  }
0x16: {  	s3 =	sld [smem:$0x3FDB];
	s0 =	simm.s32 @p2 $0x1  }
0x17: {  	s4 =	simm.s32 $0x1BF5;
	[smem:$0x3FB7] =	sst s0  }
0x18: {  	s0 =	sld [smem:$0x3F9A];
	_ =	swait.ge [sflag:s4], $0x0  }
0x19: {  	s7 =	sld [smem:$0x3F9B]  }
0x1a: {  	s8 =	sadd.s32 $0xFFFFE003, lr  }
0x1b: {  	s9 =	sadd.s32 $0xFFFFFEF7, lr;
	s5 =	simm.s32 $0xFFFFFFFF;
	p2 =	slt.u32 s8, $0xFFFFF086  }
0x1c: {  	p1 =	slt.u32 s9, $0xF7A;
	s5 =	simm.s32 @!p2 $0x0  }
0x1d: {  	s5 =	simm.s32 @p1 $0x1;
	p0 =	seq.s32 s7, s2  }
0x1e: {  	s7 =	smul.u32 @!p0 $0xF7A, s2;
	p2 =	seq.s32 @!p0 s5, $0x0  }
0x1f: {  	s9 =	smul.u32 $0xF7A, s1;
	s8 =	simm.s32 @!p0 $0x1BF5;
	p2 =	por !p2, p0  }
0x20: {  	[sflag:s8] =	ssyncset.s32 @!p0 $0xFFFFF086;
	s6 =	sadd.s32 @!p0 s3, s7;
	s7 =	simm.s32 @!p0 $0x108  }
0x21: {  	s3 =	sadd.s32 s3, s9;
	s6 =	sadd.s32 @!p0 $0x88, s6;
	s7 =	simm.s32 @p2 $0x1082  }
0x22: {  	[simem:s7], [sflag:s8] =	dma.local @!p0 [hbm:s6], $0xF7A  }
0x23: {  	s9 =	sor.u32 $0xD0000000, s2;
	s6 =	simm.s32 $0x108;
	_ =	swait.ge @!p0 [sflag:s8], $0x0  }
0x24: {  	s3 =	sadd.s32 $0x88, s3;
	s6 =	simm.s32 @!p1 $0x1082;
	[sflag:s4] =	ssyncset.s32 $0xFFFFF086  }
0x25: {  	[simem:s6], [sflag:s4] =	dma.local [hbm:s3], $0xF7A  }
0x26: {  	[smem:$0x3F9B] =	sst s1;
	(tag) =	ssettag s2;
	_ =	strace s9  }
0x27: {  	s1 =	sld [smem:$0x3FAB]  }
0x28: {  	s2 =	sld [smem:$0x3FAC]  }
0x29: {  	s4 =	sld [smem:$0x3FAE]  }
0x2a: {  	p0 =	seq.s32 s5, $0x0;
	s5 =	sld [smem:$0x3FAF]  }
0x2b: {  	s6 =	sld [smem:$0x3FB0]  }
0x2c: {  	s7 =	sld [smem:$0x3FB1]  }
0x2d: {  	s3 =	simm.s32 $0x108;
	s8 =	sld [smem:$0x3FB2]  }
0x2e: {  	s3 =	simm.s32 @!p0 $0x1082;
	s9 =	sld [smem:$0x3FB3]  }
0x2f: {  	lr =	sadd.s32 s0, s3;
	s0 =	sld [smem:$0x3FAA]  }
0x30: {  	s3 =	sld [smem:$0x3FAD]  }
0x31: {  	[smem:$0x3FB6] =	sst s10  }
0x32: {  	s10 =	sld [smem:$0x3FB4];
	_ =	sdelay $0x3  }
0x33: {  	p0 =	seq.s32 s10, $0x1;
	s10 =	sld [smem:$0x3FB6];
	_ =	sdelay $0x3  }
0x34: {  	[smem:$0x3FB6] =	sst s10  }
0x35: {  	s10 =	sld [smem:$0x3FB5];
	_ =	sdelay $0x3  }
0x36: {  	p1 =	seq.s32 s10, $0x1;
	s10 =	sld [smem:$0x3FB6];
	_ =	sdelay $0x3  }
0x37: {  	[smem:$0x3FB6] =	sst s10  }
0x38: {  	s10 =	sld [smem:$0x3FB7]  }
0x39: {  	_ = 	snop;
	(pc) =	sbr.ind lr, $3  }
0x3a: {  	_ = 	snop  }
0x3b: {  	_ = 	snop  }
0x3c: {  	p2 =	seq.s32 s10, $0x1;
	s10 =	sld [smem:$0x3FB6]  }
0x3d: {  	_ =	shalt  }
0x3e: {  	_ =	shalt  }
0x3f: {  	_ =	shalt  }
0x40: {  	_ =	shalt  }
0x41: {  	_ =	shalt  }
0x42: {  	_ =	shalt  }
0x43: {  	_ =	shalt  }
0x44: {  	_ =	shalt  }
0x45: {  	_ =	shalt  }
0x46: {  	_ =	shalt  }
0x47: {  	_ =	shalt  }
0x48: {  	_ =	shalt  }
0x49: {  	_ =	shalt  }
0x4a: {  	_ =	shalt  }
0x4b: {  	_ =	shalt  }
0x4c: {  	_ =	shalt  }
0x4d: {  	_ =	shalt  }
0x4e: {  	_ =	shalt  }
0x4f: {  	_ =	shalt  }
0x50: {  	_ =	shalt  }
0x51: {  	_ =	shalt  }
0x52: {  	_ =	shalt  }
0x53: {  	_ =	shalt  }
0x54: {  	_ =	shalt  }
0x55: {  	_ =	shalt  }
0x56: {  	_ =	shalt  }
0x57: {  	_ =	shalt  }
0x58: {  	_ =	shalt  }
0x59: {  	_ =	shalt  }
0x5a: {  	_ =	shalt  }
0x5b: {  	_ =	shalt  }
0x5c: {  	_ =	shalt  }
0x5d: {  	_ =	shalt  }
0x5e: {  	_ =	shalt  }
0x5f: {  	_ =	shalt  }
0x60: {  	_ =	shalt  }
0x61: {  	_ =	shalt  }
0x62: {  	_ =	shalt  }
0x63: {  	_ =	shalt  }
0x64: {  	_ =	shalt  }
0x65: {  	_ =	shalt  }
0x66: {  	_ =	shalt  }
0x67: {  	_ =	shalt  }
0x68: {  	_ =	shalt  }
0x69: {  	_ =	shalt  }
0x6a: {  	_ =	shalt  }
0x6b: {  	_ =	shalt  }
0x6c: {  	_ =	shalt  }
0x6d: {  	_ =	shalt  }
0x6e: {  	_ =	shalt  }
0x6f: {  	_ =	shalt  }
0x70: {  	_ =	shalt  }
0x71: {  	_ =	shalt  }
0x72: {  	_ =	shalt  }
0x73: {  	_ =	shalt  }
0x74: {  	_ =	shalt  }
0x75: {  	_ =	shalt  }
0x76: {  	_ =	shalt  }
0x77: {  	_ =	shalt  }
0x78: {  	_ =	shalt  }
0x79: {  	_ =	shalt  }
0x7a: {  	_ =	shalt  }
0x7b: {  	_ =	shalt  }
0x7c: {  	_ =	shalt  }
0x7d: {  	_ =	shalt  }
0x7e: {  	_ =	shalt  }
0x7f: {  	_ =	shalt  }
0x80: {  	_ =	shalt  }
0x81: {  	_ =	shalt  }
0x82: {  	_ =	shalt  }
0x83: {  	_ =	shalt  }
0x84: {  	_ =	shalt  }
0x85: {  	_ =	shalt  }
0x86: {  	_ =	shalt  }
0x87: {  	_ =	shalt  }
.Lfunc_end0:
.L_simem_size_0:
called_computation.1_lowered:
.L_overlay_start_0:
0x88: {  	s2 =	sld [smem:$0x3FD9]  }
0x89: {  	s3 =	sld [smem:$0x3FFE];
	_ =	sdelay $0x1  }
0x8a: {  	s1 =	srdreg.scid  }
0x8b: {  	s0 =	sand.u32 $0x1, s1  }
0x8c: {  	s16 =	sshll.u32 s0, $0xA;
	s2 =	sadd.s32 s3, s2  }
0x8d: {  	s2 =	sadd.s32 s2, s16  }
0x8e: {  	[smem:$0x3FC2] =	sst s2  }
0x8f: {  	_ = 	snop  }
0x90: {  	(tm) =	ssettm $0x1  }
0x91: {  	s17 =	sld [smem:$0x3FFB];
	_ =	sdelay $0x3  }
0x92: {  	_ =	strace s17  }
0x93: {  	s2 =	sld [smem:$0x3FFC];
	_ =	sdelay $0x3  }
0x94: {  	_ =	strace s2  }
0x95: {  	s2 =	sld [smem:$0x3FFD];
	_ =	sdelay $0x3  }
0x96: {  	_ =	strace s2  }
0x97: {  	_ =	strace $0x8FFFFFFF  }
0x98: {  	s18 =	sld [smem:$0x3FDB];
	_ =	sdelay $0x1  }
0x99: {  	s19 =	simm.s32 $_scs_section_size  }
0x9a: {  	s4 =	simm.s32 $_size__tile_overlayer_lowered;
	s5 =	simm.s32 $_tile_overlayer_lowered  }
0x9b: {  	s22 =	simm.s32 $0x1BFF;
	s21 =	sshll.u32 s5, $0x1;
	s2 =	sadd.s32 s19, s18  }
0x9c: {  	s6 =	simm.s32 $0x0;
	s20 =	sshll.u32 s4, $0x1;
	s4 =	sadd.s32 s21, s2  }
0x9d: {  	[timem:s6], [sflag:s22] =	dma.local [hbm:s4], s20  }
0x9e: {  	_ =	swait.ge [sflag:s22], s20  }
0x9f: {  	s3 =	ssub.s32 $0x0, s20;
	[sflag:s22] =	ssyncset.done $0x0  }
0xa0: {  	[sflag:s22] =	ssyncadd.s32 s3;
	_ =	sdelay $0x1  }
0xa1: {  	s23 =	simm.s32 $0x1B8B  }
0xa2: {  	_ =	swait.ge [sflag:s23], $0x1  }
0xa3: {  	[sflag:s23] =	ssyncset.done $0x0  }
0xa4: {  	s25 =	simm.s32 $0x1B8E;
	s24 =	sld [smem:$0x3FFE];
	[sflag:s23] =	ssyncadd.s32 $0xFFFFFFFF  }
0xa5: {  	s26 =	simm.s32 $execute0_lowered;
	[smem:$0x3FD2] =	sst s25  }
0xa6: {  	s4 =	sshll.u32 s26, $0x1;
	_ =	strace $0x80000049;
	[dreg:$0x1] =	wrdreg $0xFFFFFFFF  }
0xa7: {  	s28 =	simm.s32 $_size_execute0_lowered;
	s2 =	sadd.s32 s2, s4;
	[dreg:$0x0] =	wrdreg $0x0  }
0xa8: {  	s4 =	sshll.u32 s28, $0x1;
	[dreg:$0x2] =	wrdreg s2  }
0xa9: {  	[dreg:$0x3] =	wrdreg s4  }
0xaa: {  	[dreg:$0x4] =	wrdreg $0xC0  }
0xab: {  	_ =	task [dreg:s6], $0x5FFFF  }
0xac: {  	[dreg:$0x1] =	wrdreg $0xFFFFFFFF  }
0xad: {  	[dreg:$0x0] =	wrdreg $0x60  }
0xae: {  	[dreg:$0x2] =	wrdreg s24  }
0xaf: {  	[dreg:$0x3] =	wrdreg $0xA8000  }
0xb0: {  	[dreg:$0x4] =	wrdreg $0x9  }
0xb1: {  	_ =	task.clear_ibuf [dreg:s6], $0x5FFFF;
	_ =	strace $0x90000049  }
0xb2: {  	s29 =	simm.s32 $0x9;
	_ =	strace $0x8000004B  }
0xb3: {  	_ =	swait.ge [sflag:s29], $0x1  }
0xb4: {  	[sflag:s29] =	ssyncadd.s32 $0xFFFFFFFF  }
0xb5: {  	_ =	strace $0x9000004B  }
0xb6: {  	_ =	sfence  }
0xb7: {  	s30 =	sld [smem:$0x0];
	_ =	sdelay $0x2  }
0xb8: {  	s31 =	sshll.u32 s1, $0xD;
	s1 =	sshrl.u32 s1, $0x2  }
0xb9: {  	s3 =	sand.u32 $0x4000, s31;
	s1 =	sadd.s32 s1, s30  }
0xba: {  	s0 =	sor.u32 s3, s0;
	s1 =	sshll.u32 s1, $0x11  }
0xbb: {  	s0 =	sor.u32 s1, s0  }
0xbc: {  	s0 =	sadd.s32 $0x8F2B, s0  }
0xbd: {  	[sflag:s0] =	ssyncadd.remote.s32 $0x1  }
0xbe: {  	_ =	sfence.sel $0xFFFF  }
0xbf: {  	[dreg:$0x0] =	wrdreg $0xFFFFFFFF;
	(pc) =	sbr.abs _section_cstart, $3  }
0xc0: {  	[dreg:$0x1] =	wrdreg $0xFFFFFFFF  }
0xc1: {  	_ =	task.clear_ibuf [dreg:s6], $0x2FFFF;
	_ =	strace $0x9FFFFFFF  }
0xc2: {  	(tm) =	ssettm $0x7FFFFFFF  }
0xc3: {  	_ =	shalt  }
tec
execute0_lowered:
.L_overlay_start_1:
0x0: {  	(tag) =	ssettag $0x1  }
0x1: {  	s0 =	rddreg [dreg:$0x0]  }
0x2: {  	s2 =	rddreg [dreg:$0x1]  }
0x3: {  	s13 =	stileid.u32;
	s3 =	simm.s32 $0x0;
	s4 =	srdreg.scid  }
0x4: {  	s14 =	simm.s32 $0x7;
	s16 =	simm.s32 $0x40;
	s17 =	simm.s32 $0x2800  }
0x5: {  	s21 =	simm.s32 $0xC0;
	s22 =	simm.s32 $0x5800;
	s23 =	simm.s32 $0x1  }
0x6: {  	s24 =	simm.s32 $0x6800;
	s28 =	simm.s32 $0x8800;
	s29 =	simm.s32 $0x3  }
0x7: {  	s30 =	simm.s32 $0x5;
	s31 =	simm.s32 $0x4;
	s1 =	smul.u32 $0x14000, s13  }
0x8: {  	[smem:$0x7FF] =	sst s3;
	s6 =	sand.u32 $0x1, s4;
	s4 =	sadd.s32 $0x29A00, s0  }
0x9: {  	s9 =	sadd.s32 $0x47A00, s0;
	s10 =	sadd.s32 $0x3DA00, s0;
	s25 =	sshll.u32 s13, $0x6  }
0xa: {  	_ =	strace $0x8000004A;
	s7 =	smul.u32 $0x140000, s6;
	s8 =	sshll.u32 s6, $0x4  }
0xb: {  	s6 =	ssub.s32 $0x2, s6;
	s5 =	sshrl.u32 s1, $0x3;
	s8 =	sor.u32 s13, s8  }
0xc: {  	s11 =	sshrl.u32 s6, $0x1;
	s5 =	sadd.s32 s5, s0;
	s7 =	sadd.s32 s1, s7  }
0xd: {  	s8 =	smul.u32 $0x2800, s8;
	s12 =	ssub.s32 s6, s11;
	s1 =	sadd.s32 s1, s2  }
0xe: {  	s6 =	sor.u32 $0x1C07, s25;
	s25 =	simm.s32 $0x2;
	s7 =	sshrl.u32 s7, $0x3  }
.Ltmp0:
0xf: {  	s5 =	sadd.s32 $0x1A00, s5;
	s12 =	smax.u32 s12, $0x1;
	(pc) =	sbr.rel .LBB2_1-.Ltmp0, $4  }
0x10: {  	s13 =	sshrl.u32 s1, $0x3;
	s0 =	sadd.s32 s7, s0;
	s8 =	sshrl.u32 s8, $0x3  }
0x11: {  	[dreg:$0x3] =	wrdreg s5;
	s7 =	sadd.s32 s9, s8;
	s26 =	sadd.s32 $0x280, s8  }
0x12: {  	s8 =	sadd.s32 s10, s8;
	s11 =	sadd.s32 $0x51A00, s0;
	s0 =	simm.s32 $0x0  }
0x13: {  	s9 =	sadd.s32 s9, s26;
	s10 =	sadd.s32 s10, s26;
	s26 =	simm.s32 $0x6  }
.LBB2_27:
0x14: {  	_ =	swait.ge [sflag:s30], $0x2000  }
0x15: {  	[sflag:s30] =	ssyncset.done $0x0  }
0x16: {  	[sflag:s30] =	ssyncadd.s32 $0xFFFFE000  }
0x17: {  	_ =	swait.ge [sflag:s26], $0x2000  }
0x18: {  	s0 =	sadd.s32 $0x1, s0;
	[sflag:s26] =	ssyncset.done $0x0  }
0x19: {  	p0 =	sne.s32 s0, s12;
	[sflag:s26] =	ssyncadd.s32 $0xFFFFE000  }
.Ltmp1:
0x1a: {  	[bflag:$0x0] =	sbarrier.arrive $0xFFFF;
	(pc) =	sbr.rel @!p0 .LBB2_28-.Ltmp1, $4  }
0x1b: {  	[hbm:s11], [sflag:s6] =	dma.local [spmem:s13], $0x2800  }
0x1c: {  	_ =	swait.ge [sflag:s14], $0x2800  }
0x1d: {  	[sflag:s14] =	ssyncset.done $0x0  }
0x1e: {  	[sflag:s14] =	ssyncadd.s32 $0xFFFFD800  }
.LBB2_1:
0x1f: {  	s1 =	rddreg [dreg:$0x3]  }
0x20: {  	[spmem:s13], [sflag:s6] =	dma.local [hbm:s1], $0x2800  }
0x21: {  	_ =	swait.ge [sflag:s14], $0x2800  }
0x22: {  	[sflag:s14] =	ssyncset.done $0x0  }
0x23: {  	[sflag:s14] =	ssyncadd.s32 $0xFFFFD800  }
0x24: {  	[bflag:$0x0] =	sbarrier.arrive $0xFFFF  }
0x25: {  	[tilespmem:s3], [sflag:$0x7] =	stream.linear.gather [hbm4b:s7+s3], $0x1400, $0x38;
	[tilespmem:$0x1E800] =	vst v63  }
0x26: {  	_ =	swait.ge [sflag:s14], $0x1400  }
0x27: {  	[sflag:s14] =	ssyncset.done $0x0  }
0x28: {  	s18 =	simm.s32 $0x1400;
	[sflag:s14] =	ssyncadd.s32 $0xFFFFEC00  }
0x29: {  	[tilespmem:s18], [sflag:$0x7] =	stream.linear.gather [hbm4b:s8+s3], $0x1400, $0x38;
	[tilespmem:$0x1E800] =	vst v63  }
0x2a: {  	_ =	swait.ge [sflag:s14], $0x1400  }
0x2b: {  	[sflag:s14] =	ssyncset.done $0x0  }
0x2c: {  	[sflag:s14] =	ssyncadd.s32 $0xFFFFEC00  }
0x2d: {  	[tilespmem:s17], [sflag:$0x1] =	stream.indirect.gather [hbm4b:s4+s16], $0x40, s3, s16, $0xb8;
	[tilespmem:$0x1E800] =	vst v63  }
0x2e: {  	s19 =	simm.s32 $0x3800  }
0x2f: {  	[tilespmem:s19], [sflag:$0x2] =	stream.indirect.gather [hbm4b:s4+s16], $0x40, s16, s16, $0xb8;
	[tilespmem:$0x1E800] =	vst v63  }
0x30: {  	s20 =	simm.s32 $0x80;
	s5 =	simm.s32 $0x4800  }
0x31: {  	[tilespmem:s5], [sflag:$0x3] =	stream.indirect.gather [hbm4b:s4+s16], $0x40, s20, s16, $0xb8;
	[tilespmem:$0x1E800] =	vst v63  }
0x32: {  	s1 =	simm.s32 $0x0  }
0x33: {  	[tilespmem:s22], [sflag:$0x4] =	stream.indirect.gather [hbm4b:s4+s16], $0x40, s21, s16, $0xb8;
	[tilespmem:$0x1E800] =	vst v63  }
.LBB2_2:
0x34: {  	_ =	swait.ge [sflag:s23], $0x1000  }
0x35: {  	p0 =	seq.s32 s1, $0x0;
	[sflag:s23] =	ssyncset.done $0x0  }
0x36: {  	s5 =	simm.s32 @!p0 $0x5;
	[sflag:s23] =	ssyncadd.s32 $0xFFFFF000  }
0x37: {  	_ =	swait.ge @!p0 [sflag:s5], $0x2000  }
0x38: {  	[sflag:s5] =	ssyncset.done @!p0 $0x0  }
0x39: {  	s20 =	simm.s32 $0x0;
	[sflag:s5] =	ssyncadd.s32 @!p0 $0xFFFFE000  }
0x3a: {  	v0 =	vld [tilespmem:s20+$0x2800];
	_ =	sdelay $0x4  }
0x3b: {  	s15 =	simm.s32 $0x6840;
	v1 =	vshll.u32 v0, $0x10  }
0x3c: {  	v0 =	vand.u32 $0xFFFF0000, v0;
	[tilespmem:s15+$0xFFFFFFC0] =	vst v1  }
0x3d: {  	[tilespmem:s15+$0x0] =	vst v0  }
0x3e: {  	v0 =	vld [tilespmem:s20+$0x2810];
	_ =	sdelay $0x4  }
0x3f: {  	v1 =	vshll.u32 v0, $0x10  }
0x40: {  	v0 =	vand.u32 $0xFFFF0000, v0;
	[tilespmem:s15+$0xFFFFFFD0] =	vst v1  }
0x41: {  	[tilespmem:s15+$0x10] =	vst v0  }
0x42: {  	v0 =	vld [tilespmem:s20+$0x2820];
	_ =	sdelay $0x4  }
0x43: {  	v1 =	vand.u32 $0xFFFF0000, v0  }
0x44: {  	v0 =	vshll.u32 v0, $0x10;
	[tilespmem:s15+$0x20] =	vst v1  }
0x45: {  	[tilespmem:s15+$0xFFFFFFE0] =	vst v0  }
0x46: {  	v0 =	vld [tilespmem:s20+$0x2830];
	_ =	sdelay $0x4  }
0x47: {  	v1 =	vshll.u32 v0, $0x10  }
0x48: {  	v0 =	vand.u32 $0xFFFF0000, v0;
	[tilespmem:s15+$0xFFFFFFF0] =	vst v1  }
0x49: {  	s5 =	simm.s32 $0x40;
	[tilespmem:s15+$0x30] =	vst v0  }
0x4a: {  	v0 =	vld [tilespmem:s5+$0x2800]  }
0x4b: {  	s18 =	simm.s32 $0x200  }
.LBB2_3:
0x4c: {  	p1 =	sne.s32 s18, $0x3F00;
	_ =	sdelay $0x2  }
0x4d: {  	s15 =	sadd.s32 $0x80, s15;
	v1 =	vshll.u32 v0, $0x10  }
0x4e: {  	v0 =	vand.u32 $0xFFFF0000, v0;
	[tilespmem:s15+$0xFFFFFFC0] =	vst v1  }
0x4f: {  	[tilespmem:s15+$0x0] =	vst v0  }
0x50: {  	v0 =	vld [tilespmem:s5+$0x2810];
	_ =	sdelay $0x4  }
0x51: {  	v1 =	vshll.u32 v0, $0x10  }
0x52: {  	v0 =	vand.u32 $0xFFFF0000, v0;
	[tilespmem:s15+$0xFFFFFFD0] =	vst v1  }
0x53: {  	[tilespmem:s15+$0x10] =	vst v0  }
0x54: {  	v0 =	vld [tilespmem:s5+$0x2820];
	_ =	sdelay $0x4  }
0x55: {  	v1 =	vshll.u32 v0, $0x10;
	v0 =	vand.u32 $0xFFFF0000, v0  }
0x56: {  	[tilespmem:s15+$0x20] =	vst v0  }
0x57: {  	[tilespmem:s15+$0xFFFFFFE0] =	vst v1  }
0x58: {  	v0 =	vld [tilespmem:s5+$0x2830];
	_ =	sdelay $0x4  }
.Ltmp2:
0x59: {  	v1 =	vshll.u32 v0, $0x10;
	v0 =	vand.u32 $0xFFFF0000, v0;
	(pc) =	sbr.rel @p1 .LBB2_3-.Ltmp2, $4  }
0x5a: {  	[tilespmem:s15+$0xFFFFFFF0] =	vst v1  }
0x5b: {  	s5 =	sshra.s32 s18, $0x2;
	[tilespmem:s15+$0x30] =	vst v0  }
0x5c: {  	v0 =	vld [tilespmem:s5+$0x2800]  }
0x5d: {  	s18 =	sadd.s32 $0x100, s18  }
0x5e: {  	_ =	sdelay $0x2  }
0x5f: {  	s19 =	sadd.s32 $0x80, s15;
	v1 =	vshll.u32 v0, $0x10  }
0x60: {  	v60 =	vand.u32 $0xFFFF0000, v0;
	[tilespmem:s19+$0xFFFFFFC0] =	vst v1  }
0x61: {  	[tilespmem:s19+$0x0] =	vst v60  }
0x62: {  	v0 =	vld [tilespmem:s5+$0x2810];
	_ =	sdelay $0x4  }
0x63: {  	v61 =	vshll.u32 v0, $0x10  }
0x64: {  	v0 =	vand.u32 $0xFFFF0000, v0;
	[tilespmem:s19+$0xFFFFFFD0] =	vst v61  }
0x65: {  	[tilespmem:s19+$0x10] =	vst v0  }
0x66: {  	v0 =	vld [tilespmem:s5+$0x2820];
	_ =	sdelay $0x4  }
0x67: {  	v62 =	vand.u32 $0xFFFF0000, v0  }
0x68: {  	v0 =	vshll.u32 v0, $0x10;
	[tilespmem:s19+$0x20] =	vst v62  }
0x69: {  	[tilespmem:s19+$0xFFFFFFE0] =	vst v0  }
0x6a: {  	v0 =	vld [tilespmem:s5+$0x2830];
	_ =	sdelay $0x2  }
0x6b: {  	p1 =	sne.s32 s1, $0x13  }
.Ltmp3:
0x6c: {  	_ = 	snop;
	(pc) =	sbr.rel @p1 .LBB2_6-.Ltmp3, $4  }
0x6d: {  	s18 =	sshll.u32 s1, $0xA;
	v63 =	vshll.u32 v0, $0x10  }
0x6e: {  	s15 =	sshrl.u32 s18, $0x2;
	v0 =	vand.u32 $0xFFFF0000, v0;
	[tilespmem:s19+$0xFFFFFFF0] =	vst v63  }
0x6f: {  	s20 =	sadd.s32 $0x1400, s15;
	[tilespmem:s19+$0x30] =	vst v0  }
0x70: {  	[spmem:s2] =	stream.indirect.scatter.add.f32 [tilespmem:s24], [sflag:$0x5], $0x80, s20, s16, $0xb8;
	[tilespmem:$0x1E800] =	vst v63  }
.Ltmp4:
0x71: {  	(pc) =	sbr.rel .LBB2_7-.Ltmp4, $4  }
0x72: {  	_ = 	snop  }
0x73: {  	_ =	swait.ge [sflag:s25], $0x1000  }
0x74: {  	[sflag:s25] =	ssyncset.done $0x0  }
0x75: {  	[sflag:s25] =	ssyncadd.s32 $0xFFFFF000  }
.LBB2_6:
.Ltmp5:
0x76: {  	s5 =	sadd.s32 $0x100, s15;
	(pc) =	sbr.rel @p0 .LBB2_8-.Ltmp5, $4  }
0x77: {  	[tilespmem:s17], [sflag:$0x1] =	stream.indirect.gather [hbm4b:s4+s16], $0x40, s5, s16, $0xb8;
	[tilespmem:$0x1E800] =	vst v63  }
0x78: {  	_ =	swait.ge [sflag:s25], $0x1000  }
0x79: {  	[sflag:s25] =	ssyncset.done $0x0  }
0x7a: {  	[sflag:s25] =	ssyncadd.s32 $0xFFFFF000  }
.LBB2_7:
0x7b: {  	_ =	swait.ge [sflag:s26], $0x2000  }
0x7c: {  	[sflag:s26] =	ssyncset.done $0x0  }
0x7d: {  	[sflag:s26] =	ssyncadd.s32 $0xFFFFE000  }
.LBB2_8:
0x7e: {  	s19 =	simm.s32 $0x0  }
0x7f: {  	v0 =	vld [tilespmem:s19+$0x3800];
	_ =	sdelay $0x4  }
0x80: {  	s5 =	simm.s32 $0x8840;
	v1 =	vshll.u32 v0, $0x10  }
0x81: {  	v0 =	vand.u32 $0xFFFF0000, v0;
	[tilespmem:s5+$0xFFFFFFC0] =	vst v1  }
0x82: {  	[tilespmem:s5+$0x0] =	vst v0  }
0x83: {  	v0 =	vld [tilespmem:s19+$0x3810];
	_ =	sdelay $0x4  }
0x84: {  	v1 =	vshll.u32 v0, $0x10  }
0x85: {  	v0 =	vand.u32 $0xFFFF0000, v0;
	[tilespmem:s5+$0xFFFFFFD0] =	vst v1  }
0x86: {  	[tilespmem:s5+$0x10] =	vst v0  }
0x87: {  	v0 =	vld [tilespmem:s19+$0x3820];
	_ =	sdelay $0x4  }
0x88: {  	v1 =	vand.u32 $0xFFFF0000, v0  }
0x89: {  	v0 =	vshll.u32 v0, $0x10;
	[tilespmem:s5+$0x20] =	vst v1  }
0x8a: {  	[tilespmem:s5+$0xFFFFFFE0] =	vst v0  }
0x8b: {  	v0 =	vld [tilespmem:s19+$0x3830];
	_ =	sdelay $0x4  }
0x8c: {  	v1 =	vshll.u32 v0, $0x10  }
0x8d: {  	v0 =	vand.u32 $0xFFFF0000, v0;
	[tilespmem:s5+$0xFFFFFFF0] =	vst v1  }
0x8e: {  	s19 =	simm.s32 $0x40;
	[tilespmem:s5+$0x30] =	vst v0  }
0x8f: {  	v0 =	vld [tilespmem:s19+$0x3800]  }
0x90: {  	s20 =	simm.s32 $0x200  }
.LBB2_9:
0x91: {  	p0 =	sne.s32 s20, $0x3F00;
	_ =	sdelay $0x2  }
0x92: {  	s5 =	sadd.s32 $0x80, s5;
	v1 =	vshll.u32 v0, $0x10  }
0x93: {  	v0 =	vand.u32 $0xFFFF0000, v0;
	[tilespmem:s5+$0xFFFFFFC0] =	vst v1  }
0x94: {  	[tilespmem:s5+$0x0] =	vst v0  }
0x95: {  	v0 =	vld [tilespmem:s19+$0x3810];
	_ =	sdelay $0x4  }
0x96: {  	v1 =	vshll.u32 v0, $0x10  }
0x97: {  	v0 =	vand.u32 $0xFFFF0000, v0;
	[tilespmem:s5+$0xFFFFFFD0] =	vst v1  }
0x98: {  	[tilespmem:s5+$0x10] =	vst v0  }
0x99: {  	v0 =	vld [tilespmem:s19+$0x3820];
	_ =	sdelay $0x4  }
0x9a: {  	v1 =	vshll.u32 v0, $0x10;
	v0 =	vand.u32 $0xFFFF0000, v0  }
0x9b: {  	[tilespmem:s5+$0x20] =	vst v0  }
0x9c: {  	[tilespmem:s5+$0xFFFFFFE0] =	vst v1  }
0x9d: {  	v0 =	vld [tilespmem:s19+$0x3830];
	_ =	sdelay $0x4  }
.Ltmp6:
0x9e: {  	v1 =	vshll.u32 v0, $0x10;
	v0 =	vand.u32 $0xFFFF0000, v0;
	(pc) =	sbr.rel @p0 .LBB2_9-.Ltmp6, $4  }
0x9f: {  	[tilespmem:s5+$0xFFFFFFF0] =	vst v1  }
0xa0: {  	s19 =	sshra.s32 s20, $0x2;
	[tilespmem:s5+$0x30] =	vst v0  }
0xa1: {  	v0 =	vld [tilespmem:s19+$0x3800]  }
0xa2: {  	s20 =	sadd.s32 $0x100, s20  }
0xa3: {  	_ =	sdelay $0x2  }
0xa4: {  	s5 =	sadd.s32 $0x80, s5;
	v1 =	vshll.u32 v0, $0x10  }
0xa5: {  	v0 =	vand.u32 $0xFFFF0000, v0;
	[tilespmem:s5+$0xFFFFFFC0] =	vst v1  }
0xa6: {  	[tilespmem:s5+$0x0] =	vst v0  }
0xa7: {  	v0 =	vld [tilespmem:s19+$0x3810];
	_ =	sdelay $0x4  }
0xa8: {  	v1 =	vshll.u32 v0, $0x10  }
0xa9: {  	v0 =	vand.u32 $0xFFFF0000, v0;
	[tilespmem:s5+$0xFFFFFFD0] =	vst v1  }
0xaa: {  	[tilespmem:s5+$0x10] =	vst v0  }
0xab: {  	v0 =	vld [tilespmem:s19+$0x3820];
	_ =	sdelay $0x4  }
0xac: {  	v1 =	vand.u32 $0xFFFF0000, v0  }
0xad: {  	v0 =	vshll.u32 v0, $0x10;
	[tilespmem:s5+$0x20] =	vst v1  }
0xae: {  	[tilespmem:s5+$0xFFFFFFE0] =	vst v0  }
0xaf: {  	v0 =	vld [tilespmem:s19+$0x3830];
	_ =	sdelay $0x4  }
0xb0: {  	v1 =	vshll.u32 v0, $0x10  }
0xb1: {  	p0 =	seq.s32 s1, $0x13;
	v0 =	vand.u32 $0xFFFF0000, v0;
	[tilespmem:s5+$0xFFFFFFF0] =	vst v1  }
0xb2: {  	s18 =	sshrl.u32 @!p0 s18, $0x2;
	s19 =	sadd.s32 $0x1440, s15;
	[tilespmem:s5+$0x30] =	vst v0  }
0xb3: {  	[spmem:s2] =	stream.indirect.scatter.add.f32 [tilespmem:s28], [sflag:$0x6], $0x80, s19, s16, $0xb8;
	[tilespmem:$0x1E800] =	vst v63  }
0xb4: {  	s20 =	simm.s32 @!p0 $0x3800;
	s5 =	sadd.s32 @!p0 $0x140, s18;
	s19 =	simm.s32 @!p0 $0x40  }
0xb5: {  	[tilespmem:s20], [sflag:$0x2] =	stream.indirect.gather @!p0 [hbm4b:s4+s19], $0x40, s5, s19, $0xb8;
	[tilespmem:$0x1E800] =	vst v63  }
0xb6: {  	_ =	swait.ge [sflag:s29], $0x1000  }
0xb7: {  	[sflag:s29] =	ssyncset.done $0x0  }
0xb8: {  	[sflag:s29] =	ssyncadd.s32 $0xFFFFF000  }
0xb9: {  	_ =	swait.ge [sflag:s30], $0x2000  }
0xba: {  	[sflag:s30] =	ssyncset.done $0x0  }
0xbb: {  	s20 =	simm.s32 $0x0;
	[sflag:s30] =	ssyncadd.s32 $0xFFFFE000  }
0xbc: {  	v0 =	vld [tilespmem:s20+$0x4800];
	_ =	sdelay $0x4  }
0xbd: {  	s5 =	simm.s32 $0x6840;
	v1 =	vshll.u32 v0, $0x10  }
0xbe: {  	v0 =	vand.u32 $0xFFFF0000, v0;
	[tilespmem:s5+$0xFFFFFFC0] =	vst v1  }
0xbf: {  	[tilespmem:s5+$0x0] =	vst v0  }
0xc0: {  	v0 =	vld [tilespmem:s20+$0x4810];
	_ =	sdelay $0x4  }
0xc1: {  	v1 =	vshll.u32 v0, $0x10  }
0xc2: {  	v0 =	vand.u32 $0xFFFF0000, v0;
	[tilespmem:s5+$0xFFFFFFD0] =	vst v1  }
0xc3: {  	[tilespmem:s5+$0x10] =	vst v0  }
0xc4: {  	v0 =	vld [tilespmem:s20+$0x4820];
	_ =	sdelay $0x4  }
0xc5: {  	v1 =	vand.u32 $0xFFFF0000, v0  }
0xc6: {  	v0 =	vshll.u32 v0, $0x10;
	[tilespmem:s5+$0x20] =	vst v1  }
0xc7: {  	[tilespmem:s5+$0xFFFFFFE0] =	vst v0  }
0xc8: {  	v0 =	vld [tilespmem:s20+$0x4830];
	_ =	sdelay $0x4  }
0xc9: {  	v1 =	vshll.u32 v0, $0x10  }
0xca: {  	v0 =	vand.u32 $0xFFFF0000, v0;
	[tilespmem:s5+$0xFFFFFFF0] =	vst v1  }
0xcb: {  	s19 =	simm.s32 $0x40;
	[tilespmem:s5+$0x30] =	vst v0  }
0xcc: {  	v0 =	vld [tilespmem:s19+$0x4800]  }
0xcd: {  	s20 =	simm.s32 $0x200  }
.LBB2_11:
0xce: {  	p1 =	sne.s32 s20, $0x3F00;
	_ =	sdelay $0x2  }
0xcf: {  	s5 =	sadd.s32 $0x80, s5;
	v1 =	vshll.u32 v0, $0x10  }
0xd0: {  	v0 =	vand.u32 $0xFFFF0000, v0;
	[tilespmem:s5+$0xFFFFFFC0] =	vst v1  }
0xd1: {  	[tilespmem:s5+$0x0] =	vst v0  }
0xd2: {  	v0 =	vld [tilespmem:s19+$0x4810];
	_ =	sdelay $0x4  }
0xd3: {  	v1 =	vshll.u32 v0, $0x10  }
0xd4: {  	v0 =	vand.u32 $0xFFFF0000, v0;
	[tilespmem:s5+$0xFFFFFFD0] =	vst v1  }
0xd5: {  	[tilespmem:s5+$0x10] =	vst v0  }
0xd6: {  	v0 =	vld [tilespmem:s19+$0x4820];
	_ =	sdelay $0x4  }
0xd7: {  	v1 =	vshll.u32 v0, $0x10;
	v0 =	vand.u32 $0xFFFF0000, v0  }
0xd8: {  	[tilespmem:s5+$0x20] =	vst v0  }
0xd9: {  	[tilespmem:s5+$0xFFFFFFE0] =	vst v1  }
0xda: {  	v0 =	vld [tilespmem:s19+$0x4830];
	_ =	sdelay $0x4  }
.Ltmp7:
0xdb: {  	v1 =	vshll.u32 v0, $0x10;
	v0 =	vand.u32 $0xFFFF0000, v0;
	(pc) =	sbr.rel @p1 .LBB2_11-.Ltmp7, $4  }
0xdc: {  	[tilespmem:s5+$0xFFFFFFF0] =	vst v1  }
0xdd: {  	s19 =	sshra.s32 s20, $0x2;
	[tilespmem:s5+$0x30] =	vst v0  }
0xde: {  	v0 =	vld [tilespmem:s19+$0x4800]  }
0xdf: {  	s20 =	sadd.s32 $0x100, s20  }
0xe0: {  	_ =	sdelay $0x2  }
0xe1: {  	s5 =	sadd.s32 $0x80, s5;
	v1 =	vshll.u32 v0, $0x10  }
0xe2: {  	v0 =	vand.u32 $0xFFFF0000, v0;
	[tilespmem:s5+$0xFFFFFFC0] =	vst v1  }
0xe3: {  	[tilespmem:s5+$0x0] =	vst v0  }
0xe4: {  	v0 =	vld [tilespmem:s19+$0x4810];
	_ =	sdelay $0x4  }
0xe5: {  	v1 =	vshll.u32 v0, $0x10  }
0xe6: {  	v0 =	vand.u32 $0xFFFF0000, v0;
	[tilespmem:s5+$0xFFFFFFD0] =	vst v1  }
0xe7: {  	[tilespmem:s5+$0x10] =	vst v0  }
0xe8: {  	v0 =	vld [tilespmem:s19+$0x4820];
	_ =	sdelay $0x4  }
0xe9: {  	v1 =	vand.u32 $0xFFFF0000, v0  }
0xea: {  	v0 =	vshll.u32 v0, $0x10;
	[tilespmem:s5+$0x20] =	vst v1  }
0xeb: {  	[tilespmem:s5+$0xFFFFFFE0] =	vst v0  }
0xec: {  	v0 =	vld [tilespmem:s19+$0x4830];
	_ =	sdelay $0x4  }
0xed: {  	v1 =	vshll.u32 v0, $0x10  }
0xee: {  	v0 =	vand.u32 $0xFFFF0000, v0;
	[tilespmem:s5+$0xFFFFFFF0] =	vst v1  }
0xef: {  	s19 =	sadd.s32 $0x1480, s15;
	[tilespmem:s5+$0x30] =	vst v0  }
0xf0: {  	[spmem:s2] =	stream.indirect.scatter.add.f32 [tilespmem:s24], [sflag:$0x5], $0x80, s19, s16, $0xb8;
	[tilespmem:$0x1E800] =	vst v63  }
0xf1: {  	s5 =	sadd.s32 @!p0 $0x180, s18;
	s18 =	simm.s32 @!p0 $0x40;
	s19 =	simm.s32 @!p0 $0x4800  }
0xf2: {  	[tilespmem:s19], [sflag:$0x3] =	stream.indirect.gather @!p0 [hbm4b:s4+s18], $0x40, s5, s18, $0xb8;
	[tilespmem:$0x1E800] =	vst v63  }
0xf3: {  	_ =	swait.ge [sflag:s31], $0x1000  }
0xf4: {  	[sflag:s31] =	ssyncset.done $0x0  }
0xf5: {  	[sflag:s31] =	ssyncadd.s32 $0xFFFFF000  }
0xf6: {  	_ =	swait.ge [sflag:s26], $0x2000  }
0xf7: {  	[sflag:s26] =	ssyncset.done $0x0  }
0xf8: {  	s20 =	simm.s32 $0x0;
	[sflag:s26] =	ssyncadd.s32 $0xFFFFE000  }
0xf9: {  	v0 =	vld [tilespmem:s20+$0x5800];
	_ =	sdelay $0x4  }
0xfa: {  	s5 =	simm.s32 $0x8840;
	v1 =	vshll.u32 v0, $0x10  }
0xfb: {  	v0 =	vand.u32 $0xFFFF0000, v0;
	[tilespmem:s5+$0xFFFFFFC0] =	vst v1  }
0xfc: {  	[tilespmem:s5+$0x0] =	vst v0  }
0xfd: {  	v0 =	vld [tilespmem:s20+$0x5810];
	_ =	sdelay $0x4  }
0xfe: {  	v1 =	vshll.u32 v0, $0x10  }
0xff: {  	v0 =	vand.u32 $0xFFFF0000, v0;
	[tilespmem:s5+$0xFFFFFFD0] =	vst v1  }
0x100: {  	[tilespmem:s5+$0x10] =	vst v0  }
0x101: {  	v0 =	vld [tilespmem:s20+$0x5820];
	_ =	sdelay $0x4  }
0x102: {  	v1 =	vand.u32 $0xFFFF0000, v0  }
0x103: {  	v0 =	vshll.u32 v0, $0x10;
	[tilespmem:s5+$0x20] =	vst v1  }
0x104: {  	[tilespmem:s5+$0xFFFFFFE0] =	vst v0  }
0x105: {  	v0 =	vld [tilespmem:s20+$0x5830];
	_ =	sdelay $0x4  }
0x106: {  	v1 =	vshll.u32 v0, $0x10  }
0x107: {  	v0 =	vand.u32 $0xFFFF0000, v0;
	[tilespmem:s5+$0xFFFFFFF0] =	vst v1  }
0x108: {  	s18 =	simm.s32 $0x40;
	[tilespmem:s5+$0x30] =	vst v0  }
0x109: {  	v0 =	vld [tilespmem:s18+$0x5800]  }
0x10a: {  	s19 =	simm.s32 $0x200  }
.LBB2_13:
0x10b: {  	p1 =	sne.s32 s19, $0x3F00;
	_ =	sdelay $0x2  }
0x10c: {  	s5 =	sadd.s32 $0x80, s5;
	v1 =	vshll.u32 v0, $0x10  }
0x10d: {  	v0 =	vand.u32 $0xFFFF0000, v0;
	[tilespmem:s5+$0xFFFFFFC0] =	vst v1  }
0x10e: {  	[tilespmem:s5+$0x0] =	vst v0  }
0x10f: {  	v0 =	vld [tilespmem:s18+$0x5810];
	_ =	sdelay $0x4  }
0x110: {  	v1 =	vshll.u32 v0, $0x10  }
0x111: {  	v0 =	vand.u32 $0xFFFF0000, v0;
	[tilespmem:s5+$0xFFFFFFD0] =	vst v1  }
0x112: {  	[tilespmem:s5+$0x10] =	vst v0  }
0x113: {  	v0 =	vld [tilespmem:s18+$0x5820];
	_ =	sdelay $0x4  }
0x114: {  	v1 =	vshll.u32 v0, $0x10;
	v0 =	vand.u32 $0xFFFF0000, v0  }
0x115: {  	[tilespmem:s5+$0x20] =	vst v0  }
0x116: {  	[tilespmem:s5+$0xFFFFFFE0] =	vst v1  }
0x117: {  	v0 =	vld [tilespmem:s18+$0x5830];
	_ =	sdelay $0x4  }
.Ltmp8:
0x118: {  	v1 =	vshll.u32 v0, $0x10;
	v0 =	vand.u32 $0xFFFF0000, v0;
	(pc) =	sbr.rel @p1 .LBB2_13-.Ltmp8, $4  }
0x119: {  	[tilespmem:s5+$0xFFFFFFF0] =	vst v1  }
0x11a: {  	s18 =	sshra.s32 s19, $0x2;
	[tilespmem:s5+$0x30] =	vst v0  }
0x11b: {  	v0 =	vld [tilespmem:s18+$0x5800]  }
0x11c: {  	s19 =	sadd.s32 $0x100, s19  }
0x11d: {  	_ =	sdelay $0x2  }
0x11e: {  	s5 =	sadd.s32 $0x80, s5;
	v1 =	vshll.u32 v0, $0x10  }
0x11f: {  	v60 =	vand.u32 $0xFFFF0000, v0;
	[tilespmem:s5+$0xFFFFFFC0] =	vst v1  }
0x120: {  	[tilespmem:s5+$0x0] =	vst v60  }
0x121: {  	v0 =	vld [tilespmem:s18+$0x5810];
	_ =	sdelay $0x4  }
0x122: {  	v61 =	vshll.u32 v0, $0x10  }
0x123: {  	v0 =	vand.u32 $0xFFFF0000, v0;
	[tilespmem:s5+$0xFFFFFFD0] =	vst v61  }
0x124: {  	[tilespmem:s5+$0x10] =	vst v0  }
0x125: {  	v0 =	vld [tilespmem:s18+$0x5820];
	_ =	sdelay $0x4  }
0x126: {  	v62 =	vand.u32 $0xFFFF0000, v0  }
0x127: {  	v0 =	vshll.u32 v0, $0x10;
	[tilespmem:s5+$0x20] =	vst v62  }
0x128: {  	[tilespmem:s5+$0xFFFFFFE0] =	vst v0  }
0x129: {  	v0 =	vld [tilespmem:s18+$0x5830];
	_ =	sdelay $0x3  }
.Ltmp9:
0x12a: {  	_ = 	snop;
	(pc) =	sbr.rel @p0 .LBB2_16-.Ltmp9, $4  }
0x12b: {  	v63 =	vshll.u32 v0, $0x10  }
0x12c: {  	v0 =	vand.u32 $0xFFFF0000, v0;
	[tilespmem:s5+$0xFFFFFFF0] =	vst v63  }
0x12d: {  	s20 =	sadd.s32 $0x14C0, s15;
	[tilespmem:s5+$0x30] =	vst v0  }
0x12e: {  	[spmem:s2] =	stream.indirect.scatter.add.f32 [tilespmem:s28], [sflag:$0x6], $0x80, s20, s16, $0xb8;
	[tilespmem:$0x1E800] =	vst v63  }
.Ltmp10:
0x12f: {  	(pc) =	sbr.rel .LBB2_2-.Ltmp10, $3  }
0x130: {  	_ =	sdelay $0x1  }
0x131: {  	s5 =	sadd.s32 $0x1C0, s15;
	s1 =	sadd.s32 $0x1, s1  }
0x132: {  	[tilespmem:s22], [sflag:$0x4] =	stream.indirect.gather [hbm4b:s4+s16], $0x40, s5, s16, $0xb8;
	[tilespmem:$0x1E800] =	vst v63  }
.LBB2_16:
0x133: {  	s1 =	simm.s32 $0x0  }
0x134: {  	[tilespmem:s1], [sflag:$0x7] =	stream.linear.gather [hbm4b:s9+s1], $0x1400, $0x38;
	[tilespmem:$0x1E800] =	vst v63  }
0x135: {  	_ =	swait.ge [sflag:s14], $0x1400  }
0x136: {  	[sflag:s14] =	ssyncset.done $0x0  }
0x137: {  	s5 =	simm.s32 $0x1400;
	[sflag:s14] =	ssyncadd.s32 $0xFFFFEC00  }
0x138: {  	[tilespmem:s5], [sflag:$0x7] =	stream.linear.gather [hbm4b:s10+s1], $0x1400, $0x38;
	[tilespmem:$0x1E800] =	vst v63  }
0x139: {  	_ =	swait.ge [sflag:s14], $0x1400  }
0x13a: {  	[sflag:s14] =	ssyncset.done $0x0  }
0x13b: {  	[sflag:s14] =	ssyncadd.s32 $0xFFFFEC00  }
0x13c: {  	[tilespmem:s17], [sflag:$0x1] =	stream.indirect.gather [hbm4b:s4+s16], $0x40, s1, s16, $0xb8;
	[tilespmem:$0x1E800] =	vst v63  }
0x13d: {  	s19 =	simm.s32 $0x3800  }
0x13e: {  	[tilespmem:s19], [sflag:$0x2] =	stream.indirect.gather [hbm4b:s4+s16], $0x40, s16, s16, $0xb8;
	[tilespmem:$0x1E800] =	vst v63  }
0x13f: {  	s20 =	simm.s32 $0x80;
	s15 =	simm.s32 $0x4800  }
0x140: {  	[tilespmem:s15], [sflag:$0x3] =	stream.indirect.gather [hbm4b:s4+s16], $0x40, s20, s16, $0xb8;
	[tilespmem:$0x1E800] =	vst v63  }
0x141: {  	_ = 	snop  }
0x142: {  	[tilespmem:s22], [sflag:$0x4] =	stream.indirect.gather [hbm4b:s4+s16], $0x40, s21, s16, $0xb8;
	[tilespmem:$0x1E800] =	vst v63  }
.LBB2_17:
0x143: {  	_ =	swait.ge [sflag:s23], $0x1000  }
0x144: {  	[sflag:s23] =	ssyncset.done $0x0  }
0x145: {  	[sflag:s23] =	ssyncadd.s32 $0xFFFFF000  }
0x146: {  	_ =	swait.ge [sflag:s30], $0x2000  }
0x147: {  	[sflag:s30] =	ssyncset.done $0x0  }
0x148: {  	s15 =	simm.s32 $0x0;
	[sflag:s30] =	ssyncadd.s32 $0xFFFFE000  }
0x149: {  	v0 =	vld [tilespmem:s15+$0x2800];
	_ =	sdelay $0x4  }
0x14a: {  	s5 =	simm.s32 $0x6840;
	v1 =	vshll.u32 v0, $0x10  }
0x14b: {  	v0 =	vand.u32 $0xFFFF0000, v0;
	[tilespmem:s5+$0xFFFFFFC0] =	vst v1  }
0x14c: {  	[tilespmem:s5+$0x0] =	vst v0  }
0x14d: {  	v0 =	vld [tilespmem:s15+$0x2810];
	_ =	sdelay $0x4  }
0x14e: {  	v1 =	vshll.u32 v0, $0x10  }
0x14f: {  	v0 =	vand.u32 $0xFFFF0000, v0;
	[tilespmem:s5+$0xFFFFFFD0] =	vst v1  }
0x150: {  	[tilespmem:s5+$0x10] =	vst v0  }
0x151: {  	v0 =	vld [tilespmem:s15+$0x2820];
	_ =	sdelay $0x4  }
0x152: {  	v1 =	vand.u32 $0xFFFF0000, v0  }
0x153: {  	v0 =	vshll.u32 v0, $0x10;
	[tilespmem:s5+$0x20] =	vst v1  }
0x154: {  	[tilespmem:s5+$0xFFFFFFE0] =	vst v0  }
0x155: {  	v0 =	vld [tilespmem:s15+$0x2830];
	_ =	sdelay $0x4  }
0x156: {  	v1 =	vshll.u32 v0, $0x10  }
0x157: {  	v0 =	vand.u32 $0xFFFF0000, v0;
	[tilespmem:s5+$0xFFFFFFF0] =	vst v1  }
0x158: {  	s15 =	simm.s32 $0x40;
	[tilespmem:s5+$0x30] =	vst v0  }
0x159: {  	v0 =	vld [tilespmem:s15+$0x2800]  }
0x15a: {  	s18 =	simm.s32 $0x200  }
.LBB2_18:
0x15b: {  	p0 =	sne.s32 s18, $0x3F00;
	_ =	sdelay $0x2  }
0x15c: {  	s5 =	sadd.s32 $0x80, s5;
	v1 =	vshll.u32 v0, $0x10  }
0x15d: {  	v0 =	vand.u32 $0xFFFF0000, v0;
	[tilespmem:s5+$0xFFFFFFC0] =	vst v1  }
0x15e: {  	[tilespmem:s5+$0x0] =	vst v0  }
0x15f: {  	v0 =	vld [tilespmem:s15+$0x2810];
	_ =	sdelay $0x4  }
0x160: {  	v1 =	vshll.u32 v0, $0x10  }
0x161: {  	v0 =	vand.u32 $0xFFFF0000, v0;
	[tilespmem:s5+$0xFFFFFFD0] =	vst v1  }
0x162: {  	[tilespmem:s5+$0x10] =	vst v0  }
0x163: {  	v0 =	vld [tilespmem:s15+$0x2820];
	_ =	sdelay $0x4  }
0x164: {  	v1 =	vshll.u32 v0, $0x10;
	v0 =	vand.u32 $0xFFFF0000, v0  }
0x165: {  	[tilespmem:s5+$0x20] =	vst v0  }
0x166: {  	[tilespmem:s5+$0xFFFFFFE0] =	vst v1  }
0x167: {  	v0 =	vld [tilespmem:s15+$0x2830];
	_ =	sdelay $0x4  }
.Ltmp11:
0x168: {  	v1 =	vshll.u32 v0, $0x10;
	v0 =	vand.u32 $0xFFFF0000, v0;
	(pc) =	sbr.rel @p0 .LBB2_18-.Ltmp11, $4  }
0x169: {  	[tilespmem:s5+$0xFFFFFFF0] =	vst v1  }
0x16a: {  	s15 =	sshra.s32 s18, $0x2;
	[tilespmem:s5+$0x30] =	vst v0  }
0x16b: {  	v0 =	vld [tilespmem:s15+$0x2800]  }
0x16c: {  	s18 =	sadd.s32 $0x100, s18  }
0x16d: {  	_ =	sdelay $0x2  }
0x16e: {  	s5 =	sadd.s32 $0x80, s5;
	v1 =	vshll.u32 v0, $0x10  }
0x16f: {  	v0 =	vand.u32 $0xFFFF0000, v0;
	[tilespmem:s5+$0xFFFFFFC0] =	vst v1  }
0x170: {  	[tilespmem:s5+$0x0] =	vst v0  }
0x171: {  	v0 =	vld [tilespmem:s15+$0x2810];
	_ =	sdelay $0x4  }
0x172: {  	v1 =	vshll.u32 v0, $0x10  }
0x173: {  	v0 =	vand.u32 $0xFFFF0000, v0;
	[tilespmem:s5+$0xFFFFFFD0] =	vst v1  }
0x174: {  	[tilespmem:s5+$0x10] =	vst v0  }
0x175: {  	v0 =	vld [tilespmem:s15+$0x2820];
	_ =	sdelay $0x4  }
0x176: {  	v1 =	vand.u32 $0xFFFF0000, v0  }
0x177: {  	v0 =	vshll.u32 v0, $0x10;
	[tilespmem:s5+$0x20] =	vst v1  }
0x178: {  	[tilespmem:s5+$0xFFFFFFE0] =	vst v0  }
0x179: {  	v0 =	vld [tilespmem:s15+$0x2830];
	_ =	sdelay $0x4  }
0x17a: {  	s18 =	sshll.u32 s1, $0xA;
	v1 =	vshll.u32 v0, $0x10  }
0x17b: {  	p0 =	seq.s32 s1, $0x13;
	s15 =	sshrl.u32 s18, $0x2;
	v0 =	vand.u32 $0xFFFF0000, v0;
	[tilespmem:s5+$0xFFFFFFF0] =	vst v1  }
0x17c: {  	s18 =	sshrl.u32 @!p0 s18, $0x2;
	s19 =	sadd.s32 $0x1400, s15;
	[tilespmem:s5+$0x30] =	vst v0  }
0x17d: {  	[spmem:s2] =	stream.indirect.scatter.add.f32 [tilespmem:s24], [sflag:$0x5], $0x80, s19, s16, $0xb8;
	[tilespmem:$0x1E800] =	vst v63  }
0x17e: {  	s20 =	simm.s32 @!p0 $0x2800;
	s5 =	sadd.s32 @!p0 $0x100, s18;
	s19 =	simm.s32 @!p0 $0x40  }
0x17f: {  	[tilespmem:s20], [sflag:$0x1] =	stream.indirect.gather @!p0 [hbm4b:s4+s19], $0x40, s5, s19, $0xb8;
	[tilespmem:$0x1E800] =	vst v63  }
0x180: {  	_ =	swait.ge [sflag:s25], $0x1000  }
0x181: {  	[sflag:s25] =	ssyncset.done $0x0  }
0x182: {  	[sflag:s25] =	ssyncadd.s32 $0xFFFFF000  }
0x183: {  	_ =	swait.ge [sflag:s26], $0x2000  }
0x184: {  	[sflag:s26] =	ssyncset.done $0x0  }
0x185: {  	s20 =	simm.s32 $0x0;
	[sflag:s26] =	ssyncadd.s32 $0xFFFFE000  }
0x186: {  	v0 =	vld [tilespmem:s20+$0x3800];
	_ =	sdelay $0x4  }
0x187: {  	s5 =	simm.s32 $0x8840;
	v1 =	vshll.u32 v0, $0x10  }
0x188: {  	v0 =	vand.u32 $0xFFFF0000, v0;
	[tilespmem:s5+$0xFFFFFFC0] =	vst v1  }
0x189: {  	[tilespmem:s5+$0x0] =	vst v0  }
0x18a: {  	v0 =	vld [tilespmem:s20+$0x3810];
	_ =	sdelay $0x4  }
0x18b: {  	v1 =	vshll.u32 v0, $0x10  }
0x18c: {  	v0 =	vand.u32 $0xFFFF0000, v0;
	[tilespmem:s5+$0xFFFFFFD0] =	vst v1  }
0x18d: {  	[tilespmem:s5+$0x10] =	vst v0  }
0x18e: {  	v0 =	vld [tilespmem:s20+$0x3820];
	_ =	sdelay $0x4  }
0x18f: {  	v1 =	vand.u32 $0xFFFF0000, v0  }
0x190: {  	v0 =	vshll.u32 v0, $0x10;
	[tilespmem:s5+$0x20] =	vst v1  }
0x191: {  	[tilespmem:s5+$0xFFFFFFE0] =	vst v0  }
0x192: {  	v0 =	vld [tilespmem:s20+$0x3830];
	_ =	sdelay $0x4  }
0x193: {  	v1 =	vshll.u32 v0, $0x10  }
0x194: {  	v0 =	vand.u32 $0xFFFF0000, v0;
	[tilespmem:s5+$0xFFFFFFF0] =	vst v1  }
0x195: {  	s19 =	simm.s32 $0x40;
	[tilespmem:s5+$0x30] =	vst v0  }
0x196: {  	v0 =	vld [tilespmem:s19+$0x3800]  }
0x197: {  	s20 =	simm.s32 $0x200  }
.LBB2_20:
0x198: {  	p1 =	sne.s32 s20, $0x3F00;
	_ =	sdelay $0x2  }
0x199: {  	s5 =	sadd.s32 $0x80, s5;
	v1 =	vshll.u32 v0, $0x10  }
0x19a: {  	v0 =	vand.u32 $0xFFFF0000, v0;
	[tilespmem:s5+$0xFFFFFFC0] =	vst v1  }
0x19b: {  	[tilespmem:s5+$0x0] =	vst v0  }
0x19c: {  	v0 =	vld [tilespmem:s19+$0x3810];
	_ =	sdelay $0x4  }
0x19d: {  	v1 =	vshll.u32 v0, $0x10  }
0x19e: {  	v0 =	vand.u32 $0xFFFF0000, v0;
	[tilespmem:s5+$0xFFFFFFD0] =	vst v1  }
0x19f: {  	[tilespmem:s5+$0x10] =	vst v0  }
0x1a0: {  	v0 =	vld [tilespmem:s19+$0x3820];
	_ =	sdelay $0x4  }
0x1a1: {  	v1 =	vshll.u32 v0, $0x10;
	v0 =	vand.u32 $0xFFFF0000, v0  }
0x1a2: {  	[tilespmem:s5+$0x20] =	vst v0  }
0x1a3: {  	[tilespmem:s5+$0xFFFFFFE0] =	vst v1  }
0x1a4: {  	v0 =	vld [tilespmem:s19+$0x3830];
	_ =	sdelay $0x4  }
.Ltmp12:
0x1a5: {  	v1 =	vshll.u32 v0, $0x10;
	v0 =	vand.u32 $0xFFFF0000, v0;
	(pc) =	sbr.rel @p1 .LBB2_20-.Ltmp12, $4  }
0x1a6: {  	[tilespmem:s5+$0xFFFFFFF0] =	vst v1  }
0x1a7: {  	s19 =	sshra.s32 s20, $0x2;
	[tilespmem:s5+$0x30] =	vst v0  }
0x1a8: {  	v0 =	vld [tilespmem:s19+$0x3800]  }
0x1a9: {  	s20 =	sadd.s32 $0x100, s20  }
0x1aa: {  	_ =	sdelay $0x2  }
0x1ab: {  	s5 =	sadd.s32 $0x80, s5;
	v1 =	vshll.u32 v0, $0x10  }
0x1ac: {  	v0 =	vand.u32 $0xFFFF0000, v0;
	[tilespmem:s5+$0xFFFFFFC0] =	vst v1  }
0x1ad: {  	[tilespmem:s5+$0x0] =	vst v0  }
0x1ae: {  	v0 =	vld [tilespmem:s19+$0x3810];
	_ =	sdelay $0x4  }
0x1af: {  	v1 =	vshll.u32 v0, $0x10  }
0x1b0: {  	v0 =	vand.u32 $0xFFFF0000, v0;
	[tilespmem:s5+$0xFFFFFFD0] =	vst v1  }
0x1b1: {  	[tilespmem:s5+$0x10] =	vst v0  }
0x1b2: {  	v0 =	vld [tilespmem:s19+$0x3820];
	_ =	sdelay $0x4  }
0x1b3: {  	v1 =	vand.u32 $0xFFFF0000, v0  }
0x1b4: {  	v0 =	vshll.u32 v0, $0x10;
	[tilespmem:s5+$0x20] =	vst v1  }
0x1b5: {  	[tilespmem:s5+$0xFFFFFFE0] =	vst v0  }
0x1b6: {  	v0 =	vld [tilespmem:s19+$0x3830];
	_ =	sdelay $0x4  }
0x1b7: {  	v1 =	vshll.u32 v0, $0x10  }
0x1b8: {  	v0 =	vand.u32 $0xFFFF0000, v0;
	[tilespmem:s5+$0xFFFFFFF0] =	vst v1  }
0x1b9: {  	s19 =	sadd.s32 $0x1440, s15;
	[tilespmem:s5+$0x30] =	vst v0  }
0x1ba: {  	[spmem:s2] =	stream.indirect.scatter.add.f32 [tilespmem:s28], [sflag:$0x6], $0x80, s19, s16, $0xb8;
	[tilespmem:$0x1E800] =	vst v63  }
0x1bb: {  	s20 =	simm.s32 @!p0 $0x3800;
	s5 =	sadd.s32 @!p0 $0x140, s18;
	s19 =	simm.s32 @!p0 $0x40  }
0x1bc: {  	[tilespmem:s20], [sflag:$0x2] =	stream.indirect.gather @!p0 [hbm4b:s4+s19], $0x40, s5, s19, $0xb8;
	[tilespmem:$0x1E800] =	vst v63  }
0x1bd: {  	_ =	swait.ge [sflag:s29], $0x1000  }
0x1be: {  	[sflag:s29] =	ssyncset.done $0x0  }
0x1bf: {  	[sflag:s29] =	ssyncadd.s32 $0xFFFFF000  }
0x1c0: {  	_ =	swait.ge [sflag:s30], $0x2000  }
0x1c1: {  	[sflag:s30] =	ssyncset.done $0x0  }
0x1c2: {  	s20 =	simm.s32 $0x0;
	[sflag:s30] =	ssyncadd.s32 $0xFFFFE000  }
0x1c3: {  	v0 =	vld [tilespmem:s20+$0x4800];
	_ =	sdelay $0x4  }
0x1c4: {  	s5 =	simm.s32 $0x6840;
	v1 =	vshll.u32 v0, $0x10  }
0x1c5: {  	v0 =	vand.u32 $0xFFFF0000, v0;
	[tilespmem:s5+$0xFFFFFFC0] =	vst v1  }
0x1c6: {  	[tilespmem:s5+$0x0] =	vst v0  }
0x1c7: {  	v0 =	vld [tilespmem:s20+$0x4810];
	_ =	sdelay $0x4  }
0x1c8: {  	v1 =	vshll.u32 v0, $0x10  }
0x1c9: {  	v0 =	vand.u32 $0xFFFF0000, v0;
	[tilespmem:s5+$0xFFFFFFD0] =	vst v1  }
0x1ca: {  	[tilespmem:s5+$0x10] =	vst v0  }
0x1cb: {  	v0 =	vld [tilespmem:s20+$0x4820];
	_ =	sdelay $0x4  }
0x1cc: {  	v1 =	vand.u32 $0xFFFF0000, v0  }
0x1cd: {  	v0 =	vshll.u32 v0, $0x10;
	[tilespmem:s5+$0x20] =	vst v1  }
0x1ce: {  	[tilespmem:s5+$0xFFFFFFE0] =	vst v0  }
0x1cf: {  	v0 =	vld [tilespmem:s20+$0x4830];
	_ =	sdelay $0x4  }
0x1d0: {  	v1 =	vshll.u32 v0, $0x10  }
0x1d1: {  	v0 =	vand.u32 $0xFFFF0000, v0;
	[tilespmem:s5+$0xFFFFFFF0] =	vst v1  }
0x1d2: {  	s19 =	simm.s32 $0x40;
	[tilespmem:s5+$0x30] =	vst v0  }
0x1d3: {  	v0 =	vld [tilespmem:s19+$0x4800]  }
0x1d4: {  	s20 =	simm.s32 $0x200  }
.LBB2_22:
0x1d5: {  	p1 =	sne.s32 s20, $0x3F00;
	_ =	sdelay $0x2  }
0x1d6: {  	s5 =	sadd.s32 $0x80, s5;
	v1 =	vshll.u32 v0, $0x10  }
0x1d7: {  	v0 =	vand.u32 $0xFFFF0000, v0;
	[tilespmem:s5+$0xFFFFFFC0] =	vst v1  }
0x1d8: {  	[tilespmem:s5+$0x0] =	vst v0  }
0x1d9: {  	v0 =	vld [tilespmem:s19+$0x4810];
	_ =	sdelay $0x4  }
0x1da: {  	v1 =	vshll.u32 v0, $0x10  }
0x1db: {  	v0 =	vand.u32 $0xFFFF0000, v0;
	[tilespmem:s5+$0xFFFFFFD0] =	vst v1  }
0x1dc: {  	[tilespmem:s5+$0x10] =	vst v0  }
0x1dd: {  	v0 =	vld [tilespmem:s19+$0x4820];
	_ =	sdelay $0x4  }
0x1de: {  	v1 =	vshll.u32 v0, $0x10;
	v0 =	vand.u32 $0xFFFF0000, v0  }
0x1df: {  	[tilespmem:s5+$0x20] =	vst v0  }
0x1e0: {  	[tilespmem:s5+$0xFFFFFFE0] =	vst v1  }
0x1e1: {  	v0 =	vld [tilespmem:s19+$0x4830];
	_ =	sdelay $0x4  }
.Ltmp13:
0x1e2: {  	v1 =	vshll.u32 v0, $0x10;
	v0 =	vand.u32 $0xFFFF0000, v0;
	(pc) =	sbr.rel @p1 .LBB2_22-.Ltmp13, $4  }
0x1e3: {  	[tilespmem:s5+$0xFFFFFFF0] =	vst v1  }
0x1e4: {  	s19 =	sshra.s32 s20, $0x2;
	[tilespmem:s5+$0x30] =	vst v0  }
0x1e5: {  	v0 =	vld [tilespmem:s19+$0x4800]  }
0x1e6: {  	s20 =	sadd.s32 $0x100, s20  }
0x1e7: {  	_ =	sdelay $0x2  }
0x1e8: {  	s5 =	sadd.s32 $0x80, s5;
	v1 =	vshll.u32 v0, $0x10  }
0x1e9: {  	v0 =	vand.u32 $0xFFFF0000, v0;
	[tilespmem:s5+$0xFFFFFFC0] =	vst v1  }
0x1ea: {  	[tilespmem:s5+$0x0] =	vst v0  }
0x1eb: {  	v0 =	vld [tilespmem:s19+$0x4810];
	_ =	sdelay $0x4  }
0x1ec: {  	v1 =	vshll.u32 v0, $0x10  }
0x1ed: {  	v0 =	vand.u32 $0xFFFF0000, v0;
	[tilespmem:s5+$0xFFFFFFD0] =	vst v1  }
0x1ee: {  	[tilespmem:s5+$0x10] =	vst v0  }
0x1ef: {  	v0 =	vld [tilespmem:s19+$0x4820];
	_ =	sdelay $0x4  }
0x1f0: {  	v1 =	vand.u32 $0xFFFF0000, v0  }
0x1f1: {  	v0 =	vshll.u32 v0, $0x10;
	[tilespmem:s5+$0x20] =	vst v1  }
0x1f2: {  	[tilespmem:s5+$0xFFFFFFE0] =	vst v0  }
0x1f3: {  	v0 =	vld [tilespmem:s19+$0x4830];
	_ =	sdelay $0x4  }
0x1f4: {  	v1 =	vshll.u32 v0, $0x10  }
0x1f5: {  	v0 =	vand.u32 $0xFFFF0000, v0;
	[tilespmem:s5+$0xFFFFFFF0] =	vst v1  }
0x1f6: {  	s19 =	sadd.s32 $0x1480, s15;
	[tilespmem:s5+$0x30] =	vst v0  }
0x1f7: {  	[spmem:s2] =	stream.indirect.scatter.add.f32 [tilespmem:s24], [sflag:$0x5], $0x80, s19, s16, $0xb8;
	[tilespmem:$0x1E800] =	vst v63  }
0x1f8: {  	s5 =	sadd.s32 @!p0 $0x180, s18;
	s18 =	simm.s32 @!p0 $0x40;
	s19 =	simm.s32 @!p0 $0x4800  }
0x1f9: {  	[tilespmem:s19], [sflag:$0x3] =	stream.indirect.gather @!p0 [hbm4b:s4+s18], $0x40, s5, s18, $0xb8;
	[tilespmem:$0x1E800] =	vst v63  }
0x1fa: {  	_ =	swait.ge [sflag:s31], $0x1000  }
0x1fb: {  	[sflag:s31] =	ssyncset.done $0x0  }
0x1fc: {  	[sflag:s31] =	ssyncadd.s32 $0xFFFFF000  }
0x1fd: {  	_ =	swait.ge [sflag:s26], $0x2000  }
0x1fe: {  	[sflag:s26] =	ssyncset.done $0x0  }
0x1ff: {  	s20 =	simm.s32 $0x0;
	[sflag:s26] =	ssyncadd.s32 $0xFFFFE000  }
0x200: {  	v0 =	vld [tilespmem:s20+$0x5800];
	_ =	sdelay $0x4  }
0x201: {  	s5 =	simm.s32 $0x8840;
	v1 =	vshll.u32 v0, $0x10  }
0x202: {  	v0 =	vand.u32 $0xFFFF0000, v0;
	[tilespmem:s5+$0xFFFFFFC0] =	vst v1  }
0x203: {  	[tilespmem:s5+$0x0] =	vst v0  }
0x204: {  	v0 =	vld [tilespmem:s20+$0x5810];
	_ =	sdelay $0x4  }
0x205: {  	v1 =	vshll.u32 v0, $0x10  }
0x206: {  	v0 =	vand.u32 $0xFFFF0000, v0;
	[tilespmem:s5+$0xFFFFFFD0] =	vst v1  }
0x207: {  	[tilespmem:s5+$0x10] =	vst v0  }
0x208: {  	v0 =	vld [tilespmem:s20+$0x5820];
	_ =	sdelay $0x4  }
0x209: {  	v1 =	vand.u32 $0xFFFF0000, v0  }
0x20a: {  	v0 =	vshll.u32 v0, $0x10;
	[tilespmem:s5+$0x20] =	vst v1  }
0x20b: {  	[tilespmem:s5+$0xFFFFFFE0] =	vst v0  }
0x20c: {  	v0 =	vld [tilespmem:s20+$0x5830];
	_ =	sdelay $0x4  }
0x20d: {  	v1 =	vshll.u32 v0, $0x10  }
0x20e: {  	v0 =	vand.u32 $0xFFFF0000, v0;
	[tilespmem:s5+$0xFFFFFFF0] =	vst v1  }
0x20f: {  	s18 =	simm.s32 $0x40;
	[tilespmem:s5+$0x30] =	vst v0  }
0x210: {  	v0 =	vld [tilespmem:s18+$0x5800]  }
0x211: {  	s19 =	simm.s32 $0x200  }
.LBB2_24:
0x212: {  	p1 =	sne.s32 s19, $0x3F00;
	_ =	sdelay $0x2  }
0x213: {  	s5 =	sadd.s32 $0x80, s5;
	v1 =	vshll.u32 v0, $0x10  }
0x214: {  	v0 =	vand.u32 $0xFFFF0000, v0;
	[tilespmem:s5+$0xFFFFFFC0] =	vst v1  }
0x215: {  	[tilespmem:s5+$0x0] =	vst v0  }
0x216: {  	v0 =	vld [tilespmem:s18+$0x5810];
	_ =	sdelay $0x4  }
0x217: {  	v1 =	vshll.u32 v0, $0x10  }
0x218: {  	v0 =	vand.u32 $0xFFFF0000, v0;
	[tilespmem:s5+$0xFFFFFFD0] =	vst v1  }
0x219: {  	[tilespmem:s5+$0x10] =	vst v0  }
0x21a: {  	v0 =	vld [tilespmem:s18+$0x5820];
	_ =	sdelay $0x4  }
0x21b: {  	v1 =	vshll.u32 v0, $0x10;
	v0 =	vand.u32 $0xFFFF0000, v0  }
0x21c: {  	[tilespmem:s5+$0x20] =	vst v0  }
0x21d: {  	[tilespmem:s5+$0xFFFFFFE0] =	vst v1  }
0x21e: {  	v0 =	vld [tilespmem:s18+$0x5830];
	_ =	sdelay $0x4  }
.Ltmp14:
0x21f: {  	v1 =	vshll.u32 v0, $0x10;
	v0 =	vand.u32 $0xFFFF0000, v0;
	(pc) =	sbr.rel @p1 .LBB2_24-.Ltmp14, $4  }
0x220: {  	[tilespmem:s5+$0xFFFFFFF0] =	vst v1  }
0x221: {  	s18 =	sshra.s32 s19, $0x2;
	[tilespmem:s5+$0x30] =	vst v0  }
0x222: {  	v0 =	vld [tilespmem:s18+$0x5800]  }
0x223: {  	s19 =	sadd.s32 $0x100, s19  }
0x224: {  	_ =	sdelay $0x2  }
0x225: {  	s5 =	sadd.s32 $0x80, s5;
	v1 =	vshll.u32 v0, $0x10  }
0x226: {  	v60 =	vand.u32 $0xFFFF0000, v0;
	[tilespmem:s5+$0xFFFFFFC0] =	vst v1  }
0x227: {  	[tilespmem:s5+$0x0] =	vst v60  }
0x228: {  	v0 =	vld [tilespmem:s18+$0x5810];
	_ =	sdelay $0x4  }
0x229: {  	v61 =	vshll.u32 v0, $0x10  }
0x22a: {  	v0 =	vand.u32 $0xFFFF0000, v0;
	[tilespmem:s5+$0xFFFFFFD0] =	vst v61  }
0x22b: {  	[tilespmem:s5+$0x10] =	vst v0  }
0x22c: {  	v0 =	vld [tilespmem:s18+$0x5820];
	_ =	sdelay $0x4  }
0x22d: {  	v62 =	vand.u32 $0xFFFF0000, v0  }
0x22e: {  	v0 =	vshll.u32 v0, $0x10;
	[tilespmem:s5+$0x20] =	vst v62  }
0x22f: {  	[tilespmem:s5+$0xFFFFFFE0] =	vst v0  }
0x230: {  	v0 =	vld [tilespmem:s18+$0x5830];
	_ =	sdelay $0x3  }
.Ltmp15:
0x231: {  	_ = 	snop;
	(pc) =	sbr.rel @p0 .LBB2_27-.Ltmp15, $4  }
0x232: {  	v63 =	vshll.u32 v0, $0x10  }
0x233: {  	v0 =	vand.u32 $0xFFFF0000, v0;
	[tilespmem:s5+$0xFFFFFFF0] =	vst v63  }
0x234: {  	s20 =	sadd.s32 $0x14C0, s15;
	[tilespmem:s5+$0x30] =	vst v0  }
0x235: {  	[spmem:s2] =	stream.indirect.scatter.add.f32 [tilespmem:s28], [sflag:$0x6], $0x80, s20, s16, $0xb8;
	[tilespmem:$0x1E800] =	vst v63  }
.Ltmp16:
0x236: {  	(pc) =	sbr.rel .LBB2_17-.Ltmp16, $3  }
0x237: {  	_ =	sdelay $0x1  }
0x238: {  	s5 =	sadd.s32 $0x1C0, s15;
	s1 =	sadd.s32 $0x1, s1  }
0x239: {  	[tilespmem:s22], [sflag:$0x4] =	stream.indirect.gather [hbm4b:s4+s16], $0x40, s5, s16, $0xb8;
	[tilespmem:$0x1E800] =	vst v63  }
.LBB2_28:
0x23a: {  	_ =	sfence.sel $0x180000  }
0x23b: {  	[bflag:$0x0] =	sbarrier.arrive $0xFFFF  }
0x23c: {  	_ =	strace $0x9000004A  }
0x23d: {  	s0 =	stileid.u32;
	[bflag:$0x2] =	sbarrier.arrive $0xFFFF  }
0x23e: {  	p0 =	sne.s32 s0, $0x0;
	s0 =	rddreg [dreg:$0x2]  }
0x23f: {  	s0 =	sadd.s32 @!p0 $0x100000, s0  }
0x240: {  	[sflag:s0] =	ssyncadd.tile.s32 @!p0 $0x1;
	_ =	shalt  }
.Lfunc_end2:
_tile_overlayer_lowered:
.L_overlay_start_2:
0x241: {  	(tag) =	ssettag $0x2  }
0x242: {  	s0 =	rddreg [dreg:$0x0];
	s2 =	stileid.u32  }
0x243: {  	s1 =	rddreg [dreg:$0x1];
	p0 =	sne.s32 s2, $0x0  }
0x244: {  	s3 =	rddreg [dreg:$0x2];
	[bflag:$0x3] =	sbarrier.arrive $0xFFFF;
	s2 =	simm.s32 @!p0 $0x1C07  }
0x245: {  	[timem:s3], [sflag:s2] =	dma.local @!p0 [hbm:s0], s1  }
0x246: {  	s0 =	simm.s32 @!p0 $0x7  }
0x247: {  	_ =	swait.ge @!p0 [sflag:s0], s1  }
0x248: {  	s1 =	ssub.s32 @!p0 $0x0, s1;
	[sflag:s0] =	ssyncset.done @!p0 $0x0  }
0x249: {  	[sflag:s0] =	ssyncadd.s32 @!p0 s1  }
0x24a: {  	[bflag:$0x3] =	sbarrier.arrive $0xFFFF  }
0x24b: {  	_ =	shalt  }

</sc_bundles>
